<compile_context>
chip_gen: v7x
topology: tpu7x:2x2x1
jax: 0.10.2.dev20260603
libtpu: 0.0.44.dev20260713+nightly
codegen_flags: <defaults>
</compile_context>

<pallas_src>
import functools

import jax
import jax.numpy as jnp
from jax import lax
from jax.experimental import pallas as pl
from jax.experimental.pallas import tpu as pltpu
from jax.experimental.pallas import tpu_sc as plsc

_NC, _NS, _NL = 2, 16, 16
_NW = _NC * _NS


def kernel(x, emb_table):
    B, S = x.shape
    V, D = emb_table.shape
    rows = S // _NW

    @functools.partial(
        pl.kernel,
        mesh=plsc.VectorSubcoreMesh(core_axis_name="c", subcore_axis_name="s"),
        out_type=jax.ShapeDtypeStruct((B, S, D), jnp.float32),
        scratch_types=[
            pltpu.VMEM((rows, D), jnp.float32),
            pltpu.VMEM((rows, D), jnp.float32),
            pltpu.VMEM((rows, D), jnp.float32),
            pltpu.SemaphoreType.DMA,
        ],
    )
    def k(x_hbm, tab_hbm, out_hbm, xv, tv, yv, sem):
        wid = lax.axis_index("s") * _NC + lax.axis_index("c")
        s0 = wid * rows

        @pl.when(s0 < V)
        def _():
            pltpu.sync_copy(x_hbm.at[pl.ds(s0, rows)], xv)
            pltpu.sync_copy(tab_hbm.at[pl.ds(s0, rows)], tv)
            for r in range(rows):
                for j in range(D // _NL):
                    sl = pl.ds(j * _NL, _NL)
                    yv[r, sl] = xv[r, sl] + tv[r, sl]

        @pl.when(s0 >= V)
        def _():
            nan16 = jnp.full((_NL,), jnp.nan, dtype=jnp.float32)
            for r in range(rows):
                for j in range(D // _NL):
                    yv[r, pl.ds(j * _NL, _NL)] = nan16

        unroll = 8

        def fire(g, carry):
            for u in range(unroll):
                pltpu.async_copy(yv, out_hbm.at[g * unroll + u,
                                                pl.ds(s0, rows)], sem)
            return carry

        lax.fori_loop(0, B // unroll, fire, 0)
        pltpu.make_async_copy(
            out_hbm.at[:, pl.ds(s0, rows)],
            out_hbm.at[:, pl.ds(s0, rows)], sem).wait()

    return k(x, emb_table)

# --- scband reference (transcript-rebuilt; emitter-appended) ---
"""Pipeline reference for scband-learned-positional-embedding-38912403701917 (READ-ONLY COPY).

The authoritative reference and input builder live on the scoring server;
editing this copy changes nothing except your own understanding.
"""

import jax, jax.numpy as jnp
import numpy as np


def setup_inputs(seed: int = 0) -> dict:
    key = jax.random.key(seed)
    k_x, k_emb = jax.random.split(key)
    # x: float32 [B=256, S=256]. NOTE: the module's broadcasting of
    # x + Embed(position_ids) (shape [B, S, d_model]) only succeeds when
    # B == d_model (=256) or B == 1, so we pick B=256, S=d_model=256.
    x = jax.random.normal(k_x, (256, 256), dtype=jnp.float32)
    # Learned positional embedding table per class attrs: vocab_size=128, d_model=256
    emb_table = jax.random.normal(k_emb, (128, 256), dtype=jnp.float32) * 0.02
    return {"x": x, "emb_table": emb_table}


def reference(x, emb_table):
    # position_ids = arange(S) broadcast to x.shape
    position_ids = jnp.arange(x.shape[1])
    position_ids = jnp.broadcast_to(position_ids, x.shape)
    # flax nn.Embed lookup == jnp.take(table, idx, axis=0).
    # Positions >= vocab_size (128) are out of range; jnp.take's default
    # mode='clip' matches XLA/flax gather clamping behavior.
    pos_x = jnp.take(emb_table, position_ids, axis=0)  # [B, S, d_model]
    # x [B, S] broadcasts against pos_x [B, S, d_model] -> [B, S, d_model]
    # (valid here because B == d_model == 256).
    out = x + pos_x
    # nn.Dropout(rate=0.3) in deterministic/eval mode is identity.
    return out

if __name__ == "__main__":
    import jax
    _d = setup_inputs()
    print(jax.jit(kernel)(*tuple(_d.values())))

</pallas_src>

<mosaic_0001>
#map = affine_map<(d0, d1) -> (0, 0)>
#map1 = affine_map<(d0, d1) -> (0, 0, 0)>
module attributes {stable_mosaic.version = 14 : i64} {
  func.func @k(%arg0: i32, %arg1: i32, %arg2: memref<256x256xf32, #tpu.memory_space<hbm>>, %arg3: memref<128x256xf32, #tpu.memory_space<hbm>>, %arg4: memref<256x256x256xf32, #tpu.memory_space<hbm>>, %arg5: memref<8x256xf32, #tpu.memory_space<vmem>>, %arg6: memref<8x256xf32, #tpu.memory_space<vmem>>, %arg7: memref<8x256xf32, #tpu.memory_space<vmem>>, %arg8: memref<!tpu.dma_semaphore, #tpu.memory_space<semaphore_mem>>) attributes {dimension_semantics = [#tpu.dimension_semantics<core_parallel>, #tpu.dimension_semantics<subcore_parallel>], iteration_bounds = array<i64: 2, 16>, scalar_prefetch = 0 : i64, scratch_operands = 4 : i64, tpu.core_type = #tpu.core_type<sc_vector_subcore>, window_params = [{transform_indices = #map}, {transform_indices = #map}, {transform_indices = #map1}]} {
    %mul3A = arith.constant 2 : i32
    %mul3A_0 = arith.muli %arg1, %mul3A : i32
    %add3A = arith.addi %mul3A_0, %arg0 : i32
    %mul3A_1 = arith.constant 8 : i32
    %mul3A_2 = arith.muli %add3A, %mul3A_1 : i32
    %lt3A = arith.constant 128 : i32
    %lt3A_3 = arith.cmpi slt, %mul3A_2, %lt3A : i32
    %convert_element_type3A = arith.extui %lt3A_3 : i1 to i32
    %cond3A = arith.constant 0 : i32
    %cond3A_4 = arith.cmpi ne, %convert_element_type3A, %cond3A : i32
    scf.if %cond3A_4 {
      "tpu.region"() ({
        %run_scoped3A = tpu.sem_alloc : memref<!tpu.dma_semaphore, #tpu.memory_space<semaphore_mem>>
        %dma_start3A = arith.constant 0 : i32
        %dma_start3A_2193 = tpu.memref_slice %arg2[%mul3A_2, %dma_start3A] : memref<256x256xf32, #tpu.memory_space<hbm>> -> memref<8x256xf32, #tpu.memory_space<hbm>>
        %dma_start3A_2194 = arith.constant 0 : i32
        %dma_start3A_2195 = tpu.memref_slice %arg2[%mul3A_2, %dma_start3A_2194] : memref<256x256xf32, #tpu.memory_space<hbm>> -> memref<8x256xf32, #tpu.memory_space<hbm>>
        tpu.enqueue_dma source(%dma_start3A_2195 : memref<8x256xf32, #tpu.memory_space<hbm>>) target(%arg5 : memref<8x256xf32, #tpu.memory_space<vmem>>) target_semaphore(%run_scoped3A : memref<!tpu.dma_semaphore, #tpu.memory_space<semaphore_mem>>)
        %dma_wait3A_2196 = arith.constant 0 : i32
        %dma_wait3A_2197 = tpu.memref_slice %arg2[%mul3A_2, %dma_wait3A_2196] : memref<256x256xf32, #tpu.memory_space<hbm>> -> memref<8x256xf32, #tpu.memory_space<hbm>>
        %dma_wait3A_2198 = arith.constant 0 : i32
        %dma_wait3A_2199 = tpu.memref_slice %arg2[%mul3A_2, %dma_wait3A_2198] : memref<256x256xf32, #tpu.memory_space<hbm>> -> memref<8x256xf32, #tpu.memory_space<hbm>>
        tpu.wait_dma2 semaphore(%run_scoped3A : memref<!tpu.dma_semaphore, #tpu.memory_space<semaphore_mem>>) src(%dma_wait3A_2199 : memref<8x256xf32, #tpu.memory_space<hbm>>) dst(%arg5 : memref<8x256xf32, #tpu.memory_space<vmem>>)
        tpu.yield
      }) : () -> ()
      "tpu.region"() ({
        %run_scoped3A = tpu.sem_alloc : memref<!tpu.dma_semaphore, #tpu.memory_space<semaphore_mem>>
        %dma_start3A = arith.constant 0 : i32
        %dma_start3A_2193 = tpu.memref_slice %arg3[%mul3A_2, %dma_start3A] : memref<128x256xf32, #tpu.memory_space<hbm>> -> memref<8x256xf32, #tpu.memory_space<hbm>>
        %dma_start3A_2194 = arith.constant 0 : i32
        %dma_start3A_2195 = tpu.memref_slice %arg3[%mul3A_2, %dma_start3A_2194] : memref<128x256xf32, #tpu.memory_space<hbm>> -> memref<8x256xf32, #tpu.memory_space<hbm>>
        tpu.enqueue_dma source(%dma_start3A_2195 : memref<8x256xf32, #tpu.memory_space<hbm>>) target(%arg6 : memref<8x256xf32, #tpu.memory_space<vmem>>) target_semaphore(%run_scoped3A : memref<!tpu.dma_semaphore, #tpu.memory_space<semaphore_mem>>)
        %dma_wait3A_2196 = arith.constant 0 : i32
        %dma_wait3A_2197 = tpu.memref_slice %arg3[%mul3A_2, %dma_wait3A_2196] : memref<128x256xf32, #tpu.memory_space<hbm>> -> memref<8x256xf32, #tpu.memory_space<hbm>>
        %dma_wait3A_2198 = arith.constant 0 : i32
        %dma_wait3A_2199 = tpu.memref_slice %arg3[%mul3A_2, %dma_wait3A_2198] : memref<128x256xf32, #tpu.memory_space<hbm>> -> memref<8x256xf32, #tpu.memory_space<hbm>>
        tpu.wait_dma2 semaphore(%run_scoped3A : memref<!tpu.dma_semaphore, #tpu.memory_space<semaphore_mem>>) src(%dma_wait3A_2199 : memref<8x256xf32, #tpu.memory_space<hbm>>) dst(%arg6 : memref<8x256xf32, #tpu.memory_space<vmem>>)
        tpu.yield
      }) : () -> ()
      %get3A = arith.constant 0 : i32
      %get3A_19 = arith.index_cast %get3A : i32 to index
      %get3A_20 = arith.constant 0 : index
      %get3A_21 = tpu.vector_load %arg5[%get3A_19, %get3A_20] {strides = array<i32>} : memref<8x256xf32, #tpu.memory_space<vmem>>, vector<1x16xf32>,
      %get3A_22 = vector.shape_cast %get3A_21 : vector<1x16xf32> to vector<16xf32>
      %get3A_23 = arith.constant 0 : i32
      %get3A_24 = arith.index_cast %get3A_23 : i32 to index
      %get3A_25 = arith.constant 0 : index
      %get3A_26 = tpu.vector_load %arg6[%get3A_24, %get3A_25] {strides = array<i32>} : memref<8x256xf32, #tpu.memory_space<vmem>>, vector<1x16xf32>,
      %get3A_27 = vector.shape_cast %get3A_26 : vector<1x16xf32> to vector<16xf32>
      %add3A_28 = arith.addf %get3A_22, %get3A_27 : vector<16xf32>
      %swap3A = arith.constant 0 : i32
      %swap3A_29 = arith.index_cast %swap3A : i32 to index
      %swap3A_30 = arith.constant 0 : index
      %swap3A_31 = tpu.vector_load %arg7[%swap3A_29, %swap3A_30] {strides = array<i32>} : memref<8x256xf32, #tpu.memory_space<vmem>>, vector<1x16xf32>,
      %swap3A_32 = vector.shape_cast %swap3A_31 : vector<1x16xf32> to vector<16xf32>
      %swap3A_33 = vector.shape_cast %add3A_28 : vector<16xf32> to vector<1x16xf32>
      tpu.vector_store %arg7[%swap3A_29, %swap3A_30], %swap3A_33 {strides = array<i32>} : memref<8x256xf32, #tpu.memory_space<vmem>>, vector<1x16xf32>,
      %get3A_34 = arith.constant 0 : i32
      %get3A_35 = arith.index_cast %get3A_34 : i32 to index
      %get3A_36 = arith.constant 16 : index
      %get3A_37 = tpu.vector_load %arg5[%get3A_35, %get3A_36] {strides = array<i32>} : memref<8x256xf32, #tpu.memory_space<vmem>>, vector<1x16xf32>,
      %get3A_38 = vector.shape_cast %get3A_37 : vector<1x16xf32> to vector<16xf32>
      %get3A_39 = arith.constant 0 : i32
      %get3A_40 = arith.index_cast %get3A_39 : i32 to index
      %get3A_41 = arith.constant 16 : index
      %get3A_42 = tpu.vector_load %arg6[%get3A_40, %get3A_41] {strides = array<i32>} : memref<8x256xf32, #tpu.memory_space<vmem>>, vector<1x16xf32>,
      %get3A_43 = vector.shape_cast %get3A_42 : vector<1x16xf32> to vector<16xf32>
      %add3A_44 = arith.addf %get3A_38, %get3A_43 : vector<16xf32>
      %swap3A_45 = arith.constant 0 : i32
      %swap3A_46 = arith.index_cast %swap3A_45 : i32 to index
      %swap3A_47 = arith.constant 16 : index
      %swap3A_48 = tpu.vector_load %arg7[%swap3A_46, %swap3A_47] {strides = array<i32>} : memref<8x256xf32, #tpu.memory_space<vmem>>, vector<1x16xf32>,
      %swap3A_49 = vector.shape_cast %swap3A_48 : vector<1x16xf32> to vector<16xf32>
      %swap3A_50 = vector.shape_cast %add3A_44 : vector<16xf32> to vector<1x16xf32>
      tpu.vector_store %arg7[%swap3A_46, %swap3A_47], %swap3A_50 {strides = array<i32>} : memref<8x256xf32, #tpu.memory_space<vmem>>, vector<1x16xf32>,
      %get3A_51 = arith.constant 0 : i32
      %get3A_52 = arith.index_cast %get3A_51 : i32 to index
      %get3A_53 = arith.constant 32 : index
      %get3A_54 = tpu.vector_load %arg5[%get3A_52, %get3A_53] {strides = array<i32>} : memref<8x256xf32, #tpu.memory_space<vmem>>, vector<1x16xf32>,
      %get3A_55 = vector.shape_cast %get3A_54 : vector<1x16xf32> to vector<16xf32>
      %get3A_56 = arith.constant 0 : i32
      %get3A_57 = arith.index_cast %get3A_56 : i32 to index
      %get3A_58 = arith.constant 32 : index
      %get3A_59 = tpu.vector_load %arg6[%get3A_57, %get3A_58] {strides = array<i32>} : memref<8x256xf32, #tpu.memory_space<vmem>>, vector<1x16xf32>,
      %get3A_60 = vector.shape_cast %get3A_59 : vector<1x16xf32> to vector<16xf32>
      %add3A_61 = arith.addf %get3A_55, %get3A_60 : vector<16xf32>
      %swap3A_62 = arith.constant 0 : i32
      %swap3A_63 = arith.index_cast %swap3A_62 : i32 to index
      %swap3A_64 = arith.constant 32 : index
      %swap3A_65 = tpu.vector_load %arg7[%swap3A_63, %swap3A_64] {strides = array<i32>} : memref<8x256xf32, #tpu.memory_space<vmem>>, vector<1x16xf32>,
      %swap3A_66 = vector.shape_cast %swap3A_65 : vector<1x16xf32> to vector<16xf32>
      %swap3A_67 = vector.shape_cast %add3A_61 : vector<16xf32> to vector<1x16xf32>
      tpu.vector_store %arg7[%swap3A_63, %swap3A_64], %swap3A_67 {strides = array<i32>} : memref<8x256xf32, #tpu.memory_space<vmem>>, vector<1x16xf32>,
      %get3A_68 = arith.constant 0 : i32
      %get3A_69 = arith.index_cast %get3A_68 : i32 to index
      %get3A_70 = arith.constant 48 : index
      %get3A_71 = tpu.vector_load %arg5[%get3A_69, %get3A_70] {strides = array<i32>} : memref<8x256xf32, #tpu.memory_space<vmem>>, vector<1x16xf32>,
      %get3A_72 = vector.shape_cast %get3A_71 : vector<1x16xf32> to vector<16xf32>
      %get3A_73 = arith.constant 0 : i32
      %get3A_74 = arith.index_cast %get3A_73 : i32 to index
      %get3A_75 = arith.constant 48 : index
      %get3A_76 = tpu.vector_load %arg6[%get3A_74, %get3A_75] {strides = array<i32>} : memref<8x256xf32, #tpu.memory_space<vmem>>, vector<1x16xf32>,
      %get3A_77 = vector.shape_cast %get3A_76 : vector<1x16xf32> to vector<16xf32>
      %add3A_78 = arith.addf %get3A_72, %get3A_77 : vector<16xf32>
      %swap3A_79 = arith.constant 0 : i32
      %swap3A_80 = arith.index_cast %swap3A_79 : i32 to index
      %swap3A_81 = arith.constant 48 : index
      %swap3A_82 = tpu.vector_load %arg7[%swap3A_80, %swap3A_81] {strides = array<i32>} : memref<8x256xf32, #tpu.memory_space<vmem>>, vector<1x16xf32>,
      %swap3A_83 = vector.shape_cast %swap3A_82 : vector<1x16xf32> to vector<16xf32>
      %swap3A_84 = vector.shape_cast %add3A_78 : vector<16xf32> to vector<1x16xf32>
      tpu.vector_store %arg7[%swap3A_80, %swap3A_81], %swap3A_84 {strides = array<i32>} : memref<8x256xf32, #tpu.memory_space<vmem>>, vector<1x16xf32>,
      %get3A_85 = arith.constant 0 : i32
      %get3A_86 = arith.index_cast %get3A_85 : i32 to index
      %get3A_87 = arith.constant 64 : index
      %get3A_88 = tpu.vector_load %arg5[%get3A_86, %get3A_87] {strides = array<i32>} : memref<8x256xf32, #tpu.memory_space<vmem>>, vector<1x16xf32>,
      %get3A_89 = vector.shape_cast %get3A_88 : vector<1x16xf32> to vector<16xf32>
      %get3A_90 = arith.constant 0 : i32
      %get3A_91 = arith.index_cast %get3A_90 : i32 to index
      %get3A_92 = arith.constant 64 : index
      %get3A_93 = tpu.vector_load %arg6[%get3A_91, %get3A_92] {strides = array<i32>} : memref<8x256xf32, #tpu.memory_space<vmem>>, vector<1x16xf32>,
      %get3A_94 = vector.shape_cast %get3A_93 : vector<1x16xf32> to vector<16xf32>
      %add3A_95 = arith.addf %get3A_89, %get3A_94 : vector<16xf32>
      %swap3A_96 = arith.constant 0 : i32
      %swap3A_97 = arith.index_cast %swap3A_96 : i32 to index
      %swap3A_98 = arith.constant 64 : index
      %swap3A_99 = tpu.vector_load %arg7[%swap3A_97, %swap3A_98] {strides = array<i32>} : memref<8x256xf32, #tpu.memory_space<vmem>>, vector<1x16xf32>,
      %swap3A_100 = vector.shape_cast %swap3A_99 : vector<1x16xf32> to vector<16xf32>
      %swap3A_101 = vector.shape_cast %add3A_95 : vector<16xf32> to vector<1x16xf32>
      tpu.vector_store %arg7[%swap3A_97, %swap3A_98], %swap3A_101 {strides = array<i32>} : memref<8x256xf32, #tpu.memory_space<vmem>>, vector<1x16xf32>,
      %get3A_102 = arith.constant 0 : i32
      %get3A_103 = arith.index_cast %get3A_102 : i32 to index
      %get3A_104 = arith.constant 80 : index
      %get3A_105 = tpu.vector_load %arg5[%get3A_103, %get3A_104] {strides = array<i32>} : memref<8x256xf32, #tpu.memory_space<vmem>>, vector<1x16xf32>,
      %get3A_106 = vector.shape_cast %get3A_105 : vector<1x16xf32> to vector<16xf32>
      %get3A_107 = arith.constant 0 : i32
      %get3A_108 = arith.index_cast %get3A_107 : i32 to index
      %get3A_109 = arith.constant 80 : index
      %get3A_110 = tpu.vector_load %arg6[%get3A_108, %get3A_109] {strides = array<i32>} : memref<8x256xf32, #tpu.memory_space<vmem>>, vector<1x16xf32>,
      %get3A_111 = vector.shape_cast %get3A_110 : vector<1x16xf32> to vector<16xf32>
      %add3A_112 = arith.addf %get3A_106, %get3A_111 : vector<16xf32>
      %swap3A_113 = arith.constant 0 : i32
      %swap3A_114 = arith.index_cast %swap3A_113 : i32 to index
      %swap3A_115 = arith.constant 80 : index
      %swap3A_116 = tpu.vector_load %arg7[%swap3A_114, %swap3A_115] {strides = array<i32>} : memref<8x256xf32, #tpu.memory_space<vmem>>, vector<1x16xf32>,
      %swap3A_117 = vector.shape_cast %swap3A_116 : vector<1x16xf32> to vector<16xf32>
      %swap3A_118 = vector.shape_cast %add3A_112 : vector<16xf32> to vector<1x16xf32>
      tpu.vector_store %arg7[%swap3A_114, %swap3A_115], %swap3A_118 {strides = array<i32>} : memref<8x256xf32, #tpu.memory_space<vmem>>, vector<1x16xf32>,
      %get3A_119 = arith.constant 0 : i32
      %get3A_120 = arith.index_cast %get3A_119 : i32 to index
      %get3A_121 = arith.constant 96 : index
      %get3A_122 = tpu.vector_load %arg5[%get3A_120, %get3A_121] {strides = array<i32>} : memref<8x256xf32, #tpu.memory_space<vmem>>, vector<1x16xf32>,
      %get3A_123 = vector.shape_cast %get3A_122 : vector<1x16xf32> to vector<16xf32>
      %get3A_124 = arith.constant 0 : i32
      %get3A_125 = arith.index_cast %get3A_124 : i32 to index
      %get3A_126 = arith.constant 96 : index
      %get3A_127 = tpu.vector_load %arg6[%get3A_125, %get3A_126] {strides = array<i32>} : memref<8x256xf32, #tpu.memory_space<vmem>>, vector<1x16xf32>,
      %get3A_128 = vector.shape_cast %get3A_127 : vector<1x16xf32> to vector<16xf32>
      %add3A_129 = arith.addf %get3A_123, %get3A_128 : vector<16xf32>
      %swap3A_130 = arith.constant 0 : i32
      %swap3A_131 = arith.index_cast %swap3A_130 : i32 to index
      %swap3A_132 = arith.constant 96 : index
      %swap3A_133 = tpu.vector_load %arg7[%swap3A_131, %swap3A_132] {strides = array<i32>} : memref<8x256xf32, #tpu.memory_space<vmem>>, vector<1x16xf32>,
      %swap3A_134 = vector.shape_cast %swap3A_133 : vector<1x16xf32> to vector<16xf32>
      %swap3A_135 = vector.shape_cast %add3A_129 : vector<16xf32> to vector<1x16xf32>
      tpu.vector_store %arg7[%swap3A_131, %swap3A_132], %swap3A_135 {strides = array<i32>} : memref<8x256xf32, #tpu.memory_space<vmem>>, vector<1x16xf32>,
      %get3A_136 = arith.constant 0 : i32
      %get3A_137 = arith.index_cast %get3A_136 : i32 to index
      %get3A_138 = arith.constant 112 : index
      %get3A_139 = tpu.vector_load %arg5[%get3A_137, %get3A_138] {strides = array<i32>} : memref<8x256xf32, #tpu.memory_space<vmem>>, vector<1x16xf32>,
      %get3A_140 = vector.shape_cast %get3A_139 : vector<1x16xf32> to vector<16xf32>
      %get3A_141 = arith.constant 0 : i32
      %get3A_142 = arith.index_cast %get3A_141 : i32 to index
      %get3A_143 = arith.constant 112 : index
      %get3A_144 = tpu.vector_load %arg6[%get3A_142, %get3A_143] {strides = array<i32>} : memref<8x256xf32, #tpu.memory_space<vmem>>, vector<1x16xf32>,
      %get3A_145 = vector.shape_cast %get3A_144 : vector<1x16xf32> to vector<16xf32>
      %add3A_146 = arith.addf %get3A_140, %get3A_145 : vector<16xf32>
      %swap3A_147 = arith.constant 0 : i32
      %swap3A_148 = arith.index_cast %swap3A_147 : i32 to index
      %swap3A_149 = arith.constant 112 : index
      %swap3A_150 = tpu.vector_load %arg7[%swap3A_148, %swap3A_149] {strides = array<i32>} : memref<8x256xf32, #tpu.memory_space<vmem>>, vector<1x16xf32>,
      %swap3A_151 = vector.shape_cast %swap3A_150 : vector<1x16xf32> to vector<16xf32>
      %swap3A_152 = vector.shape_cast %add3A_146 : vector<16xf32> to vector<1x16xf32>
      tpu.vector_store %arg7[%swap3A_148, %swap3A_149], %swap3A_152 {strides = array<i32>} : memref<8x256xf32, #tpu.memory_space<vmem>>, vector<1x16xf32>,
      %get3A_153 = arith.constant 0 : i32
      %get3A_154 = arith.index_cast %get3A_153 : i32 to index
      %get3A_155 = arith.constant 128 : index
      %get3A_156 = tpu.vector_load %arg5[%get3A_154, %get3A_155] {strides = array<i32>} : memref<8x256xf32, #tpu.memory_space<vmem>>, vector<1x16xf32>,
      %get3A_157 = vector.shape_cast %get3A_156 : vector<1x16xf32> to vector<16xf32>
      %get3A_158 = arith.constant 0 : i32
      %get3A_159 = arith.index_cast %get3A_158 : i32 to index
      %get3A_160 = arith.constant 128 : index
      %get3A_161 = tpu.vector_load %arg6[%get3A_159, %get3A_160] {strides = array<i32>} : memref<8x256xf32, #tpu.memory_space<vmem>>, vector<1x16xf32>,
      %get3A_162 = vector.shape_cast %get3A_161 : vector<1x16xf32> to vector<16xf32>
      %add3A_163 = arith.addf %get3A_157, %get3A_162 : vector<16xf32>
      %swap3A_164 = arith.constant 0 : i32
      %swap3A_165 = arith.index_cast %swap3A_164 : i32 to index
      %swap3A_166 = arith.constant 128 : index
      %swap3A_167 = tpu.vector_load %arg7[%swap3A_165, %swap3A_166] {strides = array<i32>} : memref<8x256xf32, #tpu.memory_space<vmem>>, vector<1x16xf32>,
      %swap3A_168 = vector.shape_cast %swap3A_167 : vector<1x16xf32> to vector<16xf32>
      %swap3A_169 = vector.shape_cast %add3A_163 : vector<16xf32> to vector<1x16xf32>
      tpu.vector_store %arg7[%swap3A_165, %swap3A_166], %swap3A_169 {strides = array<i32>} : memref<8x256xf32, #tpu.memory_space<vmem>>, vector<1x16xf32>,
      %get3A_170 = arith.constant 0 : i32
      %get3A_171 = arith.index_cast %get3A_170 : i32 to index
      %get3A_172 = arith.constant 144 : index
      %get3A_173 = tpu.vector_load %arg5[%get3A_171, %get3A_172] {strides = array<i32>} : memref<8x256xf32, #tpu.memory_space<vmem>>, vector<1x16xf32>,
      %get3A_174 = vector.shape_cast %get3A_173 : vector<1x16xf32> to vector<16xf32>
      %get3A_175 = arith.constant 0 : i32
      %get3A_176 = arith.index_cast %get3A_175 : i32 to index
      %get3A_177 = arith.constant 144 : index
      %get3A_178 = tpu.vector_load %arg6[%get3A_176, %get3A_177] {strides = array<i32>} : memref<8x256xf32, #tpu.memory_space<vmem>>, vector<1x16xf32>,
      %get3A_179 = vector.shape_cast %get3A_178 : vector<1x16xf32> to vector<16xf32>
      %add3A_180 = arith.addf %get3A_174, %get3A_179 : vector<16xf32>
      %swap3A_181 = arith.constant 0 : i32
      %swap3A_182 = arith.index_cast %swap3A_181 : i32 to index
      %swap3A_183 = arith.constant 144 : index
      %swap3A_184 = tpu.vector_load %arg7[%swap3A_182, %swap3A_183] {strides = array<i32>} : memref<8x256xf32, #tpu.memory_space<vmem>>, vector<1x16xf32>,
      %swap3A_185 = vector.shape_cast %swap3A_184 : vector<1x16xf32> to vector<16xf32>
      %swap3A_186 = vector.shape_cast %add3A_180 : vector<16xf32> to vector<1x16xf32>
      tpu.vector_store %arg7[%swap3A_182, %swap3A_183], %swap3A_186 {strides = array<i32>} : memref<8x256xf32, #tpu.memory_space<vmem>>, vector<1x16xf32>,
      %get3A_187 = arith.constant 0 : i32
      %get3A_188 = arith.index_cast %get3A_187 : i32 to index
      %get3A_189 = arith.constant 160 : index
      %get3A_190 = tpu.vector_load %arg5[%get3A_188, %get3A_189] {strides = array<i32>} : memref<8x256xf32, #tpu.memory_space<vmem>>, vector<1x16xf32>,
      %get3A_191 = vector.shape_cast %get3A_190 : vector<1x16xf32> to vector<16xf32>
      %get3A_192 = arith.constant 0 : i32
      %get3A_193 = arith.index_cast %get3A_192 : i32 to index
      %get3A_194 = arith.constant 160 : index
      %get3A_195 = tpu.vector_load %arg6[%get3A_193, %get3A_194] {strides = array<i32>} : memref<8x256xf32, #tpu.memory_space<vmem>>, vector<1x16xf32>,
      %get3A_196 = vector.shape_cast %get3A_195 : vector<1x16xf32> to vector<16xf32>
      %add3A_197 = arith.addf %get3A_191, %get3A_196 : vector<16xf32>
      %swap3A_198 = arith.constant 0 : i32
      %swap3A_199 = arith.index_cast %swap3A_198 : i32 to index
      %swap3A_200 = arith.constant 160 : index
      %swap3A_201 = tpu.vector_load %arg7[%swap3A_199, %swap3A_200] {strides = array<i32>} : memref<8x256xf32, #tpu.memory_space<vmem>>, vector<1x16xf32>,
      %swap3A_202 = vector.shape_cast %swap3A_201 : vector<1x16xf32> to vector<16xf32>
      %swap3A_203 = vector.shape_cast %add3A_197 : vector<16xf32> to vector<1x16xf32>
      tpu.vector_store %arg7[%swap3A_199, %swap3A_200], %swap3A_203 {strides = array<i32>} : memref<8x256xf32, #tpu.memory_space<vmem>>, vector<1x16xf32>,
      %get3A_204 = arith.constant 0 : i32
      %get3A_205 = arith.index_cast %get3A_204 : i32 to index
      %get3A_206 = arith.constant 176 : index
      %get3A_207 = tpu.vector_load %arg5[%get3A_205, %get3A_206] {strides = array<i32>} : memref<8x256xf32, #tpu.memory_space<vmem>>, vector<1x16xf32>,
      %get3A_208 = vector.shape_cast %get3A_207 : vector<1x16xf32> to vector<16xf32>
      %get3A_209 = arith.constant 0 : i32
      %get3A_210 = arith.index_cast %get3A_209 : i32 to index
      %get3A_211 = arith.constant 176 : index
      %get3A_212 = tpu.vector_load %arg6[%get3A_210, %get3A_211] {strides = array<i32>} : memref<8x256xf32, #tpu.memory_space<vmem>>, vector<1x16xf32>,
      %get3A_213 = vector.shape_cast %get3A_212 : vector<1x16xf32> to vector<16xf32>
      %add3A_214 = arith.addf %get3A_208, %get3A_213 : vector<16xf32>
      %swap3A_215 = arith.constant 0 : i32
      %swap3A_216 = arith.index_cast %swap3A_215 : i32 to index
      %swap3A_217 = arith.constant 176 : index
      %swap3A_218 = tpu.vector_load %arg7[%swap3A_216, %swap3A_217] {strides = array<i32>} : memref<8x256xf32, #tpu.memory_space<vmem>>, vector<1x16xf32>,
      %swap3A_219 = vector.shape_cast %swap3A_218 : vector<1x16xf32> to vector<16xf32>
      %swap3A_220 = vector.shape_cast %add3A_214 : vector<16xf32> to vector<1x16xf32>
      tpu.vector_store %arg7[%swap3A_216, %swap3A_217], %swap3A_220 {strides = array<i32>} : memref<8x256xf32, #tpu.memory_space<vmem>>, vector<1x16xf32>,
      %get3A_221 = arith.constant 0 : i32
      %get3A_222 = arith.index_cast %get3A_221 : i32 to index
      %get3A_223 = arith.constant 192 : index
      %get3A_224 = tpu.vector_load %arg5[%get3A_222, %get3A_223] {strides = array<i32>} : memref<8x256xf32, #tpu.memory_space<vmem>>, vector<1x16xf32>,
      %get3A_225 = vector.shape_cast %get3A_224 : vector<1x16xf32> to vector<16xf32>
      %get3A_226 = arith.constant 0 : i32
      %get3A_227 = arith.index_cast %get3A_226 : i32 to index
      %get3A_228 = arith.constant 192 : index
      %get3A_229 = tpu.vector_load %arg6[%get3A_227, %get3A_228] {strides = array<i32>} : memref<8x256xf32, #tpu.memory_space<vmem>>, vector<1x16xf32>,
      %get3A_230 = vector.shape_cast %get3A_229 : vector<1x16xf32> to vector<16xf32>
      %add3A_231 = arith.addf %get3A_225, %get3A_230 : vector<16xf32>
      %swap3A_232 = arith.constant 0 : i32
      %swap3A_233 = arith.index_cast %swap3A_232 : i32 to index
      %swap3A_234 = arith.constant 192 : index
      %swap3A_235 = tpu.vector_load %arg7[%swap3A_233, %swap3A_234] {strides = array<i32>} : memref<8x256xf32, #tpu.memory_space<vmem>>, vector<1x16xf32>,
      %swap3A_236 = vector.shape_cast %swap3A_235 : vector<1x16xf32> to vector<16xf32>
      %swap3A_237 = vector.shape_cast %add3A_231 : vector<16xf32> to vector<1x16xf32>
      tpu.vector_store %arg7[%swap3A_233, %swap3A_234], %swap3A_237 {strides = array<i32>} : memref<8x256xf32, #tpu.memory_space<vmem>>, vector<1x16xf32>,
      %get3A_238 = arith.constant 0 : i32
      %get3A_239 = arith.index_cast %get3A_238 : i32 to index
      %get3A_240 = arith.constant 208 : index
      %get3A_241 = tpu.vector_load %arg5[%get3A_239, %get3A_240] {strides = array<i32>} : memref<8x256xf32, #tpu.memory_space<vmem>>, vector<1x16xf32>,
      %get3A_242 = vector.shape_cast %get3A_241 : vector<1x16xf32> to vector<16xf32>
      %get3A_243 = arith.constant 0 : i32
      %get3A_244 = arith.index_cast %get3A_243 : i32 to index
      %get3A_245 = arith.constant 208 : index
      %get3A_246 = tpu.vector_load %arg6[%get3A_244, %get3A_245] {strides = array<i32>} : memref<8x256xf32, #tpu.memory_space<vmem>>, vector<1x16xf32>,
      %get3A_247 = vector.shape_cast %get3A_246 : vector<1x16xf32> to vector<16xf32>
      %add3A_248 = arith.addf %get3A_242, %get3A_247 : vector<16xf32>
      %swap3A_249 = arith.constant 0 : i32
      %swap3A_250 = arith.index_cast %swap3A_249 : i32 to index
      %swap3A_251 = arith.constant 208 : index
      %swap3A_252 = tpu.vector_load %arg7[%swap3A_250, %swap3A_251] {strides = array<i32>} : memref<8x256xf32, #tpu.memory_space<vmem>>, vector<1x16xf32>,
      %swap3A_253 = vector.shape_cast %swap3A_252 : vector<1x16xf32> to vector<16xf32>
      %swap3A_254 = vector.shape_cast %add3A_248 : vector<16xf32> to vector<1x16xf32>
      tpu.vector_store %arg7[%swap3A_250, %swap3A_251], %swap3A_254 {strides = array<i32>} : memref<8x256xf32, #tpu.memory_space<vmem>>, vector<1x16xf32>,
      %get3A_255 = arith.constant 0 : i32
      %get3A_256 = arith.index_cast %get3A_255 : i32 to index
      %get3A_257 = arith.constant 224 : index
      %get3A_258 = tpu.vector_load %arg5[%get3A_256, %get3A_257] {strides = array<i32>} : memref<8x256xf32, #tpu.memory_space<vmem>>, vector<1x16xf32>,
      %get3A_259 = vector.shape_cast %get3A_258 : vector<1x16xf32> to vector<16xf32>
      %get3A_260 = arith.constant 0 : i32
      %get3A_261 = arith.index_cast %get3A_260 : i32 to index
      %get3A_262 = arith.constant 224 : index
      %get3A_263 = tpu.vector_load %arg6[%get3A_261, %get3A_262] {strides = array<i32>} : memref<8x256xf32, #tpu.memory_space<vmem>>, vector<1x16xf32>,
      %get3A_264 = vector.shape_cast %get3A_263 : vector<1x16xf32> to vector<16xf32>
      %add3A_265 = arith.addf %get3A_259, %get3A_264 : vector<16xf32>
      %swap3A_266 = arith.constant 0 : i32
      %swap3A_267 = arith.index_cast %swap3A_266 : i32 to index
      %swap3A_268 = arith.constant 224 : index
      %swap3A_269 = tpu.vector_load %arg7[%swap3A_267, %swap3A_268] {strides = array<i32>} : memref<8x256xf32, #tpu.memory_space<vmem>>, vector<1x16xf32>,
      %swap3A_270 = vector.shape_cast %swap3A_269 : vector<1x16xf32> to vector<16xf32>
      %swap3A_271 = vector.shape_cast %add3A_265 : vector<16xf32> to vector<1x16xf32>
      tpu.vector_store %arg7[%swap3A_267, %swap3A_268], %swap3A_271 {strides = array<i32>} : memref<8x256xf32, #tpu.memory_space<vmem>>, vector<1x16xf32>,
      %get3A_272 = arith.constant 0 : i32
      %get3A_273 = arith.index_cast %get3A_272 : i32 to index
      %get3A_274 = arith.constant 240 : index
      %get3A_275 = tpu.vector_load %arg5[%get3A_273, %get3A_274] {strides = array<i32>} : memref<8x256xf32, #tpu.memory_space<vmem>>, vector<1x16xf32>,
      %get3A_276 = vector.shape_cast %get3A_275 : vector<1x16xf32> to vector<16xf32>
      %get3A_277 = arith.constant 0 : i32
      %get3A_278 = arith.index_cast %get3A_277 : i32 to index
      %get3A_279 = arith.constant 240 : index
      %get3A_280 = tpu.vector_load %arg6[%get3A_278, %get3A_279] {strides = array<i32>} : memref<8x256xf32, #tpu.memory_space<vmem>>, vector<1x16xf32>,
      %get3A_281 = vector.shape_cast %get3A_280 : vector<1x16xf32> to vector<16xf32>
      %add3A_282 = arith.addf %get3A_276, %get3A_281 : vector<16xf32>
      %swap3A_283 = arith.constant 0 : i32
      %swap3A_284 = arith.index_cast %swap3A_283 : i32 to index
      %swap3A_285 = arith.constant 240 : index
      %swap3A_286 = tpu.vector_load %arg7[%swap3A_284, %swap3A_285] {strides = array<i32>} : memref<8x256xf32, #tpu.memory_space<vmem>>, vector<1x16xf32>,
      %swap3A_287 = vector.shape_cast %swap3A_286 : vector<1x16xf32> to vector<16xf32>
      %swap3A_288 = vector.shape_cast %add3A_282 : vector<16xf32> to vector<1x16xf32>
      tpu.vector_store %arg7[%swap3A_284, %swap3A_285], %swap3A_288 {strides = array<i32>} : memref<8x256xf32, #tpu.memory_space<vmem>>, vector<1x16xf32>,
      %get3A_289 = arith.constant 1 : i32
      %get3A_290 = arith.index_cast %get3A_289 : i32 to index
      %get3A_291 = arith.constant 0 : index
      %get3A_292 = tpu.vector_load %arg5[%get3A_290, %get3A_291] {strides = array<i32>} : memref<8x256xf32, #tpu.memory_space<vmem>>, vector<1x16xf32>,
      %get3A_293 = vector.shape_cast %get3A_292 : vector<1x16xf32> to vector<16xf32>
      %get3A_294 = arith.constant 1 : i32
      %get3A_295 = arith.index_cast %get3A_294 : i32 to index
      %get3A_296 = arith.constant 0 : index
      %get3A_297 = tpu.vector_load %arg6[%get3A_295, %get3A_296] {strides = array<i32>} : memref<8x256xf32, #tpu.memory_space<vmem>>, vector<1x16xf32>,
      %get3A_298 = vector.shape_cast %get3A_297 : vector<1x16xf32> to vector<16xf32>
      %add3A_299 = arith.addf %get3A_293, %get3A_298 : vector<16xf32>
      %swap3A_300 = arith.constant 1 : i32
      %swap3A_301 = arith.index_cast %swap3A_300 : i32 to index
      %swap3A_302 = arith.constant 0 : index
      %swap3A_303 = tpu.vector_load %arg7[%swap3A_301, %swap3A_302] {strides = array<i32>} : memref<8x256xf32, #tpu.memory_space<vmem>>, vector<1x16xf32>,
      %swap3A_304 = vector.shape_cast %swap3A_303 : vector<1x16xf32> to vector<16xf32>
      %swap3A_305 = vector.shape_cast %add3A_299 : vector<16xf32> to vector<1x16xf32>
      tpu.vector_store %arg7[%swap3A_301, %swap3A_302], %swap3A_305 {strides = array<i32>} : memref<8x256xf32, #tpu.memory_space<vmem>>, vector<1x16xf32>,
      %get3A_306 = arith.constant 1 : i32
      %get3A_307 = arith.index_cast %get3A_306 : i32 to index
      %get3A_308 = arith.constant 16 : index
      %get3A_309 = tpu.vector_load %arg5[%get3A_307, %get3A_308] {strides = array<i32>} : memref<8x256xf32, #tpu.memory_space<vmem>>, vector<1x16xf32>,
      %get3A_310 = vector.shape_cast %get3A_309 : vector<1x16xf32> to vector<16xf32>
      %get3A_311 = arith.constant 1 : i32
      %get3A_312 = arith.index_cast %get3A_311 : i32 to index
      %get3A_313 = arith.constant 16 : index
      %get3A_314 = tpu.vector_load %arg6[%get3A_312, %get3A_313] {strides = array<i32>} : memref<8x256xf32, #tpu.memory_space<vmem>>, vector<1x16xf32>,
      %get3A_315 = vector.shape_cast %get3A_314 : vector<1x16xf32> to vector<16xf32>
      %add3A_316 = arith.addf %get3A_310, %get3A_315 : vector<16xf32>
      %swap3A_317 = arith.constant 1 : i32
      %swap3A_318 = arith.index_cast %swap3A_317 : i32 to index
      %swap3A_319 = arith.constant 16 : index
      %swap3A_320 = tpu.vector_load %arg7[%swap3A_318, %swap3A_319] {strides = array<i32>} : memref<8x256xf32, #tpu.memory_space<vmem>>, vector<1x16xf32>,
      %swap3A_321 = vector.shape_cast %swap3A_320 : vector<1x16xf32> to vector<16xf32>
      %swap3A_322 = vector.shape_cast %add3A_316 : vector<16xf32> to vector<1x16xf32>
      tpu.vector_store %arg7[%swap3A_318, %swap3A_319], %swap3A_322 {strides = array<i32>} : memref<8x256xf32, #tpu.memory_space<vmem>>, vector<1x16xf32>,
      %get3A_323 = arith.constant 1 : i32
      %get3A_324 = arith.index_cast %get3A_323 : i32 to index
      %get3A_325 = arith.constant 32 : index
      %get3A_326 = tpu.vector_load %arg5[%get3A_324, %get3A_325] {strides = array<i32>} : memref<8x256xf32, #tpu.memory_space<vmem>>, vector<1x16xf32>,
      %get3A_327 = vector.shape_cast %get3A_326 : vector<1x16xf32> to vector<16xf32>
      %get3A_328 = arith.constant 1 : i32
      %get3A_329 = arith.index_cast %get3A_328 : i32 to index
      %get3A_330 = arith.constant 32 : index
      %get3A_331 = tpu.vector_load %arg6[%get3A_329, %get3A_330] {strides = array<i32>} : memref<8x256xf32, #tpu.memory_space<vmem>>, vector<1x16xf32>,
      %get3A_332 = vector.shape_cast %get3A_331 : vector<1x16xf32> to vector<16xf32>
      %add3A_333 = arith.addf %get3A_327, %get3A_332 : vector<16xf32>
      %swap3A_334 = arith.constant 1 : i32
      %swap3A_335 = arith.index_cast %swap3A_334 : i32 to index
      %swap3A_336 = arith.constant 32 : index
      %swap3A_337 = tpu.vector_load %arg7[%swap3A_335, %swap3A_336] {strides = array<i32>} : memref<8x256xf32, #tpu.memory_space<vmem>>, vector<1x16xf32>,
      %swap3A_338 = vector.shape_cast %swap3A_337 : vector<1x16xf32> to vector<16xf32>
      %swap3A_339 = vector.shape_cast %add3A_333 : vector<16xf32> to vector<1x16xf32>
      tpu.vector_store %arg7[%swap3A_335, %swap3A_336], %swap3A_339 {strides = array<i32>} : memref<8x256xf32, #tpu.memory_space<vmem>>, vector<1x16xf32>,
      %get3A_340 = arith.constant 1 : i32
      %get3A_341 = arith.index_cast %get3A_340 : i32 to index
      %get3A_342 = arith.constant 48 : index
      %get3A_343 = tpu.vector_load %arg5[%get3A_341, %get3A_342] {strides = array<i32>} : memref<8x256xf32, #tpu.memory_space<vmem>>, vector<1x16xf32>,
      %get3A_344 = vector.shape_cast %get3A_343 : vector<1x16xf32> to vector<16xf32>
      %get3A_345 = arith.constant 1 : i32
      %get3A_346 = arith.index_cast %get3A_345 : i32 to index
      %get3A_347 = arith.constant 48 : index
      %get3A_348 = tpu.vector_load %arg6[%get3A_346, %get3A_347] {strides = array<i32>} : memref<8x256xf32, #tpu.memory_space<vmem>>, vector<1x16xf32>,
      %get3A_349 = vector.shape_cast %get3A_348 : vector<1x16xf32> to vector<16xf32>
      %add3A_350 = arith.addf %get3A_344, %get3A_349 : vector<16xf32>
      %swap3A_351 = arith.constant 1 : i32
      %swap3A_352 = arith.index_cast %swap3A_351 : i32 to index
      %swap3A_353 = arith.constant 48 : index
      %swap3A_354 = tpu.vector_load %arg7[%swap3A_352, %swap3A_353] {strides = array<i32>} : memref<8x256xf32, #tpu.memory_space<vmem>>, vector<1x16xf32>,
      %swap3A_355 = vector.shape_cast %swap3A_354 : vector<1x16xf32> to vector<16xf32>
      %swap3A_356 = vector.shape_cast %add3A_350 : vector<16xf32> to vector<1x16xf32>
      tpu.vector_store %arg7[%swap3A_352, %swap3A_353], %swap3A_356 {strides = array<i32>} : memref<8x256xf32, #tpu.memory_space<vmem>>, vector<1x16xf32>,
      %get3A_357 = arith.constant 1 : i32
      %get3A_358 = arith.index_cast %get3A_357 : i32 to index
      %get3A_359 = arith.constant 64 : index
      %get3A_360 = tpu.vector_load %arg5[%get3A_358, %get3A_359] {strides = array<i32>} : memref<8x256xf32, #tpu.memory_space<vmem>>, vector<1x16xf32>,
      %get3A_361 = vector.shape_cast %get3A_360 : vector<1x16xf32> to vector<16xf32>
      %get3A_362 = arith.constant 1 : i32
      %get3A_363 = arith.index_cast %get3A_362 : i32 to index
      %get3A_364 = arith.constant 64 : index
      %get3A_365 = tpu.vector_load %arg6[%get3A_363, %get3A_364] {strides = array<i32>} : memref<8x256xf32, #tpu.memory_space<vmem>>, vector<1x16xf32>,
      %get3A_366 = vector.shape_cast %get3A_365 : vector<1x16xf32> to vector<16xf32>
      %add3A_367 = arith.addf %get3A_361, %get3A_366 : vector<16xf32>
      %swap3A_368 = arith.constant 1 : i32
      %swap3A_369 = arith.index_cast %swap3A_368 : i32 to index
      %swap3A_370 = arith.constant 64 : index
      %swap3A_371 = tpu.vector_load %arg7[%swap3A_369, %swap3A_370] {strides = array<i32>} : memref<8x256xf32, #tpu.memory_space<vmem>>, vector<1x16xf32>,
      %swap3A_372 = vector.shape_cast %swap3A_371 : vector<1x16xf32> to vector<16xf32>
      %swap3A_373 = vector.shape_cast %add3A_367 : vector<16xf32> to vector<1x16xf32>
      tpu.vector_store %arg7[%swap3A_369, %swap3A_370], %swap3A_373 {strides = array<i32>} : memref<8x256xf32, #tpu.memory_space<vmem>>, vector<1x16xf32>,
      %get3A_374 = arith.constant 1 : i32
      %get3A_375 = arith.index_cast %get3A_374 : i32 to index
      %get3A_376 = arith.constant 80 : index
      %get3A_377 = tpu.vector_load %arg5[%get3A_375, %get3A_376] {strides = array<i32>} : memref<8x256xf32, #tpu.memory_space<vmem>>, vector<1x16xf32>,
      %get3A_378 = vector.shape_cast %get3A_377 : vector<1x16xf32> to vector<16xf32>
      %get3A_379 = arith.constant 1 : i32
      %get3A_380 = arith.index_cast %get3A_379 : i32 to index
      %get3A_381 = arith.constant 80 : index
      %get3A_382 = tpu.vector_load %arg6[%get3A_380, %get3A_381] {strides = array<i32>} : memref<8x256xf32, #tpu.memory_space<vmem>>, vector<1x16xf32>,
      %get3A_383 = vector.shape_cast %get3A_382 : vector<1x16xf32> to vector<16xf32>
      %add3A_384 = arith.addf %get3A_378, %get3A_383 : vector<16xf32>
      %swap3A_385 = arith.constant 1 : i32
      %swap3A_386 = arith.index_cast %swap3A_385 : i32 to index
      %swap3A_387 = arith.constant 80 : index
      %swap3A_388 = tpu.vector_load %arg7[%swap3A_386, %swap3A_387] {strides = array<i32>} : memref<8x256xf32, #tpu.memory_space<vmem>>, vector<1x16xf32>,
      %swap3A_389 = vector.shape_cast %swap3A_388 : vector<1x16xf32> to vector<16xf32>
      %swap3A_390 = vector.shape_cast %add3A_384 : vector<16xf32> to vector<1x16xf32>
      tpu.vector_store %arg7[%swap3A_386, %swap3A_387], %swap3A_390 {strides = array<i32>} : memref<8x256xf32, #tpu.memory_space<vmem>>, vector<1x16xf32>,
      %get3A_391 = arith.constant 1 : i32
      %get3A_392 = arith.index_cast %get3A_391 : i32 to index
      %get3A_393 = arith.constant 96 : index
      %get3A_394 = tpu.vector_load %arg5[%get3A_392, %get3A_393] {strides = array<i32>} : memref<8x256xf32, #tpu.memory_space<vmem>>, vector<1x16xf32>,
      %get3A_395 = vector.shape_cast %get3A_394 : vector<1x16xf32> to vector<16xf32>
      %get3A_396 = arith.constant 1 : i32
      %get3A_397 = arith.index_cast %get3A_396 : i32 to index
      %get3A_398 = arith.constant 96 : index
      %get3A_399 = tpu.vector_load %arg6[%get3A_397, %get3A_398] {strides = array<i32>} : memref<8x256xf32, #tpu.memory_space<vmem>>, vector<1x16xf32>,
      %get3A_400 = vector.shape_cast %get3A_399 : vector<1x16xf32> to vector<16xf32>
      %add3A_401 = arith.addf %get3A_395, %get3A_400 : vector<16xf32>
      %swap3A_402 = arith.constant 1 : i32
      %swap3A_403 = arith.index_cast %swap3A_402 : i32 to index
      %swap3A_404 = arith.constant 96 : index
      %swap3A_405 = tpu.vector_load %arg7[%swap3A_403, %swap3A_404] {strides = array<i32>} : memref<8x256xf32, #tpu.memory_space<vmem>>, vector<1x16xf32>,
      %swap3A_406 = vector.shape_cast %swap3A_405 : vector<1x16xf32> to vector<16xf32>
      %swap3A_407 = vector.shape_cast %add3A_401 : vector<16xf32> to vector<1x16xf32>
      tpu.vector_store %arg7[%swap3A_403, %swap3A_404], %swap3A_407 {strides = array<i32>} : memref<8x256xf32, #tpu.memory_space<vmem>>, vector<1x16xf32>,
      %get3A_408 = arith.constant 1 : i32
      %get3A_409 = arith.index_cast %get3A_408 : i32 to index
      %get3A_410 = arith.constant 112 : index
      %get3A_411 = tpu.vector_load %arg5[%get3A_409, %get3A_410] {strides = array<i32>} : memref<8x256xf32, #tpu.memory_space<vmem>>, vector<1x16xf32>,
      %get3A_412 = vector.shape_cast %get3A_411 : vector<1x16xf32> to vector<16xf32>
      %get3A_413 = arith.constant 1 : i32
      %get3A_414 = arith.index_cast %get3A_413 : i32 to index
      %get3A_415 = arith.constant 112 : index
      %get3A_416 = tpu.vector_load %arg6[%get3A_414, %get3A_415] {strides = array<i32>} : memref<8x256xf32, #tpu.memory_space<vmem>>, vector<1x16xf32>,
      %get3A_417 = vector.shape_cast %get3A_416 : vector<1x16xf32> to vector<16xf32>
      %add3A_418 = arith.addf %get3A_412, %get3A_417 : vector<16xf32>
      %swap3A_419 = arith.constant 1 : i32
      %swap3A_420 = arith.index_cast %swap3A_419 : i32 to index
      %swap3A_421 = arith.constant 112 : index
      %swap3A_422 = tpu.vector_load %arg7[%swap3A_420, %swap3A_421] {strides = array<i32>} : memref<8x256xf32, #tpu.memory_space<vmem>>, vector<1x16xf32>,
      %swap3A_423 = vector.shape_cast %swap3A_422 : vector<1x16xf32> to vector<16xf32>
      %swap3A_424 = vector.shape_cast %add3A_418 : vector<16xf32> to vector<1x16xf32>
      tpu.vector_store %arg7[%swap3A_420, %swap3A_421], %swap3A_424 {strides = array<i32>} : memref<8x256xf32, #tpu.memory_space<vmem>>, vector<1x16xf32>,
      %get3A_425 = arith.constant 1 : i32
      %get3A_426 = arith.index_cast %get3A_425 : i32 to index
      %get3A_427 = arith.constant 128 : index
      %get3A_428 = tpu.vector_load %arg5[%get3A_426, %get3A_427] {strides = array<i32>} : memref<8x256xf32, #tpu.memory_space<vmem>>, vector<1x16xf32>,
      %get3A_429 = vector.shape_cast %get3A_428 : vector<1x16xf32> to vector<16xf32>
      %get3A_430 = arith.constant 1 : i32
      %get3A_431 = arith.index_cast %get3A_430 : i32 to index
      %get3A_432 = arith.constant 128 : index
      %get3A_433 = tpu.vector_load %arg6[%get3A_431, %get3A_432] {strides = array<i32>} : memref<8x256xf32, #tpu.memory_space<vmem>>, vector<1x16xf32>,
      %get3A_434 = vector.shape_cast %get3A_433 : vector<1x16xf32> to vector<16xf32>
      %add3A_435 = arith.addf %get3A_429, %get3A_434 : vector<16xf32>
      %swap3A_436 = arith.constant 1 : i32
      %swap3A_437 = arith.index_cast %swap3A_436 : i32 to index
      %swap3A_438 = arith.constant 128 : index
      %swap3A_439 = tpu.vector_load %arg7[%swap3A_437, %swap3A_438] {strides = array<i32>} : memref<8x256xf32, #tpu.memory_space<vmem>>, vector<1x16xf32>,
      %swap3A_440 = vector.shape_cast %swap3A_439 : vector<1x16xf32> to vector<16xf32>
      %swap3A_441 = vector.shape_cast %add3A_435 : vector<16xf32> to vector<1x16xf32>
      tpu.vector_store %arg7[%swap3A_437, %swap3A_438], %swap3A_441 {strides = array<i32>} : memref<8x256xf32, #tpu.memory_space<vmem>>, vector<1x16xf32>,
      %get3A_442 = arith.constant 1 : i32
      %get3A_443 = arith.index_cast %get3A_442 : i32 to index
      %get3A_444 = arith.constant 144 : index
      %get3A_445 = tpu.vector_load %arg5[%get3A_443, %get3A_444] {strides = array<i32>} : memref<8x256xf32, #tpu.memory_space<vmem>>, vector<1x16xf32>,
      %get3A_446 = vector.shape_cast %get3A_445 : vector<1x16xf32> to vector<16xf32>
      %get3A_447 = arith.constant 1 : i32
      %get3A_448 = arith.index_cast %get3A_447 : i32 to index
      %get3A_449 = arith.constant 144 : index
      %get3A_450 = tpu.vector_load %arg6[%get3A_448, %get3A_449] {strides = array<i32>} : memref<8x256xf32, #tpu.memory_space<vmem>>, vector<1x16xf32>,
      %get3A_451 = vector.shape_cast %get3A_450 : vector<1x16xf32> to vector<16xf32>
      %add3A_452 = arith.addf %get3A_446, %get3A_451 : vector<16xf32>
      %swap3A_453 = arith.constant 1 : i32
      %swap3A_454 = arith.index_cast %swap3A_453 : i32 to index
      %swap3A_455 = arith.constant 144 : index
      %swap3A_456 = tpu.vector_load %arg7[%swap3A_454, %swap3A_455] {strides = array<i32>} : memref<8x256xf32, #tpu.memory_space<vmem>>, vector<1x16xf32>,
      %swap3A_457 = vector.shape_cast %swap3A_456 : vector<1x16xf32> to vector<16xf32>
      %swap3A_458 = vector.shape_cast %add3A_452 : vector<16xf32> to vector<1x16xf32>
      tpu.vector_store %arg7[%swap3A_454, %swap3A_455], %swap3A_458 {strides = array<i32>} : memref<8x256xf32, #tpu.memory_space<vmem>>, vector<1x16xf32>,
      %get3A_459 = arith.constant 1 : i32
      %get3A_460 = arith.index_cast %get3A_459 : i32 to index
      %get3A_461 = arith.constant 160 : index
      %get3A_462 = tpu.vector_load %arg5[%get3A_460, %get3A_461] {strides = array<i32>} : memref<8x256xf32, #tpu.memory_space<vmem>>, vector<1x16xf32>,
      %get3A_463 = vector.shape_cast %get3A_462 : vector<1x16xf32> to vector<16xf32>
      %get3A_464 = arith.constant 1 : i32
      %get3A_465 = arith.index_cast %get3A_464 : i32 to index
      %get3A_466 = arith.constant 160 : index
      %get3A_467 = tpu.vector_load %arg6[%get3A_465, %get3A_466] {strides = array<i32>} : memref<8x256xf32, #tpu.memory_space<vmem>>, vector<1x16xf32>,
      %get3A_468 = vector.shape_cast %get3A_467 : vector<1x16xf32> to vector<16xf32>
      %add3A_469 = arith.addf %get3A_463, %get3A_468 : vector<16xf32>
      %swap3A_470 = arith.constant 1 : i32
      %swap3A_471 = arith.index_cast %swap3A_470 : i32 to index
      %swap3A_472 = arith.constant 160 : index
      %swap3A_473 = tpu.vector_load %arg7[%swap3A_471, %swap3A_472] {strides = array<i32>} : memref<8x256xf32, #tpu.memory_space<vmem>>, vector<1x16xf32>,
      %swap3A_474 = vector.shape_cast %swap3A_473 : vector<1x16xf32> to vector<16xf32>
      %swap3A_475 = vector.shape_cast %add3A_469 : vector<16xf32> to vector<1x16xf32>
      tpu.vector_store %arg7[%swap3A_471, %swap3A_472], %swap3A_475 {strides = array<i32>} : memref<8x256xf32, #tpu.memory_space<vmem>>, vector<1x16xf32>,
      %get3A_476 = arith.constant 1 : i32
      %get3A_477 = arith.index_cast %get3A_476 : i32 to index
      %get3A_478 = arith.constant 176 : index
      %get3A_479 = tpu.vector_load %arg5[%get3A_477, %get3A_478] {strides = array<i32>} : memref<8x256xf32, #tpu.memory_space<vmem>>, vector<1x16xf32>,
      %get3A_480 = vector.shape_cast %get3A_479 : vector<1x16xf32> to vector<16xf32>
      %get3A_481 = arith.constant 1 : i32
      %get3A_482 = arith.index_cast %get3A_481 : i32 to index
      %get3A_483 = arith.constant 176 : index
      %get3A_484 = tpu.vector_load %arg6[%get3A_482, %get3A_483] {strides = array<i32>} : memref<8x256xf32, #tpu.memory_space<vmem>>, vector<1x16xf32>,
      %get3A_485 = vector.shape_cast %get3A_484 : vector<1x16xf32> to vector<16xf32>
      %add3A_486 = arith.addf %get3A_480, %get3A_485 : vector<16xf32>
      %swap3A_487 = arith.constant 1 : i32
      %swap3A_488 = arith.index_cast %swap3A_487 : i32 to index
      %swap3A_489 = arith.constant 176 : index
      %swap3A_490 = tpu.vector_load %arg7[%swap3A_488, %swap3A_489] {strides = array<i32>} : memref<8x256xf32, #tpu.memory_space<vmem>>, vector<1x16xf32>,
      %swap3A_491 = vector.shape_cast %swap3A_490 : vector<1x16xf32> to vector<16xf32>
      %swap3A_492 = vector.shape_cast %add3A_486 : vector<16xf32> to vector<1x16xf32>
      tpu.vector_store %arg7[%swap3A_488, %swap3A_489], %swap3A_492 {strides = array<i32>} : memref<8x256xf32, #tpu.memory_space<vmem>>, vector<1x16xf32>,
      %get3A_493 = arith.constant 1 : i32
      %get3A_494 = arith.index_cast %get3A_493 : i32 to index
      %get3A_495 = arith.constant 192 : index
      %get3A_496 = tpu.vector_load %arg5[%get3A_494, %get3A_495] {strides = array<i32>} : memref<8x256xf32, #tpu.memory_space<vmem>>, vector<1x16xf32>,
      %get3A_497 = vector.shape_cast %get3A_496 : vector<1x16xf32> to vector<16xf32>
      %get3A_498 = arith.constant 1 : i32
      %get3A_499 = arith.index_cast %get3A_498 : i32 to index
      %get3A_500 = arith.constant 192 : index
      %get3A_501 = tpu.vector_load %arg6[%get3A_499, %get3A_500] {strides = array<i32>} : memref<8x256xf32, #tpu.memory_space<vmem>>, vector<1x16xf32>,
      %get3A_502 = vector.shape_cast %get3A_501 : vector<1x16xf32> to vector<16xf32>
      %add3A_503 = arith.addf %get3A_497, %get3A_502 : vector<16xf32>
      %swap3A_504 = arith.constant 1 : i32
      %swap3A_505 = arith.index_cast %swap3A_504 : i32 to index
      %swap3A_506 = arith.constant 192 : index
      %swap3A_507 = tpu.vector_load %arg7[%swap3A_505, %swap3A_506] {strides = array<i32>} : memref<8x256xf32, #tpu.memory_space<vmem>>, vector<1x16xf32>,
      %swap3A_508 = vector.shape_cast %swap3A_507 : vector<1x16xf32> to vector<16xf32>
      %swap3A_509 = vector.shape_cast %add3A_503 : vector<16xf32> to vector<1x16xf32>
      tpu.vector_store %arg7[%swap3A_505, %swap3A_506], %swap3A_509 {strides = array<i32>} : memref<8x256xf32, #tpu.memory_space<vmem>>, vector<1x16xf32>,
      %get3A_510 = arith.constant 1 : i32
      %get3A_511 = arith.index_cast %get3A_510 : i32 to index
      %get3A_512 = arith.constant 208 : index
      %get3A_513 = tpu.vector_load %arg5[%get3A_511, %get3A_512] {strides = array<i32>} : memref<8x256xf32, #tpu.memory_space<vmem>>, vector<1x16xf32>,
      %get3A_514 = vector.shape_cast %get3A_513 : vector<1x16xf32> to vector<16xf32>
      %get3A_515 = arith.constant 1 : i32
      %get3A_516 = arith.index_cast %get3A_515 : i32 to index
      %get3A_517 = arith.constant 208 : index
      %get3A_518 = tpu.vector_load %arg6[%get3A_516, %get3A_517] {strides = array<i32>} : memref<8x256xf32, #tpu.memory_space<vmem>>, vector<1x16xf32>,
      %get3A_519 = vector.shape_cast %get3A_518 : vector<1x16xf32> to vector<16xf32>
      %add3A_520 = arith.addf %get3A_514, %get3A_519 : vector<16xf32>
      %swap3A_521 = arith.constant 1 : i32
      %swap3A_522 = arith.index_cast %swap3A_521 : i32 to index
      %swap3A_523 = arith.constant 208 : index
      %swap3A_524 = tpu.vector_load %arg7[%swap3A_522, %swap3A_523] {strides = array<i32>} : memref<8x256xf32, #tpu.memory_space<vmem>>, vector<1x16xf32>,
      %swap3A_525 = vector.shape_cast %swap3A_524 : vector<1x16xf32> to vector<16xf32>
      %swap3A_526 = vector.shape_cast %add3A_520 : vector<16xf32> to vector<1x16xf32>
      tpu.vector_store %arg7[%swap3A_522, %swap3A_523], %swap3A_526 {strides = array<i32>} : memref<8x256xf32, #tpu.memory_space<vmem>>, vector<1x16xf32>,
      %get3A_527 = arith.constant 1 : i32
      %get3A_528 = arith.index_cast %get3A_527 : i32 to index
      %get3A_529 = arith.constant 224 : index
      %get3A_530 = tpu.vector_load %arg5[%get3A_528, %get3A_529] {strides = array<i32>} : memref<8x256xf32, #tpu.memory_space<vmem>>, vector<1x16xf32>,
      %get3A_531 = vector.shape_cast %get3A_530 : vector<1x16xf32> to vector<16xf32>
      %get3A_532 = arith.constant 1 : i32
      %get3A_533 = arith.index_cast %get3A_532 : i32 to index
      %get3A_534 = arith.constant 224 : index
      %get3A_535 = tpu.vector_load %arg6[%get3A_533, %get3A_534] {strides = array<i32>} : memref<8x256xf32, #tpu.memory_space<vmem>>, vector<1x16xf32>,
      %get3A_536 = vector.shape_cast %get3A_535 : vector<1x16xf32> to vector<16xf32>
      %add3A_537 = arith.addf %get3A_531, %get3A_536 : vector<16xf32>
      %swap3A_538 = arith.constant 1 : i32
      %swap3A_539 = arith.index_cast %swap3A_538 : i32 to index
      %swap3A_540 = arith.constant 224 : index
      %swap3A_541 = tpu.vector_load %arg7[%swap3A_539, %swap3A_540] {strides = array<i32>} : memref<8x256xf32, #tpu.memory_space<vmem>>, vector<1x16xf32>,
      %swap3A_542 = vector.shape_cast %swap3A_541 : vector<1x16xf32> to vector<16xf32>
      %swap3A_543 = vector.shape_cast %add3A_537 : vector<16xf32> to vector<1x16xf32>
      tpu.vector_store %arg7[%swap3A_539, %swap3A_540], %swap3A_543 {strides = array<i32>} : memref<8x256xf32, #tpu.memory_space<vmem>>, vector<1x16xf32>,
      %get3A_544 = arith.constant 1 : i32
      %get3A_545 = arith.index_cast %get3A_544 : i32 to index
      %get3A_546 = arith.constant 240 : index
      %get3A_547 = tpu.vector_load %arg5[%get3A_545, %get3A_546] {strides = array<i32>} : memref<8x256xf32, #tpu.memory_space<vmem>>, vector<1x16xf32>,
      %get3A_548 = vector.shape_cast %get3A_547 : vector<1x16xf32> to vector<16xf32>
      %get3A_549 = arith.constant 1 : i32
      %get3A_550 = arith.index_cast %get3A_549 : i32 to index
      %get3A_551 = arith.constant 240 : index
      %get3A_552 = tpu.vector_load %arg6[%get3A_550, %get3A_551] {strides = array<i32>} : memref<8x256xf32, #tpu.memory_space<vmem>>, vector<1x16xf32>,
      %get3A_553 = vector.shape_cast %get3A_552 : vector<1x16xf32> to vector<16xf32>
      %add3A_554 = arith.addf %get3A_548, %get3A_553 : vector<16xf32>
      %swap3A_555 = arith.constant 1 : i32
      %swap3A_556 = arith.index_cast %swap3A_555 : i32 to index
      %swap3A_557 = arith.constant 240 : index
      %swap3A_558 = tpu.vector_load %arg7[%swap3A_556, %swap3A_557] {strides = array<i32>} : memref<8x256xf32, #tpu.memory_space<vmem>>, vector<1x16xf32>,
      %swap3A_559 = vector.shape_cast %swap3A_558 : vector<1x16xf32> to vector<16xf32>
      %swap3A_560 = vector.shape_cast %add3A_554 : vector<16xf32> to vector<1x16xf32>
      tpu.vector_store %arg7[%swap3A_556, %swap3A_557], %swap3A_560 {strides = array<i32>} : memref<8x256xf32, #tpu.memory_space<vmem>>, vector<1x16xf32>,
      %get3A_561 = arith.constant 2 : i32
      %get3A_562 = arith.index_cast %get3A_561 : i32 to index
      %get3A_563 = arith.constant 0 : index
      %get3A_564 = tpu.vector_load %arg5[%get3A_562, %get3A_563] {strides = array<i32>} : memref<8x256xf32, #tpu.memory_space<vmem>>, vector<1x16xf32>,
      %get3A_565 = vector.shape_cast %get3A_564 : vector<1x16xf32> to vector<16xf32>
      %get3A_566 = arith.constant 2 : i32
      %get3A_567 = arith.index_cast %get3A_566 : i32 to index
      %get3A_568 = arith.constant 0 : index
      %get3A_569 = tpu.vector_load %arg6[%get3A_567, %get3A_568] {strides = array<i32>} : memref<8x256xf32, #tpu.memory_space<vmem>>, vector<1x16xf32>,
      %get3A_570 = vector.shape_cast %get3A_569 : vector<1x16xf32> to vector<16xf32>
      %add3A_571 = arith.addf %get3A_565, %get3A_570 : vector<16xf32>
      %swap3A_572 = arith.constant 2 : i32
      %swap3A_573 = arith.index_cast %swap3A_572 : i32 to index
      %swap3A_574 = arith.constant 0 : index
      %swap3A_575 = tpu.vector_load %arg7[%swap3A_573, %swap3A_574] {strides = array<i32>} : memref<8x256xf32, #tpu.memory_space<vmem>>, vector<1x16xf32>,
      %swap3A_576 = vector.shape_cast %swap3A_575 : vector<1x16xf32> to vector<16xf32>
      %swap3A_577 = vector.shape_cast %add3A_571 : vector<16xf32> to vector<1x16xf32>
      tpu.vector_store %arg7[%swap3A_573, %swap3A_574], %swap3A_577 {strides = array<i32>} : memref<8x256xf32, #tpu.memory_space<vmem>>, vector<1x16xf32>,
      %get3A_578 = arith.constant 2 : i32
      %get3A_579 = arith.index_cast %get3A_578 : i32 to index
      %get3A_580 = arith.constant 16 : index
      %get3A_581 = tpu.vector_load %arg5[%get3A_579, %get3A_580] {strides = array<i32>} : memref<8x256xf32, #tpu.memory_space<vmem>>, vector<1x16xf32>,
      %get3A_582 = vector.shape_cast %get3A_581 : vector<1x16xf32> to vector<16xf32>
      %get3A_583 = arith.constant 2 : i32
      %get3A_584 = arith.index_cast %get3A_583 : i32 to index
      %get3A_585 = arith.constant 16 : index
      %get3A_586 = tpu.vector_load %arg6[%get3A_584, %get3A_585] {strides = array<i32>} : memref<8x256xf32, #tpu.memory_space<vmem>>, vector<1x16xf32>,
      %get3A_587 = vector.shape_cast %get3A_586 : vector<1x16xf32> to vector<16xf32>
      %add3A_588 = arith.addf %get3A_582, %get3A_587 : vector<16xf32>
      %swap3A_589 = arith.constant 2 : i32
      %swap3A_590 = arith.index_cast %swap3A_589 : i32 to index
      %swap3A_591 = arith.constant 16 : index
      %swap3A_592 = tpu.vector_load %arg7[%swap3A_590, %swap3A_591] {strides = array<i32>} : memref<8x256xf32, #tpu.memory_space<vmem>>, vector<1x16xf32>,
      %swap3A_593 = vector.shape_cast %swap3A_592 : vector<1x16xf32> to vector<16xf32>
      %swap3A_594 = vector.shape_cast %add3A_588 : vector<16xf32> to vector<1x16xf32>
      tpu.vector_store %arg7[%swap3A_590, %swap3A_591], %swap3A_594 {strides = array<i32>} : memref<8x256xf32, #tpu.memory_space<vmem>>, vector<1x16xf32>,
      %get3A_595 = arith.constant 2 : i32
      %get3A_596 = arith.index_cast %get3A_595 : i32 to index
      %get3A_597 = arith.constant 32 : index
      %get3A_598 = tpu.vector_load %arg5[%get3A_596, %get3A_597] {strides = array<i32>} : memref<8x256xf32, #tpu.memory_space<vmem>>, vector<1x16xf32>,
      %get3A_599 = vector.shape_cast %get3A_598 : vector<1x16xf32> to vector<16xf32>
      %get3A_600 = arith.constant 2 : i32
      %get3A_601 = arith.index_cast %get3A_600 : i32 to index
      %get3A_602 = arith.constant 32 : index
      %get3A_603 = tpu.vector_load %arg6[%get3A_601, %get3A_602] {strides = array<i32>} : memref<8x256xf32, #tpu.memory_space<vmem>>, vector<1x16xf32>,
      %get3A_604 = vector.shape_cast %get3A_603 : vector<1x16xf32> to vector<16xf32>
      %add3A_605 = arith.addf %get3A_599, %get3A_604 : vector<16xf32>
      %swap3A_606 = arith.constant 2 : i32
      %swap3A_607 = arith.index_cast %swap3A_606 : i32 to index
      %swap3A_608 = arith.constant 32 : index
      %swap3A_609 = tpu.vector_load %arg7[%swap3A_607, %swap3A_608] {strides = array<i32>} : memref<8x256xf32, #tpu.memory_space<vmem>>, vector<1x16xf32>,
      %swap3A_610 = vector.shape_cast %swap3A_609 : vector<1x16xf32> to vector<16xf32>
      %swap3A_611 = vector.shape_cast %add3A_605 : vector<16xf32> to vector<1x16xf32>
      tpu.vector_store %arg7[%swap3A_607, %swap3A_608], %swap3A_611 {strides = array<i32>} : memref<8x256xf32, #tpu.memory_space<vmem>>, vector<1x16xf32>,
      %get3A_612 = arith.constant 2 : i32
      %get3A_613 = arith.index_cast %get3A_612 : i32 to index
      %get3A_614 = arith.constant 48 : index
      %get3A_615 = tpu.vector_load %arg5[%get3A_613, %get3A_614] {strides = array<i32>} : memref<8x256xf32, #tpu.memory_space<vmem>>, vector<1x16xf32>,
      %get3A_616 = vector.shape_cast %get3A_615 : vector<1x16xf32> to vector<16xf32>
      %get3A_617 = arith.constant 2 : i32
      %get3A_618 = arith.index_cast %get3A_617 : i32 to index
      %get3A_619 = arith.constant 48 : index
      %get3A_620 = tpu.vector_load %arg6[%get3A_618, %get3A_619] {strides = array<i32>} : memref<8x256xf32, #tpu.memory_space<vmem>>, vector<1x16xf32>,
      %get3A_621 = vector.shape_cast %get3A_620 : vector<1x16xf32> to vector<16xf32>
      %add3A_622 = arith.addf %get3A_616, %get3A_621 : vector<16xf32>
      %swap3A_623 = arith.constant 2 : i32
      %swap3A_624 = arith.index_cast %swap3A_623 : i32 to index
      %swap3A_625 = arith.constant 48 : index
      %swap3A_626 = tpu.vector_load %arg7[%swap3A_624, %swap3A_625] {strides = array<i32>} : memref<8x256xf32, #tpu.memory_space<vmem>>, vector<1x16xf32>,
      %swap3A_627 = vector.shape_cast %swap3A_626 : vector<1x16xf32> to vector<16xf32>
      %swap3A_628 = vector.shape_cast %add3A_622 : vector<16xf32> to vector<1x16xf32>
      tpu.vector_store %arg7[%swap3A_624, %swap3A_625], %swap3A_628 {strides = array<i32>} : memref<8x256xf32, #tpu.memory_space<vmem>>, vector<1x16xf32>,
      %get3A_629 = arith.constant 2 : i32
      %get3A_630 = arith.index_cast %get3A_629 : i32 to index
      %get3A_631 = arith.constant 64 : index
      %get3A_632 = tpu.vector_load %arg5[%get3A_630, %get3A_631] {strides = array<i32>} : memref<8x256xf32, #tpu.memory_space<vmem>>, vector<1x16xf32>,
      %get3A_633 = vector.shape_cast %get3A_632 : vector<1x16xf32> to vector<16xf32>
      %get3A_634 = arith.constant 2 : i32
      %get3A_635 = arith.index_cast %get3A_634 : i32 to index
      %get3A_636 = arith.constant 64 : index
      %get3A_637 = tpu.vector_load %arg6[%get3A_635, %get3A_636] {strides = array<i32>} : memref<8x256xf32, #tpu.memory_space<vmem>>, vector<1x16xf32>,
      %get3A_638 = vector.shape_cast %get3A_637 : vector<1x16xf32> to vector<16xf32>
      %add3A_639 = arith.addf %get3A_633, %get3A_638 : vector<16xf32>
      %swap3A_640 = arith.constant 2 : i32
      %swap3A_641 = arith.index_cast %swap3A_640 : i32 to index
      %swap3A_642 = arith.constant 64 : index
      %swap3A_643 = tpu.vector_load %arg7[%swap3A_641, %swap3A_642] {strides = array<i32>} : memref<8x256xf32, #tpu.memory_space<vmem>>, vector<1x16xf32>,
      %swap3A_644 = vector.shape_cast %swap3A_643 : vector<1x16xf32> to vector<16xf32>
      %swap3A_645 = vector.shape_cast %add3A_639 : vector<16xf32> to vector<1x16xf32>
      tpu.vector_store %arg7[%swap3A_641, %swap3A_642], %swap3A_645 {strides = array<i32>} : memref<8x256xf32, #tpu.memory_space<vmem>>, vector<1x16xf32>,
      %get3A_646 = arith.constant 2 : i32
      %get3A_647 = arith.index_cast %get3A_646 : i32 to index
      %get3A_648 = arith.constant 80 : index
      %get3A_649 = tpu.vector_load %arg5[%get3A_647, %get3A_648] {strides = array<i32>} : memref<8x256xf32, #tpu.memory_space<vmem>>, vector<1x16xf32>,
      %get3A_650 = vector.shape_cast %get3A_649 : vector<1x16xf32> to vector<16xf32>
      %get3A_651 = arith.constant 2 : i32
      %get3A_652 = arith.index_cast %get3A_651 : i32 to index
      %get3A_653 = arith.constant 80 : index
      %get3A_654 = tpu.vector_load %arg6[%get3A_652, %get3A_653] {strides = array<i32>} : memref<8x256xf32, #tpu.memory_space<vmem>>, vector<1x16xf32>,
      %get3A_655 = vector.shape_cast %get3A_654 : vector<1x16xf32> to vector<16xf32>
      %add3A_656 = arith.addf %get3A_650, %get3A_655 : vector<16xf32>
      %swap3A_657 = arith.constant 2 : i32
      %swap3A_658 = arith.index_cast %swap3A_657 : i32 to index
      %swap3A_659 = arith.constant 80 : index
      %swap3A_660 = tpu.vector_load %arg7[%swap3A_658, %swap3A_659] {strides = array<i32>} : memref<8x256xf32, #tpu.memory_space<vmem>>, vector<1x16xf32>,
      %swap3A_661 = vector.shape_cast %swap3A_660 : vector<1x16xf32> to vector<16xf32>
      %swap3A_662 = vector.shape_cast %add3A_656 : vector<16xf32> to vector<1x16xf32>
      tpu.vector_store %arg7[%swap3A_658, %swap3A_659], %swap3A_662 {strides = array<i32>} : memref<8x256xf32, #tpu.memory_space<vmem>>, vector<1x16xf32>,
      %get3A_663 = arith.constant 2 : i32
      %get3A_664 = arith.index_cast %get3A_663 : i32 to index
      %get3A_665 = arith.constant 96 : index
      %get3A_666 = tpu.vector_load %arg5[%get3A_664, %get3A_665] {strides = array<i32>} : memref<8x256xf32, #tpu.memory_space<vmem>>, vector<1x16xf32>,
      %get3A_667 = vector.shape_cast %get3A_666 : vector<1x16xf32> to vector<16xf32>
      %get3A_668 = arith.constant 2 : i32
      %get3A_669 = arith.index_cast %get3A_668 : i32 to index
      %get3A_670 = arith.constant 96 : index
      %get3A_671 = tpu.vector_load %arg6[%get3A_669, %get3A_670] {strides = array<i32>} : memref<8x256xf32, #tpu.memory_space<vmem>>, vector<1x16xf32>,
      %get3A_672 = vector.shape_cast %get3A_671 : vector<1x16xf32> to vector<16xf32>
      %add3A_673 = arith.addf %get3A_667, %get3A_672 : vector<16xf32>
      %swap3A_674 = arith.constant 2 : i32
      %swap3A_675 = arith.index_cast %swap3A_674 : i32 to index
      %swap3A_676 = arith.constant 96 : index
      %swap3A_677 = tpu.vector_load %arg7[%swap3A_675, %swap3A_676] {strides = array<i32>} : memref<8x256xf32, #tpu.memory_space<vmem>>, vector<1x16xf32>,
      %swap3A_678 = vector.shape_cast %swap3A_677 : vector<1x16xf32> to vector<16xf32>
      %swap3A_679 = vector.shape_cast %add3A_673 : vector<16xf32> to vector<1x16xf32>
      tpu.vector_store %arg7[%swap3A_675, %swap3A_676], %swap3A_679 {strides = array<i32>} : memref<8x256xf32, #tpu.memory_space<vmem>>, vector<1x16xf32>,
      %get3A_680 = arith.constant 2 : i32
      %get3A_681 = arith.index_cast %get3A_680 : i32 to index
      %get3A_682 = arith.constant 112 : index
      %get3A_683 = tpu.vector_load %arg5[%get3A_681, %get3A_682] {strides = array<i32>} : memref<8x256xf32, #tpu.memory_space<vmem>>, vector<1x16xf32>,
      %get3A_684 = vector.shape_cast %get3A_683 : vector<1x16xf32> to vector<16xf32>
      %get3A_685 = arith.constant 2 : i32
      %get3A_686 = arith.index_cast %get3A_685 : i32 to index
      %get3A_687 = arith.constant 112 : index
      %get3A_688 = tpu.vector_load %arg6[%get3A_686, %get3A_687] {strides = array<i32>} : memref<8x256xf32, #tpu.memory_space<vmem>>, vector<1x16xf32>,
      %get3A_689 = vector.shape_cast %get3A_688 : vector<1x16xf32> to vector<16xf32>
      %add3A_690 = arith.addf %get3A_684, %get3A_689 : vector<16xf32>
      %swap3A_691 = arith.constant 2 : i32
      %swap3A_692 = arith.index_cast %swap3A_691 : i32 to index
      %swap3A_693 = arith.constant 112 : index
      %swap3A_694 = tpu.vector_load %arg7[%swap3A_692, %swap3A_693] {strides = array<i32>} : memref<8x256xf32, #tpu.memory_space<vmem>>, vector<1x16xf32>,
      %swap3A_695 = vector.shape_cast %swap3A_694 : vector<1x16xf32> to vector<16xf32>
      %swap3A_696 = vector.shape_cast %add3A_690 : vector<16xf32> to vector<1x16xf32>
      tpu.vector_store %arg7[%swap3A_692, %swap3A_693], %swap3A_696 {strides = array<i32>} : memref<8x256xf32, #tpu.memory_space<vmem>>, vector<1x16xf32>,
      %get3A_697 = arith.constant 2 : i32
      %get3A_698 = arith.index_cast %get3A_697 : i32 to index
      %get3A_699 = arith.constant 128 : index
      %get3A_700 = tpu.vector_load %arg5[%get3A_698, %get3A_699] {strides = array<i32>} : memref<8x256xf32, #tpu.memory_space<vmem>>, vector<1x16xf32>,
      %get3A_701 = vector.shape_cast %get3A_700 : vector<1x16xf32> to vector<16xf32>
      %get3A_702 = arith.constant 2 : i32
      %get3A_703 = arith.index_cast %get3A_702 : i32 to index
      %get3A_704 = arith.constant 128 : index
      %get3A_705 = tpu.vector_load %arg6[%get3A_703, %get3A_704] {strides = array<i32>} : memref<8x256xf32, #tpu.memory_space<vmem>>, vector<1x16xf32>,
      %get3A_706 = vector.shape_cast %get3A_705 : vector<1x16xf32> to vector<16xf32>
      %add3A_707 = arith.addf %get3A_701, %get3A_706 : vector<16xf32>
      %swap3A_708 = arith.constant 2 : i32
      %swap3A_709 = arith.index_cast %swap3A_708 : i32 to index
      %swap3A_710 = arith.constant 128 : index
      %swap3A_711 = tpu.vector_load %arg7[%swap3A_709, %swap3A_710] {strides = array<i32>} : memref<8x256xf32, #tpu.memory_space<vmem>>, vector<1x16xf32>,
      %swap3A_712 = vector.shape_cast %swap3A_711 : vector<1x16xf32> to vector<16xf32>
      %swap3A_713 = vector.shape_cast %add3A_707 : vector<16xf32> to vector<1x16xf32>
      tpu.vector_store %arg7[%swap3A_709, %swap3A_710], %swap3A_713 {strides = array<i32>} : memref<8x256xf32, #tpu.memory_space<vmem>>, vector<1x16xf32>,
      %get3A_714 = arith.constant 2 : i32
      %get3A_715 = arith.index_cast %get3A_714 : i32 to index
      %get3A_716 = arith.constant 144 : index
      %get3A_717 = tpu.vector_load %arg5[%get3A_715, %get3A_716] {strides = array<i32>} : memref<8x256xf32, #tpu.memory_space<vmem>>, vector<1x16xf32>,
      %get3A_718 = vector.shape_cast %get3A_717 : vector<1x16xf32> to vector<16xf32>
      %get3A_719 = arith.constant 2 : i32
      %get3A_720 = arith.index_cast %get3A_719 : i32 to index
      %get3A_721 = arith.constant 144 : index
      %get3A_722 = tpu.vector_load %arg6[%get3A_720, %get3A_721] {strides = array<i32>} : memref<8x256xf32, #tpu.memory_space<vmem>>, vector<1x16xf32>,
      %get3A_723 = vector.shape_cast %get3A_722 : vector<1x16xf32> to vector<16xf32>
      %add3A_724 = arith.addf %get3A_718, %get3A_723 : vector<16xf32>
      %swap3A_725 = arith.constant 2 : i32
      %swap3A_726 = arith.index_cast %swap3A_725 : i32 to index
      %swap3A_727 = arith.constant 144 : index
      %swap3A_728 = tpu.vector_load %arg7[%swap3A_726, %swap3A_727] {strides = array<i32>} : memref<8x256xf32, #tpu.memory_space<vmem>>, vector<1x16xf32>,
      %swap3A_729 = vector.shape_cast %swap3A_728 : vector<1x16xf32> to vector<16xf32>
      %swap3A_730 = vector.shape_cast %add3A_724 : vector<16xf32> to vector<1x16xf32>
      tpu.vector_store %arg7[%swap3A_726, %swap3A_727], %swap3A_730 {strides = array<i32>} : memref<8x256xf32, #tpu.memory_space<vmem>>, vector<1x16xf32>,
      %get3A_731 = arith.constant 2 : i32
      %get3A_732 = arith.index_cast %get3A_731 : i32 to index
      %get3A_733 = arith.constant 160 : index
      %get3A_734 = tpu.vector_load %arg5[%get3A_732, %get3A_733] {strides = array<i32>} : memref<8x256xf32, #tpu.memory_space<vmem>>, vector<1x16xf32>,
      %get3A_735 = vector.shape_cast %get3A_734 : vector<1x16xf32> to vector<16xf32>
      %get3A_736 = arith.constant 2 : i32
      %get3A_737 = arith.index_cast %get3A_736 : i32 to index
      %get3A_738 = arith.constant 160 : index
      %get3A_739 = tpu.vector_load %arg6[%get3A_737, %get3A_738] {strides = array<i32>} : memref<8x256xf32, #tpu.memory_space<vmem>>, vector<1x16xf32>,
      %get3A_740 = vector.shape_cast %get3A_739 : vector<1x16xf32> to vector<16xf32>
      %add3A_741 = arith.addf %get3A_735, %get3A_740 : vector<16xf32>
      %swap3A_742 = arith.constant 2 : i32
      %swap3A_743 = arith.index_cast %swap3A_742 : i32 to index
      %swap3A_744 = arith.constant 160 : index
      %swap3A_745 = tpu.vector_load %arg7[%swap3A_743, %swap3A_744] {strides = array<i32>} : memref<8x256xf32, #tpu.memory_space<vmem>>, vector<1x16xf32>,
      %swap3A_746 = vector.shape_cast %swap3A_745 : vector<1x16xf32> to vector<16xf32>
      %swap3A_747 = vector.shape_cast %add3A_741 : vector<16xf32> to vector<1x16xf32>
      tpu.vector_store %arg7[%swap3A_743, %swap3A_744], %swap3A_747 {strides = array<i32>} : memref<8x256xf32, #tpu.memory_space<vmem>>, vector<1x16xf32>,
      %get3A_748 = arith.constant 2 : i32
      %get3A_749 = arith.index_cast %get3A_748 : i32 to index
      %get3A_750 = arith.constant 176 : index
      %get3A_751 = tpu.vector_load %arg5[%get3A_749, %get3A_750] {strides = array<i32>} : memref<8x256xf32, #tpu.memory_space<vmem>>, vector<1x16xf32>,
      %get3A_752 = vector.shape_cast %get3A_751 : vector<1x16xf32> to vector<16xf32>
      %get3A_753 = arith.constant 2 : i32
      %get3A_754 = arith.index_cast %get3A_753 : i32 to index
      %get3A_755 = arith.constant 176 : index
      %get3A_756 = tpu.vector_load %arg6[%get3A_754, %get3A_755] {strides = array<i32>} : memref<8x256xf32, #tpu.memory_space<vmem>>, vector<1x16xf32>,
      %get3A_757 = vector.shape_cast %get3A_756 : vector<1x16xf32> to vector<16xf32>
      %add3A_758 = arith.addf %get3A_752, %get3A_757 : vector<16xf32>
      %swap3A_759 = arith.constant 2 : i32
      %swap3A_760 = arith.index_cast %swap3A_759 : i32 to index
      %swap3A_761 = arith.constant 176 : index
      %swap3A_762 = tpu.vector_load %arg7[%swap3A_760, %swap3A_761] {strides = array<i32>} : memref<8x256xf32, #tpu.memory_space<vmem>>, vector<1x16xf32>,
      %swap3A_763 = vector.shape_cast %swap3A_762 : vector<1x16xf32> to vector<16xf32>
      %swap3A_764 = vector.shape_cast %add3A_758 : vector<16xf32> to vector<1x16xf32>
      tpu.vector_store %arg7[%swap3A_760, %swap3A_761], %swap3A_764 {strides = array<i32>} : memref<8x256xf32, #tpu.memory_space<vmem>>, vector<1x16xf32>,
      %get3A_765 = arith.constant 2 : i32
      %get3A_766 = arith.index_cast %get3A_765 : i32 to index
      %get3A_767 = arith.constant 192 : index
      %get3A_768 = tpu.vector_load %arg5[%get3A_766, %get3A_767] {strides = array<i32>} : memref<8x256xf32, #tpu.memory_space<vmem>>, vector<1x16xf32>,
      %get3A_769 = vector.shape_cast %get3A_768 : vector<1x16xf32> to vector<16xf32>
      %get3A_770 = arith.constant 2 : i32
      %get3A_771 = arith.index_cast %get3A_770 : i32 to index
      %get3A_772 = arith.constant 192 : index
      %get3A_773 = tpu.vector_load %arg6[%get3A_771, %get3A_772] {strides = array<i32>} : memref<8x256xf32, #tpu.memory_space<vmem>>, vector<1x16xf32>,
      %get3A_774 = vector.shape_cast %get3A_773 : vector<1x16xf32> to vector<16xf32>
      %add3A_775 = arith.addf %get3A_769, %get3A_774 : vector<16xf32>
      %swap3A_776 = arith.constant 2 : i32
      %swap3A_777 = arith.index_cast %swap3A_776 : i32 to index
      %swap3A_778 = arith.constant 192 : index
      %swap3A_779 = tpu.vector_load %arg7[%swap3A_777, %swap3A_778] {strides = array<i32>} : memref<8x256xf32, #tpu.memory_space<vmem>>, vector<1x16xf32>,
      %swap3A_780 = vector.shape_cast %swap3A_779 : vector<1x16xf32> to vector<16xf32>
      %swap3A_781 = vector.shape_cast %add3A_775 : vector<16xf32> to vector<1x16xf32>
      tpu.vector_store %arg7[%swap3A_777, %swap3A_778], %swap3A_781 {strides = array<i32>} : memref<8x256xf32, #tpu.memory_space<vmem>>, vector<1x16xf32>,
      %get3A_782 = arith.constant 2 : i32
      %get3A_783 = arith.index_cast %get3A_782 : i32 to index
      %get3A_784 = arith.constant 208 : index
      %get3A_785 = tpu.vector_load %arg5[%get3A_783, %get3A_784] {strides = array<i32>} : memref<8x256xf32, #tpu.memory_space<vmem>>, vector<1x16xf32>,
      %get3A_786 = vector.shape_cast %get3A_785 : vector<1x16xf32> to vector<16xf32>
      %get3A_787 = arith.constant 2 : i32
      %get3A_788 = arith.index_cast %get3A_787 : i32 to index
      %get3A_789 = arith.constant 208 : index
      %get3A_790 = tpu.vector_load %arg6[%get3A_788, %get3A_789] {strides = array<i32>} : memref<8x256xf32, #tpu.memory_space<vmem>>, vector<1x16xf32>,
      %get3A_791 = vector.shape_cast %get3A_790 : vector<1x16xf32> to vector<16xf32>
      %add3A_792 = arith.addf %get3A_786, %get3A_791 : vector<16xf32>
      %swap3A_793 = arith.constant 2 : i32
      %swap3A_794 = arith.index_cast %swap3A_793 : i32 to index
      %swap3A_795 = arith.constant 208 : index
      %swap3A_796 = tpu.vector_load %arg7[%swap3A_794, %swap3A_795] {strides = array<i32>} : memref<8x256xf32, #tpu.memory_space<vmem>>, vector<1x16xf32>,
      %swap3A_797 = vector.shape_cast %swap3A_796 : vector<1x16xf32> to vector<16xf32>
      %swap3A_798 = vector.shape_cast %add3A_792 : vector<16xf32> to vector<1x16xf32>
      tpu.vector_store %arg7[%swap3A_794, %swap3A_795], %swap3A_798 {strides = array<i32>} : memref<8x256xf32, #tpu.memory_space<vmem>>, vector<1x16xf32>,
      %get3A_799 = arith.constant 2 : i32
      %get3A_800 = arith.index_cast %get3A_799 : i32 to index
      %get3A_801 = arith.constant 224 : index
      %get3A_802 = tpu.vector_load %arg5[%get3A_800, %get3A_801] {strides = array<i32>} : memref<8x256xf32, #tpu.memory_space<vmem>>, vector<1x16xf32>,
      %get3A_803 = vector.shape_cast %get3A_802 : vector<1x16xf32> to vector<16xf32>
      %get3A_804 = arith.constant 2 : i32
      %get3A_805 = arith.index_cast %get3A_804 : i32 to index
      %get3A_806 = arith.constant 224 : index
      %get3A_807 = tpu.vector_load %arg6[%get3A_805, %get3A_806] {strides = array<i32>} : memref<8x256xf32, #tpu.memory_space<vmem>>, vector<1x16xf32>,
      %get3A_808 = vector.shape_cast %get3A_807 : vector<1x16xf32> to vector<16xf32>
      %add3A_809 = arith.addf %get3A_803, %get3A_808 : vector<16xf32>
      %swap3A_810 = arith.constant 2 : i32
      %swap3A_811 = arith.index_cast %swap3A_810 : i32 to index
      %swap3A_812 = arith.constant 224 : index
      %swap3A_813 = tpu.vector_load %arg7[%swap3A_811, %swap3A_812] {strides = array<i32>} : memref<8x256xf32, #tpu.memory_space<vmem>>, vector<1x16xf32>,
      %swap3A_814 = vector.shape_cast %swap3A_813 : vector<1x16xf32> to vector<16xf32>
      %swap3A_815 = vector.shape_cast %add3A_809 : vector<16xf32> to vector<1x16xf32>
      tpu.vector_store %arg7[%swap3A_811, %swap3A_812], %swap3A_815 {strides = array<i32>} : memref<8x256xf32, #tpu.memory_space<vmem>>, vector<1x16xf32>,
      %get3A_816 = arith.constant 2 : i32
      %get3A_817 = arith.index_cast %get3A_816 : i32 to index
      %get3A_818 = arith.constant 240 : index
      %get3A_819 = tpu.vector_load %arg5[%get3A_817, %get3A_818] {strides = array<i32>} : memref<8x256xf32, #tpu.memory_space<vmem>>, vector<1x16xf32>,
      %get3A_820 = vector.shape_cast %get3A_819 : vector<1x16xf32> to vector<16xf32>
      %get3A_821 = arith.constant 2 : i32
      %get3A_822 = arith.index_cast %get3A_821 : i32 to index
      %get3A_823 = arith.constant 240 : index
      %get3A_824 = tpu.vector_load %arg6[%get3A_822, %get3A_823] {strides = array<i32>} : memref<8x256xf32, #tpu.memory_space<vmem>>, vector<1x16xf32>,
      %get3A_825 = vector.shape_cast %get3A_824 : vector<1x16xf32> to vector<16xf32>
      %add3A_826 = arith.addf %get3A_820, %get3A_825 : vector<16xf32>
      %swap3A_827 = arith.constant 2 : i32
      %swap3A_828 = arith.index_cast %swap3A_827 : i32 to index
      %swap3A_829 = arith.constant 240 : index
      %swap3A_830 = tpu.vector_load %arg7[%swap3A_828, %swap3A_829] {strides = array<i32>} : memref<8x256xf32, #tpu.memory_space<vmem>>, vector<1x16xf32>,
      %swap3A_831 = vector.shape_cast %swap3A_830 : vector<1x16xf32> to vector<16xf32>
      %swap3A_832 = vector.shape_cast %add3A_826 : vector<16xf32> to vector<1x16xf32>
      tpu.vector_store %arg7[%swap3A_828, %swap3A_829], %swap3A_832 {strides = array<i32>} : memref<8x256xf32, #tpu.memory_space<vmem>>, vector<1x16xf32>,
      %get3A_833 = arith.constant 3 : i32
      %get3A_834 = arith.index_cast %get3A_833 : i32 to index
      %get3A_835 = arith.constant 0 : index
      %get3A_836 = tpu.vector_load %arg5[%get3A_834, %get3A_835] {strides = array<i32>} : memref<8x256xf32, #tpu.memory_space<vmem>>, vector<1x16xf32>,
      %get3A_837 = vector.shape_cast %get3A_836 : vector<1x16xf32> to vector<16xf32>
      %get3A_838 = arith.constant 3 : i32
      %get3A_839 = arith.index_cast %get3A_838 : i32 to index
      %get3A_840 = arith.constant 0 : index
      %get3A_841 = tpu.vector_load %arg6[%get3A_839, %get3A_840] {strides = array<i32>} : memref<8x256xf32, #tpu.memory_space<vmem>>, vector<1x16xf32>,
      %get3A_842 = vector.shape_cast %get3A_841 : vector<1x16xf32> to vector<16xf32>
      %add3A_843 = arith.addf %get3A_837, %get3A_842 : vector<16xf32>
      %swap3A_844 = arith.constant 3 : i32
      %swap3A_845 = arith.index_cast %swap3A_844 : i32 to index
      %swap3A_846 = arith.constant 0 : index
      %swap3A_847 = tpu.vector_load %arg7[%swap3A_845, %swap3A_846] {strides = array<i32>} : memref<8x256xf32, #tpu.memory_space<vmem>>, vector<1x16xf32>,
      %swap3A_848 = vector.shape_cast %swap3A_847 : vector<1x16xf32> to vector<16xf32>
      %swap3A_849 = vector.shape_cast %add3A_843 : vector<16xf32> to vector<1x16xf32>
      tpu.vector_store %arg7[%swap3A_845, %swap3A_846], %swap3A_849 {strides = array<i32>} : memref<8x256xf32, #tpu.memory_space<vmem>>, vector<1x16xf32>,
      %get3A_850 = arith.constant 3 : i32
      %get3A_851 = arith.index_cast %get3A_850 : i32 to index
      %get3A_852 = arith.constant 16 : index
      %get3A_853 = tpu.vector_load %arg5[%get3A_851, %get3A_852] {strides = array<i32>} : memref<8x256xf32, #tpu.memory_space<vmem>>, vector<1x16xf32>,
      %get3A_854 = vector.shape_cast %get3A_853 : vector<1x16xf32> to vector<16xf32>
      %get3A_855 = arith.constant 3 : i32
      %get3A_856 = arith.index_cast %get3A_855 : i32 to index
      %get3A_857 = arith.constant 16 : index
      %get3A_858 = tpu.vector_load %arg6[%get3A_856, %get3A_857] {strides = array<i32>} : memref<8x256xf32, #tpu.memory_space<vmem>>, vector<1x16xf32>,
      %get3A_859 = vector.shape_cast %get3A_858 : vector<1x16xf32> to vector<16xf32>
      %add3A_860 = arith.addf %get3A_854, %get3A_859 : vector<16xf32>
      %swap3A_861 = arith.constant 3 : i32
      %swap3A_862 = arith.index_cast %swap3A_861 : i32 to index
      %swap3A_863 = arith.constant 16 : index
      %swap3A_864 = tpu.vector_load %arg7[%swap3A_862, %swap3A_863] {strides = array<i32>} : memref<8x256xf32, #tpu.memory_space<vmem>>, vector<1x16xf32>,
      %swap3A_865 = vector.shape_cast %swap3A_864 : vector<1x16xf32> to vector<16xf32>
      %swap3A_866 = vector.shape_cast %add3A_860 : vector<16xf32> to vector<1x16xf32>
      tpu.vector_store %arg7[%swap3A_862, %swap3A_863], %swap3A_866 {strides = array<i32>} : memref<8x256xf32, #tpu.memory_space<vmem>>, vector<1x16xf32>,
      %get3A_867 = arith.constant 3 : i32
      %get3A_868 = arith.index_cast %get3A_867 : i32 to index
      %get3A_869 = arith.constant 32 : index
      %get3A_870 = tpu.vector_load %arg5[%get3A_868, %get3A_869] {strides = array<i32>} : memref<8x256xf32, #tpu.memory_space<vmem>>, vector<1x16xf32>,
      %get3A_871 = vector.shape_cast %get3A_870 : vector<1x16xf32> to vector<16xf32>
      %get3A_872 = arith.constant 3 : i32
      %get3A_873 = arith.index_cast %get3A_872 : i32 to index
      %get3A_874 = arith.constant 32 : index
      %get3A_875 = tpu.vector_load %arg6[%get3A_873, %get3A_874] {strides = array<i32>} : memref<8x256xf32, #tpu.memory_space<vmem>>, vector<1x16xf32>,
      %get3A_876 = vector.shape_cast %get3A_875 : vector<1x16xf32> to vector<16xf32>
      %add3A_877 = arith.addf %get3A_871, %get3A_876 : vector<16xf32>
      %swap3A_878 = arith.constant 3 : i32
      %swap3A_879 = arith.index_cast %swap3A_878 : i32 to index
      %swap3A_880 = arith.constant 32 : index
      %swap3A_881 = tpu.vector_load %arg7[%swap3A_879, %swap3A_880] {strides = array<i32>} : memref<8x256xf32, #tpu.memory_space<vmem>>, vector<1x16xf32>,
      %swap3A_882 = vector.shape_cast %swap3A_881 : vector<1x16xf32> to vector<16xf32>
      %swap3A_883 = vector.shape_cast %add3A_877 : vector<16xf32> to vector<1x16xf32>
      tpu.vector_store %arg7[%swap3A_879, %swap3A_880], %swap3A_883 {strides = array<i32>} : memref<8x256xf32, #tpu.memory_space<vmem>>, vector<1x16xf32>,
      %get3A_884 = arith.constant 3 : i32
      %get3A_885 = arith.index_cast %get3A_884 : i32 to index
      %get3A_886 = arith.constant 48 : index
      %get3A_887 = tpu.vector_load %arg5[%get3A_885, %get3A_886] {strides = array<i32>} : memref<8x256xf32, #tpu.memory_space<vmem>>, vector<1x16xf32>,
      %get3A_888 = vector.shape_cast %get3A_887 : vector<1x16xf32> to vector<16xf32>
      %get3A_889 = arith.constant 3 : i32
      %get3A_890 = arith.index_cast %get3A_889 : i32 to index
      %get3A_891 = arith.constant 48 : index
      %get3A_892 = tpu.vector_load %arg6[%get3A_890, %get3A_891] {strides = array<i32>} : memref<8x256xf32, #tpu.memory_space<vmem>>, vector<1x16xf32>,
      %get3A_893 = vector.shape_cast %get3A_892 : vector<1x16xf32> to vector<16xf32>
      %add3A_894 = arith.addf %get3A_888, %get3A_893 : vector<16xf32>
      %swap3A_895 = arith.constant 3 : i32
      %swap3A_896 = arith.index_cast %swap3A_895 : i32 to index
      %swap3A_897 = arith.constant 48 : index
      %swap3A_898 = tpu.vector_load %arg7[%swap3A_896, %swap3A_897] {strides = array<i32>} : memref<8x256xf32, #tpu.memory_space<vmem>>, vector<1x16xf32>,
      %swap3A_899 = vector.shape_cast %swap3A_898 : vector<1x16xf32> to vector<16xf32>
      %swap3A_900 = vector.shape_cast %add3A_894 : vector<16xf32> to vector<1x16xf32>
      tpu.vector_store %arg7[%swap3A_896, %swap3A_897], %swap3A_900 {strides = array<i32>} : memref<8x256xf32, #tpu.memory_space<vmem>>, vector<1x16xf32>,
      %get3A_901 = arith.constant 3 : i32
      %get3A_902 = arith.index_cast %get3A_901 : i32 to index
      %get3A_903 = arith.constant 64 : index
      %get3A_904 = tpu.vector_load %arg5[%get3A_902, %get3A_903] {strides = array<i32>} : memref<8x256xf32, #tpu.memory_space<vmem>>, vector<1x16xf32>,
      %get3A_905 = vector.shape_cast %get3A_904 : vector<1x16xf32> to vector<16xf32>
      %get3A_906 = arith.constant 3 : i32
      %get3A_907 = arith.index_cast %get3A_906 : i32 to index
      %get3A_908 = arith.constant 64 : index
      %get3A_909 = tpu.vector_load %arg6[%get3A_907, %get3A_908] {strides = array<i32>} : memref<8x256xf32, #tpu.memory_space<vmem>>, vector<1x16xf32>,
      %get3A_910 = vector.shape_cast %get3A_909 : vector<1x16xf32> to vector<16xf32>
      %add3A_911 = arith.addf %get3A_905, %get3A_910 : vector<16xf32>
      %swap3A_912 = arith.constant 3 : i32
      %swap3A_913 = arith.index_cast %swap3A_912 : i32 to index
      %swap3A_914 = arith.constant 64 : index
      %swap3A_915 = tpu.vector_load %arg7[%swap3A_913, %swap3A_914] {strides = array<i32>} : memref<8x256xf32, #tpu.memory_space<vmem>>, vector<1x16xf32>,
      %swap3A_916 = vector.shape_cast %swap3A_915 : vector<1x16xf32> to vector<16xf32>
      %swap3A_917 = vector.shape_cast %add3A_911 : vector<16xf32> to vector<1x16xf32>
      tpu.vector_store %arg7[%swap3A_913, %swap3A_914], %swap3A_917 {strides = array<i32>} : memref<8x256xf32, #tpu.memory_space<vmem>>, vector<1x16xf32>,
      %get3A_918 = arith.constant 3 : i32
      %get3A_919 = arith.index_cast %get3A_918 : i32 to index
      %get3A_920 = arith.constant 80 : index
      %get3A_921 = tpu.vector_load %arg5[%get3A_919, %get3A_920] {strides = array<i32>} : memref<8x256xf32, #tpu.memory_space<vmem>>, vector<1x16xf32>,
      %get3A_922 = vector.shape_cast %get3A_921 : vector<1x16xf32> to vector<16xf32>
      %get3A_923 = arith.constant 3 : i32
      %get3A_924 = arith.index_cast %get3A_923 : i32 to index
      %get3A_925 = arith.constant 80 : index
      %get3A_926 = tpu.vector_load %arg6[%get3A_924, %get3A_925] {strides = array<i32>} : memref<8x256xf32, #tpu.memory_space<vmem>>, vector<1x16xf32>,
      %get3A_927 = vector.shape_cast %get3A_926 : vector<1x16xf32> to vector<16xf32>
      %add3A_928 = arith.addf %get3A_922, %get3A_927 : vector<16xf32>
      %swap3A_929 = arith.constant 3 : i32
      %swap3A_930 = arith.index_cast %swap3A_929 : i32 to index
      %swap3A_931 = arith.constant 80 : index
      %swap3A_932 = tpu.vector_load %arg7[%swap3A_930, %swap3A_931] {strides = array<i32>} : memref<8x256xf32, #tpu.memory_space<vmem>>, vector<1x16xf32>,
      %swap3A_933 = vector.shape_cast %swap3A_932 : vector<1x16xf32> to vector<16xf32>
      %swap3A_934 = vector.shape_cast %add3A_928 : vector<16xf32> to vector<1x16xf32>
      tpu.vector_store %arg7[%swap3A_930, %swap3A_931], %swap3A_934 {strides = array<i32>} : memref<8x256xf32, #tpu.memory_space<vmem>>, vector<1x16xf32>,
      %get3A_935 = arith.constant 3 : i32
      %get3A_936 = arith.index_cast %get3A_935 : i32 to index
      %get3A_937 = arith.constant 96 : index
      %get3A_938 = tpu.vector_load %arg5[%get3A_936, %get3A_937] {strides = array<i32>} : memref<8x256xf32, #tpu.memory_space<vmem>>, vector<1x16xf32>,
      %get3A_939 = vector.shape_cast %get3A_938 : vector<1x16xf32> to vector<16xf32>
      %get3A_940 = arith.constant 3 : i32
      %get3A_941 = arith.index_cast %get3A_940 : i32 to index
      %get3A_942 = arith.constant 96 : index
      %get3A_943 = tpu.vector_load %arg6[%get3A_941, %get3A_942] {strides = array<i32>} : memref<8x256xf32, #tpu.memory_space<vmem>>, vector<1x16xf32>,
      %get3A_944 = vector.shape_cast %get3A_943 : vector<1x16xf32> to vector<16xf32>
      %add3A_945 = arith.addf %get3A_939, %get3A_944 : vector<16xf32>
      %swap3A_946 = arith.constant 3 : i32
      %swap3A_947 = arith.index_cast %swap3A_946 : i32 to index
      %swap3A_948 = arith.constant 96 : index
      %swap3A_949 = tpu.vector_load %arg7[%swap3A_947, %swap3A_948] {strides = array<i32>} : memref<8x256xf32, #tpu.memory_space<vmem>>, vector<1x16xf32>,
      %swap3A_950 = vector.shape_cast %swap3A_949 : vector<1x16xf32> to vector<16xf32>
      %swap3A_951 = vector.shape_cast %add3A_945 : vector<16xf32> to vector<1x16xf32>
      tpu.vector_store %arg7[%swap3A_947, %swap3A_948], %swap3A_951 {strides = array<i32>} : memref<8x256xf32, #tpu.memory_space<vmem>>, vector<1x16xf32>,
      %get3A_952 = arith.constant 3 : i32
      %get3A_953 = arith.index_cast %get3A_952 : i32 to index
      %get3A_954 = arith.constant 112 : index
      %get3A_955 = tpu.vector_load %arg5[%get3A_953, %get3A_954] {strides = array<i32>} : memref<8x256xf32, #tpu.memory_space<vmem>>, vector<1x16xf32>,
      %get3A_956 = vector.shape_cast %get3A_955 : vector<1x16xf32> to vector<16xf32>
      %get3A_957 = arith.constant 3 : i32
      %get3A_958 = arith.index_cast %get3A_957 : i32 to index
      %get3A_959 = arith.constant 112 : index
      %get3A_960 = tpu.vector_load %arg6[%get3A_958, %get3A_959] {strides = array<i32>} : memref<8x256xf32, #tpu.memory_space<vmem>>, vector<1x16xf32>,
      %get3A_961 = vector.shape_cast %get3A_960 : vector<1x16xf32> to vector<16xf32>
      %add3A_962 = arith.addf %get3A_956, %get3A_961 : vector<16xf32>
      %swap3A_963 = arith.constant 3 : i32
      %swap3A_964 = arith.index_cast %swap3A_963 : i32 to index
      %swap3A_965 = arith.constant 112 : index
      %swap3A_966 = tpu.vector_load %arg7[%swap3A_964, %swap3A_965] {strides = array<i32>} : memref<8x256xf32, #tpu.memory_space<vmem>>, vector<1x16xf32>,
      %swap3A_967 = vector.shape_cast %swap3A_966 : vector<1x16xf32> to vector<16xf32>
      %swap3A_968 = vector.shape_cast %add3A_962 : vector<16xf32> to vector<1x16xf32>
      tpu.vector_store %arg7[%swap3A_964, %swap3A_965], %swap3A_968 {strides = array<i32>} : memref<8x256xf32, #tpu.memory_space<vmem>>, vector<1x16xf32>,
      %get3A_969 = arith.constant 3 : i32
      %get3A_970 = arith.index_cast %get3A_969 : i32 to index
      %get3A_971 = arith.constant 128 : index
      %get3A_972 = tpu.vector_load %arg5[%get3A_970, %get3A_971] {strides = array<i32>} : memref<8x256xf32, #tpu.memory_space<vmem>>, vector<1x16xf32>,
      %get3A_973 = vector.shape_cast %get3A_972 : vector<1x16xf32> to vector<16xf32>
      %get3A_974 = arith.constant 3 : i32
      %get3A_975 = arith.index_cast %get3A_974 : i32 to index
      %get3A_976 = arith.constant 128 : index
      %get3A_977 = tpu.vector_load %arg6[%get3A_975, %get3A_976] {strides = array<i32>} : memref<8x256xf32, #tpu.memory_space<vmem>>, vector<1x16xf32>,
      %get3A_978 = vector.shape_cast %get3A_977 : vector<1x16xf32> to vector<16xf32>
      %add3A_979 = arith.addf %get3A_973, %get3A_978 : vector<16xf32>
      %swap3A_980 = arith.constant 3 : i32
      %swap3A_981 = arith.index_cast %swap3A_980 : i32 to index
      %swap3A_982 = arith.constant 128 : index
      %swap3A_983 = tpu.vector_load %arg7[%swap3A_981, %swap3A_982] {strides = array<i32>} : memref<8x256xf32, #tpu.memory_space<vmem>>, vector<1x16xf32>,
      %swap3A_984 = vector.shape_cast %swap3A_983 : vector<1x16xf32> to vector<16xf32>
      %swap3A_985 = vector.shape_cast %add3A_979 : vector<16xf32> to vector<1x16xf32>
      tpu.vector_store %arg7[%swap3A_981, %swap3A_982], %swap3A_985 {strides = array<i32>} : memref<8x256xf32, #tpu.memory_space<vmem>>, vector<1x16xf32>,
      %get3A_986 = arith.constant 3 : i32
      %get3A_987 = arith.index_cast %get3A_986 : i32 to index
      %get3A_988 = arith.constant 144 : index
      %get3A_989 = tpu.vector_load %arg5[%get3A_987, %get3A_988] {strides = array<i32>} : memref<8x256xf32, #tpu.memory_space<vmem>>, vector<1x16xf32>,
      %get3A_990 = vector.shape_cast %get3A_989 : vector<1x16xf32> to vector<16xf32>
      %get3A_991 = arith.constant 3 : i32
      %get3A_992 = arith.index_cast %get3A_991 : i32 to index
      %get3A_993 = arith.constant 144 : index
      %get3A_994 = tpu.vector_load %arg6[%get3A_992, %get3A_993] {strides = array<i32>} : memref<8x256xf32, #tpu.memory_space<vmem>>, vector<1x16xf32>,
      %get3A_995 = vector.shape_cast %get3A_994 : vector<1x16xf32> to vector<16xf32>
      %add3A_996 = arith.addf %get3A_990, %get3A_995 : vector<16xf32>
      %swap3A_997 = arith.constant 3 : i32
      %swap3A_998 = arith.index_cast %swap3A_997 : i32 to index
      %swap3A_999 = arith.constant 144 : index
      %swap3A_1000 = tpu.vector_load %arg7[%swap3A_998, %swap3A_999] {strides = array<i32>} : memref<8x256xf32, #tpu.memory_space<vmem>>, vector<1x16xf32>,
      %swap3A_1001 = vector.shape_cast %swap3A_1000 : vector<1x16xf32> to vector<16xf32>
      %swap3A_1002 = vector.shape_cast %add3A_996 : vector<16xf32> to vector<1x16xf32>
      tpu.vector_store %arg7[%swap3A_998, %swap3A_999], %swap3A_1002 {strides = array<i32>} : memref<8x256xf32, #tpu.memory_space<vmem>>, vector<1x16xf32>,
      %get3A_1003 = arith.constant 3 : i32
      %get3A_1004 = arith.index_cast %get3A_1003 : i32 to index
      %get3A_1005 = arith.constant 160 : index
      %get3A_1006 = tpu.vector_load %arg5[%get3A_1004, %get3A_1005] {strides = array<i32>} : memref<8x256xf32, #tpu.memory_space<vmem>>, vector<1x16xf32>,
      %get3A_1007 = vector.shape_cast %get3A_1006 : vector<1x16xf32> to vector<16xf32>
      %get3A_1008 = arith.constant 3 : i32
      %get3A_1009 = arith.index_cast %get3A_1008 : i32 to index
      %get3A_1010 = arith.constant 160 : index
      %get3A_1011 = tpu.vector_load %arg6[%get3A_1009, %get3A_1010] {strides = array<i32>} : memref<8x256xf32, #tpu.memory_space<vmem>>, vector<1x16xf32>,
      %get3A_1012 = vector.shape_cast %get3A_1011 : vector<1x16xf32> to vector<16xf32>
      %add3A_1013 = arith.addf %get3A_1007, %get3A_1012 : vector<16xf32>
      %swap3A_1014 = arith.constant 3 : i32
      %swap3A_1015 = arith.index_cast %swap3A_1014 : i32 to index
      %swap3A_1016 = arith.constant 160 : index
      %swap3A_1017 = tpu.vector_load %arg7[%swap3A_1015, %swap3A_1016] {strides = array<i32>} : memref<8x256xf32, #tpu.memory_space<vmem>>, vector<1x16xf32>,
      %swap3A_1018 = vector.shape_cast %swap3A_1017 : vector<1x16xf32> to vector<16xf32>
      %swap3A_1019 = vector.shape_cast %add3A_1013 : vector<16xf32> to vector<1x16xf32>
      tpu.vector_store %arg7[%swap3A_1015, %swap3A_1016], %swap3A_1019 {strides = array<i32>} : memref<8x256xf32, #tpu.memory_space<vmem>>, vector<1x16xf32>,
      %get3A_1020 = arith.constant 3 : i32
      %get3A_1021 = arith.index_cast %get3A_1020 : i32 to index
      %get3A_1022 = arith.constant 176 : index
      %get3A_1023 = tpu.vector_load %arg5[%get3A_1021, %get3A_1022] {strides = array<i32>} : memref<8x256xf32, #tpu.memory_space<vmem>>, vector<1x16xf32>,
      %get3A_1024 = vector.shape_cast %get3A_1023 : vector<1x16xf32> to vector<16xf32>
      %get3A_1025 = arith.constant 3 : i32
      %get3A_1026 = arith.index_cast %get3A_1025 : i32 to index
      %get3A_1027 = arith.constant 176 : index
      %get3A_1028 = tpu.vector_load %arg6[%get3A_1026, %get3A_1027] {strides = array<i32>} : memref<8x256xf32, #tpu.memory_space<vmem>>, vector<1x16xf32>,
      %get3A_1029 = vector.shape_cast %get3A_1028 : vector<1x16xf32> to vector<16xf32>
      %add3A_1030 = arith.addf %get3A_1024, %get3A_1029 : vector<16xf32>
      %swap3A_1031 = arith.constant 3 : i32
      %swap3A_1032 = arith.index_cast %swap3A_1031 : i32 to index
      %swap3A_1033 = arith.constant 176 : index
      %swap3A_1034 = tpu.vector_load %arg7[%swap3A_1032, %swap3A_1033] {strides = array<i32>} : memref<8x256xf32, #tpu.memory_space<vmem>>, vector<1x16xf32>,
      %swap3A_1035 = vector.shape_cast %swap3A_1034 : vector<1x16xf32> to vector<16xf32>
      %swap3A_1036 = vector.shape_cast %add3A_1030 : vector<16xf32> to vector<1x16xf32>
      tpu.vector_store %arg7[%swap3A_1032, %swap3A_1033], %swap3A_1036 {strides = array<i32>} : memref<8x256xf32, #tpu.memory_space<vmem>>, vector<1x16xf32>,
      %get3A_1037 = arith.constant 3 : i32
      %get3A_1038 = arith.index_cast %get3A_1037 : i32 to index
      %get3A_1039 = arith.constant 192 : index
      %get3A_1040 = tpu.vector_load %arg5[%get3A_1038, %get3A_1039] {strides = array<i32>} : memref<8x256xf32, #tpu.memory_space<vmem>>, vector<1x16xf32>,
      %get3A_1041 = vector.shape_cast %get3A_1040 : vector<1x16xf32> to vector<16xf32>
      %get3A_1042 = arith.constant 3 : i32
      %get3A_1043 = arith.index_cast %get3A_1042 : i32 to index
      %get3A_1044 = arith.constant 192 : index
      %get3A_1045 = tpu.vector_load %arg6[%get3A_1043, %get3A_1044] {strides = array<i32>} : memref<8x256xf32, #tpu.memory_space<vmem>>, vector<1x16xf32>,
      %get3A_1046 = vector.shape_cast %get3A_1045 : vector<1x16xf32> to vector<16xf32>
      %add3A_1047 = arith.addf %get3A_1041, %get3A_1046 : vector<16xf32>
      %swap3A_1048 = arith.constant 3 : i32
      %swap3A_1049 = arith.index_cast %swap3A_1048 : i32 to index
      %swap3A_1050 = arith.constant 192 : index
      %swap3A_1051 = tpu.vector_load %arg7[%swap3A_1049, %swap3A_1050] {strides = array<i32>} : memref<8x256xf32, #tpu.memory_space<vmem>>, vector<1x16xf32>,
      %swap3A_1052 = vector.shape_cast %swap3A_1051 : vector<1x16xf32> to vector<16xf32>
      %swap3A_1053 = vector.shape_cast %add3A_1047 : vector<16xf32> to vector<1x16xf32>
      tpu.vector_store %arg7[%swap3A_1049, %swap3A_1050], %swap3A_1053 {strides = array<i32>} : memref<8x256xf32, #tpu.memory_space<vmem>>, vector<1x16xf32>,
      %get3A_1054 = arith.constant 3 : i32
      %get3A_1055 = arith.index_cast %get3A_1054 : i32 to index
      %get3A_1056 = arith.constant 208 : index
      %get3A_1057 = tpu.vector_load %arg5[%get3A_1055, %get3A_1056] {strides = array<i32>} : memref<8x256xf32, #tpu.memory_space<vmem>>, vector<1x16xf32>,
      %get3A_1058 = vector.shape_cast %get3A_1057 : vector<1x16xf32> to vector<16xf32>
      %get3A_1059 = arith.constant 3 : i32
      %get3A_1060 = arith.index_cast %get3A_1059 : i32 to index
      %get3A_1061 = arith.constant 208 : index
      %get3A_1062 = tpu.vector_load %arg6[%get3A_1060, %get3A_1061] {strides = array<i32>} : memref<8x256xf32, #tpu.memory_space<vmem>>, vector<1x16xf32>,
      %get3A_1063 = vector.shape_cast %get3A_1062 : vector<1x16xf32> to vector<16xf32>
      %add3A_1064 = arith.addf %get3A_1058, %get3A_1063 : vector<16xf32>
      %swap3A_1065 = arith.constant 3 : i32
      %swap3A_1066 = arith.index_cast %swap3A_1065 : i32 to index
      %swap3A_1067 = arith.constant 208 : index
      %swap3A_1068 = tpu.vector_load %arg7[%swap3A_1066, %swap3A_1067] {strides = array<i32>} : memref<8x256xf32, #tpu.memory_space<vmem>>, vector<1x16xf32>,
      %swap3A_1069 = vector.shape_cast %swap3A_1068 : vector<1x16xf32> to vector<16xf32>
      %swap3A_1070 = vector.shape_cast %add3A_1064 : vector<16xf32> to vector<1x16xf32>
      tpu.vector_store %arg7[%swap3A_1066, %swap3A_1067], %swap3A_1070 {strides = array<i32>} : memref<8x256xf32, #tpu.memory_space<vmem>>, vector<1x16xf32>,
      %get3A_1071 = arith.constant 3 : i32
      %get3A_1072 = arith.index_cast %get3A_1071 : i32 to index
      %get3A_1073 = arith.constant 224 : index
      %get3A_1074 = tpu.vector_load %arg5[%get3A_1072, %get3A_1073] {strides = array<i32>} : memref<8x256xf32, #tpu.memory_space<vmem>>, vector<1x16xf32>,
      %get3A_1075 = vector.shape_cast %get3A_1074 : vector<1x16xf32> to vector<16xf32>
      %get3A_1076 = arith.constant 3 : i32
      %get3A_1077 = arith.index_cast %get3A_1076 : i32 to index
      %get3A_1078 = arith.constant 224 : index
      %get3A_1079 = tpu.vector_load %arg6[%get3A_1077, %get3A_1078] {strides = array<i32>} : memref<8x256xf32, #tpu.memory_space<vmem>>, vector<1x16xf32>,
      %get3A_1080 = vector.shape_cast %get3A_1079 : vector<1x16xf32> to vector<16xf32>
      %add3A_1081 = arith.addf %get3A_1075, %get3A_1080 : vector<16xf32>
      %swap3A_1082 = arith.constant 3 : i32
      %swap3A_1083 = arith.index_cast %swap3A_1082 : i32 to index
      %swap3A_1084 = arith.constant 224 : index
      %swap3A_1085 = tpu.vector_load %arg7[%swap3A_1083, %swap3A_1084] {strides = array<i32>} : memref<8x256xf32, #tpu.memory_space<vmem>>, vector<1x16xf32>,
      %swap3A_1086 = vector.shape_cast %swap3A_1085 : vector<1x16xf32> to vector<16xf32>
      %swap3A_1087 = vector.shape_cast %add3A_1081 : vector<16xf32> to vector<1x16xf32>
      tpu.vector_store %arg7[%swap3A_1083, %swap3A_1084], %swap3A_1087 {strides = array<i32>} : memref<8x256xf32, #tpu.memory_space<vmem>>, vector<1x16xf32>,
      %get3A_1088 = arith.constant 3 : i32
      %get3A_1089 = arith.index_cast %get3A_1088 : i32 to index
      %get3A_1090 = arith.constant 240 : index
      %get3A_1091 = tpu.vector_load %arg5[%get3A_1089, %get3A_1090] {strides = array<i32>} : memref<8x256xf32, #tpu.memory_space<vmem>>, vector<1x16xf32>,
      %get3A_1092 = vector.shape_cast %get3A_1091 : vector<1x16xf32> to vector<16xf32>
      %get3A_1093 = arith.constant 3 : i32
      %get3A_1094 = arith.index_cast %get3A_1093 : i32 to index
      %get3A_1095 = arith.constant 240 : index
      %get3A_1096 = tpu.vector_load %arg6[%get3A_1094, %get3A_1095] {strides = array<i32>} : memref<8x256xf32, #tpu.memory_space<vmem>>, vector<1x16xf32>,
      %get3A_1097 = vector.shape_cast %get3A_1096 : vector<1x16xf32> to vector<16xf32>
      %add3A_1098 = arith.addf %get3A_1092, %get3A_1097 : vector<16xf32>
      %swap3A_1099 = arith.constant 3 : i32
      %swap3A_1100 = arith.index_cast %swap3A_1099 : i32 to index
      %swap3A_1101 = arith.constant 240 : index
      %swap3A_1102 = tpu.vector_load %arg7[%swap3A_1100, %swap3A_1101] {strides = array<i32>} : memref<8x256xf32, #tpu.memory_space<vmem>>, vector<1x16xf32>,
      %swap3A_1103 = vector.shape_cast %swap3A_1102 : vector<1x16xf32> to vector<16xf32>
      %swap3A_1104 = vector.shape_cast %add3A_1098 : vector<16xf32> to vector<1x16xf32>
      tpu.vector_store %arg7[%swap3A_1100, %swap3A_1101], %swap3A_1104 {strides = array<i32>} : memref<8x256xf32, #tpu.memory_space<vmem>>, vector<1x16xf32>,
      %get3A_1105 = arith.constant 4 : i32
      %get3A_1106 = arith.index_cast %get3A_1105 : i32 to index
      %get3A_1107 = arith.constant 0 : index
      %get3A_1108 = tpu.vector_load %arg5[%get3A_1106, %get3A_1107] {strides = array<i32>} : memref<8x256xf32, #tpu.memory_space<vmem>>, vector<1x16xf32>,
      %get3A_1109 = vector.shape_cast %get3A_1108 : vector<1x16xf32> to vector<16xf32>
      %get3A_1110 = arith.constant 4 : i32
      %get3A_1111 = arith.index_cast %get3A_1110 : i32 to index
      %get3A_1112 = arith.constant 0 : index
      %get3A_1113 = tpu.vector_load %arg6[%get3A_1111, %get3A_1112] {strides = array<i32>} : memref<8x256xf32, #tpu.memory_space<vmem>>, vector<1x16xf32>,
      %get3A_1114 = vector.shape_cast %get3A_1113 : vector<1x16xf32> to vector<16xf32>
      %add3A_1115 = arith.addf %get3A_1109, %get3A_1114 : vector<16xf32>
      %swap3A_1116 = arith.constant 4 : i32
      %swap3A_1117 = arith.index_cast %swap3A_1116 : i32 to index
      %swap3A_1118 = arith.constant 0 : index
      %swap3A_1119 = tpu.vector_load %arg7[%swap3A_1117, %swap3A_1118] {strides = array<i32>} : memref<8x256xf32, #tpu.memory_space<vmem>>, vector<1x16xf32>,
      %swap3A_1120 = vector.shape_cast %swap3A_1119 : vector<1x16xf32> to vector<16xf32>
      %swap3A_1121 = vector.shape_cast %add3A_1115 : vector<16xf32> to vector<1x16xf32>
      tpu.vector_store %arg7[%swap3A_1117, %swap3A_1118], %swap3A_1121 {strides = array<i32>} : memref<8x256xf32, #tpu.memory_space<vmem>>, vector<1x16xf32>,
      %get3A_1122 = arith.constant 4 : i32
      %get3A_1123 = arith.index_cast %get3A_1122 : i32 to index
      %get3A_1124 = arith.constant 16 : index
      %get3A_1125 = tpu.vector_load %arg5[%get3A_1123, %get3A_1124] {strides = array<i32>} : memref<8x256xf32, #tpu.memory_space<vmem>>, vector<1x16xf32>,
      %get3A_1126 = vector.shape_cast %get3A_1125 : vector<1x16xf32> to vector<16xf32>
      %get3A_1127 = arith.constant 4 : i32
      %get3A_1128 = arith.index_cast %get3A_1127 : i32 to index
      %get3A_1129 = arith.constant 16 : index
      %get3A_1130 = tpu.vector_load %arg6[%get3A_1128, %get3A_1129] {strides = array<i32>} : memref<8x256xf32, #tpu.memory_space<vmem>>, vector<1x16xf32>,
      %get3A_1131 = vector.shape_cast %get3A_1130 : vector<1x16xf32> to vector<16xf32>
      %add3A_1132 = arith.addf %get3A_1126, %get3A_1131 : vector<16xf32>
      %swap3A_1133 = arith.constant 4 : i32
      %swap3A_1134 = arith.index_cast %swap3A_1133 : i32 to index
      %swap3A_1135 = arith.constant 16 : index
      %swap3A_1136 = tpu.vector_load %arg7[%swap3A_1134, %swap3A_1135] {strides = array<i32>} : memref<8x256xf32, #tpu.memory_space<vmem>>, vector<1x16xf32>,
      %swap3A_1137 = vector.shape_cast %swap3A_1136 : vector<1x16xf32> to vector<16xf32>
      %swap3A_1138 = vector.shape_cast %add3A_1132 : vector<16xf32> to vector<1x16xf32>
      tpu.vector_store %arg7[%swap3A_1134, %swap3A_1135], %swap3A_1138 {strides = array<i32>} : memref<8x256xf32, #tpu.memory_space<vmem>>, vector<1x16xf32>,
      %get3A_1139 = arith.constant 4 : i32
      %get3A_1140 = arith.index_cast %get3A_1139 : i32 to index
      %get3A_1141 = arith.constant 32 : index
      %get3A_1142 = tpu.vector_load %arg5[%get3A_1140, %get3A_1141] {strides = array<i32>} : memref<8x256xf32, #tpu.memory_space<vmem>>, vector<1x16xf32>,
      %get3A_1143 = vector.shape_cast %get3A_1142 : vector<1x16xf32> to vector<16xf32>
      %get3A_1144 = arith.constant 4 : i32
      %get3A_1145 = arith.index_cast %get3A_1144 : i32 to index
      %get3A_1146 = arith.constant 32 : index
      %get3A_1147 = tpu.vector_load %arg6[%get3A_1145, %get3A_1146] {strides = array<i32>} : memref<8x256xf32, #tpu.memory_space<vmem>>, vector<1x16xf32>,
      %get3A_1148 = vector.shape_cast %get3A_1147 : vector<1x16xf32> to vector<16xf32>
      %add3A_1149 = arith.addf %get3A_1143, %get3A_1148 : vector<16xf32>
      %swap3A_1150 = arith.constant 4 : i32
      %swap3A_1151 = arith.index_cast %swap3A_1150 : i32 to index
      %swap3A_1152 = arith.constant 32 : index
      %swap3A_1153 = tpu.vector_load %arg7[%swap3A_1151, %swap3A_1152] {strides = array<i32>} : memref<8x256xf32, #tpu.memory_space<vmem>>, vector<1x16xf32>,
      %swap3A_1154 = vector.shape_cast %swap3A_1153 : vector<1x16xf32> to vector<16xf32>
      %swap3A_1155 = vector.shape_cast %add3A_1149 : vector<16xf32> to vector<1x16xf32>
      tpu.vector_store %arg7[%swap3A_1151, %swap3A_1152], %swap3A_1155 {strides = array<i32>} : memref<8x256xf32, #tpu.memory_space<vmem>>, vector<1x16xf32>,
      %get3A_1156 = arith.constant 4 : i32
      %get3A_1157 = arith.index_cast %get3A_1156 : i32 to index
      %get3A_1158 = arith.constant 48 : index
      %get3A_1159 = tpu.vector_load %arg5[%get3A_1157, %get3A_1158] {strides = array<i32>} : memref<8x256xf32, #tpu.memory_space<vmem>>, vector<1x16xf32>,
      %get3A_1160 = vector.shape_cast %get3A_1159 : vector<1x16xf32> to vector<16xf32>
      %get3A_1161 = arith.constant 4 : i32
      %get3A_1162 = arith.index_cast %get3A_1161 : i32 to index
      %get3A_1163 = arith.constant 48 : index
      %get3A_1164 = tpu.vector_load %arg6[%get3A_1162, %get3A_1163] {strides = array<i32>} : memref<8x256xf32, #tpu.memory_space<vmem>>, vector<1x16xf32>,
      %get3A_1165 = vector.shape_cast %get3A_1164 : vector<1x16xf32> to vector<16xf32>
      %add3A_1166 = arith.addf %get3A_1160, %get3A_1165 : vector<16xf32>
      %swap3A_1167 = arith.constant 4 : i32
      %swap3A_1168 = arith.index_cast %swap3A_1167 : i32 to index
      %swap3A_1169 = arith.constant 48 : index
      %swap3A_1170 = tpu.vector_load %arg7[%swap3A_1168, %swap3A_1169] {strides = array<i32>} : memref<8x256xf32, #tpu.memory_space<vmem>>, vector<1x16xf32>,
      %swap3A_1171 = vector.shape_cast %swap3A_1170 : vector<1x16xf32> to vector<16xf32>
      %swap3A_1172 = vector.shape_cast %add3A_1166 : vector<16xf32> to vector<1x16xf32>
      tpu.vector_store %arg7[%swap3A_1168, %swap3A_1169], %swap3A_1172 {strides = array<i32>} : memref<8x256xf32, #tpu.memory_space<vmem>>, vector<1x16xf32>,
      %get3A_1173 = arith.constant 4 : i32
      %get3A_1174 = arith.index_cast %get3A_1173 : i32 to index
      %get3A_1175 = arith.constant 64 : index
      %get3A_1176 = tpu.vector_load %arg5[%get3A_1174, %get3A_1175] {strides = array<i32>} : memref<8x256xf32, #tpu.memory_space<vmem>>, vector<1x16xf32>,
      %get3A_1177 = vector.shape_cast %get3A_1176 : vector<1x16xf32> to vector<16xf32>
      %get3A_1178 = arith.constant 4 : i32
      %get3A_1179 = arith.index_cast %get3A_1178 : i32 to index
      %get3A_1180 = arith.constant 64 : index
      %get3A_1181 = tpu.vector_load %arg6[%get3A_1179, %get3A_1180] {strides = array<i32>} : memref<8x256xf32, #tpu.memory_space<vmem>>, vector<1x16xf32>,
      %get3A_1182 = vector.shape_cast %get3A_1181 : vector<1x16xf32> to vector<16xf32>
      %add3A_1183 = arith.addf %get3A_1177, %get3A_1182 : vector<16xf32>
      %swap3A_1184 = arith.constant 4 : i32
      %swap3A_1185 = arith.index_cast %swap3A_1184 : i32 to index
      %swap3A_1186 = arith.constant 64 : index
      %swap3A_1187 = tpu.vector_load %arg7[%swap3A_1185, %swap3A_1186] {strides = array<i32>} : memref<8x256xf32, #tpu.memory_space<vmem>>, vector<1x16xf32>,
      %swap3A_1188 = vector.shape_cast %swap3A_1187 : vector<1x16xf32> to vector<16xf32>
      %swap3A_1189 = vector.shape_cast %add3A_1183 : vector<16xf32> to vector<1x16xf32>
      tpu.vector_store %arg7[%swap3A_1185, %swap3A_1186], %swap3A_1189 {strides = array<i32>} : memref<8x256xf32, #tpu.memory_space<vmem>>, vector<1x16xf32>,
      %get3A_1190 = arith.constant 4 : i32
      %get3A_1191 = arith.index_cast %get3A_1190 : i32 to index
      %get3A_1192 = arith.constant 80 : index
      %get3A_1193 = tpu.vector_load %arg5[%get3A_1191, %get3A_1192] {strides = array<i32>} : memref<8x256xf32, #tpu.memory_space<vmem>>, vector<1x16xf32>,
      %get3A_1194 = vector.shape_cast %get3A_1193 : vector<1x16xf32> to vector<16xf32>
      %get3A_1195 = arith.constant 4 : i32
      %get3A_1196 = arith.index_cast %get3A_1195 : i32 to index
      %get3A_1197 = arith.constant 80 : index
      %get3A_1198 = tpu.vector_load %arg6[%get3A_1196, %get3A_1197] {strides = array<i32>} : memref<8x256xf32, #tpu.memory_space<vmem>>, vector<1x16xf32>,
      %get3A_1199 = vector.shape_cast %get3A_1198 : vector<1x16xf32> to vector<16xf32>
      %add3A_1200 = arith.addf %get3A_1194, %get3A_1199 : vector<16xf32>
      %swap3A_1201 = arith.constant 4 : i32
      %swap3A_1202 = arith.index_cast %swap3A_1201 : i32 to index
      %swap3A_1203 = arith.constant 80 : index
      %swap3A_1204 = tpu.vector_load %arg7[%swap3A_1202, %swap3A_1203] {strides = array<i32>} : memref<8x256xf32, #tpu.memory_space<vmem>>, vector<1x16xf32>,
      %swap3A_1205 = vector.shape_cast %swap3A_1204 : vector<1x16xf32> to vector<16xf32>
      %swap3A_1206 = vector.shape_cast %add3A_1200 : vector<16xf32> to vector<1x16xf32>
      tpu.vector_store %arg7[%swap3A_1202, %swap3A_1203], %swap3A_1206 {strides = array<i32>} : memref<8x256xf32, #tpu.memory_space<vmem>>, vector<1x16xf32>,
      %get3A_1207 = arith.constant 4 : i32
      %get3A_1208 = arith.index_cast %get3A_1207 : i32 to index
      %get3A_1209 = arith.constant 96 : index
      %get3A_1210 = tpu.vector_load %arg5[%get3A_1208, %get3A_1209] {strides = array<i32>} : memref<8x256xf32, #tpu.memory_space<vmem>>, vector<1x16xf32>,
      %get3A_1211 = vector.shape_cast %get3A_1210 : vector<1x16xf32> to vector<16xf32>
      %get3A_1212 = arith.constant 4 : i32
      %get3A_1213 = arith.index_cast %get3A_1212 : i32 to index
      %get3A_1214 = arith.constant 96 : index
      %get3A_1215 = tpu.vector_load %arg6[%get3A_1213, %get3A_1214] {strides = array<i32>} : memref<8x256xf32, #tpu.memory_space<vmem>>, vector<1x16xf32>,
      %get3A_1216 = vector.shape_cast %get3A_1215 : vector<1x16xf32> to vector<16xf32>
      %add3A_1217 = arith.addf %get3A_1211, %get3A_1216 : vector<16xf32>
      %swap3A_1218 = arith.constant 4 : i32
      %swap3A_1219 = arith.index_cast %swap3A_1218 : i32 to index
      %swap3A_1220 = arith.constant 96 : index
      %swap3A_1221 = tpu.vector_load %arg7[%swap3A_1219, %swap3A_1220] {strides = array<i32>} : memref<8x256xf32, #tpu.memory_space<vmem>>, vector<1x16xf32>,
      %swap3A_1222 = vector.shape_cast %swap3A_1221 : vector<1x16xf32> to vector<16xf32>
      %swap3A_1223 = vector.shape_cast %add3A_1217 : vector<16xf32> to vector<1x16xf32>
      tpu.vector_store %arg7[%swap3A_1219, %swap3A_1220], %swap3A_1223 {strides = array<i32>} : memref<8x256xf32, #tpu.memory_space<vmem>>, vector<1x16xf32>,
      %get3A_1224 = arith.constant 4 : i32
      %get3A_1225 = arith.index_cast %get3A_1224 : i32 to index
      %get3A_1226 = arith.constant 112 : index
      %get3A_1227 = tpu.vector_load %arg5[%get3A_1225, %get3A_1226] {strides = array<i32>} : memref<8x256xf32, #tpu.memory_space<vmem>>, vector<1x16xf32>,
      %get3A_1228 = vector.shape_cast %get3A_1227 : vector<1x16xf32> to vector<16xf32>
      %get3A_1229 = arith.constant 4 : i32
      %get3A_1230 = arith.index_cast %get3A_1229 : i32 to index
      %get3A_1231 = arith.constant 112 : index
      %get3A_1232 = tpu.vector_load %arg6[%get3A_1230, %get3A_1231] {strides = array<i32>} : memref<8x256xf32, #tpu.memory_space<vmem>>, vector<1x16xf32>,
      %get3A_1233 = vector.shape_cast %get3A_1232 : vector<1x16xf32> to vector<16xf32>
      %add3A_1234 = arith.addf %get3A_1228, %get3A_1233 : vector<16xf32>
      %swap3A_1235 = arith.constant 4 : i32
      %swap3A_1236 = arith.index_cast %swap3A_1235 : i32 to index
      %swap3A_1237 = arith.constant 112 : index
      %swap3A_1238 = tpu.vector_load %arg7[%swap3A_1236, %swap3A_1237] {strides = array<i32>} : memref<8x256xf32, #tpu.memory_space<vmem>>, vector<1x16xf32>,
      %swap3A_1239 = vector.shape_cast %swap3A_1238 : vector<1x16xf32> to vector<16xf32>
      %swap3A_1240 = vector.shape_cast %add3A_1234 : vector<16xf32> to vector<1x16xf32>
      tpu.vector_store %arg7[%swap3A_1236, %swap3A_1237], %swap3A_1240 {strides = array<i32>} : memref<8x256xf32, #tpu.memory_space<vmem>>, vector<1x16xf32>,
      %get3A_1241 = arith.constant 4 : i32
      %get3A_1242 = arith.index_cast %get3A_1241 : i32 to index
      %get3A_1243 = arith.constant 128 : index
      %get3A_1244 = tpu.vector_load %arg5[%get3A_1242, %get3A_1243] {strides = array<i32>} : memref<8x256xf32, #tpu.memory_space<vmem>>, vector<1x16xf32>,
      %get3A_1245 = vector.shape_cast %get3A_1244 : vector<1x16xf32> to vector<16xf32>
      %get3A_1246 = arith.constant 4 : i32
      %get3A_1247 = arith.index_cast %get3A_1246 : i32 to index
      %get3A_1248 = arith.constant 128 : index
      %get3A_1249 = tpu.vector_load %arg6[%get3A_1247, %get3A_1248] {strides = array<i32>} : memref<8x256xf32, #tpu.memory_space<vmem>>, vector<1x16xf32>,
      %get3A_1250 = vector.shape_cast %get3A_1249 : vector<1x16xf32> to vector<16xf32>
      %add3A_1251 = arith.addf %get3A_1245, %get3A_1250 : vector<16xf32>
      %swap3A_1252 = arith.constant 4 : i32
      %swap3A_1253 = arith.index_cast %swap3A_1252 : i32 to index
      %swap3A_1254 = arith.constant 128 : index
      %swap3A_1255 = tpu.vector_load %arg7[%swap3A_1253, %swap3A_1254] {strides = array<i32>} : memref<8x256xf32, #tpu.memory_space<vmem>>, vector<1x16xf32>,
      %swap3A_1256 = vector.shape_cast %swap3A_1255 : vector<1x16xf32> to vector<16xf32>
      %swap3A_1257 = vector.shape_cast %add3A_1251 : vector<16xf32> to vector<1x16xf32>
      tpu.vector_store %arg7[%swap3A_1253, %swap3A_1254], %swap3A_1257 {strides = array<i32>} : memref<8x256xf32, #tpu.memory_space<vmem>>, vector<1x16xf32>,
      %get3A_1258 = arith.constant 4 : i32
      %get3A_1259 = arith.index_cast %get3A_1258 : i32 to index
      %get3A_1260 = arith.constant 144 : index
      %get3A_1261 = tpu.vector_load %arg5[%get3A_1259, %get3A_1260] {strides = array<i32>} : memref<8x256xf32, #tpu.memory_space<vmem>>, vector<1x16xf32>,
      %get3A_1262 = vector.shape_cast %get3A_1261 : vector<1x16xf32> to vector<16xf32>
      %get3A_1263 = arith.constant 4 : i32
      %get3A_1264 = arith.index_cast %get3A_1263 : i32 to index
      %get3A_1265 = arith.constant 144 : index
      %get3A_1266 = tpu.vector_load %arg6[%get3A_1264, %get3A_1265] {strides = array<i32>} : memref<8x256xf32, #tpu.memory_space<vmem>>, vector<1x16xf32>,
      %get3A_1267 = vector.shape_cast %get3A_1266 : vector<1x16xf32> to vector<16xf32>
      %add3A_1268 = arith.addf %get3A_1262, %get3A_1267 : vector<16xf32>
      %swap3A_1269 = arith.constant 4 : i32
      %swap3A_1270 = arith.index_cast %swap3A_1269 : i32 to index
      %swap3A_1271 = arith.constant 144 : index
      %swap3A_1272 = tpu.vector_load %arg7[%swap3A_1270, %swap3A_1271] {strides = array<i32>} : memref<8x256xf32, #tpu.memory_space<vmem>>, vector<1x16xf32>,
      %swap3A_1273 = vector.shape_cast %swap3A_1272 : vector<1x16xf32> to vector<16xf32>
      %swap3A_1274 = vector.shape_cast %add3A_1268 : vector<16xf32> to vector<1x16xf32>
      tpu.vector_store %arg7[%swap3A_1270, %swap3A_1271], %swap3A_1274 {strides = array<i32>} : memref<8x256xf32, #tpu.memory_space<vmem>>, vector<1x16xf32>,
      %get3A_1275 = arith.constant 4 : i32
      %get3A_1276 = arith.index_cast %get3A_1275 : i32 to index
      %get3A_1277 = arith.constant 160 : index
      %get3A_1278 = tpu.vector_load %arg5[%get3A_1276, %get3A_1277] {strides = array<i32>} : memref<8x256xf32, #tpu.memory_space<vmem>>, vector<1x16xf32>,
      %get3A_1279 = vector.shape_cast %get3A_1278 : vector<1x16xf32> to vector<16xf32>
      %get3A_1280 = arith.constant 4 : i32
      %get3A_1281 = arith.index_cast %get3A_1280 : i32 to index
      %get3A_1282 = arith.constant 160 : index
      %get3A_1283 = tpu.vector_load %arg6[%get3A_1281, %get3A_1282] {strides = array<i32>} : memref<8x256xf32, #tpu.memory_space<vmem>>, vector<1x16xf32>,
      %get3A_1284 = vector.shape_cast %get3A_1283 : vector<1x16xf32> to vector<16xf32>
      %add3A_1285 = arith.addf %get3A_1279, %get3A_1284 : vector<16xf32>
      %swap3A_1286 = arith.constant 4 : i32
      %swap3A_1287 = arith.index_cast %swap3A_1286 : i32 to index
      %swap3A_1288 = arith.constant 160 : index
      %swap3A_1289 = tpu.vector_load %arg7[%swap3A_1287, %swap3A_1288] {strides = array<i32>} : memref<8x256xf32, #tpu.memory_space<vmem>>, vector<1x16xf32>,
      %swap3A_1290 = vector.shape_cast %swap3A_1289 : vector<1x16xf32> to vector<16xf32>
      %swap3A_1291 = vector.shape_cast %add3A_1285 : vector<16xf32> to vector<1x16xf32>
      tpu.vector_store %arg7[%swap3A_1287, %swap3A_1288], %swap3A_1291 {strides = array<i32>} : memref<8x256xf32, #tpu.memory_space<vmem>>, vector<1x16xf32>,
      %get3A_1292 = arith.constant 4 : i32
      %get3A_1293 = arith.index_cast %get3A_1292 : i32 to index
      %get3A_1294 = arith.constant 176 : index
      %get3A_1295 = tpu.vector_load %arg5[%get3A_1293, %get3A_1294] {strides = array<i32>} : memref<8x256xf32, #tpu.memory_space<vmem>>, vector<1x16xf32>,
      %get3A_1296 = vector.shape_cast %get3A_1295 : vector<1x16xf32> to vector<16xf32>
      %get3A_1297 = arith.constant 4 : i32
      %get3A_1298 = arith.index_cast %get3A_1297 : i32 to index
      %get3A_1299 = arith.constant 176 : index
      %get3A_1300 = tpu.vector_load %arg6[%get3A_1298, %get3A_1299] {strides = array<i32>} : memref<8x256xf32, #tpu.memory_space<vmem>>, vector<1x16xf32>,
      %get3A_1301 = vector.shape_cast %get3A_1300 : vector<1x16xf32> to vector<16xf32>
      %add3A_1302 = arith.addf %get3A_1296, %get3A_1301 : vector<16xf32>
      %swap3A_1303 = arith.constant 4 : i32
      %swap3A_1304 = arith.index_cast %swap3A_1303 : i32 to index
      %swap3A_1305 = arith.constant 176 : index
      %swap3A_1306 = tpu.vector_load %arg7[%swap3A_1304, %swap3A_1305] {strides = array<i32>} : memref<8x256xf32, #tpu.memory_space<vmem>>, vector<1x16xf32>,
      %swap3A_1307 = vector.shape_cast %swap3A_1306 : vector<1x16xf32> to vector<16xf32>
      %swap3A_1308 = vector.shape_cast %add3A_1302 : vector<16xf32> to vector<1x16xf32>
      tpu.vector_store %arg7[%swap3A_1304, %swap3A_1305], %swap3A_1308 {strides = array<i32>} : memref<8x256xf32, #tpu.memory_space<vmem>>, vector<1x16xf32>,
      %get3A_1309 = arith.constant 4 : i32
      %get3A_1310 = arith.index_cast %get3A_1309 : i32 to index
      %get3A_1311 = arith.constant 192 : index
      %get3A_1312 = tpu.vector_load %arg5[%get3A_1310, %get3A_1311] {strides = array<i32>} : memref<8x256xf32, #tpu.memory_space<vmem>>, vector<1x16xf32>,
      %get3A_1313 = vector.shape_cast %get3A_1312 : vector<1x16xf32> to vector<16xf32>
      %get3A_1314 = arith.constant 4 : i32
      %get3A_1315 = arith.index_cast %get3A_1314 : i32 to index
      %get3A_1316 = arith.constant 192 : index
      %get3A_1317 = tpu.vector_load %arg6[%get3A_1315, %get3A_1316] {strides = array<i32>} : memref<8x256xf32, #tpu.memory_space<vmem>>, vector<1x16xf32>,
      %get3A_1318 = vector.shape_cast %get3A_1317 : vector<1x16xf32> to vector<16xf32>
      %add3A_1319 = arith.addf %get3A_1313, %get3A_1318 : vector<16xf32>
      %swap3A_1320 = arith.constant 4 : i32
      %swap3A_1321 = arith.index_cast %swap3A_1320 : i32 to index
      %swap3A_1322 = arith.constant 192 : index
      %swap3A_1323 = tpu.vector_load %arg7[%swap3A_1321, %swap3A_1322] {strides = array<i32>} : memref<8x256xf32, #tpu.memory_space<vmem>>, vector<1x16xf32>,
      %swap3A_1324 = vector.shape_cast %swap3A_1323 : vector<1x16xf32> to vector<16xf32>
      %swap3A_1325 = vector.shape_cast %add3A_1319 : vector<16xf32> to vector<1x16xf32>
      tpu.vector_store %arg7[%swap3A_1321, %swap3A_1322], %swap3A_1325 {strides = array<i32>} : memref<8x256xf32, #tpu.memory_space<vmem>>, vector<1x16xf32>,
      %get3A_1326 = arith.constant 4 : i32
      %get3A_1327 = arith.index_cast %get3A_1326 : i32 to index
      %get3A_1328 = arith.constant 208 : index
      %get3A_1329 = tpu.vector_load %arg5[%get3A_1327, %get3A_1328] {strides = array<i32>} : memref<8x256xf32, #tpu.memory_space<vmem>>, vector<1x16xf32>,
      %get3A_1330 = vector.shape_cast %get3A_1329 : vector<1x16xf32> to vector<16xf32>
      %get3A_1331 = arith.constant 4 : i32
      %get3A_1332 = arith.index_cast %get3A_1331 : i32 to index
      %get3A_1333 = arith.constant 208 : index
      %get3A_1334 = tpu.vector_load %arg6[%get3A_1332, %get3A_1333] {strides = array<i32>} : memref<8x256xf32, #tpu.memory_space<vmem>>, vector<1x16xf32>,
      %get3A_1335 = vector.shape_cast %get3A_1334 : vector<1x16xf32> to vector<16xf32>
      %add3A_1336 = arith.addf %get3A_1330, %get3A_1335 : vector<16xf32>
      %swap3A_1337 = arith.constant 4 : i32
      %swap3A_1338 = arith.index_cast %swap3A_1337 : i32 to index
      %swap3A_1339 = arith.constant 208 : index
      %swap3A_1340 = tpu.vector_load %arg7[%swap3A_1338, %swap3A_1339] {strides = array<i32>} : memref<8x256xf32, #tpu.memory_space<vmem>>, vector<1x16xf32>,
      %swap3A_1341 = vector.shape_cast %swap3A_1340 : vector<1x16xf32> to vector<16xf32>
      %swap3A_1342 = vector.shape_cast %add3A_1336 : vector<16xf32> to vector<1x16xf32>
      tpu.vector_store %arg7[%swap3A_1338, %swap3A_1339], %swap3A_1342 {strides = array<i32>} : memref<8x256xf32, #tpu.memory_space<vmem>>, vector<1x16xf32>,
      %get3A_1343 = arith.constant 4 : i32
      %get3A_1344 = arith.index_cast %get3A_1343 : i32 to index
      %get3A_1345 = arith.constant 224 : index
      %get3A_1346 = tpu.vector_load %arg5[%get3A_1344, %get3A_1345] {strides = array<i32>} : memref<8x256xf32, #tpu.memory_space<vmem>>, vector<1x16xf32>,
      %get3A_1347 = vector.shape_cast %get3A_1346 : vector<1x16xf32> to vector<16xf32>
      %get3A_1348 = arith.constant 4 : i32
      %get3A_1349 = arith.index_cast %get3A_1348 : i32 to index
      %get3A_1350 = arith.constant 224 : index
      %get3A_1351 = tpu.vector_load %arg6[%get3A_1349, %get3A_1350] {strides = array<i32>} : memref<8x256xf32, #tpu.memory_space<vmem>>, vector<1x16xf32>,
      %get3A_1352 = vector.shape_cast %get3A_1351 : vector<1x16xf32> to vector<16xf32>
      %add3A_1353 = arith.addf %get3A_1347, %get3A_1352 : vector<16xf32>
      %swap3A_1354 = arith.constant 4 : i32
      %swap3A_1355 = arith.index_cast %swap3A_1354 : i32 to index
      %swap3A_1356 = arith.constant 224 : index
      %swap3A_1357 = tpu.vector_load %arg7[%swap3A_1355, %swap3A_1356] {strides = array<i32>} : memref<8x256xf32, #tpu.memory_space<vmem>>, vector<1x16xf32>,
      %swap3A_1358 = vector.shape_cast %swap3A_1357 : vector<1x16xf32> to vector<16xf32>
      %swap3A_1359 = vector.shape_cast %add3A_1353 : vector<16xf32> to vector<1x16xf32>
      tpu.vector_store %arg7[%swap3A_1355, %swap3A_1356], %swap3A_1359 {strides = array<i32>} : memref<8x256xf32, #tpu.memory_space<vmem>>, vector<1x16xf32>,
      %get3A_1360 = arith.constant 4 : i32
      %get3A_1361 = arith.index_cast %get3A_1360 : i32 to index
      %get3A_1362 = arith.constant 240 : index
      %get3A_1363 = tpu.vector_load %arg5[%get3A_1361, %get3A_1362] {strides = array<i32>} : memref<8x256xf32, #tpu.memory_space<vmem>>, vector<1x16xf32>,
      %get3A_1364 = vector.shape_cast %get3A_1363 : vector<1x16xf32> to vector<16xf32>
      %get3A_1365 = arith.constant 4 : i32
      %get3A_1366 = arith.index_cast %get3A_1365 : i32 to index
      %get3A_1367 = arith.constant 240 : index
      %get3A_1368 = tpu.vector_load %arg6[%get3A_1366, %get3A_1367] {strides = array<i32>} : memref<8x256xf32, #tpu.memory_space<vmem>>, vector<1x16xf32>,
      %get3A_1369 = vector.shape_cast %get3A_1368 : vector<1x16xf32> to vector<16xf32>
      %add3A_1370 = arith.addf %get3A_1364, %get3A_1369 : vector<16xf32>
      %swap3A_1371 = arith.constant 4 : i32
      %swap3A_1372 = arith.index_cast %swap3A_1371 : i32 to index
      %swap3A_1373 = arith.constant 240 : index
      %swap3A_1374 = tpu.vector_load %arg7[%swap3A_1372, %swap3A_1373] {strides = array<i32>} : memref<8x256xf32, #tpu.memory_space<vmem>>, vector<1x16xf32>,
      %swap3A_1375 = vector.shape_cast %swap3A_1374 : vector<1x16xf32> to vector<16xf32>
      %swap3A_1376 = vector.shape_cast %add3A_1370 : vector<16xf32> to vector<1x16xf32>
      tpu.vector_store %arg7[%swap3A_1372, %swap3A_1373], %swap3A_1376 {strides = array<i32>} : memref<8x256xf32, #tpu.memory_space<vmem>>, vector<1x16xf32>,
      %get3A_1377 = arith.constant 5 : i32
      %get3A_1378 = arith.index_cast %get3A_1377 : i32 to index
      %get3A_1379 = arith.constant 0 : index
      %get3A_1380 = tpu.vector_load %arg5[%get3A_1378, %get3A_1379] {strides = array<i32>} : memref<8x256xf32, #tpu.memory_space<vmem>>, vector<1x16xf32>,
      %get3A_1381 = vector.shape_cast %get3A_1380 : vector<1x16xf32> to vector<16xf32>
      %get3A_1382 = arith.constant 5 : i32
      %get3A_1383 = arith.index_cast %get3A_1382 : i32 to index
      %get3A_1384 = arith.constant 0 : index
      %get3A_1385 = tpu.vector_load %arg6[%get3A_1383, %get3A_1384] {strides = array<i32>} : memref<8x256xf32, #tpu.memory_space<vmem>>, vector<1x16xf32>,
      %get3A_1386 = vector.shape_cast %get3A_1385 : vector<1x16xf32> to vector<16xf32>
      %add3A_1387 = arith.addf %get3A_1381, %get3A_1386 : vector<16xf32>
      %swap3A_1388 = arith.constant 5 : i32
      %swap3A_1389 = arith.index_cast %swap3A_1388 : i32 to index
      %swap3A_1390 = arith.constant 0 : index
      %swap3A_1391 = tpu.vector_load %arg7[%swap3A_1389, %swap3A_1390] {strides = array<i32>} : memref<8x256xf32, #tpu.memory_space<vmem>>, vector<1x16xf32>,
      %swap3A_1392 = vector.shape_cast %swap3A_1391 : vector<1x16xf32> to vector<16xf32>
      %swap3A_1393 = vector.shape_cast %add3A_1387 : vector<16xf32> to vector<1x16xf32>
      tpu.vector_store %arg7[%swap3A_1389, %swap3A_1390], %swap3A_1393 {strides = array<i32>} : memref<8x256xf32, #tpu.memory_space<vmem>>, vector<1x16xf32>,
      %get3A_1394 = arith.constant 5 : i32
      %get3A_1395 = arith.index_cast %get3A_1394 : i32 to index
      %get3A_1396 = arith.constant 16 : index
      %get3A_1397 = tpu.vector_load %arg5[%get3A_1395, %get3A_1396] {strides = array<i32>} : memref<8x256xf32, #tpu.memory_space<vmem>>, vector<1x16xf32>,
      %get3A_1398 = vector.shape_cast %get3A_1397 : vector<1x16xf32> to vector<16xf32>
      %get3A_1399 = arith.constant 5 : i32
      %get3A_1400 = arith.index_cast %get3A_1399 : i32 to index
      %get3A_1401 = arith.constant 16 : index
      %get3A_1402 = tpu.vector_load %arg6[%get3A_1400, %get3A_1401] {strides = array<i32>} : memref<8x256xf32, #tpu.memory_space<vmem>>, vector<1x16xf32>,
      %get3A_1403 = vector.shape_cast %get3A_1402 : vector<1x16xf32> to vector<16xf32>
      %add3A_1404 = arith.addf %get3A_1398, %get3A_1403 : vector<16xf32>
      %swap3A_1405 = arith.constant 5 : i32
      %swap3A_1406 = arith.index_cast %swap3A_1405 : i32 to index
      %swap3A_1407 = arith.constant 16 : index
      %swap3A_1408 = tpu.vector_load %arg7[%swap3A_1406, %swap3A_1407] {strides = array<i32>} : memref<8x256xf32, #tpu.memory_space<vmem>>, vector<1x16xf32>,
      %swap3A_1409 = vector.shape_cast %swap3A_1408 : vector<1x16xf32> to vector<16xf32>
      %swap3A_1410 = vector.shape_cast %add3A_1404 : vector<16xf32> to vector<1x16xf32>
      tpu.vector_store %arg7[%swap3A_1406, %swap3A_1407], %swap3A_1410 {strides = array<i32>} : memref<8x256xf32, #tpu.memory_space<vmem>>, vector<1x16xf32>,
      %get3A_1411 = arith.constant 5 : i32
      %get3A_1412 = arith.index_cast %get3A_1411 : i32 to index
      %get3A_1413 = arith.constant 32 : index
      %get3A_1414 = tpu.vector_load %arg5[%get3A_1412, %get3A_1413] {strides = array<i32>} : memref<8x256xf32, #tpu.memory_space<vmem>>, vector<1x16xf32>,
      %get3A_1415 = vector.shape_cast %get3A_1414 : vector<1x16xf32> to vector<16xf32>
      %get3A_1416 = arith.constant 5 : i32
      %get3A_1417 = arith.index_cast %get3A_1416 : i32 to index
      %get3A_1418 = arith.constant 32 : index
      %get3A_1419 = tpu.vector_load %arg6[%get3A_1417, %get3A_1418] {strides = array<i32>} : memref<8x256xf32, #tpu.memory_space<vmem>>, vector<1x16xf32>,
      %get3A_1420 = vector.shape_cast %get3A_1419 : vector<1x16xf32> to vector<16xf32>
      %add3A_1421 = arith.addf %get3A_1415, %get3A_1420 : vector<16xf32>
      %swap3A_1422 = arith.constant 5 : i32
      %swap3A_1423 = arith.index_cast %swap3A_1422 : i32 to index
      %swap3A_1424 = arith.constant 32 : index
      %swap3A_1425 = tpu.vector_load %arg7[%swap3A_1423, %swap3A_1424] {strides = array<i32>} : memref<8x256xf32, #tpu.memory_space<vmem>>, vector<1x16xf32>,
      %swap3A_1426 = vector.shape_cast %swap3A_1425 : vector<1x16xf32> to vector<16xf32>
      %swap3A_1427 = vector.shape_cast %add3A_1421 : vector<16xf32> to vector<1x16xf32>
      tpu.vector_store %arg7[%swap3A_1423, %swap3A_1424], %swap3A_1427 {strides = array<i32>} : memref<8x256xf32, #tpu.memory_space<vmem>>, vector<1x16xf32>,
      %get3A_1428 = arith.constant 5 : i32
      %get3A_1429 = arith.index_cast %get3A_1428 : i32 to index
      %get3A_1430 = arith.constant 48 : index
      %get3A_1431 = tpu.vector_load %arg5[%get3A_1429, %get3A_1430] {strides = array<i32>} : memref<8x256xf32, #tpu.memory_space<vmem>>, vector<1x16xf32>,
      %get3A_1432 = vector.shape_cast %get3A_1431 : vector<1x16xf32> to vector<16xf32>
      %get3A_1433 = arith.constant 5 : i32
      %get3A_1434 = arith.index_cast %get3A_1433 : i32 to index
      %get3A_1435 = arith.constant 48 : index
      %get3A_1436 = tpu.vector_load %arg6[%get3A_1434, %get3A_1435] {strides = array<i32>} : memref<8x256xf32, #tpu.memory_space<vmem>>, vector<1x16xf32>,
      %get3A_1437 = vector.shape_cast %get3A_1436 : vector<1x16xf32> to vector<16xf32>
      %add3A_1438 = arith.addf %get3A_1432, %get3A_1437 : vector<16xf32>
      %swap3A_1439 = arith.constant 5 : i32
      %swap3A_1440 = arith.index_cast %swap3A_1439 : i32 to index
      %swap3A_1441 = arith.constant 48 : index
      %swap3A_1442 = tpu.vector_load %arg7[%swap3A_1440, %swap3A_1441] {strides = array<i32>} : memref<8x256xf32, #tpu.memory_space<vmem>>, vector<1x16xf32>,
      %swap3A_1443 = vector.shape_cast %swap3A_1442 : vector<1x16xf32> to vector<16xf32>
      %swap3A_1444 = vector.shape_cast %add3A_1438 : vector<16xf32> to vector<1x16xf32>
      tpu.vector_store %arg7[%swap3A_1440, %swap3A_1441], %swap3A_1444 {strides = array<i32>} : memref<8x256xf32, #tpu.memory_space<vmem>>, vector<1x16xf32>,
      %get3A_1445 = arith.constant 5 : i32
      %get3A_1446 = arith.index_cast %get3A_1445 : i32 to index
      %get3A_1447 = arith.constant 64 : index
      %get3A_1448 = tpu.vector_load %arg5[%get3A_1446, %get3A_1447] {strides = array<i32>} : memref<8x256xf32, #tpu.memory_space<vmem>>, vector<1x16xf32>,
      %get3A_1449 = vector.shape_cast %get3A_1448 : vector<1x16xf32> to vector<16xf32>
      %get3A_1450 = arith.constant 5 : i32
      %get3A_1451 = arith.index_cast %get3A_1450 : i32 to index
      %get3A_1452 = arith.constant 64 : index
      %get3A_1453 = tpu.vector_load %arg6[%get3A_1451, %get3A_1452] {strides = array<i32>} : memref<8x256xf32, #tpu.memory_space<vmem>>, vector<1x16xf32>,
      %get3A_1454 = vector.shape_cast %get3A_1453 : vector<1x16xf32> to vector<16xf32>
      %add3A_1455 = arith.addf %get3A_1449, %get3A_1454 : vector<16xf32>
      %swap3A_1456 = arith.constant 5 : i32
      %swap3A_1457 = arith.index_cast %swap3A_1456 : i32 to index
      %swap3A_1458 = arith.constant 64 : index
      %swap3A_1459 = tpu.vector_load %arg7[%swap3A_1457, %swap3A_1458] {strides = array<i32>} : memref<8x256xf32, #tpu.memory_space<vmem>>, vector<1x16xf32>,
      %swap3A_1460 = vector.shape_cast %swap3A_1459 : vector<1x16xf32> to vector<16xf32>
      %swap3A_1461 = vector.shape_cast %add3A_1455 : vector<16xf32> to vector<1x16xf32>
      tpu.vector_store %arg7[%swap3A_1457, %swap3A_1458], %swap3A_1461 {strides = array<i32>} : memref<8x256xf32, #tpu.memory_space<vmem>>, vector<1x16xf32>,
      %get3A_1462 = arith.constant 5 : i32
      %get3A_1463 = arith.index_cast %get3A_1462 : i32 to index
      %get3A_1464 = arith.constant 80 : index
      %get3A_1465 = tpu.vector_load %arg5[%get3A_1463, %get3A_1464] {strides = array<i32>} : memref<8x256xf32, #tpu.memory_space<vmem>>, vector<1x16xf32>,
      %get3A_1466 = vector.shape_cast %get3A_1465 : vector<1x16xf32> to vector<16xf32>
      %get3A_1467 = arith.constant 5 : i32
      %get3A_1468 = arith.index_cast %get3A_1467 : i32 to index
      %get3A_1469 = arith.constant 80 : index
      %get3A_1470 = tpu.vector_load %arg6[%get3A_1468, %get3A_1469] {strides = array<i32>} : memref<8x256xf32, #tpu.memory_space<vmem>>, vector<1x16xf32>,
      %get3A_1471 = vector.shape_cast %get3A_1470 : vector<1x16xf32> to vector<16xf32>
      %add3A_1472 = arith.addf %get3A_1466, %get3A_1471 : vector<16xf32>
      %swap3A_1473 = arith.constant 5 : i32
      %swap3A_1474 = arith.index_cast %swap3A_1473 : i32 to index
      %swap3A_1475 = arith.constant 80 : index
      %swap3A_1476 = tpu.vector_load %arg7[%swap3A_1474, %swap3A_1475] {strides = array<i32>} : memref<8x256xf32, #tpu.memory_space<vmem>>, vector<1x16xf32>,
      %swap3A_1477 = vector.shape_cast %swap3A_1476 : vector<1x16xf32> to vector<16xf32>
      %swap3A_1478 = vector.shape_cast %add3A_1472 : vector<16xf32> to vector<1x16xf32>
      tpu.vector_store %arg7[%swap3A_1474, %swap3A_1475], %swap3A_1478 {strides = array<i32>} : memref<8x256xf32, #tpu.memory_space<vmem>>, vector<1x16xf32>,
      %get3A_1479 = arith.constant 5 : i32
      %get3A_1480 = arith.index_cast %get3A_1479 : i32 to index
      %get3A_1481 = arith.constant 96 : index
      %get3A_1482 = tpu.vector_load %arg5[%get3A_1480, %get3A_1481] {strides = array<i32>} : memref<8x256xf32, #tpu.memory_space<vmem>>, vector<1x16xf32>,
      %get3A_1483 = vector.shape_cast %get3A_1482 : vector<1x16xf32> to vector<16xf32>
      %get3A_1484 = arith.constant 5 : i32
      %get3A_1485 = arith.index_cast %get3A_1484 : i32 to index
      %get3A_1486 = arith.constant 96 : index
      %get3A_1487 = tpu.vector_load %arg6[%get3A_1485, %get3A_1486] {strides = array<i32>} : memref<8x256xf32, #tpu.memory_space<vmem>>, vector<1x16xf32>,
      %get3A_1488 = vector.shape_cast %get3A_1487 : vector<1x16xf32> to vector<16xf32>
      %add3A_1489 = arith.addf %get3A_1483, %get3A_1488 : vector<16xf32>
      %swap3A_1490 = arith.constant 5 : i32
      %swap3A_1491 = arith.index_cast %swap3A_1490 : i32 to index
      %swap3A_1492 = arith.constant 96 : index
      %swap3A_1493 = tpu.vector_load %arg7[%swap3A_1491, %swap3A_1492] {strides = array<i32>} : memref<8x256xf32, #tpu.memory_space<vmem>>, vector<1x16xf32>,
      %swap3A_1494 = vector.shape_cast %swap3A_1493 : vector<1x16xf32> to vector<16xf32>
      %swap3A_1495 = vector.shape_cast %add3A_1489 : vector<16xf32> to vector<1x16xf32>
      tpu.vector_store %arg7[%swap3A_1491, %swap3A_1492], %swap3A_1495 {strides = array<i32>} : memref<8x256xf32, #tpu.memory_space<vmem>>, vector<1x16xf32>,
      %get3A_1496 = arith.constant 5 : i32
      %get3A_1497 = arith.index_cast %get3A_1496 : i32 to index
      %get3A_1498 = arith.constant 112 : index
      %get3A_1499 = tpu.vector_load %arg5[%get3A_1497, %get3A_1498] {strides = array<i32>} : memref<8x256xf32, #tpu.memory_space<vmem>>, vector<1x16xf32>,
      %get3A_1500 = vector.shape_cast %get3A_1499 : vector<1x16xf32> to vector<16xf32>
      %get3A_1501 = arith.constant 5 : i32
      %get3A_1502 = arith.index_cast %get3A_1501 : i32 to index
      %get3A_1503 = arith.constant 112 : index
      %get3A_1504 = tpu.vector_load %arg6[%get3A_1502, %get3A_1503] {strides = array<i32>} : memref<8x256xf32, #tpu.memory_space<vmem>>, vector<1x16xf32>,
      %get3A_1505 = vector.shape_cast %get3A_1504 : vector<1x16xf32> to vector<16xf32>
      %add3A_1506 = arith.addf %get3A_1500, %get3A_1505 : vector<16xf32>
      %swap3A_1507 = arith.constant 5 : i32
      %swap3A_1508 = arith.index_cast %swap3A_1507 : i32 to index
      %swap3A_1509 = arith.constant 112 : index
      %swap3A_1510 = tpu.vector_load %arg7[%swap3A_1508, %swap3A_1509] {strides = array<i32>} : memref<8x256xf32, #tpu.memory_space<vmem>>, vector<1x16xf32>,
      %swap3A_1511 = vector.shape_cast %swap3A_1510 : vector<1x16xf32> to vector<16xf32>
      %swap3A_1512 = vector.shape_cast %add3A_1506 : vector<16xf32> to vector<1x16xf32>
      tpu.vector_store %arg7[%swap3A_1508, %swap3A_1509], %swap3A_1512 {strides = array<i32>} : memref<8x256xf32, #tpu.memory_space<vmem>>, vector<1x16xf32>,
      %get3A_1513 = arith.constant 5 : i32
      %get3A_1514 = arith.index_cast %get3A_1513 : i32 to index
      %get3A_1515 = arith.constant 128 : index
      %get3A_1516 = tpu.vector_load %arg5[%get3A_1514, %get3A_1515] {strides = array<i32>} : memref<8x256xf32, #tpu.memory_space<vmem>>, vector<1x16xf32>,
      %get3A_1517 = vector.shape_cast %get3A_1516 : vector<1x16xf32> to vector<16xf32>
      %get3A_1518 = arith.constant 5 : i32
      %get3A_1519 = arith.index_cast %get3A_1518 : i32 to index
      %get3A_1520 = arith.constant 128 : index
      %get3A_1521 = tpu.vector_load %arg6[%get3A_1519, %get3A_1520] {strides = array<i32>} : memref<8x256xf32, #tpu.memory_space<vmem>>, vector<1x16xf32>,
      %get3A_1522 = vector.shape_cast %get3A_1521 : vector<1x16xf32> to vector<16xf32>
      %add3A_1523 = arith.addf %get3A_1517, %get3A_1522 : vector<16xf32>
      %swap3A_1524 = arith.constant 5 : i32
      %swap3A_1525 = arith.index_cast %swap3A_1524 : i32 to index
      %swap3A_1526 = arith.constant 128 : index
      %swap3A_1527 = tpu.vector_load %arg7[%swap3A_1525, %swap3A_1526] {strides = array<i32>} : memref<8x256xf32, #tpu.memory_space<vmem>>, vector<1x16xf32>,
      %swap3A_1528 = vector.shape_cast %swap3A_1527 : vector<1x16xf32> to vector<16xf32>
      %swap3A_1529 = vector.shape_cast %add3A_1523 : vector<16xf32> to vector<1x16xf32>
      tpu.vector_store %arg7[%swap3A_1525, %swap3A_1526], %swap3A_1529 {strides = array<i32>} : memref<8x256xf32, #tpu.memory_space<vmem>>, vector<1x16xf32>,
      %get3A_1530 = arith.constant 5 : i32
      %get3A_1531 = arith.index_cast %get3A_1530 : i32 to index
      %get3A_1532 = arith.constant 144 : index
      %get3A_1533 = tpu.vector_load %arg5[%get3A_1531, %get3A_1532] {strides = array<i32>} : memref<8x256xf32, #tpu.memory_space<vmem>>, vector<1x16xf32>,
      %get3A_1534 = vector.shape_cast %get3A_1533 : vector<1x16xf32> to vector<16xf32>
      %get3A_1535 = arith.constant 5 : i32
      %get3A_1536 = arith.index_cast %get3A_1535 : i32 to index
      %get3A_1537 = arith.constant 144 : index
      %get3A_1538 = tpu.vector_load %arg6[%get3A_1536, %get3A_1537] {strides = array<i32>} : memref<8x256xf32, #tpu.memory_space<vmem>>, vector<1x16xf32>,
      %get3A_1539 = vector.shape_cast %get3A_1538 : vector<1x16xf32> to vector<16xf32>
      %add3A_1540 = arith.addf %get3A_1534, %get3A_1539 : vector<16xf32>
      %swap3A_1541 = arith.constant 5 : i32
      %swap3A_1542 = arith.index_cast %swap3A_1541 : i32 to index
      %swap3A_1543 = arith.constant 144 : index
      %swap3A_1544 = tpu.vector_load %arg7[%swap3A_1542, %swap3A_1543] {strides = array<i32>} : memref<8x256xf32, #tpu.memory_space<vmem>>, vector<1x16xf32>,
      %swap3A_1545 = vector.shape_cast %swap3A_1544 : vector<1x16xf32> to vector<16xf32>
      %swap3A_1546 = vector.shape_cast %add3A_1540 : vector<16xf32> to vector<1x16xf32>
      tpu.vector_store %arg7[%swap3A_1542, %swap3A_1543], %swap3A_1546 {strides = array<i32>} : memref<8x256xf32, #tpu.memory_space<vmem>>, vector<1x16xf32>,
      %get3A_1547 = arith.constant 5 : i32
      %get3A_1548 = arith.index_cast %get3A_1547 : i32 to index
      %get3A_1549 = arith.constant 160 : index
      %get3A_1550 = tpu.vector_load %arg5[%get3A_1548, %get3A_1549] {strides = array<i32>} : memref<8x256xf32, #tpu.memory_space<vmem>>, vector<1x16xf32>,
      %get3A_1551 = vector.shape_cast %get3A_1550 : vector<1x16xf32> to vector<16xf32>
      %get3A_1552 = arith.constant 5 : i32
      %get3A_1553 = arith.index_cast %get3A_1552 : i32 to index
      %get3A_1554 = arith.constant 160 : index
      %get3A_1555 = tpu.vector_load %arg6[%get3A_1553, %get3A_1554] {strides = array<i32>} : memref<8x256xf32, #tpu.memory_space<vmem>>, vector<1x16xf32>,
      %get3A_1556 = vector.shape_cast %get3A_1555 : vector<1x16xf32> to vector<16xf32>
      %add3A_1557 = arith.addf %get3A_1551, %get3A_1556 : vector<16xf32>
      %swap3A_1558 = arith.constant 5 : i32
      %swap3A_1559 = arith.index_cast %swap3A_1558 : i32 to index
      %swap3A_1560 = arith.constant 160 : index
      %swap3A_1561 = tpu.vector_load %arg7[%swap3A_1559, %swap3A_1560] {strides = array<i32>} : memref<8x256xf32, #tpu.memory_space<vmem>>, vector<1x16xf32>,
      %swap3A_1562 = vector.shape_cast %swap3A_1561 : vector<1x16xf32> to vector<16xf32>
      %swap3A_1563 = vector.shape_cast %add3A_1557 : vector<16xf32> to vector<1x16xf32>
      tpu.vector_store %arg7[%swap3A_1559, %swap3A_1560], %swap3A_1563 {strides = array<i32>} : memref<8x256xf32, #tpu.memory_space<vmem>>, vector<1x16xf32>,
      %get3A_1564 = arith.constant 5 : i32
      %get3A_1565 = arith.index_cast %get3A_1564 : i32 to index
      %get3A_1566 = arith.constant 176 : index
      %get3A_1567 = tpu.vector_load %arg5[%get3A_1565, %get3A_1566] {strides = array<i32>} : memref<8x256xf32, #tpu.memory_space<vmem>>, vector<1x16xf32>,
      %get3A_1568 = vector.shape_cast %get3A_1567 : vector<1x16xf32> to vector<16xf32>
      %get3A_1569 = arith.constant 5 : i32
      %get3A_1570 = arith.index_cast %get3A_1569 : i32 to index
      %get3A_1571 = arith.constant 176 : index
      %get3A_1572 = tpu.vector_load %arg6[%get3A_1570, %get3A_1571] {strides = array<i32>} : memref<8x256xf32, #tpu.memory_space<vmem>>, vector<1x16xf32>,
      %get3A_1573 = vector.shape_cast %get3A_1572 : vector<1x16xf32> to vector<16xf32>
      %add3A_1574 = arith.addf %get3A_1568, %get3A_1573 : vector<16xf32>
      %swap3A_1575 = arith.constant 5 : i32
      %swap3A_1576 = arith.index_cast %swap3A_1575 : i32 to index
      %swap3A_1577 = arith.constant 176 : index
      %swap3A_1578 = tpu.vector_load %arg7[%swap3A_1576, %swap3A_1577] {strides = array<i32>} : memref<8x256xf32, #tpu.memory_space<vmem>>, vector<1x16xf32>,
      %swap3A_1579 = vector.shape_cast %swap3A_1578 : vector<1x16xf32> to vector<16xf32>
      %swap3A_1580 = vector.shape_cast %add3A_1574 : vector<16xf32> to vector<1x16xf32>
      tpu.vector_store %arg7[%swap3A_1576, %swap3A_1577], %swap3A_1580 {strides = array<i32>} : memref<8x256xf32, #tpu.memory_space<vmem>>, vector<1x16xf32>,
      %get3A_1581 = arith.constant 5 : i32
      %get3A_1582 = arith.index_cast %get3A_1581 : i32 to index
      %get3A_1583 = arith.constant 192 : index
      %get3A_1584 = tpu.vector_load %arg5[%get3A_1582, %get3A_1583] {strides = array<i32>} : memref<8x256xf32, #tpu.memory_space<vmem>>, vector<1x16xf32>,
      %get3A_1585 = vector.shape_cast %get3A_1584 : vector<1x16xf32> to vector<16xf32>
      %get3A_1586 = arith.constant 5 : i32
      %get3A_1587 = arith.index_cast %get3A_1586 : i32 to index
      %get3A_1588 = arith.constant 192 : index
      %get3A_1589 = tpu.vector_load %arg6[%get3A_1587, %get3A_1588] {strides = array<i32>} : memref<8x256xf32, #tpu.memory_space<vmem>>, vector<1x16xf32>,
      %get3A_1590 = vector.shape_cast %get3A_1589 : vector<1x16xf32> to vector<16xf32>
      %add3A_1591 = arith.addf %get3A_1585, %get3A_1590 : vector<16xf32>
      %swap3A_1592 = arith.constant 5 : i32
      %swap3A_1593 = arith.index_cast %swap3A_1592 : i32 to index
      %swap3A_1594 = arith.constant 192 : index
      %swap3A_1595 = tpu.vector_load %arg7[%swap3A_1593, %swap3A_1594] {strides = array<i32>} : memref<8x256xf32, #tpu.memory_space<vmem>>, vector<1x16xf32>,
      %swap3A_1596 = vector.shape_cast %swap3A_1595 : vector<1x16xf32> to vector<16xf32>
      %swap3A_1597 = vector.shape_cast %add3A_1591 : vector<16xf32> to vector<1x16xf32>
      tpu.vector_store %arg7[%swap3A_1593, %swap3A_1594], %swap3A_1597 {strides = array<i32>} : memref<8x256xf32, #tpu.memory_space<vmem>>, vector<1x16xf32>,
      %get3A_1598 = arith.constant 5 : i32
      %get3A_1599 = arith.index_cast %get3A_1598 : i32 to index
      %get3A_1600 = arith.constant 208 : index
      %get3A_1601 = tpu.vector_load %arg5[%get3A_1599, %get3A_1600] {strides = array<i32>} : memref<8x256xf32, #tpu.memory_space<vmem>>, vector<1x16xf32>,
      %get3A_1602 = vector.shape_cast %get3A_1601 : vector<1x16xf32> to vector<16xf32>
      %get3A_1603 = arith.constant 5 : i32
      %get3A_1604 = arith.index_cast %get3A_1603 : i32 to index
      %get3A_1605 = arith.constant 208 : index
      %get3A_1606 = tpu.vector_load %arg6[%get3A_1604, %get3A_1605] {strides = array<i32>} : memref<8x256xf32, #tpu.memory_space<vmem>>, vector<1x16xf32>,
      %get3A_1607 = vector.shape_cast %get3A_1606 : vector<1x16xf32> to vector<16xf32>
      %add3A_1608 = arith.addf %get3A_1602, %get3A_1607 : vector<16xf32>
      %swap3A_1609 = arith.constant 5 : i32
      %swap3A_1610 = arith.index_cast %swap3A_1609 : i32 to index
      %swap3A_1611 = arith.constant 208 : index
      %swap3A_1612 = tpu.vector_load %arg7[%swap3A_1610, %swap3A_1611] {strides = array<i32>} : memref<8x256xf32, #tpu.memory_space<vmem>>, vector<1x16xf32>,
      %swap3A_1613 = vector.shape_cast %swap3A_1612 : vector<1x16xf32> to vector<16xf32>
      %swap3A_1614 = vector.shape_cast %add3A_1608 : vector<16xf32> to vector<1x16xf32>
      tpu.vector_store %arg7[%swap3A_1610, %swap3A_1611], %swap3A_1614 {strides = array<i32>} : memref<8x256xf32, #tpu.memory_space<vmem>>, vector<1x16xf32>,
      %get3A_1615 = arith.constant 5 : i32
      %get3A_1616 = arith.index_cast %get3A_1615 : i32 to index
      %get3A_1617 = arith.constant 224 : index
      %get3A_1618 = tpu.vector_load %arg5[%get3A_1616, %get3A_1617] {strides = array<i32>} : memref<8x256xf32, #tpu.memory_space<vmem>>, vector<1x16xf32>,
      %get3A_1619 = vector.shape_cast %get3A_1618 : vector<1x16xf32> to vector<16xf32>
      %get3A_1620 = arith.constant 5 : i32
      %get3A_1621 = arith.index_cast %get3A_1620 : i32 to index
      %get3A_1622 = arith.constant 224 : index
      %get3A_1623 = tpu.vector_load %arg6[%get3A_1621, %get3A_1622] {strides = array<i32>} : memref<8x256xf32, #tpu.memory_space<vmem>>, vector<1x16xf32>,
      %get3A_1624 = vector.shape_cast %get3A_1623 : vector<1x16xf32> to vector<16xf32>
      %add3A_1625 = arith.addf %get3A_1619, %get3A_1624 : vector<16xf32>
      %swap3A_1626 = arith.constant 5 : i32
      %swap3A_1627 = arith.index_cast %swap3A_1626 : i32 to index
      %swap3A_1628 = arith.constant 224 : index
      %swap3A_1629 = tpu.vector_load %arg7[%swap3A_1627, %swap3A_1628] {strides = array<i32>} : memref<8x256xf32, #tpu.memory_space<vmem>>, vector<1x16xf32>,
      %swap3A_1630 = vector.shape_cast %swap3A_1629 : vector<1x16xf32> to vector<16xf32>
      %swap3A_1631 = vector.shape_cast %add3A_1625 : vector<16xf32> to vector<1x16xf32>
      tpu.vector_store %arg7[%swap3A_1627, %swap3A_1628], %swap3A_1631 {strides = array<i32>} : memref<8x256xf32, #tpu.memory_space<vmem>>, vector<1x16xf32>,
      %get3A_1632 = arith.constant 5 : i32
      %get3A_1633 = arith.index_cast %get3A_1632 : i32 to index
      %get3A_1634 = arith.constant 240 : index
      %get3A_1635 = tpu.vector_load %arg5[%get3A_1633, %get3A_1634] {strides = array<i32>} : memref<8x256xf32, #tpu.memory_space<vmem>>, vector<1x16xf32>,
      %get3A_1636 = vector.shape_cast %get3A_1635 : vector<1x16xf32> to vector<16xf32>
      %get3A_1637 = arith.constant 5 : i32
      %get3A_1638 = arith.index_cast %get3A_1637 : i32 to index
      %get3A_1639 = arith.constant 240 : index
      %get3A_1640 = tpu.vector_load %arg6[%get3A_1638, %get3A_1639] {strides = array<i32>} : memref<8x256xf32, #tpu.memory_space<vmem>>, vector<1x16xf32>,
      %get3A_1641 = vector.shape_cast %get3A_1640 : vector<1x16xf32> to vector<16xf32>
      %add3A_1642 = arith.addf %get3A_1636, %get3A_1641 : vector<16xf32>
      %swap3A_1643 = arith.constant 5 : i32
      %swap3A_1644 = arith.index_cast %swap3A_1643 : i32 to index
      %swap3A_1645 = arith.constant 240 : index
      %swap3A_1646 = tpu.vector_load %arg7[%swap3A_1644, %swap3A_1645] {strides = array<i32>} : memref<8x256xf32, #tpu.memory_space<vmem>>, vector<1x16xf32>,
      %swap3A_1647 = vector.shape_cast %swap3A_1646 : vector<1x16xf32> to vector<16xf32>
      %swap3A_1648 = vector.shape_cast %add3A_1642 : vector<16xf32> to vector<1x16xf32>
      tpu.vector_store %arg7[%swap3A_1644, %swap3A_1645], %swap3A_1648 {strides = array<i32>} : memref<8x256xf32, #tpu.memory_space<vmem>>, vector<1x16xf32>,
      %get3A_1649 = arith.constant 6 : i32
      %get3A_1650 = arith.index_cast %get3A_1649 : i32 to index
      %get3A_1651 = arith.constant 0 : index
      %get3A_1652 = tpu.vector_load %arg5[%get3A_1650, %get3A_1651] {strides = array<i32>} : memref<8x256xf32, #tpu.memory_space<vmem>>, vector<1x16xf32>,
      %get3A_1653 = vector.shape_cast %get3A_1652 : vector<1x16xf32> to vector<16xf32>
      %get3A_1654 = arith.constant 6 : i32
      %get3A_1655 = arith.index_cast %get3A_1654 : i32 to index
      %get3A_1656 = arith.constant 0 : index
      %get3A_1657 = tpu.vector_load %arg6[%get3A_1655, %get3A_1656] {strides = array<i32>} : memref<8x256xf32, #tpu.memory_space<vmem>>, vector<1x16xf32>,
      %get3A_1658 = vector.shape_cast %get3A_1657 : vector<1x16xf32> to vector<16xf32>
      %add3A_1659 = arith.addf %get3A_1653, %get3A_1658 : vector<16xf32>
      %swap3A_1660 = arith.constant 6 : i32
      %swap3A_1661 = arith.index_cast %swap3A_1660 : i32 to index
      %swap3A_1662 = arith.constant 0 : index
      %swap3A_1663 = tpu.vector_load %arg7[%swap3A_1661, %swap3A_1662] {strides = array<i32>} : memref<8x256xf32, #tpu.memory_space<vmem>>, vector<1x16xf32>,
      %swap3A_1664 = vector.shape_cast %swap3A_1663 : vector<1x16xf32> to vector<16xf32>
      %swap3A_1665 = vector.shape_cast %add3A_1659 : vector<16xf32> to vector<1x16xf32>
      tpu.vector_store %arg7[%swap3A_1661, %swap3A_1662], %swap3A_1665 {strides = array<i32>} : memref<8x256xf32, #tpu.memory_space<vmem>>, vector<1x16xf32>,
      %get3A_1666 = arith.constant 6 : i32
      %get3A_1667 = arith.index_cast %get3A_1666 : i32 to index
      %get3A_1668 = arith.constant 16 : index
      %get3A_1669 = tpu.vector_load %arg5[%get3A_1667, %get3A_1668] {strides = array<i32>} : memref<8x256xf32, #tpu.memory_space<vmem>>, vector<1x16xf32>,
      %get3A_1670 = vector.shape_cast %get3A_1669 : vector<1x16xf32> to vector<16xf32>
      %get3A_1671 = arith.constant 6 : i32
      %get3A_1672 = arith.index_cast %get3A_1671 : i32 to index
      %get3A_1673 = arith.constant 16 : index
      %get3A_1674 = tpu.vector_load %arg6[%get3A_1672, %get3A_1673] {strides = array<i32>} : memref<8x256xf32, #tpu.memory_space<vmem>>, vector<1x16xf32>,
      %get3A_1675 = vector.shape_cast %get3A_1674 : vector<1x16xf32> to vector<16xf32>
      %add3A_1676 = arith.addf %get3A_1670, %get3A_1675 : vector<16xf32>
      %swap3A_1677 = arith.constant 6 : i32
      %swap3A_1678 = arith.index_cast %swap3A_1677 : i32 to index
      %swap3A_1679 = arith.constant 16 : index
      %swap3A_1680 = tpu.vector_load %arg7[%swap3A_1678, %swap3A_1679] {strides = array<i32>} : memref<8x256xf32, #tpu.memory_space<vmem>>, vector<1x16xf32>,
      %swap3A_1681 = vector.shape_cast %swap3A_1680 : vector<1x16xf32> to vector<16xf32>
      %swap3A_1682 = vector.shape_cast %add3A_1676 : vector<16xf32> to vector<1x16xf32>
      tpu.vector_store %arg7[%swap3A_1678, %swap3A_1679], %swap3A_1682 {strides = array<i32>} : memref<8x256xf32, #tpu.memory_space<vmem>>, vector<1x16xf32>,
      %get3A_1683 = arith.constant 6 : i32
      %get3A_1684 = arith.index_cast %get3A_1683 : i32 to index
      %get3A_1685 = arith.constant 32 : index
      %get3A_1686 = tpu.vector_load %arg5[%get3A_1684, %get3A_1685] {strides = array<i32>} : memref<8x256xf32, #tpu.memory_space<vmem>>, vector<1x16xf32>,
      %get3A_1687 = vector.shape_cast %get3A_1686 : vector<1x16xf32> to vector<16xf32>
      %get3A_1688 = arith.constant 6 : i32
      %get3A_1689 = arith.index_cast %get3A_1688 : i32 to index
      %get3A_1690 = arith.constant 32 : index
      %get3A_1691 = tpu.vector_load %arg6[%get3A_1689, %get3A_1690] {strides = array<i32>} : memref<8x256xf32, #tpu.memory_space<vmem>>, vector<1x16xf32>,
      %get3A_1692 = vector.shape_cast %get3A_1691 : vector<1x16xf32> to vector<16xf32>
      %add3A_1693 = arith.addf %get3A_1687, %get3A_1692 : vector<16xf32>
      %swap3A_1694 = arith.constant 6 : i32
      %swap3A_1695 = arith.index_cast %swap3A_1694 : i32 to index
      %swap3A_1696 = arith.constant 32 : index
      %swap3A_1697 = tpu.vector_load %arg7[%swap3A_1695, %swap3A_1696] {strides = array<i32>} : memref<8x256xf32, #tpu.memory_space<vmem>>, vector<1x16xf32>,
      %swap3A_1698 = vector.shape_cast %swap3A_1697 : vector<1x16xf32> to vector<16xf32>
      %swap3A_1699 = vector.shape_cast %add3A_1693 : vector<16xf32> to vector<1x16xf32>
      tpu.vector_store %arg7[%swap3A_1695, %swap3A_1696], %swap3A_1699 {strides = array<i32>} : memref<8x256xf32, #tpu.memory_space<vmem>>, vector<1x16xf32>,
      %get3A_1700 = arith.constant 6 : i32
      %get3A_1701 = arith.index_cast %get3A_1700 : i32 to index
      %get3A_1702 = arith.constant 48 : index
      %get3A_1703 = tpu.vector_load %arg5[%get3A_1701, %get3A_1702] {strides = array<i32>} : memref<8x256xf32, #tpu.memory_space<vmem>>, vector<1x16xf32>,
      %get3A_1704 = vector.shape_cast %get3A_1703 : vector<1x16xf32> to vector<16xf32>
      %get3A_1705 = arith.constant 6 : i32
      %get3A_1706 = arith.index_cast %get3A_1705 : i32 to index
      %get3A_1707 = arith.constant 48 : index
      %get3A_1708 = tpu.vector_load %arg6[%get3A_1706, %get3A_1707] {strides = array<i32>} : memref<8x256xf32, #tpu.memory_space<vmem>>, vector<1x16xf32>,
      %get3A_1709 = vector.shape_cast %get3A_1708 : vector<1x16xf32> to vector<16xf32>
      %add3A_1710 = arith.addf %get3A_1704, %get3A_1709 : vector<16xf32>
      %swap3A_1711 = arith.constant 6 : i32
      %swap3A_1712 = arith.index_cast %swap3A_1711 : i32 to index
      %swap3A_1713 = arith.constant 48 : index
      %swap3A_1714 = tpu.vector_load %arg7[%swap3A_1712, %swap3A_1713] {strides = array<i32>} : memref<8x256xf32, #tpu.memory_space<vmem>>, vector<1x16xf32>,
      %swap3A_1715 = vector.shape_cast %swap3A_1714 : vector<1x16xf32> to vector<16xf32>
      %swap3A_1716 = vector.shape_cast %add3A_1710 : vector<16xf32> to vector<1x16xf32>
      tpu.vector_store %arg7[%swap3A_1712, %swap3A_1713], %swap3A_1716 {strides = array<i32>} : memref<8x256xf32, #tpu.memory_space<vmem>>, vector<1x16xf32>,
      %get3A_1717 = arith.constant 6 : i32
      %get3A_1718 = arith.index_cast %get3A_1717 : i32 to index
      %get3A_1719 = arith.constant 64 : index
      %get3A_1720 = tpu.vector_load %arg5[%get3A_1718, %get3A_1719] {strides = array<i32>} : memref<8x256xf32, #tpu.memory_space<vmem>>, vector<1x16xf32>,
      %get3A_1721 = vector.shape_cast %get3A_1720 : vector<1x16xf32> to vector<16xf32>
      %get3A_1722 = arith.constant 6 : i32
      %get3A_1723 = arith.index_cast %get3A_1722 : i32 to index
      %get3A_1724 = arith.constant 64 : index
      %get3A_1725 = tpu.vector_load %arg6[%get3A_1723, %get3A_1724] {strides = array<i32>} : memref<8x256xf32, #tpu.memory_space<vmem>>, vector<1x16xf32>,
      %get3A_1726 = vector.shape_cast %get3A_1725 : vector<1x16xf32> to vector<16xf32>
      %add3A_1727 = arith.addf %get3A_1721, %get3A_1726 : vector<16xf32>
      %swap3A_1728 = arith.constant 6 : i32
      %swap3A_1729 = arith.index_cast %swap3A_1728 : i32 to index
      %swap3A_1730 = arith.constant 64 : index
      %swap3A_1731 = tpu.vector_load %arg7[%swap3A_1729, %swap3A_1730] {strides = array<i32>} : memref<8x256xf32, #tpu.memory_space<vmem>>, vector<1x16xf32>,
      %swap3A_1732 = vector.shape_cast %swap3A_1731 : vector<1x16xf32> to vector<16xf32>
      %swap3A_1733 = vector.shape_cast %add3A_1727 : vector<16xf32> to vector<1x16xf32>
      tpu.vector_store %arg7[%swap3A_1729, %swap3A_1730], %swap3A_1733 {strides = array<i32>} : memref<8x256xf32, #tpu.memory_space<vmem>>, vector<1x16xf32>,
      %get3A_1734 = arith.constant 6 : i32
      %get3A_1735 = arith.index_cast %get3A_1734 : i32 to index
      %get3A_1736 = arith.constant 80 : index
      %get3A_1737 = tpu.vector_load %arg5[%get3A_1735, %get3A_1736] {strides = array<i32>} : memref<8x256xf32, #tpu.memory_space<vmem>>, vector<1x16xf32>,
      %get3A_1738 = vector.shape_cast %get3A_1737 : vector<1x16xf32> to vector<16xf32>
      %get3A_1739 = arith.constant 6 : i32
      %get3A_1740 = arith.index_cast %get3A_1739 : i32 to index
      %get3A_1741 = arith.constant 80 : index
      %get3A_1742 = tpu.vector_load %arg6[%get3A_1740, %get3A_1741] {strides = array<i32>} : memref<8x256xf32, #tpu.memory_space<vmem>>, vector<1x16xf32>,
      %get3A_1743 = vector.shape_cast %get3A_1742 : vector<1x16xf32> to vector<16xf32>
      %add3A_1744 = arith.addf %get3A_1738, %get3A_1743 : vector<16xf32>
      %swap3A_1745 = arith.constant 6 : i32
      %swap3A_1746 = arith.index_cast %swap3A_1745 : i32 to index
      %swap3A_1747 = arith.constant 80 : index
      %swap3A_1748 = tpu.vector_load %arg7[%swap3A_1746, %swap3A_1747] {strides = array<i32>} : memref<8x256xf32, #tpu.memory_space<vmem>>, vector<1x16xf32>,
      %swap3A_1749 = vector.shape_cast %swap3A_1748 : vector<1x16xf32> to vector<16xf32>
      %swap3A_1750 = vector.shape_cast %add3A_1744 : vector<16xf32> to vector<1x16xf32>
      tpu.vector_store %arg7[%swap3A_1746, %swap3A_1747], %swap3A_1750 {strides = array<i32>} : memref<8x256xf32, #tpu.memory_space<vmem>>, vector<1x16xf32>,
      %get3A_1751 = arith.constant 6 : i32
      %get3A_1752 = arith.index_cast %get3A_1751 : i32 to index
      %get3A_1753 = arith.constant 96 : index
      %get3A_1754 = tpu.vector_load %arg5[%get3A_1752, %get3A_1753] {strides = array<i32>} : memref<8x256xf32, #tpu.memory_space<vmem>>, vector<1x16xf32>,
      %get3A_1755 = vector.shape_cast %get3A_1754 : vector<1x16xf32> to vector<16xf32>
      %get3A_1756 = arith.constant 6 : i32
      %get3A_1757 = arith.index_cast %get3A_1756 : i32 to index
      %get3A_1758 = arith.constant 96 : index
      %get3A_1759 = tpu.vector_load %arg6[%get3A_1757, %get3A_1758] {strides = array<i32>} : memref<8x256xf32, #tpu.memory_space<vmem>>, vector<1x16xf32>,
      %get3A_1760 = vector.shape_cast %get3A_1759 : vector<1x16xf32> to vector<16xf32>
      %add3A_1761 = arith.addf %get3A_1755, %get3A_1760 : vector<16xf32>
      %swap3A_1762 = arith.constant 6 : i32
      %swap3A_1763 = arith.index_cast %swap3A_1762 : i32 to index
      %swap3A_1764 = arith.constant 96 : index
      %swap3A_1765 = tpu.vector_load %arg7[%swap3A_1763, %swap3A_1764] {strides = array<i32>} : memref<8x256xf32, #tpu.memory_space<vmem>>, vector<1x16xf32>,
      %swap3A_1766 = vector.shape_cast %swap3A_1765 : vector<1x16xf32> to vector<16xf32>
      %swap3A_1767 = vector.shape_cast %add3A_1761 : vector<16xf32> to vector<1x16xf32>
      tpu.vector_store %arg7[%swap3A_1763, %swap3A_1764], %swap3A_1767 {strides = array<i32>} : memref<8x256xf32, #tpu.memory_space<vmem>>, vector<1x16xf32>,
      %get3A_1768 = arith.constant 6 : i32
      %get3A_1769 = arith.index_cast %get3A_1768 : i32 to index
      %get3A_1770 = arith.constant 112 : index
      %get3A_1771 = tpu.vector_load %arg5[%get3A_1769, %get3A_1770] {strides = array<i32>} : memref<8x256xf32, #tpu.memory_space<vmem>>, vector<1x16xf32>,
      %get3A_1772 = vector.shape_cast %get3A_1771 : vector<1x16xf32> to vector<16xf32>
      %get3A_1773 = arith.constant 6 : i32
      %get3A_1774 = arith.index_cast %get3A_1773 : i32 to index
      %get3A_1775 = arith.constant 112 : index
      %get3A_1776 = tpu.vector_load %arg6[%get3A_1774, %get3A_1775] {strides = array<i32>} : memref<8x256xf32, #tpu.memory_space<vmem>>, vector<1x16xf32>,
      %get3A_1777 = vector.shape_cast %get3A_1776 : vector<1x16xf32> to vector<16xf32>
      %add3A_1778 = arith.addf %get3A_1772, %get3A_1777 : vector<16xf32>
      %swap3A_1779 = arith.constant 6 : i32
      %swap3A_1780 = arith.index_cast %swap3A_1779 : i32 to index
      %swap3A_1781 = arith.constant 112 : index
      %swap3A_1782 = tpu.vector_load %arg7[%swap3A_1780, %swap3A_1781] {strides = array<i32>} : memref<8x256xf32, #tpu.memory_space<vmem>>, vector<1x16xf32>,
      %swap3A_1783 = vector.shape_cast %swap3A_1782 : vector<1x16xf32> to vector<16xf32>
      %swap3A_1784 = vector.shape_cast %add3A_1778 : vector<16xf32> to vector<1x16xf32>
      tpu.vector_store %arg7[%swap3A_1780, %swap3A_1781], %swap3A_1784 {strides = array<i32>} : memref<8x256xf32, #tpu.memory_space<vmem>>, vector<1x16xf32>,
      %get3A_1785 = arith.constant 6 : i32
      %get3A_1786 = arith.index_cast %get3A_1785 : i32 to index
      %get3A_1787 = arith.constant 128 : index
      %get3A_1788 = tpu.vector_load %arg5[%get3A_1786, %get3A_1787] {strides = array<i32>} : memref<8x256xf32, #tpu.memory_space<vmem>>, vector<1x16xf32>,
      %get3A_1789 = vector.shape_cast %get3A_1788 : vector<1x16xf32> to vector<16xf32>
      %get3A_1790 = arith.constant 6 : i32
      %get3A_1791 = arith.index_cast %get3A_1790 : i32 to index
      %get3A_1792 = arith.constant 128 : index
      %get3A_1793 = tpu.vector_load %arg6[%get3A_1791, %get3A_1792] {strides = array<i32>} : memref<8x256xf32, #tpu.memory_space<vmem>>, vector<1x16xf32>,
      %get3A_1794 = vector.shape_cast %get3A_1793 : vector<1x16xf32> to vector<16xf32>
      %add3A_1795 = arith.addf %get3A_1789, %get3A_1794 : vector<16xf32>
      %swap3A_1796 = arith.constant 6 : i32
      %swap3A_1797 = arith.index_cast %swap3A_1796 : i32 to index
      %swap3A_1798 = arith.constant 128 : index
      %swap3A_1799 = tpu.vector_load %arg7[%swap3A_1797, %swap3A_1798] {strides = array<i32>} : memref<8x256xf32, #tpu.memory_space<vmem>>, vector<1x16xf32>,
      %swap3A_1800 = vector.shape_cast %swap3A_1799 : vector<1x16xf32> to vector<16xf32>
      %swap3A_1801 = vector.shape_cast %add3A_1795 : vector<16xf32> to vector<1x16xf32>
      tpu.vector_store %arg7[%swap3A_1797, %swap3A_1798], %swap3A_1801 {strides = array<i32>} : memref<8x256xf32, #tpu.memory_space<vmem>>, vector<1x16xf32>,
      %get3A_1802 = arith.constant 6 : i32
      %get3A_1803 = arith.index_cast %get3A_1802 : i32 to index
      %get3A_1804 = arith.constant 144 : index
      %get3A_1805 = tpu.vector_load %arg5[%get3A_1803, %get3A_1804] {strides = array<i32>} : memref<8x256xf32, #tpu.memory_space<vmem>>, vector<1x16xf32>,
      %get3A_1806 = vector.shape_cast %get3A_1805 : vector<1x16xf32> to vector<16xf32>
      %get3A_1807 = arith.constant 6 : i32
      %get3A_1808 = arith.index_cast %get3A_1807 : i32 to index
      %get3A_1809 = arith.constant 144 : index
      %get3A_1810 = tpu.vector_load %arg6[%get3A_1808, %get3A_1809] {strides = array<i32>} : memref<8x256xf32, #tpu.memory_space<vmem>>, vector<1x16xf32>,
      %get3A_1811 = vector.shape_cast %get3A_1810 : vector<1x16xf32> to vector<16xf32>
      %add3A_1812 = arith.addf %get3A_1806, %get3A_1811 : vector<16xf32>
      %swap3A_1813 = arith.constant 6 : i32
      %swap3A_1814 = arith.index_cast %swap3A_1813 : i32 to index
      %swap3A_1815 = arith.constant 144 : index
      %swap3A_1816 = tpu.vector_load %arg7[%swap3A_1814, %swap3A_1815] {strides = array<i32>} : memref<8x256xf32, #tpu.memory_space<vmem>>, vector<1x16xf32>,
      %swap3A_1817 = vector.shape_cast %swap3A_1816 : vector<1x16xf32> to vector<16xf32>
      %swap3A_1818 = vector.shape_cast %add3A_1812 : vector<16xf32> to vector<1x16xf32>
      tpu.vector_store %arg7[%swap3A_1814, %swap3A_1815], %swap3A_1818 {strides = array<i32>} : memref<8x256xf32, #tpu.memory_space<vmem>>, vector<1x16xf32>,
      %get3A_1819 = arith.constant 6 : i32
      %get3A_1820 = arith.index_cast %get3A_1819 : i32 to index
      %get3A_1821 = arith.constant 160 : index
      %get3A_1822 = tpu.vector_load %arg5[%get3A_1820, %get3A_1821] {strides = array<i32>} : memref<8x256xf32, #tpu.memory_space<vmem>>, vector<1x16xf32>,
      %get3A_1823 = vector.shape_cast %get3A_1822 : vector<1x16xf32> to vector<16xf32>
      %get3A_1824 = arith.constant 6 : i32
      %get3A_1825 = arith.index_cast %get3A_1824 : i32 to index
      %get3A_1826 = arith.constant 160 : index
      %get3A_1827 = tpu.vector_load %arg6[%get3A_1825, %get3A_1826] {strides = array<i32>} : memref<8x256xf32, #tpu.memory_space<vmem>>, vector<1x16xf32>,
      %get3A_1828 = vector.shape_cast %get3A_1827 : vector<1x16xf32> to vector<16xf32>
      %add3A_1829 = arith.addf %get3A_1823, %get3A_1828 : vector<16xf32>
      %swap3A_1830 = arith.constant 6 : i32
      %swap3A_1831 = arith.index_cast %swap3A_1830 : i32 to index
      %swap3A_1832 = arith.constant 160 : index
      %swap3A_1833 = tpu.vector_load %arg7[%swap3A_1831, %swap3A_1832] {strides = array<i32>} : memref<8x256xf32, #tpu.memory_space<vmem>>, vector<1x16xf32>,
      %swap3A_1834 = vector.shape_cast %swap3A_1833 : vector<1x16xf32> to vector<16xf32>
      %swap3A_1835 = vector.shape_cast %add3A_1829 : vector<16xf32> to vector<1x16xf32>
      tpu.vector_store %arg7[%swap3A_1831, %swap3A_1832], %swap3A_1835 {strides = array<i32>} : memref<8x256xf32, #tpu.memory_space<vmem>>, vector<1x16xf32>,
      %get3A_1836 = arith.constant 6 : i32
      %get3A_1837 = arith.index_cast %get3A_1836 : i32 to index
      %get3A_1838 = arith.constant 176 : index
      %get3A_1839 = tpu.vector_load %arg5[%get3A_1837, %get3A_1838] {strides = array<i32>} : memref<8x256xf32, #tpu.memory_space<vmem>>, vector<1x16xf32>,
      %get3A_1840 = vector.shape_cast %get3A_1839 : vector<1x16xf32> to vector<16xf32>
      %get3A_1841 = arith.constant 6 : i32
      %get3A_1842 = arith.index_cast %get3A_1841 : i32 to index
      %get3A_1843 = arith.constant 176 : index
      %get3A_1844 = tpu.vector_load %arg6[%get3A_1842, %get3A_1843] {strides = array<i32>} : memref<8x256xf32, #tpu.memory_space<vmem>>, vector<1x16xf32>,
      %get3A_1845 = vector.shape_cast %get3A_1844 : vector<1x16xf32> to vector<16xf32>
      %add3A_1846 = arith.addf %get3A_1840, %get3A_1845 : vector<16xf32>
      %swap3A_1847 = arith.constant 6 : i32
      %swap3A_1848 = arith.index_cast %swap3A_1847 : i32 to index
      %swap3A_1849 = arith.constant 176 : index
      %swap3A_1850 = tpu.vector_load %arg7[%swap3A_1848, %swap3A_1849] {strides = array<i32>} : memref<8x256xf32, #tpu.memory_space<vmem>>, vector<1x16xf32>,
      %swap3A_1851 = vector.shape_cast %swap3A_1850 : vector<1x16xf32> to vector<16xf32>
      %swap3A_1852 = vector.shape_cast %add3A_1846 : vector<16xf32> to vector<1x16xf32>
      tpu.vector_store %arg7[%swap3A_1848, %swap3A_1849], %swap3A_1852 {strides = array<i32>} : memref<8x256xf32, #tpu.memory_space<vmem>>, vector<1x16xf32>,
      %get3A_1853 = arith.constant 6 : i32
      %get3A_1854 = arith.index_cast %get3A_1853 : i32 to index
      %get3A_1855 = arith.constant 192 : index
      %get3A_1856 = tpu.vector_load %arg5[%get3A_1854, %get3A_1855] {strides = array<i32>} : memref<8x256xf32, #tpu.memory_space<vmem>>, vector<1x16xf32>,
      %get3A_1857 = vector.shape_cast %get3A_1856 : vector<1x16xf32> to vector<16xf32>
      %get3A_1858 = arith.constant 6 : i32
      %get3A_1859 = arith.index_cast %get3A_1858 : i32 to index
      %get3A_1860 = arith.constant 192 : index
      %get3A_1861 = tpu.vector_load %arg6[%get3A_1859, %get3A_1860] {strides = array<i32>} : memref<8x256xf32, #tpu.memory_space<vmem>>, vector<1x16xf32>,
      %get3A_1862 = vector.shape_cast %get3A_1861 : vector<1x16xf32> to vector<16xf32>
      %add3A_1863 = arith.addf %get3A_1857, %get3A_1862 : vector<16xf32>
      %swap3A_1864 = arith.constant 6 : i32
      %swap3A_1865 = arith.index_cast %swap3A_1864 : i32 to index
      %swap3A_1866 = arith.constant 192 : index
      %swap3A_1867 = tpu.vector_load %arg7[%swap3A_1865, %swap3A_1866] {strides = array<i32>} : memref<8x256xf32, #tpu.memory_space<vmem>>, vector<1x16xf32>,
      %swap3A_1868 = vector.shape_cast %swap3A_1867 : vector<1x16xf32> to vector<16xf32>
      %swap3A_1869 = vector.shape_cast %add3A_1863 : vector<16xf32> to vector<1x16xf32>
      tpu.vector_store %arg7[%swap3A_1865, %swap3A_1866], %swap3A_1869 {strides = array<i32>} : memref<8x256xf32, #tpu.memory_space<vmem>>, vector<1x16xf32>,
      %get3A_1870 = arith.constant 6 : i32
      %get3A_1871 = arith.index_cast %get3A_1870 : i32 to index
      %get3A_1872 = arith.constant 208 : index
      %get3A_1873 = tpu.vector_load %arg5[%get3A_1871, %get3A_1872] {strides = array<i32>} : memref<8x256xf32, #tpu.memory_space<vmem>>, vector<1x16xf32>,
      %get3A_1874 = vector.shape_cast %get3A_1873 : vector<1x16xf32> to vector<16xf32>
      %get3A_1875 = arith.constant 6 : i32
      %get3A_1876 = arith.index_cast %get3A_1875 : i32 to index
      %get3A_1877 = arith.constant 208 : index
      %get3A_1878 = tpu.vector_load %arg6[%get3A_1876, %get3A_1877] {strides = array<i32>} : memref<8x256xf32, #tpu.memory_space<vmem>>, vector<1x16xf32>,
      %get3A_1879 = vector.shape_cast %get3A_1878 : vector<1x16xf32> to vector<16xf32>
      %add3A_1880 = arith.addf %get3A_1874, %get3A_1879 : vector<16xf32>
      %swap3A_1881 = arith.constant 6 : i32
      %swap3A_1882 = arith.index_cast %swap3A_1881 : i32 to index
      %swap3A_1883 = arith.constant 208 : index
      %swap3A_1884 = tpu.vector_load %arg7[%swap3A_1882, %swap3A_1883] {strides = array<i32>} : memref<8x256xf32, #tpu.memory_space<vmem>>, vector<1x16xf32>,
      %swap3A_1885 = vector.shape_cast %swap3A_1884 : vector<1x16xf32> to vector<16xf32>
      %swap3A_1886 = vector.shape_cast %add3A_1880 : vector<16xf32> to vector<1x16xf32>
      tpu.vector_store %arg7[%swap3A_1882, %swap3A_1883], %swap3A_1886 {strides = array<i32>} : memref<8x256xf32, #tpu.memory_space<vmem>>, vector<1x16xf32>,
      %get3A_1887 = arith.constant 6 : i32
      %get3A_1888 = arith.index_cast %get3A_1887 : i32 to index
      %get3A_1889 = arith.constant 224 : index
      %get3A_1890 = tpu.vector_load %arg5[%get3A_1888, %get3A_1889] {strides = array<i32>} : memref<8x256xf32, #tpu.memory_space<vmem>>, vector<1x16xf32>,
      %get3A_1891 = vector.shape_cast %get3A_1890 : vector<1x16xf32> to vector<16xf32>
      %get3A_1892 = arith.constant 6 : i32
      %get3A_1893 = arith.index_cast %get3A_1892 : i32 to index
      %get3A_1894 = arith.constant 224 : index
      %get3A_1895 = tpu.vector_load %arg6[%get3A_1893, %get3A_1894] {strides = array<i32>} : memref<8x256xf32, #tpu.memory_space<vmem>>, vector<1x16xf32>,
      %get3A_1896 = vector.shape_cast %get3A_1895 : vector<1x16xf32> to vector<16xf32>
      %add3A_1897 = arith.addf %get3A_1891, %get3A_1896 : vector<16xf32>
      %swap3A_1898 = arith.constant 6 : i32
      %swap3A_1899 = arith.index_cast %swap3A_1898 : i32 to index
      %swap3A_1900 = arith.constant 224 : index
      %swap3A_1901 = tpu.vector_load %arg7[%swap3A_1899, %swap3A_1900] {strides = array<i32>} : memref<8x256xf32, #tpu.memory_space<vmem>>, vector<1x16xf32>,
      %swap3A_1902 = vector.shape_cast %swap3A_1901 : vector<1x16xf32> to vector<16xf32>
      %swap3A_1903 = vector.shape_cast %add3A_1897 : vector<16xf32> to vector<1x16xf32>
      tpu.vector_store %arg7[%swap3A_1899, %swap3A_1900], %swap3A_1903 {strides = array<i32>} : memref<8x256xf32, #tpu.memory_space<vmem>>, vector<1x16xf32>,
      %get3A_1904 = arith.constant 6 : i32
      %get3A_1905 = arith.index_cast %get3A_1904 : i32 to index
      %get3A_1906 = arith.constant 240 : index
      %get3A_1907 = tpu.vector_load %arg5[%get3A_1905, %get3A_1906] {strides = array<i32>} : memref<8x256xf32, #tpu.memory_space<vmem>>, vector<1x16xf32>,
      %get3A_1908 = vector.shape_cast %get3A_1907 : vector<1x16xf32> to vector<16xf32>
      %get3A_1909 = arith.constant 6 : i32
      %get3A_1910 = arith.index_cast %get3A_1909 : i32 to index
      %get3A_1911 = arith.constant 240 : index
      %get3A_1912 = tpu.vector_load %arg6[%get3A_1910, %get3A_1911] {strides = array<i32>} : memref<8x256xf32, #tpu.memory_space<vmem>>, vector<1x16xf32>,
      %get3A_1913 = vector.shape_cast %get3A_1912 : vector<1x16xf32> to vector<16xf32>
      %add3A_1914 = arith.addf %get3A_1908, %get3A_1913 : vector<16xf32>
      %swap3A_1915 = arith.constant 6 : i32
      %swap3A_1916 = arith.index_cast %swap3A_1915 : i32 to index
      %swap3A_1917 = arith.constant 240 : index
      %swap3A_1918 = tpu.vector_load %arg7[%swap3A_1916, %swap3A_1917] {strides = array<i32>} : memref<8x256xf32, #tpu.memory_space<vmem>>, vector<1x16xf32>,
      %swap3A_1919 = vector.shape_cast %swap3A_1918 : vector<1x16xf32> to vector<16xf32>
      %swap3A_1920 = vector.shape_cast %add3A_1914 : vector<16xf32> to vector<1x16xf32>
      tpu.vector_store %arg7[%swap3A_1916, %swap3A_1917], %swap3A_1920 {strides = array<i32>} : memref<8x256xf32, #tpu.memory_space<vmem>>, vector<1x16xf32>,
      %get3A_1921 = arith.constant 7 : i32
      %get3A_1922 = arith.index_cast %get3A_1921 : i32 to index
      %get3A_1923 = arith.constant 0 : index
      %get3A_1924 = tpu.vector_load %arg5[%get3A_1922, %get3A_1923] {strides = array<i32>} : memref<8x256xf32, #tpu.memory_space<vmem>>, vector<1x16xf32>,
      %get3A_1925 = vector.shape_cast %get3A_1924 : vector<1x16xf32> to vector<16xf32>
      %get3A_1926 = arith.constant 7 : i32
      %get3A_1927 = arith.index_cast %get3A_1926 : i32 to index
      %get3A_1928 = arith.constant 0 : index
      %get3A_1929 = tpu.vector_load %arg6[%get3A_1927, %get3A_1928] {strides = array<i32>} : memref<8x256xf32, #tpu.memory_space<vmem>>, vector<1x16xf32>,
      %get3A_1930 = vector.shape_cast %get3A_1929 : vector<1x16xf32> to vector<16xf32>
      %add3A_1931 = arith.addf %get3A_1925, %get3A_1930 : vector<16xf32>
      %swap3A_1932 = arith.constant 7 : i32
      %swap3A_1933 = arith.index_cast %swap3A_1932 : i32 to index
      %swap3A_1934 = arith.constant 0 : index
      %swap3A_1935 = tpu.vector_load %arg7[%swap3A_1933, %swap3A_1934] {strides = array<i32>} : memref<8x256xf32, #tpu.memory_space<vmem>>, vector<1x16xf32>,
      %swap3A_1936 = vector.shape_cast %swap3A_1935 : vector<1x16xf32> to vector<16xf32>
      %swap3A_1937 = vector.shape_cast %add3A_1931 : vector<16xf32> to vector<1x16xf32>
      tpu.vector_store %arg7[%swap3A_1933, %swap3A_1934], %swap3A_1937 {strides = array<i32>} : memref<8x256xf32, #tpu.memory_space<vmem>>, vector<1x16xf32>,
      %get3A_1938 = arith.constant 7 : i32
      %get3A_1939 = arith.index_cast %get3A_1938 : i32 to index
      %get3A_1940 = arith.constant 16 : index
      %get3A_1941 = tpu.vector_load %arg5[%get3A_1939, %get3A_1940] {strides = array<i32>} : memref<8x256xf32, #tpu.memory_space<vmem>>, vector<1x16xf32>,
      %get3A_1942 = vector.shape_cast %get3A_1941 : vector<1x16xf32> to vector<16xf32>
      %get3A_1943 = arith.constant 7 : i32
      %get3A_1944 = arith.index_cast %get3A_1943 : i32 to index
      %get3A_1945 = arith.constant 16 : index
      %get3A_1946 = tpu.vector_load %arg6[%get3A_1944, %get3A_1945] {strides = array<i32>} : memref<8x256xf32, #tpu.memory_space<vmem>>, vector<1x16xf32>,
      %get3A_1947 = vector.shape_cast %get3A_1946 : vector<1x16xf32> to vector<16xf32>
      %add3A_1948 = arith.addf %get3A_1942, %get3A_1947 : vector<16xf32>
      %swap3A_1949 = arith.constant 7 : i32
      %swap3A_1950 = arith.index_cast %swap3A_1949 : i32 to index
      %swap3A_1951 = arith.constant 16 : index
      %swap3A_1952 = tpu.vector_load %arg7[%swap3A_1950, %swap3A_1951] {strides = array<i32>} : memref<8x256xf32, #tpu.memory_space<vmem>>, vector<1x16xf32>,
      %swap3A_1953 = vector.shape_cast %swap3A_1952 : vector<1x16xf32> to vector<16xf32>
      %swap3A_1954 = vector.shape_cast %add3A_1948 : vector<16xf32> to vector<1x16xf32>
      tpu.vector_store %arg7[%swap3A_1950, %swap3A_1951], %swap3A_1954 {strides = array<i32>} : memref<8x256xf32, #tpu.memory_space<vmem>>, vector<1x16xf32>,
      %get3A_1955 = arith.constant 7 : i32
      %get3A_1956 = arith.index_cast %get3A_1955 : i32 to index
      %get3A_1957 = arith.constant 32 : index
      %get3A_1958 = tpu.vector_load %arg5[%get3A_1956, %get3A_1957] {strides = array<i32>} : memref<8x256xf32, #tpu.memory_space<vmem>>, vector<1x16xf32>,
      %get3A_1959 = vector.shape_cast %get3A_1958 : vector<1x16xf32> to vector<16xf32>
      %get3A_1960 = arith.constant 7 : i32
      %get3A_1961 = arith.index_cast %get3A_1960 : i32 to index
      %get3A_1962 = arith.constant 32 : index
      %get3A_1963 = tpu.vector_load %arg6[%get3A_1961, %get3A_1962] {strides = array<i32>} : memref<8x256xf32, #tpu.memory_space<vmem>>, vector<1x16xf32>,
      %get3A_1964 = vector.shape_cast %get3A_1963 : vector<1x16xf32> to vector<16xf32>
      %add3A_1965 = arith.addf %get3A_1959, %get3A_1964 : vector<16xf32>
      %swap3A_1966 = arith.constant 7 : i32
      %swap3A_1967 = arith.index_cast %swap3A_1966 : i32 to index
      %swap3A_1968 = arith.constant 32 : index
      %swap3A_1969 = tpu.vector_load %arg7[%swap3A_1967, %swap3A_1968] {strides = array<i32>} : memref<8x256xf32, #tpu.memory_space<vmem>>, vector<1x16xf32>,
      %swap3A_1970 = vector.shape_cast %swap3A_1969 : vector<1x16xf32> to vector<16xf32>
      %swap3A_1971 = vector.shape_cast %add3A_1965 : vector<16xf32> to vector<1x16xf32>
      tpu.vector_store %arg7[%swap3A_1967, %swap3A_1968], %swap3A_1971 {strides = array<i32>} : memref<8x256xf32, #tpu.memory_space<vmem>>, vector<1x16xf32>,
      %get3A_1972 = arith.constant 7 : i32
      %get3A_1973 = arith.index_cast %get3A_1972 : i32 to index
      %get3A_1974 = arith.constant 48 : index
      %get3A_1975 = tpu.vector_load %arg5[%get3A_1973, %get3A_1974] {strides = array<i32>} : memref<8x256xf32, #tpu.memory_space<vmem>>, vector<1x16xf32>,
      %get3A_1976 = vector.shape_cast %get3A_1975 : vector<1x16xf32> to vector<16xf32>
      %get3A_1977 = arith.constant 7 : i32
      %get3A_1978 = arith.index_cast %get3A_1977 : i32 to index
      %get3A_1979 = arith.constant 48 : index
      %get3A_1980 = tpu.vector_load %arg6[%get3A_1978, %get3A_1979] {strides = array<i32>} : memref<8x256xf32, #tpu.memory_space<vmem>>, vector<1x16xf32>,
      %get3A_1981 = vector.shape_cast %get3A_1980 : vector<1x16xf32> to vector<16xf32>
      %add3A_1982 = arith.addf %get3A_1976, %get3A_1981 : vector<16xf32>
      %swap3A_1983 = arith.constant 7 : i32
      %swap3A_1984 = arith.index_cast %swap3A_1983 : i32 to index
      %swap3A_1985 = arith.constant 48 : index
      %swap3A_1986 = tpu.vector_load %arg7[%swap3A_1984, %swap3A_1985] {strides = array<i32>} : memref<8x256xf32, #tpu.memory_space<vmem>>, vector<1x16xf32>,
      %swap3A_1987 = vector.shape_cast %swap3A_1986 : vector<1x16xf32> to vector<16xf32>
      %swap3A_1988 = vector.shape_cast %add3A_1982 : vector<16xf32> to vector<1x16xf32>
      tpu.vector_store %arg7[%swap3A_1984, %swap3A_1985], %swap3A_1988 {strides = array<i32>} : memref<8x256xf32, #tpu.memory_space<vmem>>, vector<1x16xf32>,
      %get3A_1989 = arith.constant 7 : i32
      %get3A_1990 = arith.index_cast %get3A_1989 : i32 to index
      %get3A_1991 = arith.constant 64 : index
      %get3A_1992 = tpu.vector_load %arg5[%get3A_1990, %get3A_1991] {strides = array<i32>} : memref<8x256xf32, #tpu.memory_space<vmem>>, vector<1x16xf32>,
      %get3A_1993 = vector.shape_cast %get3A_1992 : vector<1x16xf32> to vector<16xf32>
      %get3A_1994 = arith.constant 7 : i32
      %get3A_1995 = arith.index_cast %get3A_1994 : i32 to index
      %get3A_1996 = arith.constant 64 : index
      %get3A_1997 = tpu.vector_load %arg6[%get3A_1995, %get3A_1996] {strides = array<i32>} : memref<8x256xf32, #tpu.memory_space<vmem>>, vector<1x16xf32>,
      %get3A_1998 = vector.shape_cast %get3A_1997 : vector<1x16xf32> to vector<16xf32>
      %add3A_1999 = arith.addf %get3A_1993, %get3A_1998 : vector<16xf32>
      %swap3A_2000 = arith.constant 7 : i32
      %swap3A_2001 = arith.index_cast %swap3A_2000 : i32 to index
      %swap3A_2002 = arith.constant 64 : index
      %swap3A_2003 = tpu.vector_load %arg7[%swap3A_2001, %swap3A_2002] {strides = array<i32>} : memref<8x256xf32, #tpu.memory_space<vmem>>, vector<1x16xf32>,
      %swap3A_2004 = vector.shape_cast %swap3A_2003 : vector<1x16xf32> to vector<16xf32>
      %swap3A_2005 = vector.shape_cast %add3A_1999 : vector<16xf32> to vector<1x16xf32>
      tpu.vector_store %arg7[%swap3A_2001, %swap3A_2002], %swap3A_2005 {strides = array<i32>} : memref<8x256xf32, #tpu.memory_space<vmem>>, vector<1x16xf32>,
      %get3A_2006 = arith.constant 7 : i32
      %get3A_2007 = arith.index_cast %get3A_2006 : i32 to index
      %get3A_2008 = arith.constant 80 : index
      %get3A_2009 = tpu.vector_load %arg5[%get3A_2007, %get3A_2008] {strides = array<i32>} : memref<8x256xf32, #tpu.memory_space<vmem>>, vector<1x16xf32>,
      %get3A_2010 = vector.shape_cast %get3A_2009 : vector<1x16xf32> to vector<16xf32>
      %get3A_2011 = arith.constant 7 : i32
      %get3A_2012 = arith.index_cast %get3A_2011 : i32 to index
      %get3A_2013 = arith.constant 80 : index
      %get3A_2014 = tpu.vector_load %arg6[%get3A_2012, %get3A_2013] {strides = array<i32>} : memref<8x256xf32, #tpu.memory_space<vmem>>, vector<1x16xf32>,
      %get3A_2015 = vector.shape_cast %get3A_2014 : vector<1x16xf32> to vector<16xf32>
      %add3A_2016 = arith.addf %get3A_2010, %get3A_2015 : vector<16xf32>
      %swap3A_2017 = arith.constant 7 : i32
      %swap3A_2018 = arith.index_cast %swap3A_2017 : i32 to index
      %swap3A_2019 = arith.constant 80 : index
      %swap3A_2020 = tpu.vector_load %arg7[%swap3A_2018, %swap3A_2019] {strides = array<i32>} : memref<8x256xf32, #tpu.memory_space<vmem>>, vector<1x16xf32>,
      %swap3A_2021 = vector.shape_cast %swap3A_2020 : vector<1x16xf32> to vector<16xf32>
      %swap3A_2022 = vector.shape_cast %add3A_2016 : vector<16xf32> to vector<1x16xf32>
      tpu.vector_store %arg7[%swap3A_2018, %swap3A_2019], %swap3A_2022 {strides = array<i32>} : memref<8x256xf32, #tpu.memory_space<vmem>>, vector<1x16xf32>,
      %get3A_2023 = arith.constant 7 : i32
      %get3A_2024 = arith.index_cast %get3A_2023 : i32 to index
      %get3A_2025 = arith.constant 96 : index
      %get3A_2026 = tpu.vector_load %arg5[%get3A_2024, %get3A_2025] {strides = array<i32>} : memref<8x256xf32, #tpu.memory_space<vmem>>, vector<1x16xf32>,
      %get3A_2027 = vector.shape_cast %get3A_2026 : vector<1x16xf32> to vector<16xf32>
      %get3A_2028 = arith.constant 7 : i32
      %get3A_2029 = arith.index_cast %get3A_2028 : i32 to index
      %get3A_2030 = arith.constant 96 : index
      %get3A_2031 = tpu.vector_load %arg6[%get3A_2029, %get3A_2030] {strides = array<i32>} : memref<8x256xf32, #tpu.memory_space<vmem>>, vector<1x16xf32>,
      %get3A_2032 = vector.shape_cast %get3A_2031 : vector<1x16xf32> to vector<16xf32>
      %add3A_2033 = arith.addf %get3A_2027, %get3A_2032 : vector<16xf32>
      %swap3A_2034 = arith.constant 7 : i32
      %swap3A_2035 = arith.index_cast %swap3A_2034 : i32 to index
      %swap3A_2036 = arith.constant 96 : index
      %swap3A_2037 = tpu.vector_load %arg7[%swap3A_2035, %swap3A_2036] {strides = array<i32>} : memref<8x256xf32, #tpu.memory_space<vmem>>, vector<1x16xf32>,
      %swap3A_2038 = vector.shape_cast %swap3A_2037 : vector<1x16xf32> to vector<16xf32>
      %swap3A_2039 = vector.shape_cast %add3A_2033 : vector<16xf32> to vector<1x16xf32>
      tpu.vector_store %arg7[%swap3A_2035, %swap3A_2036], %swap3A_2039 {strides = array<i32>} : memref<8x256xf32, #tpu.memory_space<vmem>>, vector<1x16xf32>,
      %get3A_2040 = arith.constant 7 : i32
      %get3A_2041 = arith.index_cast %get3A_2040 : i32 to index
      %get3A_2042 = arith.constant 112 : index
      %get3A_2043 = tpu.vector_load %arg5[%get3A_2041, %get3A_2042] {strides = array<i32>} : memref<8x256xf32, #tpu.memory_space<vmem>>, vector<1x16xf32>,
      %get3A_2044 = vector.shape_cast %get3A_2043 : vector<1x16xf32> to vector<16xf32>
      %get3A_2045 = arith.constant 7 : i32
      %get3A_2046 = arith.index_cast %get3A_2045 : i32 to index
      %get3A_2047 = arith.constant 112 : index
      %get3A_2048 = tpu.vector_load %arg6[%get3A_2046, %get3A_2047] {strides = array<i32>} : memref<8x256xf32, #tpu.memory_space<vmem>>, vector<1x16xf32>,
      %get3A_2049 = vector.shape_cast %get3A_2048 : vector<1x16xf32> to vector<16xf32>
      %add3A_2050 = arith.addf %get3A_2044, %get3A_2049 : vector<16xf32>
      %swap3A_2051 = arith.constant 7 : i32
      %swap3A_2052 = arith.index_cast %swap3A_2051 : i32 to index
      %swap3A_2053 = arith.constant 112 : index
      %swap3A_2054 = tpu.vector_load %arg7[%swap3A_2052, %swap3A_2053] {strides = array<i32>} : memref<8x256xf32, #tpu.memory_space<vmem>>, vector<1x16xf32>,
      %swap3A_2055 = vector.shape_cast %swap3A_2054 : vector<1x16xf32> to vector<16xf32>
      %swap3A_2056 = vector.shape_cast %add3A_2050 : vector<16xf32> to vector<1x16xf32>
      tpu.vector_store %arg7[%swap3A_2052, %swap3A_2053], %swap3A_2056 {strides = array<i32>} : memref<8x256xf32, #tpu.memory_space<vmem>>, vector<1x16xf32>,
      %get3A_2057 = arith.constant 7 : i32
      %get3A_2058 = arith.index_cast %get3A_2057 : i32 to index
      %get3A_2059 = arith.constant 128 : index
      %get3A_2060 = tpu.vector_load %arg5[%get3A_2058, %get3A_2059] {strides = array<i32>} : memref<8x256xf32, #tpu.memory_space<vmem>>, vector<1x16xf32>,
      %get3A_2061 = vector.shape_cast %get3A_2060 : vector<1x16xf32> to vector<16xf32>
      %get3A_2062 = arith.constant 7 : i32
      %get3A_2063 = arith.index_cast %get3A_2062 : i32 to index
      %get3A_2064 = arith.constant 128 : index
      %get3A_2065 = tpu.vector_load %arg6[%get3A_2063, %get3A_2064] {strides = array<i32>} : memref<8x256xf32, #tpu.memory_space<vmem>>, vector<1x16xf32>,
      %get3A_2066 = vector.shape_cast %get3A_2065 : vector<1x16xf32> to vector<16xf32>
      %add3A_2067 = arith.addf %get3A_2061, %get3A_2066 : vector<16xf32>
      %swap3A_2068 = arith.constant 7 : i32
      %swap3A_2069 = arith.index_cast %swap3A_2068 : i32 to index
      %swap3A_2070 = arith.constant 128 : index
      %swap3A_2071 = tpu.vector_load %arg7[%swap3A_2069, %swap3A_2070] {strides = array<i32>} : memref<8x256xf32, #tpu.memory_space<vmem>>, vector<1x16xf32>,
      %swap3A_2072 = vector.shape_cast %swap3A_2071 : vector<1x16xf32> to vector<16xf32>
      %swap3A_2073 = vector.shape_cast %add3A_2067 : vector<16xf32> to vector<1x16xf32>
      tpu.vector_store %arg7[%swap3A_2069, %swap3A_2070], %swap3A_2073 {strides = array<i32>} : memref<8x256xf32, #tpu.memory_space<vmem>>, vector<1x16xf32>,
      %get3A_2074 = arith.constant 7 : i32
      %get3A_2075 = arith.index_cast %get3A_2074 : i32 to index
      %get3A_2076 = arith.constant 144 : index
      %get3A_2077 = tpu.vector_load %arg5[%get3A_2075, %get3A_2076] {strides = array<i32>} : memref<8x256xf32, #tpu.memory_space<vmem>>, vector<1x16xf32>,
      %get3A_2078 = vector.shape_cast %get3A_2077 : vector<1x16xf32> to vector<16xf32>
      %get3A_2079 = arith.constant 7 : i32
      %get3A_2080 = arith.index_cast %get3A_2079 : i32 to index
      %get3A_2081 = arith.constant 144 : index
      %get3A_2082 = tpu.vector_load %arg6[%get3A_2080, %get3A_2081] {strides = array<i32>} : memref<8x256xf32, #tpu.memory_space<vmem>>, vector<1x16xf32>,
      %get3A_2083 = vector.shape_cast %get3A_2082 : vector<1x16xf32> to vector<16xf32>
      %add3A_2084 = arith.addf %get3A_2078, %get3A_2083 : vector<16xf32>
      %swap3A_2085 = arith.constant 7 : i32
      %swap3A_2086 = arith.index_cast %swap3A_2085 : i32 to index
      %swap3A_2087 = arith.constant 144 : index
      %swap3A_2088 = tpu.vector_load %arg7[%swap3A_2086, %swap3A_2087] {strides = array<i32>} : memref<8x256xf32, #tpu.memory_space<vmem>>, vector<1x16xf32>,
      %swap3A_2089 = vector.shape_cast %swap3A_2088 : vector<1x16xf32> to vector<16xf32>
      %swap3A_2090 = vector.shape_cast %add3A_2084 : vector<16xf32> to vector<1x16xf32>
      tpu.vector_store %arg7[%swap3A_2086, %swap3A_2087], %swap3A_2090 {strides = array<i32>} : memref<8x256xf32, #tpu.memory_space<vmem>>, vector<1x16xf32>,
      %get3A_2091 = arith.constant 7 : i32
      %get3A_2092 = arith.index_cast %get3A_2091 : i32 to index
      %get3A_2093 = arith.constant 160 : index
      %get3A_2094 = tpu.vector_load %arg5[%get3A_2092, %get3A_2093] {strides = array<i32>} : memref<8x256xf32, #tpu.memory_space<vmem>>, vector<1x16xf32>,
      %get3A_2095 = vector.shape_cast %get3A_2094 : vector<1x16xf32> to vector<16xf32>
      %get3A_2096 = arith.constant 7 : i32
      %get3A_2097 = arith.index_cast %get3A_2096 : i32 to index
      %get3A_2098 = arith.constant 160 : index
      %get3A_2099 = tpu.vector_load %arg6[%get3A_2097, %get3A_2098] {strides = array<i32>} : memref<8x256xf32, #tpu.memory_space<vmem>>, vector<1x16xf32>,
      %get3A_2100 = vector.shape_cast %get3A_2099 : vector<1x16xf32> to vector<16xf32>
      %add3A_2101 = arith.addf %get3A_2095, %get3A_2100 : vector<16xf32>
      %swap3A_2102 = arith.constant 7 : i32
      %swap3A_2103 = arith.index_cast %swap3A_2102 : i32 to index
      %swap3A_2104 = arith.constant 160 : index
      %swap3A_2105 = tpu.vector_load %arg7[%swap3A_2103, %swap3A_2104] {strides = array<i32>} : memref<8x256xf32, #tpu.memory_space<vmem>>, vector<1x16xf32>,
      %swap3A_2106 = vector.shape_cast %swap3A_2105 : vector<1x16xf32> to vector<16xf32>
      %swap3A_2107 = vector.shape_cast %add3A_2101 : vector<16xf32> to vector<1x16xf32>
      tpu.vector_store %arg7[%swap3A_2103, %swap3A_2104], %swap3A_2107 {strides = array<i32>} : memref<8x256xf32, #tpu.memory_space<vmem>>, vector<1x16xf32>,
      %get3A_2108 = arith.constant 7 : i32
      %get3A_2109 = arith.index_cast %get3A_2108 : i32 to index
      %get3A_2110 = arith.constant 176 : index
      %get3A_2111 = tpu.vector_load %arg5[%get3A_2109, %get3A_2110] {strides = array<i32>} : memref<8x256xf32, #tpu.memory_space<vmem>>, vector<1x16xf32>,
      %get3A_2112 = vector.shape_cast %get3A_2111 : vector<1x16xf32> to vector<16xf32>
      %get3A_2113 = arith.constant 7 : i32
      %get3A_2114 = arith.index_cast %get3A_2113 : i32 to index
      %get3A_2115 = arith.constant 176 : index
      %get3A_2116 = tpu.vector_load %arg6[%get3A_2114, %get3A_2115] {strides = array<i32>} : memref<8x256xf32, #tpu.memory_space<vmem>>, vector<1x16xf32>,
      %get3A_2117 = vector.shape_cast %get3A_2116 : vector<1x16xf32> to vector<16xf32>
      %add3A_2118 = arith.addf %get3A_2112, %get3A_2117 : vector<16xf32>
      %swap3A_2119 = arith.constant 7 : i32
      %swap3A_2120 = arith.index_cast %swap3A_2119 : i32 to index
      %swap3A_2121 = arith.constant 176 : index
      %swap3A_2122 = tpu.vector_load %arg7[%swap3A_2120, %swap3A_2121] {strides = array<i32>} : memref<8x256xf32, #tpu.memory_space<vmem>>, vector<1x16xf32>,
      %swap3A_2123 = vector.shape_cast %swap3A_2122 : vector<1x16xf32> to vector<16xf32>
      %swap3A_2124 = vector.shape_cast %add3A_2118 : vector<16xf32> to vector<1x16xf32>
      tpu.vector_store %arg7[%swap3A_2120, %swap3A_2121], %swap3A_2124 {strides = array<i32>} : memref<8x256xf32, #tpu.memory_space<vmem>>, vector<1x16xf32>,
      %get3A_2125 = arith.constant 7 : i32
      %get3A_2126 = arith.index_cast %get3A_2125 : i32 to index
      %get3A_2127 = arith.constant 192 : index
      %get3A_2128 = tpu.vector_load %arg5[%get3A_2126, %get3A_2127] {strides = array<i32>} : memref<8x256xf32, #tpu.memory_space<vmem>>, vector<1x16xf32>,
      %get3A_2129 = vector.shape_cast %get3A_2128 : vector<1x16xf32> to vector<16xf32>
      %get3A_2130 = arith.constant 7 : i32
      %get3A_2131 = arith.index_cast %get3A_2130 : i32 to index
      %get3A_2132 = arith.constant 192 : index
      %get3A_2133 = tpu.vector_load %arg6[%get3A_2131, %get3A_2132] {strides = array<i32>} : memref<8x256xf32, #tpu.memory_space<vmem>>, vector<1x16xf32>,
      %get3A_2134 = vector.shape_cast %get3A_2133 : vector<1x16xf32> to vector<16xf32>
      %add3A_2135 = arith.addf %get3A_2129, %get3A_2134 : vector<16xf32>
      %swap3A_2136 = arith.constant 7 : i32
      %swap3A_2137 = arith.index_cast %swap3A_2136 : i32 to index
      %swap3A_2138 = arith.constant 192 : index
      %swap3A_2139 = tpu.vector_load %arg7[%swap3A_2137, %swap3A_2138] {strides = array<i32>} : memref<8x256xf32, #tpu.memory_space<vmem>>, vector<1x16xf32>,
      %swap3A_2140 = vector.shape_cast %swap3A_2139 : vector<1x16xf32> to vector<16xf32>
      %swap3A_2141 = vector.shape_cast %add3A_2135 : vector<16xf32> to vector<1x16xf32>
      tpu.vector_store %arg7[%swap3A_2137, %swap3A_2138], %swap3A_2141 {strides = array<i32>} : memref<8x256xf32, #tpu.memory_space<vmem>>, vector<1x16xf32>,
      %get3A_2142 = arith.constant 7 : i32
      %get3A_2143 = arith.index_cast %get3A_2142 : i32 to index
      %get3A_2144 = arith.constant 208 : index
      %get3A_2145 = tpu.vector_load %arg5[%get3A_2143, %get3A_2144] {strides = array<i32>} : memref<8x256xf32, #tpu.memory_space<vmem>>, vector<1x16xf32>,
      %get3A_2146 = vector.shape_cast %get3A_2145 : vector<1x16xf32> to vector<16xf32>
      %get3A_2147 = arith.constant 7 : i32
      %get3A_2148 = arith.index_cast %get3A_2147 : i32 to index
      %get3A_2149 = arith.constant 208 : index
      %get3A_2150 = tpu.vector_load %arg6[%get3A_2148, %get3A_2149] {strides = array<i32>} : memref<8x256xf32, #tpu.memory_space<vmem>>, vector<1x16xf32>,
      %get3A_2151 = vector.shape_cast %get3A_2150 : vector<1x16xf32> to vector<16xf32>
      %add3A_2152 = arith.addf %get3A_2146, %get3A_2151 : vector<16xf32>
      %swap3A_2153 = arith.constant 7 : i32
      %swap3A_2154 = arith.index_cast %swap3A_2153 : i32 to index
      %swap3A_2155 = arith.constant 208 : index
      %swap3A_2156 = tpu.vector_load %arg7[%swap3A_2154, %swap3A_2155] {strides = array<i32>} : memref<8x256xf32, #tpu.memory_space<vmem>>, vector<1x16xf32>,
      %swap3A_2157 = vector.shape_cast %swap3A_2156 : vector<1x16xf32> to vector<16xf32>
      %swap3A_2158 = vector.shape_cast %add3A_2152 : vector<16xf32> to vector<1x16xf32>
      tpu.vector_store %arg7[%swap3A_2154, %swap3A_2155], %swap3A_2158 {strides = array<i32>} : memref<8x256xf32, #tpu.memory_space<vmem>>, vector<1x16xf32>,
      %get3A_2159 = arith.constant 7 : i32
      %get3A_2160 = arith.index_cast %get3A_2159 : i32 to index
      %get3A_2161 = arith.constant 224 : index
      %get3A_2162 = tpu.vector_load %arg5[%get3A_2160, %get3A_2161] {strides = array<i32>} : memref<8x256xf32, #tpu.memory_space<vmem>>, vector<1x16xf32>,
      %get3A_2163 = vector.shape_cast %get3A_2162 : vector<1x16xf32> to vector<16xf32>
      %get3A_2164 = arith.constant 7 : i32
      %get3A_2165 = arith.index_cast %get3A_2164 : i32 to index
      %get3A_2166 = arith.constant 224 : index
      %get3A_2167 = tpu.vector_load %arg6[%get3A_2165, %get3A_2166] {strides = array<i32>} : memref<8x256xf32, #tpu.memory_space<vmem>>, vector<1x16xf32>,
      %get3A_2168 = vector.shape_cast %get3A_2167 : vector<1x16xf32> to vector<16xf32>
      %add3A_2169 = arith.addf %get3A_2163, %get3A_2168 : vector<16xf32>
      %swap3A_2170 = arith.constant 7 : i32
      %swap3A_2171 = arith.index_cast %swap3A_2170 : i32 to index
      %swap3A_2172 = arith.constant 224 : index
      %swap3A_2173 = tpu.vector_load %arg7[%swap3A_2171, %swap3A_2172] {strides = array<i32>} : memref<8x256xf32, #tpu.memory_space<vmem>>, vector<1x16xf32>,
      %swap3A_2174 = vector.shape_cast %swap3A_2173 : vector<1x16xf32> to vector<16xf32>
      %swap3A_2175 = vector.shape_cast %add3A_2169 : vector<16xf32> to vector<1x16xf32>
      tpu.vector_store %arg7[%swap3A_2171, %swap3A_2172], %swap3A_2175 {strides = array<i32>} : memref<8x256xf32, #tpu.memory_space<vmem>>, vector<1x16xf32>,
      %get3A_2176 = arith.constant 7 : i32
      %get3A_2177 = arith.index_cast %get3A_2176 : i32 to index
      %get3A_2178 = arith.constant 240 : index
      %get3A_2179 = tpu.vector_load %arg5[%get3A_2177, %get3A_2178] {strides = array<i32>} : memref<8x256xf32, #tpu.memory_space<vmem>>, vector<1x16xf32>,
      %get3A_2180 = vector.shape_cast %get3A_2179 : vector<1x16xf32> to vector<16xf32>
      %get3A_2181 = arith.constant 7 : i32
      %get3A_2182 = arith.index_cast %get3A_2181 : i32 to index
      %get3A_2183 = arith.constant 240 : index
      %get3A_2184 = tpu.vector_load %arg6[%get3A_2182, %get3A_2183] {strides = array<i32>} : memref<8x256xf32, #tpu.memory_space<vmem>>, vector<1x16xf32>,
      %get3A_2185 = vector.shape_cast %get3A_2184 : vector<1x16xf32> to vector<16xf32>
      %add3A_2186 = arith.addf %get3A_2180, %get3A_2185 : vector<16xf32>
      %swap3A_2187 = arith.constant 7 : i32
      %swap3A_2188 = arith.index_cast %swap3A_2187 : i32 to index
      %swap3A_2189 = arith.constant 240 : index
      %swap3A_2190 = tpu.vector_load %arg7[%swap3A_2188, %swap3A_2189] {strides = array<i32>} : memref<8x256xf32, #tpu.memory_space<vmem>>, vector<1x16xf32>,
      %swap3A_2191 = vector.shape_cast %swap3A_2190 : vector<1x16xf32> to vector<16xf32>
      %swap3A_2192 = vector.shape_cast %add3A_2186 : vector<16xf32> to vector<1x16xf32>
      tpu.vector_store %arg7[%swap3A_2188, %swap3A_2189], %swap3A_2192 {strides = array<i32>} : memref<8x256xf32, #tpu.memory_space<vmem>>, vector<1x16xf32>,
    } else {
    }
    %ge3A = arith.constant 128 : i32
    %ge3A_5 = arith.cmpi sge, %mul3A_2, %ge3A : i32
    %convert_element_type3A_6 = arith.extui %ge3A_5 : i1 to i32
    %cond3A_7 = arith.constant 0 : i32
    %cond3A_8 = arith.cmpi ne, %convert_element_type3A_6, %cond3A_7 : i32
    scf.if %cond3A_8 {
      %broadcast_in_dim3A = arith.constant 0x7FC00000 : f32
      %broadcast_in_dim3A_19 = vector.broadcast %broadcast_in_dim3A : f32 to vector<16xf32>
      %swap3A = arith.constant 0 : i32
      %swap3A_20 = arith.index_cast %swap3A : i32 to index
      %swap3A_21 = arith.constant 0 : index
      %swap3A_22 = tpu.vector_load %arg7[%swap3A_20, %swap3A_21] {strides = array<i32>} : memref<8x256xf32, #tpu.memory_space<vmem>>, vector<1x16xf32>,
      %swap3A_23 = vector.shape_cast %swap3A_22 : vector<1x16xf32> to vector<16xf32>
      %swap3A_24 = vector.shape_cast %broadcast_in_dim3A_19 : vector<16xf32> to vector<1x16xf32>
      tpu.vector_store %arg7[%swap3A_20, %swap3A_21], %swap3A_24 {strides = array<i32>} : memref<8x256xf32, #tpu.memory_space<vmem>>, vector<1x16xf32>,
      %swap3A_25 = arith.constant 0 : i32
      %swap3A_26 = arith.index_cast %swap3A_25 : i32 to index
      %swap3A_27 = arith.constant 16 : index
      %swap3A_28 = tpu.vector_load %arg7[%swap3A_26, %swap3A_27] {strides = array<i32>} : memref<8x256xf32, #tpu.memory_space<vmem>>, vector<1x16xf32>,
      %swap3A_29 = vector.shape_cast %swap3A_28 : vector<1x16xf32> to vector<16xf32>
      %swap3A_30 = vector.shape_cast %broadcast_in_dim3A_19 : vector<16xf32> to vector<1x16xf32>
      tpu.vector_store %arg7[%swap3A_26, %swap3A_27], %swap3A_30 {strides = array<i32>} : memref<8x256xf32, #tpu.memory_space<vmem>>, vector<1x16xf32>,
      %swap3A_31 = arith.constant 0 : i32
      %swap3A_32 = arith.index_cast %swap3A_31 : i32 to index
      %swap3A_33 = arith.constant 32 : index
      %swap3A_34 = tpu.vector_load %arg7[%swap3A_32, %swap3A_33] {strides = array<i32>} : memref<8x256xf32, #tpu.memory_space<vmem>>, vector<1x16xf32>,
      %swap3A_35 = vector.shape_cast %swap3A_34 : vector<1x16xf32> to vector<16xf32>
      %swap3A_36 = vector.shape_cast %broadcast_in_dim3A_19 : vector<16xf32> to vector<1x16xf32>
      tpu.vector_store %arg7[%swap3A_32, %swap3A_33], %swap3A_36 {strides = array<i32>} : memref<8x256xf32, #tpu.memory_space<vmem>>, vector<1x16xf32>,
      %swap3A_37 = arith.constant 0 : i32
      %swap3A_38 = arith.index_cast %swap3A_37 : i32 to index
      %swap3A_39 = arith.constant 48 : index
      %swap3A_40 = tpu.vector_load %arg7[%swap3A_38, %swap3A_39] {strides = array<i32>} : memref<8x256xf32, #tpu.memory_space<vmem>>, vector<1x16xf32>,
      %swap3A_41 = vector.shape_cast %swap3A_40 : vector<1x16xf32> to vector<16xf32>
      %swap3A_42 = vector.shape_cast %broadcast_in_dim3A_19 : vector<16xf32> to vector<1x16xf32>
      tpu.vector_store %arg7[%swap3A_38, %swap3A_39], %swap3A_42 {strides = array<i32>} : memref<8x256xf32, #tpu.memory_space<vmem>>, vector<1x16xf32>,
      %swap3A_43 = arith.constant 0 : i32
      %swap3A_44 = arith.index_cast %swap3A_43 : i32 to index
      %swap3A_45 = arith.constant 64 : index
      %swap3A_46 = tpu.vector_load %arg7[%swap3A_44, %swap3A_45] {strides = array<i32>} : memref<8x256xf32, #tpu.memory_space<vmem>>, vector<1x16xf32>,
      %swap3A_47 = vector.shape_cast %swap3A_46 : vector<1x16xf32> to vector<16xf32>
      %swap3A_48 = vector.shape_cast %broadcast_in_dim3A_19 : vector<16xf32> to vector<1x16xf32>
      tpu.vector_store %arg7[%swap3A_44, %swap3A_45], %swap3A_48 {strides = array<i32>} : memref<8x256xf32, #tpu.memory_space<vmem>>, vector<1x16xf32>,
      %swap3A_49 = arith.constant 0 : i32
      %swap3A_50 = arith.index_cast %swap3A_49 : i32 to index
      %swap3A_51 = arith.constant 80 : index
      %swap3A_52 = tpu.vector_load %arg7[%swap3A_50, %swap3A_51] {strides = array<i32>} : memref<8x256xf32, #tpu.memory_space<vmem>>, vector<1x16xf32>,
      %swap3A_53 = vector.shape_cast %swap3A_52 : vector<1x16xf32> to vector<16xf32>
      %swap3A_54 = vector.shape_cast %broadcast_in_dim3A_19 : vector<16xf32> to vector<1x16xf32>
      tpu.vector_store %arg7[%swap3A_50, %swap3A_51], %swap3A_54 {strides = array<i32>} : memref<8x256xf32, #tpu.memory_space<vmem>>, vector<1x16xf32>,
      %swap3A_55 = arith.constant 0 : i32
      %swap3A_56 = arith.index_cast %swap3A_55 : i32 to index
      %swap3A_57 = arith.constant 96 : index
      %swap3A_58 = tpu.vector_load %arg7[%swap3A_56, %swap3A_57] {strides = array<i32>} : memref<8x256xf32, #tpu.memory_space<vmem>>, vector<1x16xf32>,
      %swap3A_59 = vector.shape_cast %swap3A_58 : vector<1x16xf32> to vector<16xf32>
      %swap3A_60 = vector.shape_cast %broadcast_in_dim3A_19 : vector<16xf32> to vector<1x16xf32>
      tpu.vector_store %arg7[%swap3A_56, %swap3A_57], %swap3A_60 {strides = array<i32>} : memref<8x256xf32, #tpu.memory_space<vmem>>, vector<1x16xf32>,
      %swap3A_61 = arith.constant 0 : i32
      %swap3A_62 = arith.index_cast %swap3A_61 : i32 to index
      %swap3A_63 = arith.constant 112 : index
      %swap3A_64 = tpu.vector_load %arg7[%swap3A_62, %swap3A_63] {strides = array<i32>} : memref<8x256xf32, #tpu.memory_space<vmem>>, vector<1x16xf32>,
      %swap3A_65 = vector.shape_cast %swap3A_64 : vector<1x16xf32> to vector<16xf32>
      %swap3A_66 = vector.shape_cast %broadcast_in_dim3A_19 : vector<16xf32> to vector<1x16xf32>
      tpu.vector_store %arg7[%swap3A_62, %swap3A_63], %swap3A_66 {strides = array<i32>} : memref<8x256xf32, #tpu.memory_space<vmem>>, vector<1x16xf32>,
      %swap3A_67 = arith.constant 0 : i32
      %swap3A_68 = arith.index_cast %swap3A_67 : i32 to index
      %swap3A_69 = arith.constant 128 : index
      %swap3A_70 = tpu.vector_load %arg7[%swap3A_68, %swap3A_69] {strides = array<i32>} : memref<8x256xf32, #tpu.memory_space<vmem>>, vector<1x16xf32>,
      %swap3A_71 = vector.shape_cast %swap3A_70 : vector<1x16xf32> to vector<16xf32>
      %swap3A_72 = vector.shape_cast %broadcast_in_dim3A_19 : vector<16xf32> to vector<1x16xf32>
      tpu.vector_store %arg7[%swap3A_68, %swap3A_69], %swap3A_72 {strides = array<i32>} : memref<8x256xf32, #tpu.memory_space<vmem>>, vector<1x16xf32>,
      %swap3A_73 = arith.constant 0 : i32
      %swap3A_74 = arith.index_cast %swap3A_73 : i32 to index
      %swap3A_75 = arith.constant 144 : index
      %swap3A_76 = tpu.vector_load %arg7[%swap3A_74, %swap3A_75] {strides = array<i32>} : memref<8x256xf32, #tpu.memory_space<vmem>>, vector<1x16xf32>,
      %swap3A_77 = vector.shape_cast %swap3A_76 : vector<1x16xf32> to vector<16xf32>
      %swap3A_78 = vector.shape_cast %broadcast_in_dim3A_19 : vector<16xf32> to vector<1x16xf32>
      tpu.vector_store %arg7[%swap3A_74, %swap3A_75], %swap3A_78 {strides = array<i32>} : memref<8x256xf32, #tpu.memory_space<vmem>>, vector<1x16xf32>,
      %swap3A_79 = arith.constant 0 : i32
      %swap3A_80 = arith.index_cast %swap3A_79 : i32 to index
      %swap3A_81 = arith.constant 160 : index
      %swap3A_82 = tpu.vector_load %arg7[%swap3A_80, %swap3A_81] {strides = array<i32>} : memref<8x256xf32, #tpu.memory_space<vmem>>, vector<1x16xf32>,
      %swap3A_83 = vector.shape_cast %swap3A_82 : vector<1x16xf32> to vector<16xf32>
      %swap3A_84 = vector.shape_cast %broadcast_in_dim3A_19 : vector<16xf32> to vector<1x16xf32>
      tpu.vector_store %arg7[%swap3A_80, %swap3A_81], %swap3A_84 {strides = array<i32>} : memref<8x256xf32, #tpu.memory_space<vmem>>, vector<1x16xf32>,
      %swap3A_85 = arith.constant 0 : i32
      %swap3A_86 = arith.index_cast %swap3A_85 : i32 to index
      %swap3A_87 = arith.constant 176 : index
      %swap3A_88 = tpu.vector_load %arg7[%swap3A_86, %swap3A_87] {strides = array<i32>} : memref<8x256xf32, #tpu.memory_space<vmem>>, vector<1x16xf32>,
      %swap3A_89 = vector.shape_cast %swap3A_88 : vector<1x16xf32> to vector<16xf32>
      %swap3A_90 = vector.shape_cast %broadcast_in_dim3A_19 : vector<16xf32> to vector<1x16xf32>
      tpu.vector_store %arg7[%swap3A_86, %swap3A_87], %swap3A_90 {strides = array<i32>} : memref<8x256xf32, #tpu.memory_space<vmem>>, vector<1x16xf32>,
      %swap3A_91 = arith.constant 0 : i32
      %swap3A_92 = arith.index_cast %swap3A_91 : i32 to index
      %swap3A_93 = arith.constant 192 : index
      %swap3A_94 = tpu.vector_load %arg7[%swap3A_92, %swap3A_93] {strides = array<i32>} : memref<8x256xf32, #tpu.memory_space<vmem>>, vector<1x16xf32>,
      %swap3A_95 = vector.shape_cast %swap3A_94 : vector<1x16xf32> to vector<16xf32>
      %swap3A_96 = vector.shape_cast %broadcast_in_dim3A_19 : vector<16xf32> to vector<1x16xf32>
      tpu.vector_store %arg7[%swap3A_92, %swap3A_93], %swap3A_96 {strides = array<i32>} : memref<8x256xf32, #tpu.memory_space<vmem>>, vector<1x16xf32>,
      %swap3A_97 = arith.constant 0 : i32
      %swap3A_98 = arith.index_cast %swap3A_97 : i32 to index
      %swap3A_99 = arith.constant 208 : index
      %swap3A_100 = tpu.vector_load %arg7[%swap3A_98, %swap3A_99] {strides = array<i32>} : memref<8x256xf32, #tpu.memory_space<vmem>>, vector<1x16xf32>,
      %swap3A_101 = vector.shape_cast %swap3A_100 : vector<1x16xf32> to vector<16xf32>
      %swap3A_102 = vector.shape_cast %broadcast_in_dim3A_19 : vector<16xf32> to vector<1x16xf32>
      tpu.vector_store %arg7[%swap3A_98, %swap3A_99], %swap3A_102 {strides = array<i32>} : memref<8x256xf32, #tpu.memory_space<vmem>>, vector<1x16xf32>,
      %swap3A_103 = arith.constant 0 : i32
      %swap3A_104 = arith.index_cast %swap3A_103 : i32 to index
      %swap3A_105 = arith.constant 224 : index
      %swap3A_106 = tpu.vector_load %arg7[%swap3A_104, %swap3A_105] {strides = array<i32>} : memref<8x256xf32, #tpu.memory_space<vmem>>, vector<1x16xf32>,
      %swap3A_107 = vector.shape_cast %swap3A_106 : vector<1x16xf32> to vector<16xf32>
      %swap3A_108 = vector.shape_cast %broadcast_in_dim3A_19 : vector<16xf32> to vector<1x16xf32>
      tpu.vector_store %arg7[%swap3A_104, %swap3A_105], %swap3A_108 {strides = array<i32>} : memref<8x256xf32, #tpu.memory_space<vmem>>, vector<1x16xf32>,
      %swap3A_109 = arith.constant 0 : i32
      %swap3A_110 = arith.index_cast %swap3A_109 : i32 to index
      %swap3A_111 = arith.constant 240 : index
      %swap3A_112 = tpu.vector_load %arg7[%swap3A_110, %swap3A_111] {strides = array<i32>} : memref<8x256xf32, #tpu.memory_space<vmem>>, vector<1x16xf32>,
      %swap3A_113 = vector.shape_cast %swap3A_112 : vector<1x16xf32> to vector<16xf32>
      %swap3A_114 = vector.shape_cast %broadcast_in_dim3A_19 : vector<16xf32> to vector<1x16xf32>
      tpu.vector_store %arg7[%swap3A_110, %swap3A_111], %swap3A_114 {strides = array<i32>} : memref<8x256xf32, #tpu.memory_space<vmem>>, vector<1x16xf32>,
      %swap3A_115 = arith.constant 1 : i32
      %swap3A_116 = arith.index_cast %swap3A_115 : i32 to index
      %swap3A_117 = arith.constant 0 : index
      %swap3A_118 = tpu.vector_load %arg7[%swap3A_116, %swap3A_117] {strides = array<i32>} : memref<8x256xf32, #tpu.memory_space<vmem>>, vector<1x16xf32>,
      %swap3A_119 = vector.shape_cast %swap3A_118 : vector<1x16xf32> to vector<16xf32>
      %swap3A_120 = vector.shape_cast %broadcast_in_dim3A_19 : vector<16xf32> to vector<1x16xf32>
      tpu.vector_store %arg7[%swap3A_116, %swap3A_117], %swap3A_120 {strides = array<i32>} : memref<8x256xf32, #tpu.memory_space<vmem>>, vector<1x16xf32>,
      %swap3A_121 = arith.constant 1 : i32
      %swap3A_122 = arith.index_cast %swap3A_121 : i32 to index
      %swap3A_123 = arith.constant 16 : index
      %swap3A_124 = tpu.vector_load %arg7[%swap3A_122, %swap3A_123] {strides = array<i32>} : memref<8x256xf32, #tpu.memory_space<vmem>>, vector<1x16xf32>,
      %swap3A_125 = vector.shape_cast %swap3A_124 : vector<1x16xf32> to vector<16xf32>
      %swap3A_126 = vector.shape_cast %broadcast_in_dim3A_19 : vector<16xf32> to vector<1x16xf32>
      tpu.vector_store %arg7[%swap3A_122, %swap3A_123], %swap3A_126 {strides = array<i32>} : memref<8x256xf32, #tpu.memory_space<vmem>>, vector<1x16xf32>,
      %swap3A_127 = arith.constant 1 : i32
      %swap3A_128 = arith.index_cast %swap3A_127 : i32 to index
      %swap3A_129 = arith.constant 32 : index
      %swap3A_130 = tpu.vector_load %arg7[%swap3A_128, %swap3A_129] {strides = array<i32>} : memref<8x256xf32, #tpu.memory_space<vmem>>, vector<1x16xf32>,
      %swap3A_131 = vector.shape_cast %swap3A_130 : vector<1x16xf32> to vector<16xf32>
      %swap3A_132 = vector.shape_cast %broadcast_in_dim3A_19 : vector<16xf32> to vector<1x16xf32>
      tpu.vector_store %arg7[%swap3A_128, %swap3A_129], %swap3A_132 {strides = array<i32>} : memref<8x256xf32, #tpu.memory_space<vmem>>, vector<1x16xf32>,
      %swap3A_133 = arith.constant 1 : i32
      %swap3A_134 = arith.index_cast %swap3A_133 : i32 to index
      %swap3A_135 = arith.constant 48 : index
      %swap3A_136 = tpu.vector_load %arg7[%swap3A_134, %swap3A_135] {strides = array<i32>} : memref<8x256xf32, #tpu.memory_space<vmem>>, vector<1x16xf32>,
      %swap3A_137 = vector.shape_cast %swap3A_136 : vector<1x16xf32> to vector<16xf32>
      %swap3A_138 = vector.shape_cast %broadcast_in_dim3A_19 : vector<16xf32> to vector<1x16xf32>
      tpu.vector_store %arg7[%swap3A_134, %swap3A_135], %swap3A_138 {strides = array<i32>} : memref<8x256xf32, #tpu.memory_space<vmem>>, vector<1x16xf32>,
      %swap3A_139 = arith.constant 1 : i32
      %swap3A_140 = arith.index_cast %swap3A_139 : i32 to index
      %swap3A_141 = arith.constant 64 : index
      %swap3A_142 = tpu.vector_load %arg7[%swap3A_140, %swap3A_141] {strides = array<i32>} : memref<8x256xf32, #tpu.memory_space<vmem>>, vector<1x16xf32>,
      %swap3A_143 = vector.shape_cast %swap3A_142 : vector<1x16xf32> to vector<16xf32>
      %swap3A_144 = vector.shape_cast %broadcast_in_dim3A_19 : vector<16xf32> to vector<1x16xf32>
      tpu.vector_store %arg7[%swap3A_140, %swap3A_141], %swap3A_144 {strides = array<i32>} : memref<8x256xf32, #tpu.memory_space<vmem>>, vector<1x16xf32>,
      %swap3A_145 = arith.constant 1 : i32
      %swap3A_146 = arith.index_cast %swap3A_145 : i32 to index
      %swap3A_147 = arith.constant 80 : index
      %swap3A_148 = tpu.vector_load %arg7[%swap3A_146, %swap3A_147] {strides = array<i32>} : memref<8x256xf32, #tpu.memory_space<vmem>>, vector<1x16xf32>,
      %swap3A_149 = vector.shape_cast %swap3A_148 : vector<1x16xf32> to vector<16xf32>
      %swap3A_150 = vector.shape_cast %broadcast_in_dim3A_19 : vector<16xf32> to vector<1x16xf32>
      tpu.vector_store %arg7[%swap3A_146, %swap3A_147], %swap3A_150 {strides = array<i32>} : memref<8x256xf32, #tpu.memory_space<vmem>>, vector<1x16xf32>,
      %swap3A_151 = arith.constant 1 : i32
      %swap3A_152 = arith.index_cast %swap3A_151 : i32 to index
      %swap3A_153 = arith.constant 96 : index
      %swap3A_154 = tpu.vector_load %arg7[%swap3A_152, %swap3A_153] {strides = array<i32>} : memref<8x256xf32, #tpu.memory_space<vmem>>, vector<1x16xf32>,
      %swap3A_155 = vector.shape_cast %swap3A_154 : vector<1x16xf32> to vector<16xf32>
      %swap3A_156 = vector.shape_cast %broadcast_in_dim3A_19 : vector<16xf32> to vector<1x16xf32>
      tpu.vector_store %arg7[%swap3A_152, %swap3A_153], %swap3A_156 {strides = array<i32>} : memref<8x256xf32, #tpu.memory_space<vmem>>, vector<1x16xf32>,
      %swap3A_157 = arith.constant 1 : i32
      %swap3A_158 = arith.index_cast %swap3A_157 : i32 to index
      %swap3A_159 = arith.constant 112 : index
      %swap3A_160 = tpu.vector_load %arg7[%swap3A_158, %swap3A_159] {strides = array<i32>} : memref<8x256xf32, #tpu.memory_space<vmem>>, vector<1x16xf32>,
      %swap3A_161 = vector.shape_cast %swap3A_160 : vector<1x16xf32> to vector<16xf32>
      %swap3A_162 = vector.shape_cast %broadcast_in_dim3A_19 : vector<16xf32> to vector<1x16xf32>
      tpu.vector_store %arg7[%swap3A_158, %swap3A_159], %swap3A_162 {strides = array<i32>} : memref<8x256xf32, #tpu.memory_space<vmem>>, vector<1x16xf32>,
      %swap3A_163 = arith.constant 1 : i32
      %swap3A_164 = arith.index_cast %swap3A_163 : i32 to index
      %swap3A_165 = arith.constant 128 : index
      %swap3A_166 = tpu.vector_load %arg7[%swap3A_164, %swap3A_165] {strides = array<i32>} : memref<8x256xf32, #tpu.memory_space<vmem>>, vector<1x16xf32>,
      %swap3A_167 = vector.shape_cast %swap3A_166 : vector<1x16xf32> to vector<16xf32>
      %swap3A_168 = vector.shape_cast %broadcast_in_dim3A_19 : vector<16xf32> to vector<1x16xf32>
      tpu.vector_store %arg7[%swap3A_164, %swap3A_165], %swap3A_168 {strides = array<i32>} : memref<8x256xf32, #tpu.memory_space<vmem>>, vector<1x16xf32>,
      %swap3A_169 = arith.constant 1 : i32
      %swap3A_170 = arith.index_cast %swap3A_169 : i32 to index
      %swap3A_171 = arith.constant 144 : index
      %swap3A_172 = tpu.vector_load %arg7[%swap3A_170, %swap3A_171] {strides = array<i32>} : memref<8x256xf32, #tpu.memory_space<vmem>>, vector<1x16xf32>,
      %swap3A_173 = vector.shape_cast %swap3A_172 : vector<1x16xf32> to vector<16xf32>
      %swap3A_174 = vector.shape_cast %broadcast_in_dim3A_19 : vector<16xf32> to vector<1x16xf32>
      tpu.vector_store %arg7[%swap3A_170, %swap3A_171], %swap3A_174 {strides = array<i32>} : memref<8x256xf32, #tpu.memory_space<vmem>>, vector<1x16xf32>,
      %swap3A_175 = arith.constant 1 : i32
      %swap3A_176 = arith.index_cast %swap3A_175 : i32 to index
      %swap3A_177 = arith.constant 160 : index
      %swap3A_178 = tpu.vector_load %arg7[%swap3A_176, %swap3A_177] {strides = array<i32>} : memref<8x256xf32, #tpu.memory_space<vmem>>, vector<1x16xf32>,
      %swap3A_179 = vector.shape_cast %swap3A_178 : vector<1x16xf32> to vector<16xf32>
      %swap3A_180 = vector.shape_cast %broadcast_in_dim3A_19 : vector<16xf32> to vector<1x16xf32>
      tpu.vector_store %arg7[%swap3A_176, %swap3A_177], %swap3A_180 {strides = array<i32>} : memref<8x256xf32, #tpu.memory_space<vmem>>, vector<1x16xf32>,
      %swap3A_181 = arith.constant 1 : i32
      %swap3A_182 = arith.index_cast %swap3A_181 : i32 to index
      %swap3A_183 = arith.constant 176 : index
      %swap3A_184 = tpu.vector_load %arg7[%swap3A_182, %swap3A_183] {strides = array<i32>} : memref<8x256xf32, #tpu.memory_space<vmem>>, vector<1x16xf32>,
      %swap3A_185 = vector.shape_cast %swap3A_184 : vector<1x16xf32> to vector<16xf32>
      %swap3A_186 = vector.shape_cast %broadcast_in_dim3A_19 : vector<16xf32> to vector<1x16xf32>
      tpu.vector_store %arg7[%swap3A_182, %swap3A_183], %swap3A_186 {strides = array<i32>} : memref<8x256xf32, #tpu.memory_space<vmem>>, vector<1x16xf32>,
      %swap3A_187 = arith.constant 1 : i32
      %swap3A_188 = arith.index_cast %swap3A_187 : i32 to index
      %swap3A_189 = arith.constant 192 : index
      %swap3A_190 = tpu.vector_load %arg7[%swap3A_188, %swap3A_189] {strides = array<i32>} : memref<8x256xf32, #tpu.memory_space<vmem>>, vector<1x16xf32>,
      %swap3A_191 = vector.shape_cast %swap3A_190 : vector<1x16xf32> to vector<16xf32>
      %swap3A_192 = vector.shape_cast %broadcast_in_dim3A_19 : vector<16xf32> to vector<1x16xf32>
      tpu.vector_store %arg7[%swap3A_188, %swap3A_189], %swap3A_192 {strides = array<i32>} : memref<8x256xf32, #tpu.memory_space<vmem>>, vector<1x16xf32>,
      %swap3A_193 = arith.constant 1 : i32
      %swap3A_194 = arith.index_cast %swap3A_193 : i32 to index
      %swap3A_195 = arith.constant 208 : index
      %swap3A_196 = tpu.vector_load %arg7[%swap3A_194, %swap3A_195] {strides = array<i32>} : memref<8x256xf32, #tpu.memory_space<vmem>>, vector<1x16xf32>,
      %swap3A_197 = vector.shape_cast %swap3A_196 : vector<1x16xf32> to vector<16xf32>
      %swap3A_198 = vector.shape_cast %broadcast_in_dim3A_19 : vector<16xf32> to vector<1x16xf32>
      tpu.vector_store %arg7[%swap3A_194, %swap3A_195], %swap3A_198 {strides = array<i32>} : memref<8x256xf32, #tpu.memory_space<vmem>>, vector<1x16xf32>,
      %swap3A_199 = arith.constant 1 : i32
      %swap3A_200 = arith.index_cast %swap3A_199 : i32 to index
      %swap3A_201 = arith.constant 224 : index
      %swap3A_202 = tpu.vector_load %arg7[%swap3A_200, %swap3A_201] {strides = array<i32>} : memref<8x256xf32, #tpu.memory_space<vmem>>, vector<1x16xf32>,
      %swap3A_203 = vector.shape_cast %swap3A_202 : vector<1x16xf32> to vector<16xf32>
      %swap3A_204 = vector.shape_cast %broadcast_in_dim3A_19 : vector<16xf32> to vector<1x16xf32>
      tpu.vector_store %arg7[%swap3A_200, %swap3A_201], %swap3A_204 {strides = array<i32>} : memref<8x256xf32, #tpu.memory_space<vmem>>, vector<1x16xf32>,
      %swap3A_205 = arith.constant 1 : i32
      %swap3A_206 = arith.index_cast %swap3A_205 : i32 to index
      %swap3A_207 = arith.constant 240 : index
      %swap3A_208 = tpu.vector_load %arg7[%swap3A_206, %swap3A_207] {strides = array<i32>} : memref<8x256xf32, #tpu.memory_space<vmem>>, vector<1x16xf32>,
      %swap3A_209 = vector.shape_cast %swap3A_208 : vector<1x16xf32> to vector<16xf32>
      %swap3A_210 = vector.shape_cast %broadcast_in_dim3A_19 : vector<16xf32> to vector<1x16xf32>
      tpu.vector_store %arg7[%swap3A_206, %swap3A_207], %swap3A_210 {strides = array<i32>} : memref<8x256xf32, #tpu.memory_space<vmem>>, vector<1x16xf32>,
      %swap3A_211 = arith.constant 2 : i32
      %swap3A_212 = arith.index_cast %swap3A_211 : i32 to index
      %swap3A_213 = arith.constant 0 : index
      %swap3A_214 = tpu.vector_load %arg7[%swap3A_212, %swap3A_213] {strides = array<i32>} : memref<8x256xf32, #tpu.memory_space<vmem>>, vector<1x16xf32>,
      %swap3A_215 = vector.shape_cast %swap3A_214 : vector<1x16xf32> to vector<16xf32>
      %swap3A_216 = vector.shape_cast %broadcast_in_dim3A_19 : vector<16xf32> to vector<1x16xf32>
      tpu.vector_store %arg7[%swap3A_212, %swap3A_213], %swap3A_216 {strides = array<i32>} : memref<8x256xf32, #tpu.memory_space<vmem>>, vector<1x16xf32>,
      %swap3A_217 = arith.constant 2 : i32
      %swap3A_218 = arith.index_cast %swap3A_217 : i32 to index
      %swap3A_219 = arith.constant 16 : index
      %swap3A_220 = tpu.vector_load %arg7[%swap3A_218, %swap3A_219] {strides = array<i32>} : memref<8x256xf32, #tpu.memory_space<vmem>>, vector<1x16xf32>,
      %swap3A_221 = vector.shape_cast %swap3A_220 : vector<1x16xf32> to vector<16xf32>
      %swap3A_222 = vector.shape_cast %broadcast_in_dim3A_19 : vector<16xf32> to vector<1x16xf32>
      tpu.vector_store %arg7[%swap3A_218, %swap3A_219], %swap3A_222 {strides = array<i32>} : memref<8x256xf32, #tpu.memory_space<vmem>>, vector<1x16xf32>,
      %swap3A_223 = arith.constant 2 : i32
      %swap3A_224 = arith.index_cast %swap3A_223 : i32 to index
      %swap3A_225 = arith.constant 32 : index
      %swap3A_226 = tpu.vector_load %arg7[%swap3A_224, %swap3A_225] {strides = array<i32>} : memref<8x256xf32, #tpu.memory_space<vmem>>, vector<1x16xf32>,
      %swap3A_227 = vector.shape_cast %swap3A_226 : vector<1x16xf32> to vector<16xf32>
      %swap3A_228 = vector.shape_cast %broadcast_in_dim3A_19 : vector<16xf32> to vector<1x16xf32>
      tpu.vector_store %arg7[%swap3A_224, %swap3A_225], %swap3A_228 {strides = array<i32>} : memref<8x256xf32, #tpu.memory_space<vmem>>, vector<1x16xf32>,
      %swap3A_229 = arith.constant 2 : i32
      %swap3A_230 = arith.index_cast %swap3A_229 : i32 to index
      %swap3A_231 = arith.constant 48 : index
      %swap3A_232 = tpu.vector_load %arg7[%swap3A_230, %swap3A_231] {strides = array<i32>} : memref<8x256xf32, #tpu.memory_space<vmem>>, vector<1x16xf32>,
      %swap3A_233 = vector.shape_cast %swap3A_232 : vector<1x16xf32> to vector<16xf32>
      %swap3A_234 = vector.shape_cast %broadcast_in_dim3A_19 : vector<16xf32> to vector<1x16xf32>
      tpu.vector_store %arg7[%swap3A_230, %swap3A_231], %swap3A_234 {strides = array<i32>} : memref<8x256xf32, #tpu.memory_space<vmem>>, vector<1x16xf32>,
      %swap3A_235 = arith.constant 2 : i32
      %swap3A_236 = arith.index_cast %swap3A_235 : i32 to index
      %swap3A_237 = arith.constant 64 : index
      %swap3A_238 = tpu.vector_load %arg7[%swap3A_236, %swap3A_237] {strides = array<i32>} : memref<8x256xf32, #tpu.memory_space<vmem>>, vector<1x16xf32>,
      %swap3A_239 = vector.shape_cast %swap3A_238 : vector<1x16xf32> to vector<16xf32>
      %swap3A_240 = vector.shape_cast %broadcast_in_dim3A_19 : vector<16xf32> to vector<1x16xf32>
      tpu.vector_store %arg7[%swap3A_236, %swap3A_237], %swap3A_240 {strides = array<i32>} : memref<8x256xf32, #tpu.memory_space<vmem>>, vector<1x16xf32>,
      %swap3A_241 = arith.constant 2 : i32
      %swap3A_242 = arith.index_cast %swap3A_241 : i32 to index
      %swap3A_243 = arith.constant 80 : index
      %swap3A_244 = tpu.vector_load %arg7[%swap3A_242, %swap3A_243] {strides = array<i32>} : memref<8x256xf32, #tpu.memory_space<vmem>>, vector<1x16xf32>,
      %swap3A_245 = vector.shape_cast %swap3A_244 : vector<1x16xf32> to vector<16xf32>
      %swap3A_246 = vector.shape_cast %broadcast_in_dim3A_19 : vector<16xf32> to vector<1x16xf32>
      tpu.vector_store %arg7[%swap3A_242, %swap3A_243], %swap3A_246 {strides = array<i32>} : memref<8x256xf32, #tpu.memory_space<vmem>>, vector<1x16xf32>,
      %swap3A_247 = arith.constant 2 : i32
      %swap3A_248 = arith.index_cast %swap3A_247 : i32 to index
      %swap3A_249 = arith.constant 96 : index
      %swap3A_250 = tpu.vector_load %arg7[%swap3A_248, %swap3A_249] {strides = array<i32>} : memref<8x256xf32, #tpu.memory_space<vmem>>, vector<1x16xf32>,
      %swap3A_251 = vector.shape_cast %swap3A_250 : vector<1x16xf32> to vector<16xf32>
      %swap3A_252 = vector.shape_cast %broadcast_in_dim3A_19 : vector<16xf32> to vector<1x16xf32>
      tpu.vector_store %arg7[%swap3A_248, %swap3A_249], %swap3A_252 {strides = array<i32>} : memref<8x256xf32, #tpu.memory_space<vmem>>, vector<1x16xf32>,
      %swap3A_253 = arith.constant 2 : i32
      %swap3A_254 = arith.index_cast %swap3A_253 : i32 to index
      %swap3A_255 = arith.constant 112 : index
      %swap3A_256 = tpu.vector_load %arg7[%swap3A_254, %swap3A_255] {strides = array<i32>} : memref<8x256xf32, #tpu.memory_space<vmem>>, vector<1x16xf32>,
      %swap3A_257 = vector.shape_cast %swap3A_256 : vector<1x16xf32> to vector<16xf32>
      %swap3A_258 = vector.shape_cast %broadcast_in_dim3A_19 : vector<16xf32> to vector<1x16xf32>
      tpu.vector_store %arg7[%swap3A_254, %swap3A_255], %swap3A_258 {strides = array<i32>} : memref<8x256xf32, #tpu.memory_space<vmem>>, vector<1x16xf32>,
      %swap3A_259 = arith.constant 2 : i32
      %swap3A_260 = arith.index_cast %swap3A_259 : i32 to index
      %swap3A_261 = arith.constant 128 : index
      %swap3A_262 = tpu.vector_load %arg7[%swap3A_260, %swap3A_261] {strides = array<i32>} : memref<8x256xf32, #tpu.memory_space<vmem>>, vector<1x16xf32>,
      %swap3A_263 = vector.shape_cast %swap3A_262 : vector<1x16xf32> to vector<16xf32>
      %swap3A_264 = vector.shape_cast %broadcast_in_dim3A_19 : vector<16xf32> to vector<1x16xf32>
      tpu.vector_store %arg7[%swap3A_260, %swap3A_261], %swap3A_264 {strides = array<i32>} : memref<8x256xf32, #tpu.memory_space<vmem>>, vector<1x16xf32>,
      %swap3A_265 = arith.constant 2 : i32
      %swap3A_266 = arith.index_cast %swap3A_265 : i32 to index
      %swap3A_267 = arith.constant 144 : index
      %swap3A_268 = tpu.vector_load %arg7[%swap3A_266, %swap3A_267] {strides = array<i32>} : memref<8x256xf32, #tpu.memory_space<vmem>>, vector<1x16xf32>,
      %swap3A_269 = vector.shape_cast %swap3A_268 : vector<1x16xf32> to vector<16xf32>
      %swap3A_270 = vector.shape_cast %broadcast_in_dim3A_19 : vector<16xf32> to vector<1x16xf32>
      tpu.vector_store %arg7[%swap3A_266, %swap3A_267], %swap3A_270 {strides = array<i32>} : memref<8x256xf32, #tpu.memory_space<vmem>>, vector<1x16xf32>,
      %swap3A_271 = arith.constant 2 : i32
      %swap3A_272 = arith.index_cast %swap3A_271 : i32 to index
      %swap3A_273 = arith.constant 160 : index
      %swap3A_274 = tpu.vector_load %arg7[%swap3A_272, %swap3A_273] {strides = array<i32>} : memref<8x256xf32, #tpu.memory_space<vmem>>, vector<1x16xf32>,
      %swap3A_275 = vector.shape_cast %swap3A_274 : vector<1x16xf32> to vector<16xf32>
      %swap3A_276 = vector.shape_cast %broadcast_in_dim3A_19 : vector<16xf32> to vector<1x16xf32>
      tpu.vector_store %arg7[%swap3A_272, %swap3A_273], %swap3A_276 {strides = array<i32>} : memref<8x256xf32, #tpu.memory_space<vmem>>, vector<1x16xf32>,
      %swap3A_277 = arith.constant 2 : i32
      %swap3A_278 = arith.index_cast %swap3A_277 : i32 to index
      %swap3A_279 = arith.constant 176 : index
      %swap3A_280 = tpu.vector_load %arg7[%swap3A_278, %swap3A_279] {strides = array<i32>} : memref<8x256xf32, #tpu.memory_space<vmem>>, vector<1x16xf32>,
      %swap3A_281 = vector.shape_cast %swap3A_280 : vector<1x16xf32> to vector<16xf32>
      %swap3A_282 = vector.shape_cast %broadcast_in_dim3A_19 : vector<16xf32> to vector<1x16xf32>
      tpu.vector_store %arg7[%swap3A_278, %swap3A_279], %swap3A_282 {strides = array<i32>} : memref<8x256xf32, #tpu.memory_space<vmem>>, vector<1x16xf32>,
      %swap3A_283 = arith.constant 2 : i32
      %swap3A_284 = arith.index_cast %swap3A_283 : i32 to index
      %swap3A_285 = arith.constant 192 : index
      %swap3A_286 = tpu.vector_load %arg7[%swap3A_284, %swap3A_285] {strides = array<i32>} : memref<8x256xf32, #tpu.memory_space<vmem>>, vector<1x16xf32>,
      %swap3A_287 = vector.shape_cast %swap3A_286 : vector<1x16xf32> to vector<16xf32>
      %swap3A_288 = vector.shape_cast %broadcast_in_dim3A_19 : vector<16xf32> to vector<1x16xf32>
      tpu.vector_store %arg7[%swap3A_284, %swap3A_285], %swap3A_288 {strides = array<i32>} : memref<8x256xf32, #tpu.memory_space<vmem>>, vector<1x16xf32>,
      %swap3A_289 = arith.constant 2 : i32
      %swap3A_290 = arith.index_cast %swap3A_289 : i32 to index
      %swap3A_291 = arith.constant 208 : index
      %swap3A_292 = tpu.vector_load %arg7[%swap3A_290, %swap3A_291] {strides = array<i32>} : memref<8x256xf32, #tpu.memory_space<vmem>>, vector<1x16xf32>,
      %swap3A_293 = vector.shape_cast %swap3A_292 : vector<1x16xf32> to vector<16xf32>
      %swap3A_294 = vector.shape_cast %broadcast_in_dim3A_19 : vector<16xf32> to vector<1x16xf32>
      tpu.vector_store %arg7[%swap3A_290, %swap3A_291], %swap3A_294 {strides = array<i32>} : memref<8x256xf32, #tpu.memory_space<vmem>>, vector<1x16xf32>,
      %swap3A_295 = arith.constant 2 : i32
      %swap3A_296 = arith.index_cast %swap3A_295 : i32 to index
      %swap3A_297 = arith.constant 224 : index
      %swap3A_298 = tpu.vector_load %arg7[%swap3A_296, %swap3A_297] {strides = array<i32>} : memref<8x256xf32, #tpu.memory_space<vmem>>, vector<1x16xf32>,
      %swap3A_299 = vector.shape_cast %swap3A_298 : vector<1x16xf32> to vector<16xf32>
      %swap3A_300 = vector.shape_cast %broadcast_in_dim3A_19 : vector<16xf32> to vector<1x16xf32>
      tpu.vector_store %arg7[%swap3A_296, %swap3A_297], %swap3A_300 {strides = array<i32>} : memref<8x256xf32, #tpu.memory_space<vmem>>, vector<1x16xf32>,
      %swap3A_301 = arith.constant 2 : i32
      %swap3A_302 = arith.index_cast %swap3A_301 : i32 to index
      %swap3A_303 = arith.constant 240 : index
      %swap3A_304 = tpu.vector_load %arg7[%swap3A_302, %swap3A_303] {strides = array<i32>} : memref<8x256xf32, #tpu.memory_space<vmem>>, vector<1x16xf32>,
      %swap3A_305 = vector.shape_cast %swap3A_304 : vector<1x16xf32> to vector<16xf32>
      %swap3A_306 = vector.shape_cast %broadcast_in_dim3A_19 : vector<16xf32> to vector<1x16xf32>
      tpu.vector_store %arg7[%swap3A_302, %swap3A_303], %swap3A_306 {strides = array<i32>} : memref<8x256xf32, #tpu.memory_space<vmem>>, vector<1x16xf32>,
      %swap3A_307 = arith.constant 3 : i32
      %swap3A_308 = arith.index_cast %swap3A_307 : i32 to index
      %swap3A_309 = arith.constant 0 : index
      %swap3A_310 = tpu.vector_load %arg7[%swap3A_308, %swap3A_309] {strides = array<i32>} : memref<8x256xf32, #tpu.memory_space<vmem>>, vector<1x16xf32>,
      %swap3A_311 = vector.shape_cast %swap3A_310 : vector<1x16xf32> to vector<16xf32>
      %swap3A_312 = vector.shape_cast %broadcast_in_dim3A_19 : vector<16xf32> to vector<1x16xf32>
      tpu.vector_store %arg7[%swap3A_308, %swap3A_309], %swap3A_312 {strides = array<i32>} : memref<8x256xf32, #tpu.memory_space<vmem>>, vector<1x16xf32>,
      %swap3A_313 = arith.constant 3 : i32
      %swap3A_314 = arith.index_cast %swap3A_313 : i32 to index
      %swap3A_315 = arith.constant 16 : index
      %swap3A_316 = tpu.vector_load %arg7[%swap3A_314, %swap3A_315] {strides = array<i32>} : memref<8x256xf32, #tpu.memory_space<vmem>>, vector<1x16xf32>,
      %swap3A_317 = vector.shape_cast %swap3A_316 : vector<1x16xf32> to vector<16xf32>
      %swap3A_318 = vector.shape_cast %broadcast_in_dim3A_19 : vector<16xf32> to vector<1x16xf32>
      tpu.vector_store %arg7[%swap3A_314, %swap3A_315], %swap3A_318 {strides = array<i32>} : memref<8x256xf32, #tpu.memory_space<vmem>>, vector<1x16xf32>,
      %swap3A_319 = arith.constant 3 : i32
      %swap3A_320 = arith.index_cast %swap3A_319 : i32 to index
      %swap3A_321 = arith.constant 32 : index
      %swap3A_322 = tpu.vector_load %arg7[%swap3A_320, %swap3A_321] {strides = array<i32>} : memref<8x256xf32, #tpu.memory_space<vmem>>, vector<1x16xf32>,
      %swap3A_323 = vector.shape_cast %swap3A_322 : vector<1x16xf32> to vector<16xf32>
      %swap3A_324 = vector.shape_cast %broadcast_in_dim3A_19 : vector<16xf32> to vector<1x16xf32>
      tpu.vector_store %arg7[%swap3A_320, %swap3A_321], %swap3A_324 {strides = array<i32>} : memref<8x256xf32, #tpu.memory_space<vmem>>, vector<1x16xf32>,
      %swap3A_325 = arith.constant 3 : i32
      %swap3A_326 = arith.index_cast %swap3A_325 : i32 to index
      %swap3A_327 = arith.constant 48 : index
      %swap3A_328 = tpu.vector_load %arg7[%swap3A_326, %swap3A_327] {strides = array<i32>} : memref<8x256xf32, #tpu.memory_space<vmem>>, vector<1x16xf32>,
      %swap3A_329 = vector.shape_cast %swap3A_328 : vector<1x16xf32> to vector<16xf32>
      %swap3A_330 = vector.shape_cast %broadcast_in_dim3A_19 : vector<16xf32> to vector<1x16xf32>
      tpu.vector_store %arg7[%swap3A_326, %swap3A_327], %swap3A_330 {strides = array<i32>} : memref<8x256xf32, #tpu.memory_space<vmem>>, vector<1x16xf32>,
      %swap3A_331 = arith.constant 3 : i32
      %swap3A_332 = arith.index_cast %swap3A_331 : i32 to index
      %swap3A_333 = arith.constant 64 : index
      %swap3A_334 = tpu.vector_load %arg7[%swap3A_332, %swap3A_333] {strides = array<i32>} : memref<8x256xf32, #tpu.memory_space<vmem>>, vector<1x16xf32>,
      %swap3A_335 = vector.shape_cast %swap3A_334 : vector<1x16xf32> to vector<16xf32>
      %swap3A_336 = vector.shape_cast %broadcast_in_dim3A_19 : vector<16xf32> to vector<1x16xf32>
      tpu.vector_store %arg7[%swap3A_332, %swap3A_333], %swap3A_336 {strides = array<i32>} : memref<8x256xf32, #tpu.memory_space<vmem>>, vector<1x16xf32>,
      %swap3A_337 = arith.constant 3 : i32
      %swap3A_338 = arith.index_cast %swap3A_337 : i32 to index
      %swap3A_339 = arith.constant 80 : index
      %swap3A_340 = tpu.vector_load %arg7[%swap3A_338, %swap3A_339] {strides = array<i32>} : memref<8x256xf32, #tpu.memory_space<vmem>>, vector<1x16xf32>,
      %swap3A_341 = vector.shape_cast %swap3A_340 : vector<1x16xf32> to vector<16xf32>
      %swap3A_342 = vector.shape_cast %broadcast_in_dim3A_19 : vector<16xf32> to vector<1x16xf32>
      tpu.vector_store %arg7[%swap3A_338, %swap3A_339], %swap3A_342 {strides = array<i32>} : memref<8x256xf32, #tpu.memory_space<vmem>>, vector<1x16xf32>,
      %swap3A_343 = arith.constant 3 : i32
      %swap3A_344 = arith.index_cast %swap3A_343 : i32 to index
      %swap3A_345 = arith.constant 96 : index
      %swap3A_346 = tpu.vector_load %arg7[%swap3A_344, %swap3A_345] {strides = array<i32>} : memref<8x256xf32, #tpu.memory_space<vmem>>, vector<1x16xf32>,
      %swap3A_347 = vector.shape_cast %swap3A_346 : vector<1x16xf32> to vector<16xf32>
      %swap3A_348 = vector.shape_cast %broadcast_in_dim3A_19 : vector<16xf32> to vector<1x16xf32>
      tpu.vector_store %arg7[%swap3A_344, %swap3A_345], %swap3A_348 {strides = array<i32>} : memref<8x256xf32, #tpu.memory_space<vmem>>, vector<1x16xf32>,
      %swap3A_349 = arith.constant 3 : i32
      %swap3A_350 = arith.index_cast %swap3A_349 : i32 to index
      %swap3A_351 = arith.constant 112 : index
      %swap3A_352 = tpu.vector_load %arg7[%swap3A_350, %swap3A_351] {strides = array<i32>} : memref<8x256xf32, #tpu.memory_space<vmem>>, vector<1x16xf32>,
      %swap3A_353 = vector.shape_cast %swap3A_352 : vector<1x16xf32> to vector<16xf32>
      %swap3A_354 = vector.shape_cast %broadcast_in_dim3A_19 : vector<16xf32> to vector<1x16xf32>
      tpu.vector_store %arg7[%swap3A_350, %swap3A_351], %swap3A_354 {strides = array<i32>} : memref<8x256xf32, #tpu.memory_space<vmem>>, vector<1x16xf32>,
      %swap3A_355 = arith.constant 3 : i32
      %swap3A_356 = arith.index_cast %swap3A_355 : i32 to index
      %swap3A_357 = arith.constant 128 : index
      %swap3A_358 = tpu.vector_load %arg7[%swap3A_356, %swap3A_357] {strides = array<i32>} : memref<8x256xf32, #tpu.memory_space<vmem>>, vector<1x16xf32>,
      %swap3A_359 = vector.shape_cast %swap3A_358 : vector<1x16xf32> to vector<16xf32>
      %swap3A_360 = vector.shape_cast %broadcast_in_dim3A_19 : vector<16xf32> to vector<1x16xf32>
      tpu.vector_store %arg7[%swap3A_356, %swap3A_357], %swap3A_360 {strides = array<i32>} : memref<8x256xf32, #tpu.memory_space<vmem>>, vector<1x16xf32>,
      %swap3A_361 = arith.constant 3 : i32
      %swap3A_362 = arith.index_cast %swap3A_361 : i32 to index
      %swap3A_363 = arith.constant 144 : index
      %swap3A_364 = tpu.vector_load %arg7[%swap3A_362, %swap3A_363] {strides = array<i32>} : memref<8x256xf32, #tpu.memory_space<vmem>>, vector<1x16xf32>,
      %swap3A_365 = vector.shape_cast %swap3A_364 : vector<1x16xf32> to vector<16xf32>
      %swap3A_366 = vector.shape_cast %broadcast_in_dim3A_19 : vector<16xf32> to vector<1x16xf32>
      tpu.vector_store %arg7[%swap3A_362, %swap3A_363], %swap3A_366 {strides = array<i32>} : memref<8x256xf32, #tpu.memory_space<vmem>>, vector<1x16xf32>,
      %swap3A_367 = arith.constant 3 : i32
      %swap3A_368 = arith.index_cast %swap3A_367 : i32 to index
      %swap3A_369 = arith.constant 160 : index
      %swap3A_370 = tpu.vector_load %arg7[%swap3A_368, %swap3A_369] {strides = array<i32>} : memref<8x256xf32, #tpu.memory_space<vmem>>, vector<1x16xf32>,
      %swap3A_371 = vector.shape_cast %swap3A_370 : vector<1x16xf32> to vector<16xf32>
      %swap3A_372 = vector.shape_cast %broadcast_in_dim3A_19 : vector<16xf32> to vector<1x16xf32>
      tpu.vector_store %arg7[%swap3A_368, %swap3A_369], %swap3A_372 {strides = array<i32>} : memref<8x256xf32, #tpu.memory_space<vmem>>, vector<1x16xf32>,
      %swap3A_373 = arith.constant 3 : i32
      %swap3A_374 = arith.index_cast %swap3A_373 : i32 to index
      %swap3A_375 = arith.constant 176 : index
      %swap3A_376 = tpu.vector_load %arg7[%swap3A_374, %swap3A_375] {strides = array<i32>} : memref<8x256xf32, #tpu.memory_space<vmem>>, vector<1x16xf32>,
      %swap3A_377 = vector.shape_cast %swap3A_376 : vector<1x16xf32> to vector<16xf32>
      %swap3A_378 = vector.shape_cast %broadcast_in_dim3A_19 : vector<16xf32> to vector<1x16xf32>
      tpu.vector_store %arg7[%swap3A_374, %swap3A_375], %swap3A_378 {strides = array<i32>} : memref<8x256xf32, #tpu.memory_space<vmem>>, vector<1x16xf32>,
      %swap3A_379 = arith.constant 3 : i32
      %swap3A_380 = arith.index_cast %swap3A_379 : i32 to index
      %swap3A_381 = arith.constant 192 : index
      %swap3A_382 = tpu.vector_load %arg7[%swap3A_380, %swap3A_381] {strides = array<i32>} : memref<8x256xf32, #tpu.memory_space<vmem>>, vector<1x16xf32>,
      %swap3A_383 = vector.shape_cast %swap3A_382 : vector<1x16xf32> to vector<16xf32>
      %swap3A_384 = vector.shape_cast %broadcast_in_dim3A_19 : vector<16xf32> to vector<1x16xf32>
      tpu.vector_store %arg7[%swap3A_380, %swap3A_381], %swap3A_384 {strides = array<i32>} : memref<8x256xf32, #tpu.memory_space<vmem>>, vector<1x16xf32>,
      %swap3A_385 = arith.constant 3 : i32
      %swap3A_386 = arith.index_cast %swap3A_385 : i32 to index
      %swap3A_387 = arith.constant 208 : index
      %swap3A_388 = tpu.vector_load %arg7[%swap3A_386, %swap3A_387] {strides = array<i32>} : memref<8x256xf32, #tpu.memory_space<vmem>>, vector<1x16xf32>,
      %swap3A_389 = vector.shape_cast %swap3A_388 : vector<1x16xf32> to vector<16xf32>
      %swap3A_390 = vector.shape_cast %broadcast_in_dim3A_19 : vector<16xf32> to vector<1x16xf32>
      tpu.vector_store %arg7[%swap3A_386, %swap3A_387], %swap3A_390 {strides = array<i32>} : memref<8x256xf32, #tpu.memory_space<vmem>>, vector<1x16xf32>,
      %swap3A_391 = arith.constant 3 : i32
      %swap3A_392 = arith.index_cast %swap3A_391 : i32 to index
      %swap3A_393 = arith.constant 224 : index
      %swap3A_394 = tpu.vector_load %arg7[%swap3A_392, %swap3A_393] {strides = array<i32>} : memref<8x256xf32, #tpu.memory_space<vmem>>, vector<1x16xf32>,
      %swap3A_395 = vector.shape_cast %swap3A_394 : vector<1x16xf32> to vector<16xf32>
      %swap3A_396 = vector.shape_cast %broadcast_in_dim3A_19 : vector<16xf32> to vector<1x16xf32>
      tpu.vector_store %arg7[%swap3A_392, %swap3A_393], %swap3A_396 {strides = array<i32>} : memref<8x256xf32, #tpu.memory_space<vmem>>, vector<1x16xf32>,
      %swap3A_397 = arith.constant 3 : i32
      %swap3A_398 = arith.index_cast %swap3A_397 : i32 to index
      %swap3A_399 = arith.constant 240 : index
      %swap3A_400 = tpu.vector_load %arg7[%swap3A_398, %swap3A_399] {strides = array<i32>} : memref<8x256xf32, #tpu.memory_space<vmem>>, vector<1x16xf32>,
      %swap3A_401 = vector.shape_cast %swap3A_400 : vector<1x16xf32> to vector<16xf32>
      %swap3A_402 = vector.shape_cast %broadcast_in_dim3A_19 : vector<16xf32> to vector<1x16xf32>
      tpu.vector_store %arg7[%swap3A_398, %swap3A_399], %swap3A_402 {strides = array<i32>} : memref<8x256xf32, #tpu.memory_space<vmem>>, vector<1x16xf32>,
      %swap3A_403 = arith.constant 4 : i32
      %swap3A_404 = arith.index_cast %swap3A_403 : i32 to index
      %swap3A_405 = arith.constant 0 : index
      %swap3A_406 = tpu.vector_load %arg7[%swap3A_404, %swap3A_405] {strides = array<i32>} : memref<8x256xf32, #tpu.memory_space<vmem>>, vector<1x16xf32>,
      %swap3A_407 = vector.shape_cast %swap3A_406 : vector<1x16xf32> to vector<16xf32>
      %swap3A_408 = vector.shape_cast %broadcast_in_dim3A_19 : vector<16xf32> to vector<1x16xf32>
      tpu.vector_store %arg7[%swap3A_404, %swap3A_405], %swap3A_408 {strides = array<i32>} : memref<8x256xf32, #tpu.memory_space<vmem>>, vector<1x16xf32>,
      %swap3A_409 = arith.constant 4 : i32
      %swap3A_410 = arith.index_cast %swap3A_409 : i32 to index
      %swap3A_411 = arith.constant 16 : index
      %swap3A_412 = tpu.vector_load %arg7[%swap3A_410, %swap3A_411] {strides = array<i32>} : memref<8x256xf32, #tpu.memory_space<vmem>>, vector<1x16xf32>,
      %swap3A_413 = vector.shape_cast %swap3A_412 : vector<1x16xf32> to vector<16xf32>
      %swap3A_414 = vector.shape_cast %broadcast_in_dim3A_19 : vector<16xf32> to vector<1x16xf32>
      tpu.vector_store %arg7[%swap3A_410, %swap3A_411], %swap3A_414 {strides = array<i32>} : memref<8x256xf32, #tpu.memory_space<vmem>>, vector<1x16xf32>,
      %swap3A_415 = arith.constant 4 : i32
      %swap3A_416 = arith.index_cast %swap3A_415 : i32 to index
      %swap3A_417 = arith.constant 32 : index
      %swap3A_418 = tpu.vector_load %arg7[%swap3A_416, %swap3A_417] {strides = array<i32>} : memref<8x256xf32, #tpu.memory_space<vmem>>, vector<1x16xf32>,
      %swap3A_419 = vector.shape_cast %swap3A_418 : vector<1x16xf32> to vector<16xf32>
      %swap3A_420 = vector.shape_cast %broadcast_in_dim3A_19 : vector<16xf32> to vector<1x16xf32>
      tpu.vector_store %arg7[%swap3A_416, %swap3A_417], %swap3A_420 {strides = array<i32>} : memref<8x256xf32, #tpu.memory_space<vmem>>, vector<1x16xf32>,
      %swap3A_421 = arith.constant 4 : i32
      %swap3A_422 = arith.index_cast %swap3A_421 : i32 to index
      %swap3A_423 = arith.constant 48 : index
      %swap3A_424 = tpu.vector_load %arg7[%swap3A_422, %swap3A_423] {strides = array<i32>} : memref<8x256xf32, #tpu.memory_space<vmem>>, vector<1x16xf32>,
      %swap3A_425 = vector.shape_cast %swap3A_424 : vector<1x16xf32> to vector<16xf32>
      %swap3A_426 = vector.shape_cast %broadcast_in_dim3A_19 : vector<16xf32> to vector<1x16xf32>
      tpu.vector_store %arg7[%swap3A_422, %swap3A_423], %swap3A_426 {strides = array<i32>} : memref<8x256xf32, #tpu.memory_space<vmem>>, vector<1x16xf32>,
      %swap3A_427 = arith.constant 4 : i32
      %swap3A_428 = arith.index_cast %swap3A_427 : i32 to index
      %swap3A_429 = arith.constant 64 : index
      %swap3A_430 = tpu.vector_load %arg7[%swap3A_428, %swap3A_429] {strides = array<i32>} : memref<8x256xf32, #tpu.memory_space<vmem>>, vector<1x16xf32>,
      %swap3A_431 = vector.shape_cast %swap3A_430 : vector<1x16xf32> to vector<16xf32>
      %swap3A_432 = vector.shape_cast %broadcast_in_dim3A_19 : vector<16xf32> to vector<1x16xf32>
      tpu.vector_store %arg7[%swap3A_428, %swap3A_429], %swap3A_432 {strides = array<i32>} : memref<8x256xf32, #tpu.memory_space<vmem>>, vector<1x16xf32>,
      %swap3A_433 = arith.constant 4 : i32
      %swap3A_434 = arith.index_cast %swap3A_433 : i32 to index
      %swap3A_435 = arith.constant 80 : index
      %swap3A_436 = tpu.vector_load %arg7[%swap3A_434, %swap3A_435] {strides = array<i32>} : memref<8x256xf32, #tpu.memory_space<vmem>>, vector<1x16xf32>,
      %swap3A_437 = vector.shape_cast %swap3A_436 : vector<1x16xf32> to vector<16xf32>
      %swap3A_438 = vector.shape_cast %broadcast_in_dim3A_19 : vector<16xf32> to vector<1x16xf32>
      tpu.vector_store %arg7[%swap3A_434, %swap3A_435], %swap3A_438 {strides = array<i32>} : memref<8x256xf32, #tpu.memory_space<vmem>>, vector<1x16xf32>,
      %swap3A_439 = arith.constant 4 : i32
      %swap3A_440 = arith.index_cast %swap3A_439 : i32 to index
      %swap3A_441 = arith.constant 96 : index
      %swap3A_442 = tpu.vector_load %arg7[%swap3A_440, %swap3A_441] {strides = array<i32>} : memref<8x256xf32, #tpu.memory_space<vmem>>, vector<1x16xf32>,
      %swap3A_443 = vector.shape_cast %swap3A_442 : vector<1x16xf32> to vector<16xf32>
      %swap3A_444 = vector.shape_cast %broadcast_in_dim3A_19 : vector<16xf32> to vector<1x16xf32>
      tpu.vector_store %arg7[%swap3A_440, %swap3A_441], %swap3A_444 {strides = array<i32>} : memref<8x256xf32, #tpu.memory_space<vmem>>, vector<1x16xf32>,
      %swap3A_445 = arith.constant 4 : i32
      %swap3A_446 = arith.index_cast %swap3A_445 : i32 to index
      %swap3A_447 = arith.constant 112 : index
      %swap3A_448 = tpu.vector_load %arg7[%swap3A_446, %swap3A_447] {strides = array<i32>} : memref<8x256xf32, #tpu.memory_space<vmem>>, vector<1x16xf32>,
      %swap3A_449 = vector.shape_cast %swap3A_448 : vector<1x16xf32> to vector<16xf32>
      %swap3A_450 = vector.shape_cast %broadcast_in_dim3A_19 : vector<16xf32> to vector<1x16xf32>
      tpu.vector_store %arg7[%swap3A_446, %swap3A_447], %swap3A_450 {strides = array<i32>} : memref<8x256xf32, #tpu.memory_space<vmem>>, vector<1x16xf32>,
      %swap3A_451 = arith.constant 4 : i32
      %swap3A_452 = arith.index_cast %swap3A_451 : i32 to index
      %swap3A_453 = arith.constant 128 : index
      %swap3A_454 = tpu.vector_load %arg7[%swap3A_452, %swap3A_453] {strides = array<i32>} : memref<8x256xf32, #tpu.memory_space<vmem>>, vector<1x16xf32>,
      %swap3A_455 = vector.shape_cast %swap3A_454 : vector<1x16xf32> to vector<16xf32>
      %swap3A_456 = vector.shape_cast %broadcast_in_dim3A_19 : vector<16xf32> to vector<1x16xf32>
      tpu.vector_store %arg7[%swap3A_452, %swap3A_453], %swap3A_456 {strides = array<i32>} : memref<8x256xf32, #tpu.memory_space<vmem>>, vector<1x16xf32>,
      %swap3A_457 = arith.constant 4 : i32
      %swap3A_458 = arith.index_cast %swap3A_457 : i32 to index
      %swap3A_459 = arith.constant 144 : index
      %swap3A_460 = tpu.vector_load %arg7[%swap3A_458, %swap3A_459] {strides = array<i32>} : memref<8x256xf32, #tpu.memory_space<vmem>>, vector<1x16xf32>,
      %swap3A_461 = vector.shape_cast %swap3A_460 : vector<1x16xf32> to vector<16xf32>
      %swap3A_462 = vector.shape_cast %broadcast_in_dim3A_19 : vector<16xf32> to vector<1x16xf32>
      tpu.vector_store %arg7[%swap3A_458, %swap3A_459], %swap3A_462 {strides = array<i32>} : memref<8x256xf32, #tpu.memory_space<vmem>>, vector<1x16xf32>,
      %swap3A_463 = arith.constant 4 : i32
      %swap3A_464 = arith.index_cast %swap3A_463 : i32 to index
      %swap3A_465 = arith.constant 160 : index
      %swap3A_466 = tpu.vector_load %arg7[%swap3A_464, %swap3A_465] {strides = array<i32>} : memref<8x256xf32, #tpu.memory_space<vmem>>, vector<1x16xf32>,
      %swap3A_467 = vector.shape_cast %swap3A_466 : vector<1x16xf32> to vector<16xf32>
      %swap3A_468 = vector.shape_cast %broadcast_in_dim3A_19 : vector<16xf32> to vector<1x16xf32>
      tpu.vector_store %arg7[%swap3A_464, %swap3A_465], %swap3A_468 {strides = array<i32>} : memref<8x256xf32, #tpu.memory_space<vmem>>, vector<1x16xf32>,
      %swap3A_469 = arith.constant 4 : i32
      %swap3A_470 = arith.index_cast %swap3A_469 : i32 to index
      %swap3A_471 = arith.constant 176 : index
      %swap3A_472 = tpu.vector_load %arg7[%swap3A_470, %swap3A_471] {strides = array<i32>} : memref<8x256xf32, #tpu.memory_space<vmem>>, vector<1x16xf32>,
      %swap3A_473 = vector.shape_cast %swap3A_472 : vector<1x16xf32> to vector<16xf32>
      %swap3A_474 = vector.shape_cast %broadcast_in_dim3A_19 : vector<16xf32> to vector<1x16xf32>
      tpu.vector_store %arg7[%swap3A_470, %swap3A_471], %swap3A_474 {strides = array<i32>} : memref<8x256xf32, #tpu.memory_space<vmem>>, vector<1x16xf32>,
      %swap3A_475 = arith.constant 4 : i32
      %swap3A_476 = arith.index_cast %swap3A_475 : i32 to index
      %swap3A_477 = arith.constant 192 : index
      %swap3A_478 = tpu.vector_load %arg7[%swap3A_476, %swap3A_477] {strides = array<i32>} : memref<8x256xf32, #tpu.memory_space<vmem>>, vector<1x16xf32>,
      %swap3A_479 = vector.shape_cast %swap3A_478 : vector<1x16xf32> to vector<16xf32>
      %swap3A_480 = vector.shape_cast %broadcast_in_dim3A_19 : vector<16xf32> to vector<1x16xf32>
      tpu.vector_store %arg7[%swap3A_476, %swap3A_477], %swap3A_480 {strides = array<i32>} : memref<8x256xf32, #tpu.memory_space<vmem>>, vector<1x16xf32>,
      %swap3A_481 = arith.constant 4 : i32
      %swap3A_482 = arith.index_cast %swap3A_481 : i32 to index
      %swap3A_483 = arith.constant 208 : index
      %swap3A_484 = tpu.vector_load %arg7[%swap3A_482, %swap3A_483] {strides = array<i32>} : memref<8x256xf32, #tpu.memory_space<vmem>>, vector<1x16xf32>,
      %swap3A_485 = vector.shape_cast %swap3A_484 : vector<1x16xf32> to vector<16xf32>
      %swap3A_486 = vector.shape_cast %broadcast_in_dim3A_19 : vector<16xf32> to vector<1x16xf32>
      tpu.vector_store %arg7[%swap3A_482, %swap3A_483], %swap3A_486 {strides = array<i32>} : memref<8x256xf32, #tpu.memory_space<vmem>>, vector<1x16xf32>,
      %swap3A_487 = arith.constant 4 : i32
      %swap3A_488 = arith.index_cast %swap3A_487 : i32 to index
      %swap3A_489 = arith.constant 224 : index
      %swap3A_490 = tpu.vector_load %arg7[%swap3A_488, %swap3A_489] {strides = array<i32>} : memref<8x256xf32, #tpu.memory_space<vmem>>, vector<1x16xf32>,
      %swap3A_491 = vector.shape_cast %swap3A_490 : vector<1x16xf32> to vector<16xf32>
      %swap3A_492 = vector.shape_cast %broadcast_in_dim3A_19 : vector<16xf32> to vector<1x16xf32>
      tpu.vector_store %arg7[%swap3A_488, %swap3A_489], %swap3A_492 {strides = array<i32>} : memref<8x256xf32, #tpu.memory_space<vmem>>, vector<1x16xf32>,
      %swap3A_493 = arith.constant 4 : i32
      %swap3A_494 = arith.index_cast %swap3A_493 : i32 to index
      %swap3A_495 = arith.constant 240 : index
      %swap3A_496 = tpu.vector_load %arg7[%swap3A_494, %swap3A_495] {strides = array<i32>} : memref<8x256xf32, #tpu.memory_space<vmem>>, vector<1x16xf32>,
      %swap3A_497 = vector.shape_cast %swap3A_496 : vector<1x16xf32> to vector<16xf32>
      %swap3A_498 = vector.shape_cast %broadcast_in_dim3A_19 : vector<16xf32> to vector<1x16xf32>
      tpu.vector_store %arg7[%swap3A_494, %swap3A_495], %swap3A_498 {strides = array<i32>} : memref<8x256xf32, #tpu.memory_space<vmem>>, vector<1x16xf32>,
      %swap3A_499 = arith.constant 5 : i32
      %swap3A_500 = arith.index_cast %swap3A_499 : i32 to index
      %swap3A_501 = arith.constant 0 : index
      %swap3A_502 = tpu.vector_load %arg7[%swap3A_500, %swap3A_501] {strides = array<i32>} : memref<8x256xf32, #tpu.memory_space<vmem>>, vector<1x16xf32>,
      %swap3A_503 = vector.shape_cast %swap3A_502 : vector<1x16xf32> to vector<16xf32>
      %swap3A_504 = vector.shape_cast %broadcast_in_dim3A_19 : vector<16xf32> to vector<1x16xf32>
      tpu.vector_store %arg7[%swap3A_500, %swap3A_501], %swap3A_504 {strides = array<i32>} : memref<8x256xf32, #tpu.memory_space<vmem>>, vector<1x16xf32>,
      %swap3A_505 = arith.constant 5 : i32
      %swap3A_506 = arith.index_cast %swap3A_505 : i32 to index
      %swap3A_507 = arith.constant 16 : index
      %swap3A_508 = tpu.vector_load %arg7[%swap3A_506, %swap3A_507] {strides = array<i32>} : memref<8x256xf32, #tpu.memory_space<vmem>>, vector<1x16xf32>,
      %swap3A_509 = vector.shape_cast %swap3A_508 : vector<1x16xf32> to vector<16xf32>
      %swap3A_510 = vector.shape_cast %broadcast_in_dim3A_19 : vector<16xf32> to vector<1x16xf32>
      tpu.vector_store %arg7[%swap3A_506, %swap3A_507], %swap3A_510 {strides = array<i32>} : memref<8x256xf32, #tpu.memory_space<vmem>>, vector<1x16xf32>,
      %swap3A_511 = arith.constant 5 : i32
      %swap3A_512 = arith.index_cast %swap3A_511 : i32 to index
      %swap3A_513 = arith.constant 32 : index
      %swap3A_514 = tpu.vector_load %arg7[%swap3A_512, %swap3A_513] {strides = array<i32>} : memref<8x256xf32, #tpu.memory_space<vmem>>, vector<1x16xf32>,
      %swap3A_515 = vector.shape_cast %swap3A_514 : vector<1x16xf32> to vector<16xf32>
      %swap3A_516 = vector.shape_cast %broadcast_in_dim3A_19 : vector<16xf32> to vector<1x16xf32>
      tpu.vector_store %arg7[%swap3A_512, %swap3A_513], %swap3A_516 {strides = array<i32>} : memref<8x256xf32, #tpu.memory_space<vmem>>, vector<1x16xf32>,
      %swap3A_517 = arith.constant 5 : i32
      %swap3A_518 = arith.index_cast %swap3A_517 : i32 to index
      %swap3A_519 = arith.constant 48 : index
      %swap3A_520 = tpu.vector_load %arg7[%swap3A_518, %swap3A_519] {strides = array<i32>} : memref<8x256xf32, #tpu.memory_space<vmem>>, vector<1x16xf32>,
      %swap3A_521 = vector.shape_cast %swap3A_520 : vector<1x16xf32> to vector<16xf32>
      %swap3A_522 = vector.shape_cast %broadcast_in_dim3A_19 : vector<16xf32> to vector<1x16xf32>
      tpu.vector_store %arg7[%swap3A_518, %swap3A_519], %swap3A_522 {strides = array<i32>} : memref<8x256xf32, #tpu.memory_space<vmem>>, vector<1x16xf32>,
      %swap3A_523 = arith.constant 5 : i32
      %swap3A_524 = arith.index_cast %swap3A_523 : i32 to index
      %swap3A_525 = arith.constant 64 : index
      %swap3A_526 = tpu.vector_load %arg7[%swap3A_524, %swap3A_525] {strides = array<i32>} : memref<8x256xf32, #tpu.memory_space<vmem>>, vector<1x16xf32>,
      %swap3A_527 = vector.shape_cast %swap3A_526 : vector<1x16xf32> to vector<16xf32>
      %swap3A_528 = vector.shape_cast %broadcast_in_dim3A_19 : vector<16xf32> to vector<1x16xf32>
      tpu.vector_store %arg7[%swap3A_524, %swap3A_525], %swap3A_528 {strides = array<i32>} : memref<8x256xf32, #tpu.memory_space<vmem>>, vector<1x16xf32>,
      %swap3A_529 = arith.constant 5 : i32
      %swap3A_530 = arith.index_cast %swap3A_529 : i32 to index
      %swap3A_531 = arith.constant 80 : index
      %swap3A_532 = tpu.vector_load %arg7[%swap3A_530, %swap3A_531] {strides = array<i32>} : memref<8x256xf32, #tpu.memory_space<vmem>>, vector<1x16xf32>,
      %swap3A_533 = vector.shape_cast %swap3A_532 : vector<1x16xf32> to vector<16xf32>
      %swap3A_534 = vector.shape_cast %broadcast_in_dim3A_19 : vector<16xf32> to vector<1x16xf32>
      tpu.vector_store %arg7[%swap3A_530, %swap3A_531], %swap3A_534 {strides = array<i32>} : memref<8x256xf32, #tpu.memory_space<vmem>>, vector<1x16xf32>,
      %swap3A_535 = arith.constant 5 : i32
      %swap3A_536 = arith.index_cast %swap3A_535 : i32 to index
      %swap3A_537 = arith.constant 96 : index
      %swap3A_538 = tpu.vector_load %arg7[%swap3A_536, %swap3A_537] {strides = array<i32>} : memref<8x256xf32, #tpu.memory_space<vmem>>, vector<1x16xf32>,
      %swap3A_539 = vector.shape_cast %swap3A_538 : vector<1x16xf32> to vector<16xf32>
      %swap3A_540 = vector.shape_cast %broadcast_in_dim3A_19 : vector<16xf32> to vector<1x16xf32>
      tpu.vector_store %arg7[%swap3A_536, %swap3A_537], %swap3A_540 {strides = array<i32>} : memref<8x256xf32, #tpu.memory_space<vmem>>, vector<1x16xf32>,
      %swap3A_541 = arith.constant 5 : i32
      %swap3A_542 = arith.index_cast %swap3A_541 : i32 to index
      %swap3A_543 = arith.constant 112 : index
      %swap3A_544 = tpu.vector_load %arg7[%swap3A_542, %swap3A_543] {strides = array<i32>} : memref<8x256xf32, #tpu.memory_space<vmem>>, vector<1x16xf32>,
      %swap3A_545 = vector.shape_cast %swap3A_544 : vector<1x16xf32> to vector<16xf32>
      %swap3A_546 = vector.shape_cast %broadcast_in_dim3A_19 : vector<16xf32> to vector<1x16xf32>
      tpu.vector_store %arg7[%swap3A_542, %swap3A_543], %swap3A_546 {strides = array<i32>} : memref<8x256xf32, #tpu.memory_space<vmem>>, vector<1x16xf32>,
      %swap3A_547 = arith.constant 5 : i32
      %swap3A_548 = arith.index_cast %swap3A_547 : i32 to index
      %swap3A_549 = arith.constant 128 : index
      %swap3A_550 = tpu.vector_load %arg7[%swap3A_548, %swap3A_549] {strides = array<i32>} : memref<8x256xf32, #tpu.memory_space<vmem>>, vector<1x16xf32>,
      %swap3A_551 = vector.shape_cast %swap3A_550 : vector<1x16xf32> to vector<16xf32>
      %swap3A_552 = vector.shape_cast %broadcast_in_dim3A_19 : vector<16xf32> to vector<1x16xf32>
      tpu.vector_store %arg7[%swap3A_548, %swap3A_549], %swap3A_552 {strides = array<i32>} : memref<8x256xf32, #tpu.memory_space<vmem>>, vector<1x16xf32>,
      %swap3A_553 = arith.constant 5 : i32
      %swap3A_554 = arith.index_cast %swap3A_553 : i32 to index
      %swap3A_555 = arith.constant 144 : index
      %swap3A_556 = tpu.vector_load %arg7[%swap3A_554, %swap3A_555] {strides = array<i32>} : memref<8x256xf32, #tpu.memory_space<vmem>>, vector<1x16xf32>,
      %swap3A_557 = vector.shape_cast %swap3A_556 : vector<1x16xf32> to vector<16xf32>
      %swap3A_558 = vector.shape_cast %broadcast_in_dim3A_19 : vector<16xf32> to vector<1x16xf32>
      tpu.vector_store %arg7[%swap3A_554, %swap3A_555], %swap3A_558 {strides = array<i32>} : memref<8x256xf32, #tpu.memory_space<vmem>>, vector<1x16xf32>,
      %swap3A_559 = arith.constant 5 : i32
      %swap3A_560 = arith.index_cast %swap3A_559 : i32 to index
      %swap3A_561 = arith.constant 160 : index
      %swap3A_562 = tpu.vector_load %arg7[%swap3A_560, %swap3A_561] {strides = array<i32>} : memref<8x256xf32, #tpu.memory_space<vmem>>, vector<1x16xf32>,
      %swap3A_563 = vector.shape_cast %swap3A_562 : vector<1x16xf32> to vector<16xf32>
      %swap3A_564 = vector.shape_cast %broadcast_in_dim3A_19 : vector<16xf32> to vector<1x16xf32>
      tpu.vector_store %arg7[%swap3A_560, %swap3A_561], %swap3A_564 {strides = array<i32>} : memref<8x256xf32, #tpu.memory_space<vmem>>, vector<1x16xf32>,
      %swap3A_565 = arith.constant 5 : i32
      %swap3A_566 = arith.index_cast %swap3A_565 : i32 to index
      %swap3A_567 = arith.constant 176 : index
      %swap3A_568 = tpu.vector_load %arg7[%swap3A_566, %swap3A_567] {strides = array<i32>} : memref<8x256xf32, #tpu.memory_space<vmem>>, vector<1x16xf32>,
      %swap3A_569 = vector.shape_cast %swap3A_568 : vector<1x16xf32> to vector<16xf32>
      %swap3A_570 = vector.shape_cast %broadcast_in_dim3A_19 : vector<16xf32> to vector<1x16xf32>
      tpu.vector_store %arg7[%swap3A_566, %swap3A_567], %swap3A_570 {strides = array<i32>} : memref<8x256xf32, #tpu.memory_space<vmem>>, vector<1x16xf32>,
      %swap3A_571 = arith.constant 5 : i32
      %swap3A_572 = arith.index_cast %swap3A_571 : i32 to index
      %swap3A_573 = arith.constant 192 : index
      %swap3A_574 = tpu.vector_load %arg7[%swap3A_572, %swap3A_573] {strides = array<i32>} : memref<8x256xf32, #tpu.memory_space<vmem>>, vector<1x16xf32>,
      %swap3A_575 = vector.shape_cast %swap3A_574 : vector<1x16xf32> to vector<16xf32>
      %swap3A_576 = vector.shape_cast %broadcast_in_dim3A_19 : vector<16xf32> to vector<1x16xf32>
      tpu.vector_store %arg7[%swap3A_572, %swap3A_573], %swap3A_576 {strides = array<i32>} : memref<8x256xf32, #tpu.memory_space<vmem>>, vector<1x16xf32>,
      %swap3A_577 = arith.constant 5 : i32
      %swap3A_578 = arith.index_cast %swap3A_577 : i32 to index
      %swap3A_579 = arith.constant 208 : index
      %swap3A_580 = tpu.vector_load %arg7[%swap3A_578, %swap3A_579] {strides = array<i32>} : memref<8x256xf32, #tpu.memory_space<vmem>>, vector<1x16xf32>,
      %swap3A_581 = vector.shape_cast %swap3A_580 : vector<1x16xf32> to vector<16xf32>
      %swap3A_582 = vector.shape_cast %broadcast_in_dim3A_19 : vector<16xf32> to vector<1x16xf32>
      tpu.vector_store %arg7[%swap3A_578, %swap3A_579], %swap3A_582 {strides = array<i32>} : memref<8x256xf32, #tpu.memory_space<vmem>>, vector<1x16xf32>,
      %swap3A_583 = arith.constant 5 : i32
      %swap3A_584 = arith.index_cast %swap3A_583 : i32 to index
      %swap3A_585 = arith.constant 224 : index
      %swap3A_586 = tpu.vector_load %arg7[%swap3A_584, %swap3A_585] {strides = array<i32>} : memref<8x256xf32, #tpu.memory_space<vmem>>, vector<1x16xf32>,
      %swap3A_587 = vector.shape_cast %swap3A_586 : vector<1x16xf32> to vector<16xf32>
      %swap3A_588 = vector.shape_cast %broadcast_in_dim3A_19 : vector<16xf32> to vector<1x16xf32>
      tpu.vector_store %arg7[%swap3A_584, %swap3A_585], %swap3A_588 {strides = array<i32>} : memref<8x256xf32, #tpu.memory_space<vmem>>, vector<1x16xf32>,
      %swap3A_589 = arith.constant 5 : i32
      %swap3A_590 = arith.index_cast %swap3A_589 : i32 to index
      %swap3A_591 = arith.constant 240 : index
      %swap3A_592 = tpu.vector_load %arg7[%swap3A_590, %swap3A_591] {strides = array<i32>} : memref<8x256xf32, #tpu.memory_space<vmem>>, vector<1x16xf32>,
      %swap3A_593 = vector.shape_cast %swap3A_592 : vector<1x16xf32> to vector<16xf32>
      %swap3A_594 = vector.shape_cast %broadcast_in_dim3A_19 : vector<16xf32> to vector<1x16xf32>
      tpu.vector_store %arg7[%swap3A_590, %swap3A_591], %swap3A_594 {strides = array<i32>} : memref<8x256xf32, #tpu.memory_space<vmem>>, vector<1x16xf32>,
      %swap3A_595 = arith.constant 6 : i32
      %swap3A_596 = arith.index_cast %swap3A_595 : i32 to index
      %swap3A_597 = arith.constant 0 : index
      %swap3A_598 = tpu.vector_load %arg7[%swap3A_596, %swap3A_597] {strides = array<i32>} : memref<8x256xf32, #tpu.memory_space<vmem>>, vector<1x16xf32>,
      %swap3A_599 = vector.shape_cast %swap3A_598 : vector<1x16xf32> to vector<16xf32>
      %swap3A_600 = vector.shape_cast %broadcast_in_dim3A_19 : vector<16xf32> to vector<1x16xf32>
      tpu.vector_store %arg7[%swap3A_596, %swap3A_597], %swap3A_600 {strides = array<i32>} : memref<8x256xf32, #tpu.memory_space<vmem>>, vector<1x16xf32>,
      %swap3A_601 = arith.constant 6 : i32
      %swap3A_602 = arith.index_cast %swap3A_601 : i32 to index
      %swap3A_603 = arith.constant 16 : index
      %swap3A_604 = tpu.vector_load %arg7[%swap3A_602, %swap3A_603] {strides = array<i32>} : memref<8x256xf32, #tpu.memory_space<vmem>>, vector<1x16xf32>,
      %swap3A_605 = vector.shape_cast %swap3A_604 : vector<1x16xf32> to vector<16xf32>
      %swap3A_606 = vector.shape_cast %broadcast_in_dim3A_19 : vector<16xf32> to vector<1x16xf32>
      tpu.vector_store %arg7[%swap3A_602, %swap3A_603], %swap3A_606 {strides = array<i32>} : memref<8x256xf32, #tpu.memory_space<vmem>>, vector<1x16xf32>,
      %swap3A_607 = arith.constant 6 : i32
      %swap3A_608 = arith.index_cast %swap3A_607 : i32 to index
      %swap3A_609 = arith.constant 32 : index
      %swap3A_610 = tpu.vector_load %arg7[%swap3A_608, %swap3A_609] {strides = array<i32>} : memref<8x256xf32, #tpu.memory_space<vmem>>, vector<1x16xf32>,
      %swap3A_611 = vector.shape_cast %swap3A_610 : vector<1x16xf32> to vector<16xf32>
      %swap3A_612 = vector.shape_cast %broadcast_in_dim3A_19 : vector<16xf32> to vector<1x16xf32>
      tpu.vector_store %arg7[%swap3A_608, %swap3A_609], %swap3A_612 {strides = array<i32>} : memref<8x256xf32, #tpu.memory_space<vmem>>, vector<1x16xf32>,
      %swap3A_613 = arith.constant 6 : i32
      %swap3A_614 = arith.index_cast %swap3A_613 : i32 to index
      %swap3A_615 = arith.constant 48 : index
      %swap3A_616 = tpu.vector_load %arg7[%swap3A_614, %swap3A_615] {strides = array<i32>} : memref<8x256xf32, #tpu.memory_space<vmem>>, vector<1x16xf32>,
      %swap3A_617 = vector.shape_cast %swap3A_616 : vector<1x16xf32> to vector<16xf32>
      %swap3A_618 = vector.shape_cast %broadcast_in_dim3A_19 : vector<16xf32> to vector<1x16xf32>
      tpu.vector_store %arg7[%swap3A_614, %swap3A_615], %swap3A_618 {strides = array<i32>} : memref<8x256xf32, #tpu.memory_space<vmem>>, vector<1x16xf32>,
      %swap3A_619 = arith.constant 6 : i32
      %swap3A_620 = arith.index_cast %swap3A_619 : i32 to index
      %swap3A_621 = arith.constant 64 : index
      %swap3A_622 = tpu.vector_load %arg7[%swap3A_620, %swap3A_621] {strides = array<i32>} : memref<8x256xf32, #tpu.memory_space<vmem>>, vector<1x16xf32>,
      %swap3A_623 = vector.shape_cast %swap3A_622 : vector<1x16xf32> to vector<16xf32>
      %swap3A_624 = vector.shape_cast %broadcast_in_dim3A_19 : vector<16xf32> to vector<1x16xf32>
      tpu.vector_store %arg7[%swap3A_620, %swap3A_621], %swap3A_624 {strides = array<i32>} : memref<8x256xf32, #tpu.memory_space<vmem>>, vector<1x16xf32>,
      %swap3A_625 = arith.constant 6 : i32
      %swap3A_626 = arith.index_cast %swap3A_625 : i32 to index
      %swap3A_627 = arith.constant 80 : index
      %swap3A_628 = tpu.vector_load %arg7[%swap3A_626, %swap3A_627] {strides = array<i32>} : memref<8x256xf32, #tpu.memory_space<vmem>>, vector<1x16xf32>,
      %swap3A_629 = vector.shape_cast %swap3A_628 : vector<1x16xf32> to vector<16xf32>
      %swap3A_630 = vector.shape_cast %broadcast_in_dim3A_19 : vector<16xf32> to vector<1x16xf32>
      tpu.vector_store %arg7[%swap3A_626, %swap3A_627], %swap3A_630 {strides = array<i32>} : memref<8x256xf32, #tpu.memory_space<vmem>>, vector<1x16xf32>,
      %swap3A_631 = arith.constant 6 : i32
      %swap3A_632 = arith.index_cast %swap3A_631 : i32 to index
      %swap3A_633 = arith.constant 96 : index
      %swap3A_634 = tpu.vector_load %arg7[%swap3A_632, %swap3A_633] {strides = array<i32>} : memref<8x256xf32, #tpu.memory_space<vmem>>, vector<1x16xf32>,
      %swap3A_635 = vector.shape_cast %swap3A_634 : vector<1x16xf32> to vector<16xf32>
      %swap3A_636 = vector.shape_cast %broadcast_in_dim3A_19 : vector<16xf32> to vector<1x16xf32>
      tpu.vector_store %arg7[%swap3A_632, %swap3A_633], %swap3A_636 {strides = array<i32>} : memref<8x256xf32, #tpu.memory_space<vmem>>, vector<1x16xf32>,
      %swap3A_637 = arith.constant 6 : i32
      %swap3A_638 = arith.index_cast %swap3A_637 : i32 to index
      %swap3A_639 = arith.constant 112 : index
      %swap3A_640 = tpu.vector_load %arg7[%swap3A_638, %swap3A_639] {strides = array<i32>} : memref<8x256xf32, #tpu.memory_space<vmem>>, vector<1x16xf32>,
      %swap3A_641 = vector.shape_cast %swap3A_640 : vector<1x16xf32> to vector<16xf32>
      %swap3A_642 = vector.shape_cast %broadcast_in_dim3A_19 : vector<16xf32> to vector<1x16xf32>
      tpu.vector_store %arg7[%swap3A_638, %swap3A_639], %swap3A_642 {strides = array<i32>} : memref<8x256xf32, #tpu.memory_space<vmem>>, vector<1x16xf32>,
      %swap3A_643 = arith.constant 6 : i32
      %swap3A_644 = arith.index_cast %swap3A_643 : i32 to index
      %swap3A_645 = arith.constant 128 : index
      %swap3A_646 = tpu.vector_load %arg7[%swap3A_644, %swap3A_645] {strides = array<i32>} : memref<8x256xf32, #tpu.memory_space<vmem>>, vector<1x16xf32>,
      %swap3A_647 = vector.shape_cast %swap3A_646 : vector<1x16xf32> to vector<16xf32>
      %swap3A_648 = vector.shape_cast %broadcast_in_dim3A_19 : vector<16xf32> to vector<1x16xf32>
      tpu.vector_store %arg7[%swap3A_644, %swap3A_645], %swap3A_648 {strides = array<i32>} : memref<8x256xf32, #tpu.memory_space<vmem>>, vector<1x16xf32>,
      %swap3A_649 = arith.constant 6 : i32
      %swap3A_650 = arith.index_cast %swap3A_649 : i32 to index
      %swap3A_651 = arith.constant 144 : index
      %swap3A_652 = tpu.vector_load %arg7[%swap3A_650, %swap3A_651] {strides = array<i32>} : memref<8x256xf32, #tpu.memory_space<vmem>>, vector<1x16xf32>,
      %swap3A_653 = vector.shape_cast %swap3A_652 : vector<1x16xf32> to vector<16xf32>
      %swap3A_654 = vector.shape_cast %broadcast_in_dim3A_19 : vector<16xf32> to vector<1x16xf32>
      tpu.vector_store %arg7[%swap3A_650, %swap3A_651], %swap3A_654 {strides = array<i32>} : memref<8x256xf32, #tpu.memory_space<vmem>>, vector<1x16xf32>,
      %swap3A_655 = arith.constant 6 : i32
      %swap3A_656 = arith.index_cast %swap3A_655 : i32 to index
      %swap3A_657 = arith.constant 160 : index
      %swap3A_658 = tpu.vector_load %arg7[%swap3A_656, %swap3A_657] {strides = array<i32>} : memref<8x256xf32, #tpu.memory_space<vmem>>, vector<1x16xf32>,
      %swap3A_659 = vector.shape_cast %swap3A_658 : vector<1x16xf32> to vector<16xf32>
      %swap3A_660 = vector.shape_cast %broadcast_in_dim3A_19 : vector<16xf32> to vector<1x16xf32>
      tpu.vector_store %arg7[%swap3A_656, %swap3A_657], %swap3A_660 {strides = array<i32>} : memref<8x256xf32, #tpu.memory_space<vmem>>, vector<1x16xf32>,
      %swap3A_661 = arith.constant 6 : i32
      %swap3A_662 = arith.index_cast %swap3A_661 : i32 to index
      %swap3A_663 = arith.constant 176 : index
      %swap3A_664 = tpu.vector_load %arg7[%swap3A_662, %swap3A_663] {strides = array<i32>} : memref<8x256xf32, #tpu.memory_space<vmem>>, vector<1x16xf32>,
      %swap3A_665 = vector.shape_cast %swap3A_664 : vector<1x16xf32> to vector<16xf32>
      %swap3A_666 = vector.shape_cast %broadcast_in_dim3A_19 : vector<16xf32> to vector<1x16xf32>
      tpu.vector_store %arg7[%swap3A_662, %swap3A_663], %swap3A_666 {strides = array<i32>} : memref<8x256xf32, #tpu.memory_space<vmem>>, vector<1x16xf32>,
      %swap3A_667 = arith.constant 6 : i32
      %swap3A_668 = arith.index_cast %swap3A_667 : i32 to index
      %swap3A_669 = arith.constant 192 : index
      %swap3A_670 = tpu.vector_load %arg7[%swap3A_668, %swap3A_669] {strides = array<i32>} : memref<8x256xf32, #tpu.memory_space<vmem>>, vector<1x16xf32>,
      %swap3A_671 = vector.shape_cast %swap3A_670 : vector<1x16xf32> to vector<16xf32>
      %swap3A_672 = vector.shape_cast %broadcast_in_dim3A_19 : vector<16xf32> to vector<1x16xf32>
      tpu.vector_store %arg7[%swap3A_668, %swap3A_669], %swap3A_672 {strides = array<i32>} : memref<8x256xf32, #tpu.memory_space<vmem>>, vector<1x16xf32>,
      %swap3A_673 = arith.constant 6 : i32
      %swap3A_674 = arith.index_cast %swap3A_673 : i32 to index
      %swap3A_675 = arith.constant 208 : index
      %swap3A_676 = tpu.vector_load %arg7[%swap3A_674, %swap3A_675] {strides = array<i32>} : memref<8x256xf32, #tpu.memory_space<vmem>>, vector<1x16xf32>,
      %swap3A_677 = vector.shape_cast %swap3A_676 : vector<1x16xf32> to vector<16xf32>
      %swap3A_678 = vector.shape_cast %broadcast_in_dim3A_19 : vector<16xf32> to vector<1x16xf32>
      tpu.vector_store %arg7[%swap3A_674, %swap3A_675], %swap3A_678 {strides = array<i32>} : memref<8x256xf32, #tpu.memory_space<vmem>>, vector<1x16xf32>,
      %swap3A_679 = arith.constant 6 : i32
      %swap3A_680 = arith.index_cast %swap3A_679 : i32 to index
      %swap3A_681 = arith.constant 224 : index
      %swap3A_682 = tpu.vector_load %arg7[%swap3A_680, %swap3A_681] {strides = array<i32>} : memref<8x256xf32, #tpu.memory_space<vmem>>, vector<1x16xf32>,
      %swap3A_683 = vector.shape_cast %swap3A_682 : vector<1x16xf32> to vector<16xf32>
      %swap3A_684 = vector.shape_cast %broadcast_in_dim3A_19 : vector<16xf32> to vector<1x16xf32>
      tpu.vector_store %arg7[%swap3A_680, %swap3A_681], %swap3A_684 {strides = array<i32>} : memref<8x256xf32, #tpu.memory_space<vmem>>, vector<1x16xf32>,
      %swap3A_685 = arith.constant 6 : i32
      %swap3A_686 = arith.index_cast %swap3A_685 : i32 to index
      %swap3A_687 = arith.constant 240 : index
      %swap3A_688 = tpu.vector_load %arg7[%swap3A_686, %swap3A_687] {strides = array<i32>} : memref<8x256xf32, #tpu.memory_space<vmem>>, vector<1x16xf32>,
      %swap3A_689 = vector.shape_cast %swap3A_688 : vector<1x16xf32> to vector<16xf32>
      %swap3A_690 = vector.shape_cast %broadcast_in_dim3A_19 : vector<16xf32> to vector<1x16xf32>
      tpu.vector_store %arg7[%swap3A_686, %swap3A_687], %swap3A_690 {strides = array<i32>} : memref<8x256xf32, #tpu.memory_space<vmem>>, vector<1x16xf32>,
      %swap3A_691 = arith.constant 7 : i32
      %swap3A_692 = arith.index_cast %swap3A_691 : i32 to index
      %swap3A_693 = arith.constant 0 : index
      %swap3A_694 = tpu.vector_load %arg7[%swap3A_692, %swap3A_693] {strides = array<i32>} : memref<8x256xf32, #tpu.memory_space<vmem>>, vector<1x16xf32>,
      %swap3A_695 = vector.shape_cast %swap3A_694 : vector<1x16xf32> to vector<16xf32>
      %swap3A_696 = vector.shape_cast %broadcast_in_dim3A_19 : vector<16xf32> to vector<1x16xf32>
      tpu.vector_store %arg7[%swap3A_692, %swap3A_693], %swap3A_696 {strides = array<i32>} : memref<8x256xf32, #tpu.memory_space<vmem>>, vector<1x16xf32>,
      %swap3A_697 = arith.constant 7 : i32
      %swap3A_698 = arith.index_cast %swap3A_697 : i32 to index
      %swap3A_699 = arith.constant 16 : index
      %swap3A_700 = tpu.vector_load %arg7[%swap3A_698, %swap3A_699] {strides = array<i32>} : memref<8x256xf32, #tpu.memory_space<vmem>>, vector<1x16xf32>,
      %swap3A_701 = vector.shape_cast %swap3A_700 : vector<1x16xf32> to vector<16xf32>
      %swap3A_702 = vector.shape_cast %broadcast_in_dim3A_19 : vector<16xf32> to vector<1x16xf32>
      tpu.vector_store %arg7[%swap3A_698, %swap3A_699], %swap3A_702 {strides = array<i32>} : memref<8x256xf32, #tpu.memory_space<vmem>>, vector<1x16xf32>,
      %swap3A_703 = arith.constant 7 : i32
      %swap3A_704 = arith.index_cast %swap3A_703 : i32 to index
      %swap3A_705 = arith.constant 32 : index
      %swap3A_706 = tpu.vector_load %arg7[%swap3A_704, %swap3A_705] {strides = array<i32>} : memref<8x256xf32, #tpu.memory_space<vmem>>, vector<1x16xf32>,
      %swap3A_707 = vector.shape_cast %swap3A_706 : vector<1x16xf32> to vector<16xf32>
      %swap3A_708 = vector.shape_cast %broadcast_in_dim3A_19 : vector<16xf32> to vector<1x16xf32>
      tpu.vector_store %arg7[%swap3A_704, %swap3A_705], %swap3A_708 {strides = array<i32>} : memref<8x256xf32, #tpu.memory_space<vmem>>, vector<1x16xf32>,
      %swap3A_709 = arith.constant 7 : i32
      %swap3A_710 = arith.index_cast %swap3A_709 : i32 to index
      %swap3A_711 = arith.constant 48 : index
      %swap3A_712 = tpu.vector_load %arg7[%swap3A_710, %swap3A_711] {strides = array<i32>} : memref<8x256xf32, #tpu.memory_space<vmem>>, vector<1x16xf32>,
      %swap3A_713 = vector.shape_cast %swap3A_712 : vector<1x16xf32> to vector<16xf32>
      %swap3A_714 = vector.shape_cast %broadcast_in_dim3A_19 : vector<16xf32> to vector<1x16xf32>
      tpu.vector_store %arg7[%swap3A_710, %swap3A_711], %swap3A_714 {strides = array<i32>} : memref<8x256xf32, #tpu.memory_space<vmem>>, vector<1x16xf32>,
      %swap3A_715 = arith.constant 7 : i32
      %swap3A_716 = arith.index_cast %swap3A_715 : i32 to index
      %swap3A_717 = arith.constant 64 : index
      %swap3A_718 = tpu.vector_load %arg7[%swap3A_716, %swap3A_717] {strides = array<i32>} : memref<8x256xf32, #tpu.memory_space<vmem>>, vector<1x16xf32>,
      %swap3A_719 = vector.shape_cast %swap3A_718 : vector<1x16xf32> to vector<16xf32>
      %swap3A_720 = vector.shape_cast %broadcast_in_dim3A_19 : vector<16xf32> to vector<1x16xf32>
      tpu.vector_store %arg7[%swap3A_716, %swap3A_717], %swap3A_720 {strides = array<i32>} : memref<8x256xf32, #tpu.memory_space<vmem>>, vector<1x16xf32>,
      %swap3A_721 = arith.constant 7 : i32
      %swap3A_722 = arith.index_cast %swap3A_721 : i32 to index
      %swap3A_723 = arith.constant 80 : index
      %swap3A_724 = tpu.vector_load %arg7[%swap3A_722, %swap3A_723] {strides = array<i32>} : memref<8x256xf32, #tpu.memory_space<vmem>>, vector<1x16xf32>,
      %swap3A_725 = vector.shape_cast %swap3A_724 : vector<1x16xf32> to vector<16xf32>
      %swap3A_726 = vector.shape_cast %broadcast_in_dim3A_19 : vector<16xf32> to vector<1x16xf32>
      tpu.vector_store %arg7[%swap3A_722, %swap3A_723], %swap3A_726 {strides = array<i32>} : memref<8x256xf32, #tpu.memory_space<vmem>>, vector<1x16xf32>,
      %swap3A_727 = arith.constant 7 : i32
      %swap3A_728 = arith.index_cast %swap3A_727 : i32 to index
      %swap3A_729 = arith.constant 96 : index
      %swap3A_730 = tpu.vector_load %arg7[%swap3A_728, %swap3A_729] {strides = array<i32>} : memref<8x256xf32, #tpu.memory_space<vmem>>, vector<1x16xf32>,
      %swap3A_731 = vector.shape_cast %swap3A_730 : vector<1x16xf32> to vector<16xf32>
      %swap3A_732 = vector.shape_cast %broadcast_in_dim3A_19 : vector<16xf32> to vector<1x16xf32>
      tpu.vector_store %arg7[%swap3A_728, %swap3A_729], %swap3A_732 {strides = array<i32>} : memref<8x256xf32, #tpu.memory_space<vmem>>, vector<1x16xf32>,
      %swap3A_733 = arith.constant 7 : i32
      %swap3A_734 = arith.index_cast %swap3A_733 : i32 to index
      %swap3A_735 = arith.constant 112 : index
      %swap3A_736 = tpu.vector_load %arg7[%swap3A_734, %swap3A_735] {strides = array<i32>} : memref<8x256xf32, #tpu.memory_space<vmem>>, vector<1x16xf32>,
      %swap3A_737 = vector.shape_cast %swap3A_736 : vector<1x16xf32> to vector<16xf32>
      %swap3A_738 = vector.shape_cast %broadcast_in_dim3A_19 : vector<16xf32> to vector<1x16xf32>
      tpu.vector_store %arg7[%swap3A_734, %swap3A_735], %swap3A_738 {strides = array<i32>} : memref<8x256xf32, #tpu.memory_space<vmem>>, vector<1x16xf32>,
      %swap3A_739 = arith.constant 7 : i32
      %swap3A_740 = arith.index_cast %swap3A_739 : i32 to index
      %swap3A_741 = arith.constant 128 : index
      %swap3A_742 = tpu.vector_load %arg7[%swap3A_740, %swap3A_741] {strides = array<i32>} : memref<8x256xf32, #tpu.memory_space<vmem>>, vector<1x16xf32>,
      %swap3A_743 = vector.shape_cast %swap3A_742 : vector<1x16xf32> to vector<16xf32>
      %swap3A_744 = vector.shape_cast %broadcast_in_dim3A_19 : vector<16xf32> to vector<1x16xf32>
      tpu.vector_store %arg7[%swap3A_740, %swap3A_741], %swap3A_744 {strides = array<i32>} : memref<8x256xf32, #tpu.memory_space<vmem>>, vector<1x16xf32>,
      %swap3A_745 = arith.constant 7 : i32
      %swap3A_746 = arith.index_cast %swap3A_745 : i32 to index
      %swap3A_747 = arith.constant 144 : index
      %swap3A_748 = tpu.vector_load %arg7[%swap3A_746, %swap3A_747] {strides = array<i32>} : memref<8x256xf32, #tpu.memory_space<vmem>>, vector<1x16xf32>,
      %swap3A_749 = vector.shape_cast %swap3A_748 : vector<1x16xf32> to vector<16xf32>
      %swap3A_750 = vector.shape_cast %broadcast_in_dim3A_19 : vector<16xf32> to vector<1x16xf32>
      tpu.vector_store %arg7[%swap3A_746, %swap3A_747], %swap3A_750 {strides = array<i32>} : memref<8x256xf32, #tpu.memory_space<vmem>>, vector<1x16xf32>,
      %swap3A_751 = arith.constant 7 : i32
      %swap3A_752 = arith.index_cast %swap3A_751 : i32 to index
      %swap3A_753 = arith.constant 160 : index
      %swap3A_754 = tpu.vector_load %arg7[%swap3A_752, %swap3A_753] {strides = array<i32>} : memref<8x256xf32, #tpu.memory_space<vmem>>, vector<1x16xf32>,
      %swap3A_755 = vector.shape_cast %swap3A_754 : vector<1x16xf32> to vector<16xf32>
      %swap3A_756 = vector.shape_cast %broadcast_in_dim3A_19 : vector<16xf32> to vector<1x16xf32>
      tpu.vector_store %arg7[%swap3A_752, %swap3A_753], %swap3A_756 {strides = array<i32>} : memref<8x256xf32, #tpu.memory_space<vmem>>, vector<1x16xf32>,
      %swap3A_757 = arith.constant 7 : i32
      %swap3A_758 = arith.index_cast %swap3A_757 : i32 to index
      %swap3A_759 = arith.constant 176 : index
      %swap3A_760 = tpu.vector_load %arg7[%swap3A_758, %swap3A_759] {strides = array<i32>} : memref<8x256xf32, #tpu.memory_space<vmem>>, vector<1x16xf32>,
      %swap3A_761 = vector.shape_cast %swap3A_760 : vector<1x16xf32> to vector<16xf32>
      %swap3A_762 = vector.shape_cast %broadcast_in_dim3A_19 : vector<16xf32> to vector<1x16xf32>
      tpu.vector_store %arg7[%swap3A_758, %swap3A_759], %swap3A_762 {strides = array<i32>} : memref<8x256xf32, #tpu.memory_space<vmem>>, vector<1x16xf32>,
      %swap3A_763 = arith.constant 7 : i32
      %swap3A_764 = arith.index_cast %swap3A_763 : i32 to index
      %swap3A_765 = arith.constant 192 : index
      %swap3A_766 = tpu.vector_load %arg7[%swap3A_764, %swap3A_765] {strides = array<i32>} : memref<8x256xf32, #tpu.memory_space<vmem>>, vector<1x16xf32>,
      %swap3A_767 = vector.shape_cast %swap3A_766 : vector<1x16xf32> to vector<16xf32>
      %swap3A_768 = vector.shape_cast %broadcast_in_dim3A_19 : vector<16xf32> to vector<1x16xf32>
      tpu.vector_store %arg7[%swap3A_764, %swap3A_765], %swap3A_768 {strides = array<i32>} : memref<8x256xf32, #tpu.memory_space<vmem>>, vector<1x16xf32>,
      %swap3A_769 = arith.constant 7 : i32
      %swap3A_770 = arith.index_cast %swap3A_769 : i32 to index
      %swap3A_771 = arith.constant 208 : index
      %swap3A_772 = tpu.vector_load %arg7[%swap3A_770, %swap3A_771] {strides = array<i32>} : memref<8x256xf32, #tpu.memory_space<vmem>>, vector<1x16xf32>,
      %swap3A_773 = vector.shape_cast %swap3A_772 : vector<1x16xf32> to vector<16xf32>
      %swap3A_774 = vector.shape_cast %broadcast_in_dim3A_19 : vector<16xf32> to vector<1x16xf32>
      tpu.vector_store %arg7[%swap3A_770, %swap3A_771], %swap3A_774 {strides = array<i32>} : memref<8x256xf32, #tpu.memory_space<vmem>>, vector<1x16xf32>,
      %swap3A_775 = arith.constant 7 : i32
      %swap3A_776 = arith.index_cast %swap3A_775 : i32 to index
      %swap3A_777 = arith.constant 224 : index
      %swap3A_778 = tpu.vector_load %arg7[%swap3A_776, %swap3A_777] {strides = array<i32>} : memref<8x256xf32, #tpu.memory_space<vmem>>, vector<1x16xf32>,
      %swap3A_779 = vector.shape_cast %swap3A_778 : vector<1x16xf32> to vector<16xf32>
      %swap3A_780 = vector.shape_cast %broadcast_in_dim3A_19 : vector<16xf32> to vector<1x16xf32>
      tpu.vector_store %arg7[%swap3A_776, %swap3A_777], %swap3A_780 {strides = array<i32>} : memref<8x256xf32, #tpu.memory_space<vmem>>, vector<1x16xf32>,
      %swap3A_781 = arith.constant 7 : i32
      %swap3A_782 = arith.index_cast %swap3A_781 : i32 to index
      %swap3A_783 = arith.constant 240 : index
      %swap3A_784 = tpu.vector_load %arg7[%swap3A_782, %swap3A_783] {strides = array<i32>} : memref<8x256xf32, #tpu.memory_space<vmem>>, vector<1x16xf32>,
      %swap3A_785 = vector.shape_cast %swap3A_784 : vector<1x16xf32> to vector<16xf32>
      %swap3A_786 = vector.shape_cast %broadcast_in_dim3A_19 : vector<16xf32> to vector<1x16xf32>
      tpu.vector_store %arg7[%swap3A_782, %swap3A_783], %swap3A_786 {strides = array<i32>} : memref<8x256xf32, #tpu.memory_space<vmem>>, vector<1x16xf32>,
    } else {
    }
    %scan3A = arith.constant 0 : i32
    %scan3A_9 = arith.constant 0 : i32
    %scan3A_10 = arith.constant 32 : i32
    %scan3A_11 = arith.addi %scan3A_9, %scan3A_10 : i32
    %scan3A_12 = arith.constant 1 : i32
    scf.for %scan3A_19 = %scan3A_9 to %scan3A_11 step %scan3A_12  : i32 {
      %mul3A_20 = arith.constant 8 : i32
      %mul3A_21 = arith.muli %scan3A_19, %mul3A_20 : i32
      %add3A_22 = arith.constant 0 : i32
      %add3A_23 = arith.addi %mul3A_21, %add3A_22 : i32
      %dma_start3A = arith.constant 0 : i32
      %dma_start3A_24 = tpu.memref_slice %arg4[%add3A_23, %mul3A_2, %dma_start3A] : memref<256x256x256xf32, #tpu.memory_space<hbm>> -> memref<1x8x256xf32, #tpu.memory_space<hbm>>
      %dma_start3A_25 = tpu.memref_squeeze %dma_start3A_24 : memref<1x8x256xf32, #tpu.memory_space<hbm>> -> memref<8x256xf32, #tpu.memory_space<hbm>>
      %dma_start3A_26 = arith.constant 0 : i32
      %dma_start3A_27 = tpu.memref_slice %arg4[%add3A_23, %mul3A_2, %dma_start3A_26] : memref<256x256x256xf32, #tpu.memory_space<hbm>> -> memref<1x8x256xf32, #tpu.memory_space<hbm>>
      %dma_start3A_28 = tpu.memref_squeeze %dma_start3A_27 : memref<1x8x256xf32, #tpu.memory_space<hbm>> -> memref<8x256xf32, #tpu.memory_space<hbm>>
      tpu.enqueue_dma source(%arg7 : memref<8x256xf32, #tpu.memory_space<vmem>>) target(%dma_start3A_28 : memref<8x256xf32, #tpu.memory_space<hbm>>) target_semaphore(%arg8 : memref<!tpu.dma_semaphore, #tpu.memory_space<semaphore_mem>>)
      %mul3A_29 = arith.constant 8 : i32
      %mul3A_30 = arith.muli %scan3A_19, %mul3A_29 : i32
      %add3A_31 = arith.constant 1 : i32
      %add3A_32 = arith.addi %mul3A_30, %add3A_31 : i32
      %dma_start3A_33 = arith.constant 0 : i32
      %dma_start3A_34 = tpu.memref_slice %arg4[%add3A_32, %mul3A_2, %dma_start3A_33] : memref<256x256x256xf32, #tpu.memory_space<hbm>> -> memref<1x8x256xf32, #tpu.memory_space<hbm>>
      %dma_start3A_35 = tpu.memref_squeeze %dma_start3A_34 : memref<1x8x256xf32, #tpu.memory_space<hbm>> -> memref<8x256xf32, #tpu.memory_space<hbm>>
      %dma_start3A_36 = arith.constant 0 : i32
      %dma_start3A_37 = tpu.memref_slice %arg4[%add3A_32, %mul3A_2, %dma_start3A_36] : memref<256x256x256xf32, #tpu.memory_space<hbm>> -> memref<1x8x256xf32, #tpu.memory_space<hbm>>
      %dma_start3A_38 = tpu.memref_squeeze %dma_start3A_37 : memref<1x8x256xf32, #tpu.memory_space<hbm>> -> memref<8x256xf32, #tpu.memory_space<hbm>>
      tpu.enqueue_dma source(%arg7 : memref<8x256xf32, #tpu.memory_space<vmem>>) target(%dma_start3A_38 : memref<8x256xf32, #tpu.memory_space<hbm>>) target_semaphore(%arg8 : memref<!tpu.dma_semaphore, #tpu.memory_space<semaphore_mem>>)
      %mul3A_39 = arith.constant 8 : i32
      %mul3A_40 = arith.muli %scan3A_19, %mul3A_39 : i32
      %add3A_41 = arith.constant 2 : i32
      %add3A_42 = arith.addi %mul3A_40, %add3A_41 : i32
      %dma_start3A_43 = arith.constant 0 : i32
      %dma_start3A_44 = tpu.memref_slice %arg4[%add3A_42, %mul3A_2, %dma_start3A_43] : memref<256x256x256xf32, #tpu.memory_space<hbm>> -> memref<1x8x256xf32, #tpu.memory_space<hbm>>
      %dma_start3A_45 = tpu.memref_squeeze %dma_start3A_44 : memref<1x8x256xf32, #tpu.memory_space<hbm>> -> memref<8x256xf32, #tpu.memory_space<hbm>>
      %dma_start3A_46 = arith.constant 0 : i32
      %dma_start3A_47 = tpu.memref_slice %arg4[%add3A_42, %mul3A_2, %dma_start3A_46] : memref<256x256x256xf32, #tpu.memory_space<hbm>> -> memref<1x8x256xf32, #tpu.memory_space<hbm>>
      %dma_start3A_48 = tpu.memref_squeeze %dma_start3A_47 : memref<1x8x256xf32, #tpu.memory_space<hbm>> -> memref<8x256xf32, #tpu.memory_space<hbm>>
      tpu.enqueue_dma source(%arg7 : memref<8x256xf32, #tpu.memory_space<vmem>>) target(%dma_start3A_48 : memref<8x256xf32, #tpu.memory_space<hbm>>) target_semaphore(%arg8 : memref<!tpu.dma_semaphore, #tpu.memory_space<semaphore_mem>>)
      %mul3A_49 = arith.constant 8 : i32
      %mul3A_50 = arith.muli %scan3A_19, %mul3A_49 : i32
      %add3A_51 = arith.constant 3 : i32
      %add3A_52 = arith.addi %mul3A_50, %add3A_51 : i32
      %dma_start3A_53 = arith.constant 0 : i32
      %dma_start3A_54 = tpu.memref_slice %arg4[%add3A_52, %mul3A_2, %dma_start3A_53] : memref<256x256x256xf32, #tpu.memory_space<hbm>> -> memref<1x8x256xf32, #tpu.memory_space<hbm>>
      %dma_start3A_55 = tpu.memref_squeeze %dma_start3A_54 : memref<1x8x256xf32, #tpu.memory_space<hbm>> -> memref<8x256xf32, #tpu.memory_space<hbm>>
      %dma_start3A_56 = arith.constant 0 : i32
      %dma_start3A_57 = tpu.memref_slice %arg4[%add3A_52, %mul3A_2, %dma_start3A_56] : memref<256x256x256xf32, #tpu.memory_space<hbm>> -> memref<1x8x256xf32, #tpu.memory_space<hbm>>
      %dma_start3A_58 = tpu.memref_squeeze %dma_start3A_57 : memref<1x8x256xf32, #tpu.memory_space<hbm>> -> memref<8x256xf32, #tpu.memory_space<hbm>>
      tpu.enqueue_dma source(%arg7 : memref<8x256xf32, #tpu.memory_space<vmem>>) target(%dma_start3A_58 : memref<8x256xf32, #tpu.memory_space<hbm>>) target_semaphore(%arg8 : memref<!tpu.dma_semaphore, #tpu.memory_space<semaphore_mem>>)
      %mul3A_59 = arith.constant 8 : i32
      %mul3A_60 = arith.muli %scan3A_19, %mul3A_59 : i32
      %add3A_61 = arith.constant 4 : i32
      %add3A_62 = arith.addi %mul3A_60, %add3A_61 : i32
      %dma_start3A_63 = arith.constant 0 : i32
      %dma_start3A_64 = tpu.memref_slice %arg4[%add3A_62, %mul3A_2, %dma_start3A_63] : memref<256x256x256xf32, #tpu.memory_space<hbm>> -> memref<1x8x256xf32, #tpu.memory_space<hbm>>
      %dma_start3A_65 = tpu.memref_squeeze %dma_start3A_64 : memref<1x8x256xf32, #tpu.memory_space<hbm>> -> memref<8x256xf32, #tpu.memory_space<hbm>>
      %dma_start3A_66 = arith.constant 0 : i32
      %dma_start3A_67 = tpu.memref_slice %arg4[%add3A_62, %mul3A_2, %dma_start3A_66] : memref<256x256x256xf32, #tpu.memory_space<hbm>> -> memref<1x8x256xf32, #tpu.memory_space<hbm>>
      %dma_start3A_68 = tpu.memref_squeeze %dma_start3A_67 : memref<1x8x256xf32, #tpu.memory_space<hbm>> -> memref<8x256xf32, #tpu.memory_space<hbm>>
      tpu.enqueue_dma source(%arg7 : memref<8x256xf32, #tpu.memory_space<vmem>>) target(%dma_start3A_68 : memref<8x256xf32, #tpu.memory_space<hbm>>) target_semaphore(%arg8 : memref<!tpu.dma_semaphore, #tpu.memory_space<semaphore_mem>>)
      %mul3A_69 = arith.constant 8 : i32
      %mul3A_70 = arith.muli %scan3A_19, %mul3A_69 : i32
      %add3A_71 = arith.constant 5 : i32
      %add3A_72 = arith.addi %mul3A_70, %add3A_71 : i32
      %dma_start3A_73 = arith.constant 0 : i32
      %dma_start3A_74 = tpu.memref_slice %arg4[%add3A_72, %mul3A_2, %dma_start3A_73] : memref<256x256x256xf32, #tpu.memory_space<hbm>> -> memref<1x8x256xf32, #tpu.memory_space<hbm>>
      %dma_start3A_75 = tpu.memref_squeeze %dma_start3A_74 : memref<1x8x256xf32, #tpu.memory_space<hbm>> -> memref<8x256xf32, #tpu.memory_space<hbm>>
      %dma_start3A_76 = arith.constant 0 : i32
      %dma_start3A_77 = tpu.memref_slice %arg4[%add3A_72, %mul3A_2, %dma_start3A_76] : memref<256x256x256xf32, #tpu.memory_space<hbm>> -> memref<1x8x256xf32, #tpu.memory_space<hbm>>
      %dma_start3A_78 = tpu.memref_squeeze %dma_start3A_77 : memref<1x8x256xf32, #tpu.memory_space<hbm>> -> memref<8x256xf32, #tpu.memory_space<hbm>>
      tpu.enqueue_dma source(%arg7 : memref<8x256xf32, #tpu.memory_space<vmem>>) target(%dma_start3A_78 : memref<8x256xf32, #tpu.memory_space<hbm>>) target_semaphore(%arg8 : memref<!tpu.dma_semaphore, #tpu.memory_space<semaphore_mem>>)
      %mul3A_79 = arith.constant 8 : i32
      %mul3A_80 = arith.muli %scan3A_19, %mul3A_79 : i32
      %add3A_81 = arith.constant 6 : i32
      %add3A_82 = arith.addi %mul3A_80, %add3A_81 : i32
      %dma_start3A_83 = arith.constant 0 : i32
      %dma_start3A_84 = tpu.memref_slice %arg4[%add3A_82, %mul3A_2, %dma_start3A_83] : memref<256x256x256xf32, #tpu.memory_space<hbm>> -> memref<1x8x256xf32, #tpu.memory_space<hbm>>
      %dma_start3A_85 = tpu.memref_squeeze %dma_start3A_84 : memref<1x8x256xf32, #tpu.memory_space<hbm>> -> memref<8x256xf32, #tpu.memory_space<hbm>>
      %dma_start3A_86 = arith.constant 0 : i32
      %dma_start3A_87 = tpu.memref_slice %arg4[%add3A_82, %mul3A_2, %dma_start3A_86] : memref<256x256x256xf32, #tpu.memory_space<hbm>> -> memref<1x8x256xf32, #tpu.memory_space<hbm>>
      %dma_start3A_88 = tpu.memref_squeeze %dma_start3A_87 : memref<1x8x256xf32, #tpu.memory_space<hbm>> -> memref<8x256xf32, #tpu.memory_space<hbm>>
      tpu.enqueue_dma source(%arg7 : memref<8x256xf32, #tpu.memory_space<vmem>>) target(%dma_start3A_88 : memref<8x256xf32, #tpu.memory_space<hbm>>) target_semaphore(%arg8 : memref<!tpu.dma_semaphore, #tpu.memory_space<semaphore_mem>>)
      %mul3A_89 = arith.constant 8 : i32
      %mul3A_90 = arith.muli %scan3A_19, %mul3A_89 : i32
      %add3A_91 = arith.constant 7 : i32
      %add3A_92 = arith.addi %mul3A_90, %add3A_91 : i32
      %dma_start3A_93 = arith.constant 0 : i32
      %dma_start3A_94 = tpu.memref_slice %arg4[%add3A_92, %mul3A_2, %dma_start3A_93] : memref<256x256x256xf32, #tpu.memory_space<hbm>> -> memref<1x8x256xf32, #tpu.memory_space<hbm>>
      %dma_start3A_95 = tpu.memref_squeeze %dma_start3A_94 : memref<1x8x256xf32, #tpu.memory_space<hbm>> -> memref<8x256xf32, #tpu.memory_space<hbm>>
      %dma_start3A_96 = arith.constant 0 : i32
      %dma_start3A_97 = tpu.memref_slice %arg4[%add3A_92, %mul3A_2, %dma_start3A_96] : memref<256x256x256xf32, #tpu.memory_space<hbm>> -> memref<1x8x256xf32, #tpu.memory_space<hbm>>
      %dma_start3A_98 = tpu.memref_squeeze %dma_start3A_97 : memref<1x8x256xf32, #tpu.memory_space<hbm>> -> memref<8x256xf32, #tpu.memory_space<hbm>>
      tpu.enqueue_dma source(%arg7 : memref<8x256xf32, #tpu.memory_space<vmem>>) target(%dma_start3A_98 : memref<8x256xf32, #tpu.memory_space<hbm>>) target_semaphore(%arg8 : memref<!tpu.dma_semaphore, #tpu.memory_space<semaphore_mem>>)
    }
    %scan3A_13 = arith.constant 32 : i32
    %dma_wait3A = arith.constant 0 : i32
    %dma_wait3A_14 = arith.constant 0 : i32
    %dma_wait3A_15 = tpu.memref_slice %arg4[%dma_wait3A, %mul3A_2, %dma_wait3A_14] : memref<256x256x256xf32, #tpu.memory_space<hbm>> -> memref<256x8x256xf32, #tpu.memory_space<hbm>>
    %dma_wait3A_16 = arith.constant 0 : i32
    %dma_wait3A_17 = arith.constant 0 : i32
    %dma_wait3A_18 = tpu.memref_slice %arg4[%dma_wait3A_16, %mul3A_2, %dma_wait3A_17] : memref<256x256x256xf32, #tpu.memory_space<hbm>> -> memref<256x8x256xf32, #tpu.memory_space<hbm>>
    tpu.wait_dma2 semaphore(%arg8 : memref<!tpu.dma_semaphore, #tpu.memory_space<semaphore_mem>>) src(%dma_wait3A_18 : memref<256x8x256xf32, #tpu.memory_space<hbm>>) dst(%dma_wait3A_15 : memref<256x8x256xf32, #tpu.memory_space<hbm>>)
    return
  }
}

</mosaic_0001>

<sc_bundles>
// kernel: kernel.3.cloned.1.call-start
scs
__scs_entry_jumppad:
0x0: {  	(pc) =	sbr.rel $0x88, $3  }
0x1: {  	(tag) =	ssettag $0x0;
	lr =	simm.s32 $0x1  }
0x2: {  	[smem:$0x3F9F] =	sst lr;
	_ =	strace $0xD0000000  }
0x3: {  	_ = 	snop  }
0x4: {  	_ = 	snop  }
0x5: {  	_ = 	snop  }
0x6: {  	_ = 	snop  }
0x7: {  	_ = 	snop  }
__scs_overlays_trampoline_lowered:
0x8: {  	[smem:$0x3FAE] =	sst s0  }
0x9: {  	[smem:$0x3FAF] =	sst s1  }
0xa: {  	[smem:$0x3FB0] =	sst s2  }
0xb: {  	[smem:$0x3FB1] =	sst s3  }
0xc: {  	[smem:$0x3FB2] =	sst s4  }
0xd: {  	[smem:$0x3FB3] =	sst s5  }
0xe: {  	[smem:$0x3FB4] =	sst s6  }
0xf: {  	[smem:$0x3FB5] =	sst s7  }
0x10: {  	[smem:$0x3FB6] =	sst s8  }
0x11: {  	[smem:$0x3FB7] =	sst s9;
	s0 =	simm.s32 @!p0 $0x0  }
0x12: {  	s1 =	sld [smem:$0x3F9D];
	s0 =	simm.s32 @p0 $0x1  }
0x13: {  	[smem:$0x3FB8] =	sst s0;
	s0 =	simm.s32 @!p1 $0x0  }
0x14: {  	s2 =	sld [smem:$0x3F9C];
	s0 =	simm.s32 @p1 $0x1  }
0x15: {  	[smem:$0x3FB9] =	sst s0;
	s0 =	simm.s32 @!p2 $0x0  }
0x16: {  	s3 =	sld [smem:$0x3FDB];
	s0 =	simm.s32 @p2 $0x1  }
0x17: {  	s4 =	simm.s32 $0x1BF5;
	[smem:$0x3FBB] =	sst s0  }
0x18: {  	s0 =	sld [smem:$0x3F9E];
	_ =	swait.ge [sflag:s4], $0x0  }
0x19: {  	s7 =	sld [smem:$0x3F9F]  }
0x1a: {  	s8 =	sadd.s32 $0xFFFFE003, lr  }
0x1b: {  	s9 =	sadd.s32 $0xFFFFFEF7, lr;
	s5 =	simm.s32 $0xFFFFFFFF;
	p2 =	slt.u32 s8, $0xFFFFF086  }
0x1c: {  	p1 =	slt.u32 s9, $0xF7A;
	s5 =	simm.s32 @!p2 $0x0  }
0x1d: {  	s5 =	simm.s32 @p1 $0x1;
	p0 =	seq.s32 s7, s2  }
0x1e: {  	s7 =	smul.u32 @!p0 $0xF7A, s2;
	p2 =	seq.s32 @!p0 s5, $0x0  }
0x1f: {  	s9 =	smul.u32 $0xF7A, s1;
	s8 =	simm.s32 @!p0 $0x1BF5;
	p2 =	por !p2, p0  }
0x20: {  	[sflag:s8] =	ssyncset.s32 @!p0 $0xFFFFF086;
	s6 =	sadd.s32 @!p0 s3, s7;
	s7 =	simm.s32 @!p0 $0x108  }
0x21: {  	s3 =	sadd.s32 s3, s9;
	s6 =	sadd.s32 @!p0 $0x88, s6;
	s7 =	simm.s32 @p2 $0x1082  }
0x22: {  	[simem:s7], [sflag:s8] =	dma.local @!p0 [hbm:s6], $0xF7A  }
0x23: {  	s9 =	sor.u32 $0xD0000000, s2;
	s6 =	simm.s32 $0x108;
	_ =	swait.ge @!p0 [sflag:s8], $0x0  }
0x24: {  	s3 =	sadd.s32 $0x88, s3;
	s6 =	simm.s32 @!p1 $0x1082;
	[sflag:s4] =	ssyncset.s32 $0xFFFFF086  }
0x25: {  	[simem:s6], [sflag:s4] =	dma.local [hbm:s3], $0xF7A  }
0x26: {  	[smem:$0x3F9F] =	sst s1;
	(tag) =	ssettag s2;
	_ =	strace s9  }
0x27: {  	s1 =	sld [smem:$0x3FAF]  }
0x28: {  	s2 =	sld [smem:$0x3FB0]  }
0x29: {  	s4 =	sld [smem:$0x3FB2]  }
0x2a: {  	p0 =	seq.s32 s5, $0x0;
	s5 =	sld [smem:$0x3FB3]  }
0x2b: {  	s6 =	sld [smem:$0x3FB4]  }
0x2c: {  	s7 =	sld [smem:$0x3FB5]  }
0x2d: {  	s3 =	simm.s32 $0x108;
	s8 =	sld [smem:$0x3FB6]  }
0x2e: {  	s3 =	simm.s32 @!p0 $0x1082;
	s9 =	sld [smem:$0x3FB7]  }
0x2f: {  	lr =	sadd.s32 s0, s3;
	s0 =	sld [smem:$0x3FAE]  }
0x30: {  	s3 =	sld [smem:$0x3FB1]  }
0x31: {  	[smem:$0x3FBA] =	sst s10  }
0x32: {  	s10 =	sld [smem:$0x3FB8];
	_ =	sdelay $0x3  }
0x33: {  	p0 =	seq.s32 s10, $0x1;
	s10 =	sld [smem:$0x3FBA];
	_ =	sdelay $0x3  }
0x34: {  	[smem:$0x3FBA] =	sst s10  }
0x35: {  	s10 =	sld [smem:$0x3FB9];
	_ =	sdelay $0x3  }
0x36: {  	p1 =	seq.s32 s10, $0x1;
	s10 =	sld [smem:$0x3FBA];
	_ =	sdelay $0x3  }
0x37: {  	[smem:$0x3FBA] =	sst s10  }
0x38: {  	s10 =	sld [smem:$0x3FBB]  }
0x39: {  	_ = 	snop;
	(pc) =	sbr.ind lr, $3  }
0x3a: {  	_ = 	snop  }
0x3b: {  	_ = 	snop  }
0x3c: {  	p2 =	seq.s32 s10, $0x1;
	s10 =	sld [smem:$0x3FBA]  }
0x3d: {  	_ =	shalt  }
0x3e: {  	_ =	shalt  }
0x3f: {  	_ =	shalt  }
0x40: {  	_ =	shalt  }
0x41: {  	_ =	shalt  }
0x42: {  	_ =	shalt  }
0x43: {  	_ =	shalt  }
0x44: {  	_ =	shalt  }
0x45: {  	_ =	shalt  }
0x46: {  	_ =	shalt  }
0x47: {  	_ =	shalt  }
0x48: {  	_ =	shalt  }
0x49: {  	_ =	shalt  }
0x4a: {  	_ =	shalt  }
0x4b: {  	_ =	shalt  }
0x4c: {  	_ =	shalt  }
0x4d: {  	_ =	shalt  }
0x4e: {  	_ =	shalt  }
0x4f: {  	_ =	shalt  }
0x50: {  	_ =	shalt  }
0x51: {  	_ =	shalt  }
0x52: {  	_ =	shalt  }
0x53: {  	_ =	shalt  }
0x54: {  	_ =	shalt  }
0x55: {  	_ =	shalt  }
0x56: {  	_ =	shalt  }
0x57: {  	_ =	shalt  }
0x58: {  	_ =	shalt  }
0x59: {  	_ =	shalt  }
0x5a: {  	_ =	shalt  }
0x5b: {  	_ =	shalt  }
0x5c: {  	_ =	shalt  }
0x5d: {  	_ =	shalt  }
0x5e: {  	_ =	shalt  }
0x5f: {  	_ =	shalt  }
0x60: {  	_ =	shalt  }
0x61: {  	_ =	shalt  }
0x62: {  	_ =	shalt  }
0x63: {  	_ =	shalt  }
0x64: {  	_ =	shalt  }
0x65: {  	_ =	shalt  }
0x66: {  	_ =	shalt  }
0x67: {  	_ =	shalt  }
0x68: {  	_ =	shalt  }
0x69: {  	_ =	shalt  }
0x6a: {  	_ =	shalt  }
0x6b: {  	_ =	shalt  }
0x6c: {  	_ =	shalt  }
0x6d: {  	_ =	shalt  }
0x6e: {  	_ =	shalt  }
0x6f: {  	_ =	shalt  }
0x70: {  	_ =	shalt  }
0x71: {  	_ =	shalt  }
0x72: {  	_ =	shalt  }
0x73: {  	_ =	shalt  }
0x74: {  	_ =	shalt  }
0x75: {  	_ =	shalt  }
0x76: {  	_ =	shalt  }
0x77: {  	_ =	shalt  }
0x78: {  	_ =	shalt  }
0x79: {  	_ =	shalt  }
0x7a: {  	_ =	shalt  }
0x7b: {  	_ =	shalt  }
0x7c: {  	_ =	shalt  }
0x7d: {  	_ =	shalt  }
0x7e: {  	_ =	shalt  }
0x7f: {  	_ =	shalt  }
0x80: {  	_ =	shalt  }
0x81: {  	_ =	shalt  }
0x82: {  	_ =	shalt  }
0x83: {  	_ =	shalt  }
0x84: {  	_ =	shalt  }
0x85: {  	_ =	shalt  }
0x86: {  	_ =	shalt  }
0x87: {  	_ =	shalt  }
.Lfunc_end0:
.L_simem_size_0:
called_computation_lowered:
.L_overlay_start_0:
0x88: {  	s2 =	sld [smem:$0x3FD9]  }
0x89: {  	s3 =	sld [smem:$0x3FFE];
	_ =	sdelay $0x1  }
0x8a: {  	s1 =	srdreg.scid  }
0x8b: {  	s0 =	sand.u32 $0x1, s1  }
0x8c: {  	s18 =	sshll.u32 s0, $0xA;
	s2 =	sadd.s32 s3, s2  }
0x8d: {  	s2 =	sadd.s32 s2, s18  }
0x8e: {  	[smem:$0x3FC6] =	sst s2  }
0x8f: {  	_ = 	snop  }
0x90: {  	s2 =	sld [smem:$0x3FC9]  }
0x91: {  	s19 =	sld [smem:$0x3FC8]  }
0x92: {  	s4 =	sld [smem:$0x3FD0];
	(tm) =	ssettm $0x1  }
0x93: {  	s5 =	sld [smem:$0x3FFB];
	_ =	sdelay $0x3  }
0x94: {  	_ =	strace s5  }
0x95: {  	s5 =	sld [smem:$0x3FFC];
	_ =	sdelay $0x3  }
0x96: {  	_ =	strace s5  }
0x97: {  	s5 =	sld [smem:$0x3FFD];
	_ =	sdelay $0x3  }
0x98: {  	_ =	strace s5  }
0x99: {  	_ =	strace $0x8FFFFFFF  }
0x9a: {  	s20 =	sld [smem:$0x3FDB];
	_ =	sdelay $0x1  }
0x9b: {  	s6 =	simm.s32 $_scs_section_size  }
0x9c: {  	s7 =	simm.s32 $_size__tile_overlayer_lowered;
	s8 =	simm.s32 $_tile_overlayer_lowered  }
0x9d: {  	s23 =	simm.s32 $0x1BFF;
	s22 =	sshll.u32 s8, $0x1;
	s5 =	sadd.s32 s6, s20  }
0x9e: {  	s9 =	simm.s32 $0x0;
	s21 =	sshll.u32 s7, $0x1;
	s7 =	sadd.s32 s22, s5  }
0x9f: {  	[timem:s9], [sflag:s23] =	dma.local [hbm:s7], s21  }
0xa0: {  	_ =	swait.ge [sflag:s23], s21  }
0xa1: {  	s6 =	ssub.s32 $0x0, s21;
	[sflag:s23] =	ssyncset.done $0x0  }
0xa2: {  	[sflag:s23] =	ssyncadd.s32 s6;
	_ =	sdelay $0x1  }
0xa3: {  	s24 =	simm.s32 $0x1B8B  }
0xa4: {  	_ =	swait.ge [sflag:s24], $0x1  }
0xa5: {  	[sflag:s24] =	ssyncset.done $0x0  }
0xa6: {  	s25 =	simm.s32 $0x1B8E;
	[sflag:s24] =	ssyncadd.s32 $0xFFFFFFFF  }
0xa7: {  	s26 =	simm.s32 $execute0_lowered;
	[smem:$0x3FD2] =	sst s25  }
0xa8: {  	s6 =	sshll.u32 s26, $0x1;
	_ =	strace $0x80000046;
	[dreg:$0x1] =	wrdreg $0xFFFFFFFF  }
0xa9: {  	s28 =	simm.s32 $_size_execute0_lowered;
	s5 =	sadd.s32 s5, s6;
	[dreg:$0x0] =	wrdreg $0x0  }
0xaa: {  	s6 =	sshll.u32 s28, $0x1;
	[dreg:$0x2] =	wrdreg s5  }
0xab: {  	[dreg:$0x3] =	wrdreg s6  }
0xac: {  	[dreg:$0x4] =	wrdreg $0xC0  }
0xad: {  	_ =	task [dreg:s9], $0x5FFFF  }
0xae: {  	[dreg:$0x1] =	wrdreg $0xFFFFFFFF  }
0xaf: {  	[dreg:$0x0] =	wrdreg $0x60  }
0xb0: {  	[dreg:$0x2] =	wrdreg s2  }
0xb1: {  	[dreg:$0x3] =	wrdreg s19  }
0xb2: {  	[dreg:$0x4] =	wrdreg s4  }
0xb3: {  	[dreg:$0x5] =	wrdreg $0x9  }
0xb4: {  	_ =	task.clear_ibuf [dreg:s9], $0x6FFFF;
	_ =	strace $0x90000046  }
0xb5: {  	s29 =	simm.s32 $0x9;
	_ =	strace $0x80000048  }
0xb6: {  	_ =	swait.ge [sflag:s29], $0x1  }
0xb7: {  	[sflag:s29] =	ssyncadd.s32 $0xFFFFFFFF  }
0xb8: {  	_ =	strace $0x90000048  }
0xb9: {  	_ =	sfence  }
0xba: {  	s30 =	sld [smem:$0x0];
	_ =	sdelay $0x2  }
0xbb: {  	s31 =	sshll.u32 s1, $0xD;
	s1 =	sshrl.u32 s1, $0x2  }
0xbc: {  	s3 =	sand.u32 $0x4000, s31;
	s1 =	sadd.s32 s1, s30  }
0xbd: {  	s0 =	sor.u32 s3, s0;
	s1 =	sshll.u32 s1, $0x11  }
0xbe: {  	s0 =	sor.u32 s1, s0  }
0xbf: {  	s0 =	sadd.s32 $0x8F2B, s0  }
0xc0: {  	[sflag:s0] =	ssyncadd.remote.s32 $0x1  }
0xc1: {  	_ =	sfence.sel $0xFFFF  }
0xc2: {  	[dreg:$0x0] =	wrdreg $0xFFFFFFFF;
	(pc) =	sbr.abs _section_cstart, $3  }
0xc3: {  	[dreg:$0x1] =	wrdreg $0xFFFFFFFF  }
0xc4: {  	_ =	task.clear_ibuf [dreg:s9], $0x2FFFF;
	_ =	strace $0x9FFFFFFF  }
0xc5: {  	(tm) =	ssettm $0x7FFFFFFF  }
tec
execute0_lowered:
.L_overlay_start_1:
0x0: {  	(tag) =	ssettag $0x1  }
0x1: {  	s3 =	rddreg [dreg:$0x0]  }
0x2: {  	s4 =	rddreg [dreg:$0x1]  }
0x3: {  	s5 =	rddreg [dreg:$0x2]  }
0x4: {  	s0 =	rddreg [dreg:$0x3];
	s2 =	simm.s32 $0x0;
	s6 =	srdreg.scid  }
0x5: {  	s1 =	stileid.u32;
	s11 =	simm.s32 $0x0;
	[smem:$0x7FF] =	sst s2  }
0x6: {  	s6 =	sand.u32 $0x1, s6;
	s8 =	sshll.u32 s1, $0x9;
	p0 =	sgt.u32 s1, $0x7  }
0x7: {  	s7 =	ssub.s32 $0x2, s6;
	s6 =	sshll.u32 s6, $0x8;
	_ =	strace $0x80000047  }
0x8: {  	s9 =	sshrl.u32 s7, $0x1;
	s10 =	sor.u32 s6, s8;
	s8 =	sadd.s32 s8, s5  }
0x9: {  	s7 =	ssub.s32 s7, s9;
	s3 =	sadd.s32 s3, s10;
	s4 =	sadd.s32 s4, s10  }
0xa: {  	s6 =	sadd.s32 s6, s8;
	s8 =	simm.s32 $0x800;
	s9 =	simm.s32 $0x1000  }
0xb: {  	s10 =	simm.s32 $0x1;
	s5 =	smax.u32 s7, $0x1;
	s7 =	simm.s32 $0x2  }
.LBB2_1:
.Ltmp0:
0xc: {  	(pc) =	sbr.rel @p0 .LBB2_3-.Ltmp0, $1  }
0xd: {  	_ =	sdelay $0x3  }
0xe: {  	[tilespmem:s2], [sflag:$0x2] =	stream.linear.gather [hbm4b:s3+s2], $0x800, $0x38;
	[tilespmem:$0x1800] =	vst v63  }
0xf: {  	_ =	swait.ge [sflag:s7], $0x800  }
0x10: {  	[sflag:s7] =	ssyncset.done $0x0  }
0x11: {  	[sflag:s7] =	ssyncadd.s32 $0xFFFFF800  }
0x12: {  	[tilespmem:s8], [sflag:$0x2] =	stream.linear.gather [hbm4b:s4+s2], $0x800, $0x38;
	[tilespmem:$0x1800] =	vst v63  }
0x13: {  	_ =	swait.ge [sflag:s7], $0x800  }
0x14: {  	[sflag:s7] =	ssyncset.done $0x0  }
0x15: {  	[sflag:s7] =	ssyncadd.s32 $0xFFFFF800  }
0x16: {  	v3 =	vld [tilespmem:$0x0]  }
0x17: {  	v0 =	vld [tilespmem:$0x800]  }
0x18: {  	v4 =	vld [tilespmem:$0x10]  }
0x19: {  	v1 =	vld [tilespmem:$0x810]  }
0x1a: {  	v6 =	vld [tilespmem:$0x20]  }
0x1b: {  	v2 =	vld [tilespmem:$0x820]  }
0x1c: {  	v8 =	vld [tilespmem:$0x30]  }
0x1d: {  	v5 =	vld [tilespmem:$0x830]  }
0x1e: {  	v10 =	vld [tilespmem:$0x40]  }
0x1f: {  	v7 =	vld [tilespmem:$0x840]  }
0x20: {  	v12 =	vld [tilespmem:$0x50]  }
0x21: {  	v9 =	vld [tilespmem:$0x850]  }
0x22: {  	v14 =	vld [tilespmem:$0x60]  }
0x23: {  	v11 =	vld [tilespmem:$0x860]  }
0x24: {  	v16 =	vld [tilespmem:$0x70]  }
0x25: {  	v13 =	vld [tilespmem:$0x870]  }
0x26: {  	v18 =	vld [tilespmem:$0x400]  }
0x27: {  	v15 =	vld [tilespmem:$0xC00]  }
0x28: {  	v20 =	vld [tilespmem:$0x410]  }
0x29: {  	v17 =	vld [tilespmem:$0xC10]  }
0x2a: {  	v22 =	vld [tilespmem:$0x420]  }
0x2b: {  	v19 =	vld [tilespmem:$0xC20]  }
0x2c: {  	v24 =	vld [tilespmem:$0x430]  }
0x2d: {  	v21 =	vld [tilespmem:$0xC30]  }
0x2e: {  	v26 =	vld [tilespmem:$0x440]  }
0x2f: {  	v23 =	vld [tilespmem:$0xC40]  }
0x30: {  	v54 =	vld [tilespmem:$0x450]  }
0x31: {  	v25 =	vld [tilespmem:$0xC50]  }
0x32: {  	v55 =	vld [tilespmem:$0x460]  }
0x33: {  	v27 =	vld [tilespmem:$0xC60]  }
0x34: {  	v62 =	vld [tilespmem:$0x470]  }
0x35: {  	v28 =	vld [tilespmem:$0xC70]  }
0x36: {  	v63 =	vld [tilespmem:$0x80]  }
0x37: {  	v29 =	vld [tilespmem:$0x880]  }
0x38: {  	v42 =	vld [tilespmem:$0x90]  }
0x39: {  	v30 =	vld [tilespmem:$0x890]  }
0x3a: {  	v43 =	vld [tilespmem:$0xA0]  }
0x3b: {  	v31 =	vld [tilespmem:$0x8A0]  }
0x3c: {  	v34 =	vld [tilespmem:$0xB0]  }
0x3d: {  	v32 =	vld [tilespmem:$0x8B0]  }
0x3e: {  	v36 =	vld [tilespmem:$0xC0]  }
0x3f: {  	v33 =	vld [tilespmem:$0x8C0]  }
0x40: {  	v38 =	vld [tilespmem:$0xD0]  }
0x41: {  	v35 =	vld [tilespmem:$0x8D0]  }
0x42: {  	v39 =	vld [tilespmem:$0xE0]  }
0x43: {  	v37 =	vld [tilespmem:$0x8E0]  }
0x44: {  	v61 =	vld [tilespmem:$0x100];
	_ =	sdelay $0x4  }
0x45: {  	[tilespmem:$0x1FB00] =	vst v61;
	v61 =	vld [tilespmem:$0x900];
	_ =	sdelay $0x4  }
0x46: {  	[tilespmem:$0x1FB10] =	vst v61;
	v61 =	vld [tilespmem:$0x110];
	_ =	sdelay $0x4  }
0x47: {  	[tilespmem:$0x1FB20] =	vst v61;
	v61 =	vld [tilespmem:$0x910];
	_ =	sdelay $0x4  }
0x48: {  	[tilespmem:$0x1FB30] =	vst v61;
	v61 =	vld [tilespmem:$0x120];
	_ =	sdelay $0x4  }
0x49: {  	[tilespmem:$0x1FB40] =	vst v61;
	v61 =	vld [tilespmem:$0x920];
	_ =	sdelay $0x4  }
0x4a: {  	[tilespmem:$0x1FB50] =	vst v61;
	v61 =	vld [tilespmem:$0x130];
	_ =	sdelay $0x4  }
0x4b: {  	[tilespmem:$0x1FB60] =	vst v61;
	v61 =	vld [tilespmem:$0x930];
	_ =	sdelay $0x4  }
0x4c: {  	[tilespmem:$0x1FB70] =	vst v61;
	v61 =	vld [tilespmem:$0x140];
	_ =	sdelay $0x4  }
0x4d: {  	[tilespmem:$0x1FB80] =	vst v61;
	v61 =	vld [tilespmem:$0x940];
	_ =	sdelay $0x4  }
0x4e: {  	[tilespmem:$0x1FB90] =	vst v61;
	v61 =	vld [tilespmem:$0x150];
	_ =	sdelay $0x4  }
0x4f: {  	[tilespmem:$0x1FBA0] =	vst v61;
	v61 =	vld [tilespmem:$0x950];
	_ =	sdelay $0x4  }
0x50: {  	[tilespmem:$0x1FBB0] =	vst v61;
	v61 =	vld [tilespmem:$0x160];
	_ =	sdelay $0x4  }
0x51: {  	[tilespmem:$0x1FBC0] =	vst v61;
	v61 =	vld [tilespmem:$0x960];
	_ =	sdelay $0x4  }
0x52: {  	[tilespmem:$0x1FBD0] =	vst v61;
	v61 =	vld [tilespmem:$0x170];
	_ =	sdelay $0x4  }
0x53: {  	[tilespmem:$0x1FBE0] =	vst v61;
	v61 =	vld [tilespmem:$0x970];
	_ =	sdelay $0x4  }
0x54: {  	[tilespmem:$0x1FBF0] =	vst v61;
	v61 =	vld [tilespmem:$0x500];
	_ =	sdelay $0x4  }
0x55: {  	[tilespmem:$0x1FC00] =	vst v61;
	v61 =	vld [tilespmem:$0xD00];
	_ =	sdelay $0x4  }
0x56: {  	[tilespmem:$0x1FC10] =	vst v61;
	v61 =	vld [tilespmem:$0x510];
	_ =	sdelay $0x4  }
0x57: {  	[tilespmem:$0x1FC20] =	vst v61;
	v61 =	vld [tilespmem:$0xD10];
	_ =	sdelay $0x4  }
0x58: {  	[tilespmem:$0x1FC30] =	vst v61;
	v61 =	vld [tilespmem:$0x520];
	_ =	sdelay $0x4  }
0x59: {  	[tilespmem:$0x1FC40] =	vst v61;
	v61 =	vld [tilespmem:$0xD20];
	_ =	sdelay $0x4  }
0x5a: {  	[tilespmem:$0x1FC50] =	vst v61;
	v61 =	vld [tilespmem:$0x530];
	_ =	sdelay $0x4  }
0x5b: {  	[tilespmem:$0x1FC60] =	vst v61;
	v61 =	vld [tilespmem:$0xD30];
	_ =	sdelay $0x4  }
0x5c: {  	[tilespmem:$0x1FC70] =	vst v61;
	v61 =	vld [tilespmem:$0x540];
	_ =	sdelay $0x4  }
0x5d: {  	[tilespmem:$0x1FC80] =	vst v61;
	v61 =	vld [tilespmem:$0xD40];
	_ =	sdelay $0x4  }
0x5e: {  	[tilespmem:$0x1FC90] =	vst v61;
	v61 =	vld [tilespmem:$0x550];
	_ =	sdelay $0x1  }
0x5f: {  	v44 =	vld [tilespmem:$0xF0]  }
0x60: {  	v40 =	vld [tilespmem:$0x8F0]  }
0x61: {  	v46 =	vld [tilespmem:$0x480]  }
0x62: {  	[tilespmem:$0x1FCA0] =	vst v61;
	v61 =	vld [tilespmem:$0xD50]  }
0x63: {  	v41 =	vld [tilespmem:$0xC80]  }
0x64: {  	v48 =	vld [tilespmem:$0x490]  }
0x65: {  	v45 =	vld [tilespmem:$0xC90]  }
0x66: {  	v49 =	vld [tilespmem:$0x4A0]  }
0x67: {  	[tilespmem:$0x1FCB0] =	vst v61;
	v61 =	vld [tilespmem:$0x560]  }
0x68: {  	v47 =	vld [tilespmem:$0xCA0]  }
0x69: {  	v52 =	vld [tilespmem:$0x4B0]  }
0x6a: {  	v50 =	vld [tilespmem:$0xCB0]  }
0x6b: {  	v56 =	vld [tilespmem:$0x4C0]  }
0x6c: {  	[tilespmem:$0x1FCC0] =	vst v61;
	v61 =	vld [tilespmem:$0xD60]  }
0x6d: {  	v51 =	vld [tilespmem:$0xCC0]  }
0x6e: {  	v58 =	vld [tilespmem:$0x4D0]  }
0x6f: {  	v60 =	vld [tilespmem:$0x4F0]  }
0x70: {  	v53 =	vld [tilespmem:$0xCD0]  }
0x71: {  	[tilespmem:$0x1FCD0] =	vst v61;
	v61 =	vld [tilespmem:$0x570]  }
0x72: {  	v59 =	vld [tilespmem:$0x4E0]  }
0x73: {  	v57 =	vld [tilespmem:$0xCE0]  }
0x74: {  	[tilespmem:$0x1FAF0] =	vst v60;
	v60 =	vld [tilespmem:$0xCF0]  }
0x75: {  	v0 =	vadd.f32 v0, v3;
	v3 =	vld [tilespmem:$0xA20]  }
0x76: {  	[tilespmem:$0x1FCE0] =	vst v61;
	v61 =	vld [tilespmem:$0xD70]  }
0x77: {  	v1 =	vadd.f32 v1, v4;
	v4 =	vld [tilespmem:$0xA80]  }
0x78: {  	[tilespmem:$0x1000] =	vst v0;
	v0 =	vadd.f32 v2, v6;
	v2 =	vld [tilespmem:$0x230]  }
0x79: {  	[tilespmem:$0x1010] =	vst v1;
	v1 =	vadd.f32 v5, v8;
	v5 =	vld [tilespmem:$0x290]  }
0x7a: {  	v6 =	vld [tilespmem:$0xA90]  }
0x7b: {  	[tilespmem:$0x1FCF0] =	vst v61;
	v61 =	vld [tilespmem:$0x180]  }
0x7c: {  	v8 =	vld [tilespmem:$0xAA0]  }
0x7d: {  	[tilespmem:$0x1020] =	vst v0;
	v0 =	vadd.f32 v7, v10;
	v7 =	vld [tilespmem:$0x2A0]  }
0x7e: {  	[tilespmem:$0x1030] =	vst v1;
	v1 =	vadd.f32 v9, v12;
	v9 =	vld [tilespmem:$0x2B0]  }
0x7f: {  	v10 =	vld [tilespmem:$0xAB0];
	[tilespmem:$0x1FF40] =	vst v3  }
0x80: {  	[tilespmem:$0x1FD00] =	vst v61;
	v61 =	vld [tilespmem:$0x980]  }
0x81: {  	v12 =	vld [tilespmem:$0x2C0];
	[tilespmem:$0x1040] =	vst v0  }
0x82: {  	v3 =	vld [tilespmem:$0x670];
	v0 =	vadd.f32 v11, v14;
	[tilespmem:$0x1050] =	vst v1  }
0x83: {  	v14 =	vld [tilespmem:$0xE50];
	[tilespmem:$0x1FF50] =	vst v2  }
0x84: {  	v1 =	vadd.f32 v13, v16;
	v2 =	vld [tilespmem:$0xA30];
	[tilespmem:$0x1060] =	vst v0  }
0x85: {  	v0 =	vadd.f32 v15, v18;
	[tilespmem:$0x1FD10] =	vst v61;
	v61 =	vld [tilespmem:$0x190]  }
0x86: {  	v11 =	vld [tilespmem:$0x660];
	[tilespmem:$0x1070] =	vst v1;
	v1 =	vadd.f32 v17, v20  }
0x87: {  	v13 =	vld [tilespmem:$0xAC0];
	[tilespmem:$0x1400] =	vst v0  }
0x88: {  	v15 =	vld [tilespmem:$0x2D0];
	[tilespmem:$0x1410] =	vst v1  }
0x89: {  	v0 =	vadd.f32 v19, v22;
	v22 =	vld [tilespmem:$0xE40];
	[tilespmem:$0x1FF60] =	vst v2  }
0x8a: {  	v1 =	vadd.f32 v21, v24;
	[tilespmem:$0x1FD20] =	vst v61;
	v61 =	vld [tilespmem:$0x990]  }
0x8b: {  	v2 =	vld [tilespmem:$0x240];
	[tilespmem:$0x1420] =	vst v0  }
0x8c: {  	v0 =	vadd.f32 v23, v26;
	[tilespmem:$0x1430] =	vst v1;
	v1 =	vadd.f32 v25, v54;
	v54 =	vld [tilespmem:$0xE00]  }
0x8d: {  	v23 =	vld [tilespmem:$0x650]  }
0x8e: {  	[tilespmem:$0x1440] =	vst v0;
	v0 =	vadd.f32 v27, v55;
	v55 =	vld [tilespmem:$0x610]  }
0x8f: {  	[tilespmem:$0x1FD30] =	vst v61;
	v61 =	vld [tilespmem:$0x1A0]  }
0x90: {  	[tilespmem:$0x1450] =	vst v1;
	v1 =	vadd.f32 v28, v62;
	v62 =	vld [tilespmem:$0xE10]  }
0x91: {  	[tilespmem:$0x1460] =	vst v0;
	v0 =	vadd.f32 v29, v63;
	v63 =	vld [tilespmem:$0x620]  }
0x92: {  	[tilespmem:$0x1470] =	vst v1;
	v1 =	vadd.f32 v30, v42;
	v42 =	vld [tilespmem:$0xE20]  }
0x93: {  	[tilespmem:$0x1FF70] =	vst v2;
	v2 =	vld [tilespmem:$0xA40]  }
0x94: {  	[tilespmem:$0x1FD40] =	vst v61;
	v61 =	vld [tilespmem:$0x9A0]  }
0x95: {  	v14 =	vadd.f32 v14, v23;
	v23 =	vld [tilespmem:$0xF00]  }
0x96: {  	[tilespmem:$0x1080] =	vst v0;
	v0 =	vadd.f32 v31, v43;
	v43 =	vld [tilespmem:$0x630]  }
0x97: {  	[tilespmem:$0x1090] =	vst v1;
	v1 =	vadd.f32 v32, v34;
	v34 =	vld [tilespmem:$0xE30]  }
0x98: {  	v31 =	vld [tilespmem:$0x640];
	[tilespmem:$0x10A0] =	vst v0  }
0x99: {  	v62 =	vadd.f32 v62, v55;
	[tilespmem:$0x1FD50] =	vst v61;
	v61 =	vld [tilespmem:$0x1B0]  }
0x9a: {  	v55 =	vld [tilespmem:$0xB60];
	[tilespmem:$0x10B0] =	vst v1  }
0x9b: {  	v0 =	vadd.f32 v33, v36;
	v16 =	vld [tilespmem:$0x1FB40];
	[tilespmem:$0x1610] =	vst v62  }
0x9c: {  	v63 =	vadd.f32 v42, v63;
	v42 =	vld [tilespmem:$0x370];
	[tilespmem:$0x1FF80] =	vst v2  }
0x9d: {  	v1 =	vadd.f32 v35, v38;
	v62 =	vld [tilespmem:$0xF60];
	[tilespmem:$0x10C0] =	vst v0  }
0x9e: {  	[tilespmem:$0x1FD60] =	vst v61;
	v61 =	vld [tilespmem:$0x9B0]  }
0x9f: {  	v2 =	vld [tilespmem:$0x250];
	v0 =	vadd.f32 v37, v39;
	[tilespmem:$0x10D0] =	vst v1  }
0xa0: {  	v1 =	vadd.f32 v40, v44;
	v43 =	vadd.f32 v34, v43;
	v34 =	vld [tilespmem:$0xB70];
	[tilespmem:$0x1620] =	vst v63  }
0xa1: {  	v63 =	vld [tilespmem:$0x770];
	[tilespmem:$0x10E0] =	vst v0  }
0xa2: {  	[tilespmem:$0x10F0] =	vst v1;
	v1 =	vadd.f32 v45, v48;
	v48 =	vadd.f32 v51, v56;
	v51 =	vld [tilespmem:$0x1FAF0]  }
0xa3: {  	v0 =	vadd.f32 v41, v46;
	[tilespmem:$0x1FD70] =	vst v61;
	v61 =	vld [tilespmem:$0x1C0]  }
0xa4: {  	v46 =	vadd.f32 v47, v49;
	v49 =	vadd.f32 v53, v58;
	v53 =	vld [tilespmem:$0x1FB00]  }
0xa5: {  	v56 =	vld [tilespmem:$0x1FB10]  }
0xa6: {  	v58 =	vld [tilespmem:$0x1FB20]  }
0xa7: {  	v47 =	vadd.f32 v50, v52;
	v50 =	vadd.f32 v57, v59;
	v59 =	vld [tilespmem:$0x1FB30]  }
0xa8: {  	[tilespmem:$0x1FD80] =	vst v61;
	v61 =	vld [tilespmem:$0x9C0]  }
0xa9: {  	[tilespmem:$0x1630] =	vst v43;
	v43 =	vld [tilespmem:$0xBB0]  }
0xaa: {  	[tilespmem:$0x1480] =	vst v0;
	v0 =	vld [tilespmem:$0xE70]  }
0xab: {  	v17 =	vld [tilespmem:$0x1FB50]  }
0xac: {  	[tilespmem:$0x1490] =	vst v1;
	v1 =	vld [tilespmem:$0x280]  }
0xad: {  	[tilespmem:$0x1FD90] =	vst v61;
	v61 =	vld [tilespmem:$0x1D0]  }
0xae: {  	[tilespmem:$0x1FF90] =	vst v2;
	v2 =	vld [tilespmem:$0xA50]  }
0xaf: {  	v19 =	vld [tilespmem:$0x1FB60]  }
0xb0: {  	v18 =	vadd.f32 v17, v16;
	v16 =	vld [tilespmem:$0xAD0]  }
0xb1: {  	v17 =	vld [tilespmem:$0x2E0]  }
0xb2: {  	[tilespmem:$0x1FDA0] =	vst v61;
	v61 =	vld [tilespmem:$0x9D0]  }
0xb3: {  	v0 =	vadd.f32 v0, v3;
	v3 =	vld [tilespmem:$0xF10]  }
0xb4: {  	[tilespmem:$0x1FFA0] =	vst v2;
	v2 =	vld [tilespmem:$0x260]  }
0xb5: {  	v1 =	vadd.f32 v4, v1;
	v4 =	vld [tilespmem:$0xF20]  }
0xb6: {  	[tilespmem:$0x1120] =	vst v18;
	v18 =	vld [tilespmem:$0xAE0]  }
0xb7: {  	[tilespmem:$0x1FDB0] =	vst v61;
	v61 =	vld [tilespmem:$0x1E0]  }
0xb8: {  	[tilespmem:$0x1670] =	vst v0;
	v0 =	vadd.f32 v6, v5;
	v5 =	vld [tilespmem:$0x730]  }
0xb9: {  	[tilespmem:$0x1FFB0] =	vst v2;
	v2 =	vld [tilespmem:$0xA60]  }
0xba: {  	v6 =	vld [tilespmem:$0xF30]  }
0xbb: {  	[tilespmem:$0x1280] =	vst v1;
	v1 =	vadd.f32 v8, v7;
	v7 =	vld [tilespmem:$0x740]  }
0xbc: {  	[tilespmem:$0x1FDC0] =	vst v61;
	v61 =	vld [tilespmem:$0x9E0]  }
0xbd: {  	v20 =	vld [tilespmem:$0x1FB70]  }
0xbe: {  	[tilespmem:$0x1FFC0] =	vst v2;
	v2 =	vld [tilespmem:$0x270]  }
0xbf: {  	v8 =	vld [tilespmem:$0xF40]  }
0xc0: {  	v24 =	vld [tilespmem:$0x1FB80]  }
0xc1: {  	[tilespmem:$0x1FDD0] =	vst v61;
	v61 =	vld [tilespmem:$0x1F0]  }
0xc2: {  	v21 =	vadd.f32 v20, v19;
	v19 =	vld [tilespmem:$0x2F0]  }
0xc3: {  	[tilespmem:$0x1FFD0] =	vst v2;
	v2 =	vld [tilespmem:$0xA70]  }
0xc4: {  	v20 =	vld [tilespmem:$0xAF0]  }
0xc5: {  	v25 =	vld [tilespmem:$0x1FB90]  }
0xc6: {  	[tilespmem:$0x1FDE0] =	vst v61;
	v61 =	vld [tilespmem:$0x9F0]  }
0xc7: {  	[tilespmem:$0x1130] =	vst v21;
	v21 =	vld [tilespmem:$0x680]  }
0xc8: {  	[tilespmem:$0x1FFE0] =	vst v2;
	v2 =	vld [tilespmem:$0x600]  }
0xc9: {  	v27 =	vld [tilespmem:$0x1FBA0]  }
0xca: {  	v26 =	vadd.f32 v25, v24;
	v28 =	vld [tilespmem:$0x1FBB0]  }
0xcb: {  	[tilespmem:$0x1FDF0] =	vst v61;
	v61 =	vld [tilespmem:$0x580]  }
0xcc: {  	[tilespmem:$0x1140] =	vst v26;
	v26 =	vld [tilespmem:$0xE80]  }
0xcd: {  	[tilespmem:$0x1FFF0] =	vst v2;
	v2 =	vld [tilespmem:$0xE60]  }
0xce: {  	v30 =	vld [tilespmem:$0x1FBC0]  }
0xcf: {  	v29 =	vadd.f32 v28, v27;
	v27 =	vld [tilespmem:$0x690]  }
0xd0: {  	[tilespmem:$0x1FE00] =	vst v61;
	v61 =	vld [tilespmem:$0xD80]  }
0xd1: {  	v28 =	vld [tilespmem:$0xE90]  }
0xd2: {  	v2 =	vadd.f32 v2, v11;
	v11 =	vld [tilespmem:$0x710]  }
0xd3: {  	v32 =	vld [tilespmem:$0x1FBD0]  }
0xd4: {  	[tilespmem:$0x1150] =	vst v29;
	v29 =	vld [tilespmem:$0x6A0]  }
0xd5: {  	[tilespmem:$0x1FE10] =	vst v61;
	v61 =	vld [tilespmem:$0x590]  }
0xd6: {  	[tilespmem:$0x1660] =	vst v2;
	v2 =	vld [tilespmem:$0x720]  }
0xd7: {  	v35 =	vld [tilespmem:$0x1FBE0]  }
0xd8: {  	v33 =	vadd.f32 v32, v30;
	v30 =	vld [tilespmem:$0xEA0]  }
0xd9: {  	v36 =	vld [tilespmem:$0x1FBF0]  }
0xda: {  	[tilespmem:$0x1FE20] =	vst v61;
	v61 =	vld [tilespmem:$0xD90]  }
0xdb: {  	v38 =	vld [tilespmem:$0x1FC00]  }
0xdc: {  	v39 =	vld [tilespmem:$0x1FC10]  }
0xdd: {  	v41 =	vld [tilespmem:$0x1FC20]  }
0xde: {  	v44 =	vld [tilespmem:$0x1FC30]  }
0xdf: {  	[tilespmem:$0x1FE30] =	vst v61;
	v61 =	vld [tilespmem:$0x5A0]  }
0xe0: {  	[tilespmem:$0x14A0] =	vst v46;
	v52 =	vadd.f32 v60, v51;
	v46 =	vld [tilespmem:$0x1FC40]  }
0xe1: {  	[tilespmem:$0x14B0] =	vst v47;
	v47 =	vld [tilespmem:$0x1FC50]  }
0xe2: {  	[tilespmem:$0x14F0] =	vst v52;
	v52 =	vld [tilespmem:$0x1FC80]  }
0xe3: {  	v57 =	vadd.f32 v56, v53;
	v53 =	vld [tilespmem:$0x1FC90]  }
0xe4: {  	[tilespmem:$0x1FE40] =	vst v61;
	v61 =	vld [tilespmem:$0xDA0]  }
0xe5: {  	[tilespmem:$0x14D0] =	vst v49;
	v56 =	vld [tilespmem:$0x1FCA0]  }
0xe6: {  	v60 =	vadd.f32 v59, v58;
	[tilespmem:$0x1100] =	vst v57;
	v57 =	vld [tilespmem:$0x1FCB0]  }
0xe7: {  	[tilespmem:$0x14E0] =	vst v50;
	v58 =	vld [tilespmem:$0x1FCC0]  }
0xe8: {  	[tilespmem:$0x1110] =	vst v60;
	v59 =	vld [tilespmem:$0x1FCD0]  }
0xe9: {  	[tilespmem:$0x1FE50] =	vst v61;
	v61 =	vld [tilespmem:$0x5B0]  }
0xea: {  	[tilespmem:$0x1290] =	vst v0;
	v60 =	vld [tilespmem:$0x1FCE0]  }
0xeb: {  	v0 =	vadd.f32 v10, v9;
	[tilespmem:$0x12A0] =	vst v1;
	v32 =	vld [tilespmem:$0x1FCF0]  }
0xec: {  	[tilespmem:$0x1160] =	vst v33;
	v33 =	vld [tilespmem:$0x1FD00]  }
0xed: {  	[tilespmem:$0x12B0] =	vst v0;
	v37 =	vadd.f32 v36, v35;
	v24 =	vadd.f32 v53, v52;
	v35 =	vld [tilespmem:$0x1FD10]  }
0xee: {  	v25 =	vadd.f32 v57, v56;
	[tilespmem:$0x1FE60] =	vst v61;
	v61 =	vld [tilespmem:$0xDB0]  }
0xef: {  	v0 =	vadd.f32 v16, v15;
	v49 =	vld [tilespmem:$0x1FC60];
	[tilespmem:$0x1540] =	vst v24  }
0xf0: {  	[tilespmem:$0x1550] =	vst v25;
	v24 =	vadd.f32 v59, v58;
	v25 =	vadd.f32 v32, v60;
	v32 =	vld [tilespmem:$0x6B0]  }
0xf1: {  	[tilespmem:$0x12D0] =	vst v0;
	v36 =	vld [tilespmem:$0x1FD20]  }
0xf2: {  	[tilespmem:$0x1560] =	vst v24;
	v24 =	vadd.f32 v35, v33;
	v33 =	vld [tilespmem:$0xEB0]  }
0xf3: {  	v0 =	vadd.f32 v20, v19;
	[tilespmem:$0x1FE70] =	vst v61;
	v61 =	vld [tilespmem:$0x5C0]  }
0xf4: {  	v1 =	vadd.f32 v13, v12;
	[tilespmem:$0x1170] =	vst v37;
	v37 =	vld [tilespmem:$0x1FD30]  }
0xf5: {  	[tilespmem:$0x12F0] =	vst v0;
	v0 =	vadd.f32 v28, v27;
	v50 =	vld [tilespmem:$0x1FC70]  }
0xf6: {  	[tilespmem:$0x12C0] =	vst v1;
	v35 =	vld [tilespmem:$0x6C0]  }
0xf7: {  	[tilespmem:$0x1690] =	vst v0;
	v0 =	vadd.f32 v33, v32;
	v33 =	vld [tilespmem:$0xF70]  }
0xf8: {  	v1 =	vadd.f32 v18, v17;
	[tilespmem:$0x1FE80] =	vst v61;
	v61 =	vld [tilespmem:$0xDC0]  }
0xf9: {  	[tilespmem:$0x1570] =	vst v25;
	v25 =	vadd.f32 v37, v36;
	v36 =	vld [tilespmem:$0xEC0]  }
0xfa: {  	[tilespmem:$0x12E0] =	vst v1;
	v1 =	vadd.f32 v26, v21;
	v40 =	vadd.f32 v39, v38;
	v38 =	vld [tilespmem:$0x1FD40]  }
0xfb: {  	v39 =	vld [tilespmem:$0x1FD50]  }
0xfc: {  	[tilespmem:$0x1680] =	vst v1;
	v1 =	vadd.f32 v30, v29;
	v37 =	vld [tilespmem:$0x6D0]  }
0xfd: {  	[tilespmem:$0x1FE90] =	vst v61;
	v61 =	vld [tilespmem:$0x5D0]  }
0xfe: {  	[tilespmem:$0x16A0] =	vst v1;
	v1 =	vadd.f32 v36, v35;
	v35 =	vld [tilespmem:$0x380]  }
0xff: {  	v36 =	vld [tilespmem:$0xB80]  }
0x100: {  	[tilespmem:$0x1180] =	vst v24;
	v24 =	vadd.f32 v39, v38;
	v38 =	vld [tilespmem:$0xED0]  }
0x101: {  	[tilespmem:$0x1500] =	vst v40;
	v40 =	vld [tilespmem:$0x1FD60]  }
0x102: {  	[tilespmem:$0x1FEA0] =	vst v61;
	v61 =	vld [tilespmem:$0xDD0]  }
0x103: {  	v45 =	vadd.f32 v44, v41;
	v41 =	vld [tilespmem:$0x1FD70]  }
0x104: {  	v39 =	vld [tilespmem:$0x6E0]  }
0x105: {  	[tilespmem:$0x16B0] =	vst v0;
	v0 =	vadd.f32 v38, v37;
	v37 =	vld [tilespmem:$0x390]  }
0x106: {  	v38 =	vld [tilespmem:$0xB90]  }
0x107: {  	[tilespmem:$0x1FEB0] =	vst v61;
	v61 =	vld [tilespmem:$0x5E0]  }
0x108: {  	[tilespmem:$0x1190] =	vst v25;
	v25 =	vadd.f32 v41, v40;
	v40 =	vld [tilespmem:$0xEE0]  }
0x109: {  	v44 =	vld [tilespmem:$0x1FD80]  }
0x10a: {  	[tilespmem:$0x1510] =	vst v45;
	v45 =	vld [tilespmem:$0x1FD90]  }
0x10b: {  	v41 =	vld [tilespmem:$0x6F0]  }
0x10c: {  	[tilespmem:$0x1FEC0] =	vst v61;
	v61 =	vld [tilespmem:$0xDE0]  }
0x10d: {  	[tilespmem:$0x16C0] =	vst v1;
	v1 =	vadd.f32 v40, v39;
	v39 =	vld [tilespmem:$0x3A0]  }
0x10e: {  	[tilespmem:$0x14C0] =	vst v48;
	v48 =	vadd.f32 v47, v46;
	v46 =	vld [tilespmem:$0x1FDA0]  }
0x10f: {  	[tilespmem:$0x11A0] =	vst v24;
	v24 =	vadd.f32 v45, v44;
	v44 =	vld [tilespmem:$0xEF0]  }
0x110: {  	v47 =	vld [tilespmem:$0x1FDB0]  }
0x111: {  	[tilespmem:$0x1FED0] =	vst v61;
	v61 =	vld [tilespmem:$0x5F0]  }
0x112: {  	[tilespmem:$0x1520] =	vst v48;
	v48 =	vld [tilespmem:$0x1FDC0]  }
0x113: {  	v51 =	vadd.f32 v50, v49;
	v49 =	vld [tilespmem:$0x1FDD0]  }
0x114: {  	v50 =	vld [tilespmem:$0x1FDE0]  }
0x115: {  	[tilespmem:$0x1530] =	vst v51;
	v51 =	vld [tilespmem:$0x1FDF0]  }
0x116: {  	[tilespmem:$0x1FEE0] =	vst v61;
	v61 =	vld [tilespmem:$0xDF0]  }
0x117: {  	v52 =	vld [tilespmem:$0x1FE00]  }
0x118: {  	v53 =	vld [tilespmem:$0x1FE10]  }
0x119: {  	v56 =	vld [tilespmem:$0x1FE20]  }
0x11a: {  	v57 =	vld [tilespmem:$0x1FE30]  }
0x11b: {  	[tilespmem:$0x1FEF0] =	vst v61;
	v61 =	vld [tilespmem:$0x200]  }
0x11c: {  	v58 =	vld [tilespmem:$0x1FE40]  }
0x11d: {  	v59 =	vld [tilespmem:$0x1FE50]  }
0x11e: {  	[tilespmem:$0x11B0] =	vst v25;
	v60 =	vld [tilespmem:$0x1FE60]  }
0x11f: {  	[tilespmem:$0x11C0] =	vst v24;
	v24 =	vadd.f32 v49, v48;
	v48 =	vld [tilespmem:$0x1FE70]  }
0x120: {  	v25 =	vadd.f32 v47, v46;
	[tilespmem:$0x1FF00] =	vst v61;
	v61 =	vld [tilespmem:$0xA00]  }
0x121: {  	v49 =	vld [tilespmem:$0x1FE80]  }
0x122: {  	[tilespmem:$0x11D0] =	vst v25;
	v25 =	vadd.f32 v51, v50;
	v50 =	vld [tilespmem:$0x1FE90]  }
0x123: {  	v51 =	vld [tilespmem:$0x1FEA0]  }
0x124: {  	[tilespmem:$0x11E0] =	vst v24;
	v24 =	vadd.f32 v53, v52;
	v52 =	vld [tilespmem:$0x1FEB0]  }
0x125: {  	[tilespmem:$0x1FF10] =	vst v61;
	v61 =	vld [tilespmem:$0x210]  }
0x126: {  	[tilespmem:$0x11F0] =	vst v25;
	v53 =	vld [tilespmem:$0x1FEC0]  }
0x127: {  	[tilespmem:$0x1580] =	vst v24;
	v25 =	vadd.f32 v57, v56;
	v24 =	vadd.f32 v59, v58;
	v56 =	vld [tilespmem:$0x1FED0]  }
0x128: {  	v57 =	vld [tilespmem:$0x1FEE0]  }
0x129: {  	[tilespmem:$0x15A0] =	vst v24;
	v59 =	vld [tilespmem:$0x1FF00]  }
0x12a: {  	v24 =	vadd.f32 v50, v49;
	[tilespmem:$0x1FF20] =	vst v61;
	v61 =	vld [tilespmem:$0xA10]  }
0x12b: {  	[tilespmem:$0x1590] =	vst v25;
	v25 =	vadd.f32 v48, v60;
	v60 =	vld [tilespmem:$0x1FF10]  }
0x12c: {  	[tilespmem:$0x15C0] =	vst v24;
	v24 =	vadd.f32 v56, v53;
	v56 =	vld [tilespmem:$0x1FF40]  }
0x12d: {  	v58 =	vld [tilespmem:$0x1FEF0]  }
0x12e: {  	[tilespmem:$0x15B0] =	vst v25;
	v25 =	vadd.f32 v52, v51;
	v52 =	vld [tilespmem:$0x1FF20]  }
0x12f: {  	[tilespmem:$0x1FF30] =	vst v61;
	v61 =	vld [tilespmem:$0x220]  }
0x130: {  	[tilespmem:$0x15E0] =	vst v24;
	v24 =	vadd.f32 v60, v59;
	v59 =	vld [tilespmem:$0x1FF70]  }
0x131: {  	v60 =	vld [tilespmem:$0x1FF80]  }
0x132: {  	v53 =	vld [tilespmem:$0x1FF30]  }
0x133: {  	[tilespmem:$0x15D0] =	vst v25;
	v25 =	vadd.f32 v58, v57;
	v57 =	vld [tilespmem:$0x1FF50]  }
0x134: {  	v58 =	vld [tilespmem:$0x1FF60];
	[tilespmem:$0x1200] =	vst v24;
	v24 =	vadd.f32 v56, v61  }
0x135: {  	v61 =	vld [tilespmem:$0x1FF90]  }
0x136: {  	[tilespmem:$0x1220] =	vst v24;
	v24 =	vadd.f32 v60, v59;
	v60 =	vld [tilespmem:$0x1FFA0]  }
0x137: {  	v40 =	vld [tilespmem:$0xBA0];
	[tilespmem:$0x15F0] =	vst v25;
	v25 =	vadd.f32 v53, v52  }
0x138: {  	[tilespmem:$0x16D0] =	vst v0;
	v45 =	vld [tilespmem:$0x300]  }
0x139: {  	v0 =	vadd.f32 v44, v41;
	v41 =	vld [tilespmem:$0x3B0];
	[tilespmem:$0x1210] =	vst v25;
	v25 =	vadd.f32 v58, v57  }
0x13a: {  	v44 =	vld [tilespmem:$0x3C0]  }
0x13b: {  	[tilespmem:$0x1230] =	vst v25;
	v25 =	vadd.f32 v60, v61;
	v61 =	vld [tilespmem:$0x1FFB0]  }
0x13c: {  	v60 =	vld [tilespmem:$0x1FFC0]  }
0x13d: {  	v46 =	vld [tilespmem:$0xB00]  }
0x13e: {  	v47 =	vld [tilespmem:$0x310]  }
0x13f: {  	v48 =	vld [tilespmem:$0xB10]  }
0x140: {  	v49 =	vld [tilespmem:$0x320]  }
0x141: {  	[tilespmem:$0x1240] =	vst v24;
	v24 =	vadd.f32 v60, v61;
	v61 =	vld [tilespmem:$0x1FFD0]  }
0x142: {  	v60 =	vld [tilespmem:$0x1FFE0]  }
0x143: {  	v50 =	vld [tilespmem:$0xB20]  }
0x144: {  	v22 =	vadd.f32 v22, v31;
	v51 =	vld [tilespmem:$0x330]  }
0x145: {  	[tilespmem:$0x1650] =	vst v14;
	v56 =	vld [tilespmem:$0xB40]  }
0x146: {  	[tilespmem:$0x1640] =	vst v22;
	v52 =	vld [tilespmem:$0xB30]  }
0x147: {  	[tilespmem:$0x1250] =	vst v25;
	v25 =	vadd.f32 v60, v61;
	v61 =	vld [tilespmem:$0x1FFF0]  }
0x148: {  	[tilespmem:$0x16E0] =	vst v1;
	v1 =	vadd.f32 v46, v45;
	v57 =	vld [tilespmem:$0x350]  }
0x149: {  	[tilespmem:$0x16F0] =	vst v0;
	v0 =	vadd.f32 v48, v47;
	v58 =	vld [tilespmem:$0xB50]  }
0x14a: {  	[tilespmem:$0x1300] =	vst v1;
	v53 =	vld [tilespmem:$0x340]  }
0x14b: {  	v45 =	vld [tilespmem:$0xBC0];
	[tilespmem:$0x1310] =	vst v0;
	v0 =	vadd.f32 v52, v51  }
0x14c: {  	[tilespmem:$0x1260] =	vst v24;
	v24 =	vadd.f32 v54, v61;
	v54 =	vld [tilespmem:$0x360]  }
0x14d: {  	v46 =	vld [tilespmem:$0x3D0];
	v1 =	vadd.f32 v50, v49;
	[tilespmem:$0x1330] =	vst v0  }
0x14e: {  	v0 =	vadd.f32 v58, v57;
	[tilespmem:$0x1600] =	vst v24;
	v24 =	vld [tilespmem:$0x700]  }
0x14f: {  	v47 =	vld [tilespmem:$0xBD0];
	[tilespmem:$0x1320] =	vst v1;
	v1 =	vadd.f32 v56, v53  }
0x150: {  	v48 =	vld [tilespmem:$0x3E0];
	[tilespmem:$0x1350] =	vst v0;
	v0 =	vadd.f32 v34, v42  }
0x151: {  	v49 =	vld [tilespmem:$0xBF0];
	[tilespmem:$0x1340] =	vst v1;
	v1 =	vadd.f32 v55, v54  }
0x152: {  	v59 =	vld [tilespmem:$0x750];
	[tilespmem:$0x1370] =	vst v0;
	v0 =	vadd.f32 v3, v11  }
0x153: {  	v60 =	vld [tilespmem:$0xF50];
	[tilespmem:$0x1360] =	vst v1;
	v1 =	vadd.f32 v23, v24  }
0x154: {  	[tilespmem:$0x1710] =	vst v0;
	v0 =	vadd.f32 v6, v5;
	v61 =	vld [tilespmem:$0x760]  }
0x155: {  	v50 =	vld [tilespmem:$0x780];
	[tilespmem:$0x1700] =	vst v1;
	v1 =	vadd.f32 v4, v2  }
0x156: {  	v51 =	vld [tilespmem:$0xF80];
	[tilespmem:$0x1730] =	vst v0  }
0x157: {  	v52 =	vld [tilespmem:$0x790];
	[tilespmem:$0x1720] =	vst v1;
	v1 =	vadd.f32 v8, v7  }
0x158: {  	v53 =	vld [tilespmem:$0xF90];
	[tilespmem:$0x1270] =	vst v25;
	v0 =	vadd.f32 v60, v59  }
0x159: {  	v56 =	vld [tilespmem:$0x7B0];
	[tilespmem:$0x1740] =	vst v1;
	v1 =	vadd.f32 v62, v61  }
0x15a: {  	v57 =	vld [tilespmem:$0xFB0];
	[tilespmem:$0x1750] =	vst v0;
	v0 =	vadd.f32 v33, v63  }
0x15b: {  	v58 =	vld [tilespmem:$0x7C0];
	[tilespmem:$0x1760] =	vst v1;
	v1 =	vadd.f32 v36, v35  }
0x15c: {  	v3 =	vld [tilespmem:$0xBE0];
	[tilespmem:$0x1770] =	vst v0;
	v0 =	vadd.f32 v38, v37  }
0x15d: {  	v2 =	vld [tilespmem:$0x3F0];
	[tilespmem:$0x1380] =	vst v1;
	v1 =	vadd.f32 v40, v39  }
0x15e: {  	v59 =	vld [tilespmem:$0xFC0];
	[tilespmem:$0x1390] =	vst v0;
	v0 =	vadd.f32 v43, v41  }
0x15f: {  	v54 =	vld [tilespmem:$0x7A0];
	[tilespmem:$0x13A0] =	vst v1;
	v1 =	vadd.f32 v45, v44  }
0x160: {  	v55 =	vld [tilespmem:$0xFA0];
	[tilespmem:$0x13B0] =	vst v0;
	v0 =	vadd.f32 v47, v46  }
0x161: {  	v60 =	vld [tilespmem:$0x7E0];
	[tilespmem:$0x13C0] =	vst v1;
	v1 =	vadd.f32 v3, v48  }
0x162: {  	[tilespmem:$0x13D0] =	vst v0;
	v0 =	vadd.f32 v49, v2;
	v2 =	vld [tilespmem:$0xFD0]  }
0x163: {  	v3 =	vld [tilespmem:$0x7D0];
	[tilespmem:$0x13E0] =	vst v1;
	v1 =	vadd.f32 v51, v50  }
0x164: {  	v61 =	vld [tilespmem:$0xFE0];
	[tilespmem:$0x13F0] =	vst v0;
	v0 =	vadd.f32 v53, v52  }
0x165: {  	v63 =	vld [tilespmem:$0xFF0];
	[tilespmem:$0x1780] =	vst v1;
	v1 =	vadd.f32 v55, v54  }
0x166: {  	v62 =	vld [tilespmem:$0x7F0];
	[tilespmem:$0x1790] =	vst v0;
	v0 =	vadd.f32 v57, v56  }
.Ltmp1:
0x167: {  	[tilespmem:$0x17A0] =	vst v1;
	v1 =	vadd.f32 v59, v58;
	(pc) =	sbr.rel .LBB2_4-.Ltmp1, $4  }
0x168: {  	[tilespmem:$0x17B0] =	vst v0;
	v0 =	vadd.f32 v2, v3  }
0x169: {  	[tilespmem:$0x17C0] =	vst v1;
	v1 =	vadd.f32 v61, v60  }
0x16a: {  	[tilespmem:$0x17D0] =	vst v0  }
0x16b: {  	v0 =	vadd.f32 v63, v62;
	[tilespmem:$0x17E0] =	vst v1  }
.LBB2_3:
0x16c: {  	v0 =	vimm.f32 $NaN  }
0x16d: {  	[tilespmem:$0x1000] =	vst v0  }
0x16e: {  	[tilespmem:$0x1010] =	vst v0  }
0x16f: {  	[tilespmem:$0x1020] =	vst v0  }
0x170: {  	[tilespmem:$0x1030] =	vst v0  }
0x171: {  	[tilespmem:$0x1040] =	vst v0  }
0x172: {  	[tilespmem:$0x1050] =	vst v0  }
0x173: {  	[tilespmem:$0x1060] =	vst v0  }
0x174: {  	[tilespmem:$0x1070] =	vst v0  }
0x175: {  	[tilespmem:$0x1400] =	vst v0  }
0x176: {  	[tilespmem:$0x1410] =	vst v0  }
0x177: {  	[tilespmem:$0x1420] =	vst v0  }
0x178: {  	[tilespmem:$0x1430] =	vst v0  }
0x179: {  	[tilespmem:$0x1440] =	vst v0  }
0x17a: {  	[tilespmem:$0x1450] =	vst v0  }
0x17b: {  	[tilespmem:$0x1460] =	vst v0  }
0x17c: {  	[tilespmem:$0x1470] =	vst v0  }
0x17d: {  	[tilespmem:$0x1080] =	vst v0  }
0x17e: {  	[tilespmem:$0x1090] =	vst v0  }
0x17f: {  	[tilespmem:$0x10A0] =	vst v0  }
0x180: {  	[tilespmem:$0x10B0] =	vst v0  }
0x181: {  	[tilespmem:$0x10C0] =	vst v0  }
0x182: {  	[tilespmem:$0x10D0] =	vst v0  }
0x183: {  	[tilespmem:$0x10E0] =	vst v0  }
0x184: {  	[tilespmem:$0x10F0] =	vst v0  }
0x185: {  	[tilespmem:$0x1480] =	vst v0  }
0x186: {  	[tilespmem:$0x1490] =	vst v0  }
0x187: {  	[tilespmem:$0x14A0] =	vst v0  }
0x188: {  	[tilespmem:$0x14B0] =	vst v0  }
0x189: {  	[tilespmem:$0x14C0] =	vst v0  }
0x18a: {  	[tilespmem:$0x14D0] =	vst v0  }
0x18b: {  	[tilespmem:$0x14E0] =	vst v0  }
0x18c: {  	[tilespmem:$0x14F0] =	vst v0  }
0x18d: {  	[tilespmem:$0x1100] =	vst v0  }
0x18e: {  	[tilespmem:$0x1110] =	vst v0  }
0x18f: {  	[tilespmem:$0x1120] =	vst v0  }
0x190: {  	[tilespmem:$0x1130] =	vst v0  }
0x191: {  	[tilespmem:$0x1140] =	vst v0  }
0x192: {  	[tilespmem:$0x1150] =	vst v0  }
0x193: {  	[tilespmem:$0x1160] =	vst v0  }
0x194: {  	[tilespmem:$0x1170] =	vst v0  }
0x195: {  	[tilespmem:$0x1500] =	vst v0  }
0x196: {  	[tilespmem:$0x1510] =	vst v0  }
0x197: {  	[tilespmem:$0x1520] =	vst v0  }
0x198: {  	[tilespmem:$0x1530] =	vst v0  }
0x199: {  	[tilespmem:$0x1540] =	vst v0  }
0x19a: {  	[tilespmem:$0x1550] =	vst v0  }
0x19b: {  	[tilespmem:$0x1560] =	vst v0  }
0x19c: {  	[tilespmem:$0x1570] =	vst v0  }
0x19d: {  	[tilespmem:$0x1180] =	vst v0  }
0x19e: {  	[tilespmem:$0x1190] =	vst v0  }
0x19f: {  	[tilespmem:$0x11A0] =	vst v0  }
0x1a0: {  	[tilespmem:$0x11B0] =	vst v0  }
0x1a1: {  	[tilespmem:$0x11C0] =	vst v0  }
0x1a2: {  	[tilespmem:$0x11D0] =	vst v0  }
0x1a3: {  	[tilespmem:$0x11E0] =	vst v0  }
0x1a4: {  	[tilespmem:$0x11F0] =	vst v0  }
0x1a5: {  	[tilespmem:$0x1580] =	vst v0  }
0x1a6: {  	[tilespmem:$0x1590] =	vst v0  }
0x1a7: {  	[tilespmem:$0x15A0] =	vst v0  }
0x1a8: {  	[tilespmem:$0x15B0] =	vst v0  }
0x1a9: {  	[tilespmem:$0x15C0] =	vst v0  }
0x1aa: {  	[tilespmem:$0x15D0] =	vst v0  }
0x1ab: {  	[tilespmem:$0x15E0] =	vst v0  }
0x1ac: {  	[tilespmem:$0x15F0] =	vst v0  }
0x1ad: {  	[tilespmem:$0x1200] =	vst v0  }
0x1ae: {  	[tilespmem:$0x1210] =	vst v0  }
0x1af: {  	[tilespmem:$0x1220] =	vst v0  }
0x1b0: {  	[tilespmem:$0x1230] =	vst v0  }
0x1b1: {  	[tilespmem:$0x1240] =	vst v0  }
0x1b2: {  	[tilespmem:$0x1250] =	vst v0  }
0x1b3: {  	[tilespmem:$0x1260] =	vst v0  }
0x1b4: {  	[tilespmem:$0x1270] =	vst v0  }
0x1b5: {  	[tilespmem:$0x1600] =	vst v0  }
0x1b6: {  	[tilespmem:$0x1610] =	vst v0  }
0x1b7: {  	[tilespmem:$0x1620] =	vst v0  }
0x1b8: {  	[tilespmem:$0x1630] =	vst v0  }
0x1b9: {  	[tilespmem:$0x1640] =	vst v0  }
0x1ba: {  	[tilespmem:$0x1650] =	vst v0  }
0x1bb: {  	[tilespmem:$0x1660] =	vst v0  }
0x1bc: {  	[tilespmem:$0x1670] =	vst v0  }
0x1bd: {  	[tilespmem:$0x1280] =	vst v0  }
0x1be: {  	[tilespmem:$0x1290] =	vst v0  }
0x1bf: {  	[tilespmem:$0x12A0] =	vst v0  }
0x1c0: {  	[tilespmem:$0x12B0] =	vst v0  }
0x1c1: {  	[tilespmem:$0x12C0] =	vst v0  }
0x1c2: {  	[tilespmem:$0x12D0] =	vst v0  }
0x1c3: {  	[tilespmem:$0x12E0] =	vst v0  }
0x1c4: {  	[tilespmem:$0x12F0] =	vst v0  }
0x1c5: {  	[tilespmem:$0x1680] =	vst v0  }
0x1c6: {  	[tilespmem:$0x1690] =	vst v0  }
0x1c7: {  	[tilespmem:$0x16A0] =	vst v0  }
0x1c8: {  	[tilespmem:$0x16B0] =	vst v0  }
0x1c9: {  	[tilespmem:$0x16C0] =	vst v0  }
0x1ca: {  	[tilespmem:$0x16D0] =	vst v0  }
0x1cb: {  	[tilespmem:$0x16E0] =	vst v0  }
0x1cc: {  	[tilespmem:$0x16F0] =	vst v0  }
0x1cd: {  	[tilespmem:$0x1300] =	vst v0  }
0x1ce: {  	[tilespmem:$0x1310] =	vst v0  }
0x1cf: {  	[tilespmem:$0x1320] =	vst v0  }
0x1d0: {  	[tilespmem:$0x1330] =	vst v0  }
0x1d1: {  	[tilespmem:$0x1340] =	vst v0  }
0x1d2: {  	[tilespmem:$0x1350] =	vst v0  }
0x1d3: {  	[tilespmem:$0x1360] =	vst v0  }
0x1d4: {  	[tilespmem:$0x1370] =	vst v0  }
0x1d5: {  	[tilespmem:$0x1700] =	vst v0  }
0x1d6: {  	[tilespmem:$0x1710] =	vst v0  }
0x1d7: {  	[tilespmem:$0x1720] =	vst v0  }
0x1d8: {  	[tilespmem:$0x1730] =	vst v0  }
0x1d9: {  	[tilespmem:$0x1740] =	vst v0  }
0x1da: {  	[tilespmem:$0x1750] =	vst v0  }
0x1db: {  	[tilespmem:$0x1760] =	vst v0  }
0x1dc: {  	[tilespmem:$0x1770] =	vst v0  }
0x1dd: {  	[tilespmem:$0x1380] =	vst v0  }
0x1de: {  	[tilespmem:$0x1390] =	vst v0  }
0x1df: {  	[tilespmem:$0x13A0] =	vst v0  }
0x1e0: {  	[tilespmem:$0x13B0] =	vst v0  }
0x1e1: {  	[tilespmem:$0x13C0] =	vst v0  }
0x1e2: {  	[tilespmem:$0x13D0] =	vst v0  }
0x1e3: {  	[tilespmem:$0x13E0] =	vst v0  }
0x1e4: {  	[tilespmem:$0x13F0] =	vst v0  }
0x1e5: {  	[tilespmem:$0x1780] =	vst v0  }
0x1e6: {  	[tilespmem:$0x1790] =	vst v0  }
0x1e7: {  	[tilespmem:$0x17A0] =	vst v0  }
0x1e8: {  	[tilespmem:$0x17B0] =	vst v0  }
0x1e9: {  	[tilespmem:$0x17C0] =	vst v0  }
0x1ea: {  	[tilespmem:$0x17D0] =	vst v0  }
0x1eb: {  	[tilespmem:$0x17E0] =	vst v0  }
.LBB2_4:
0x1ec: {  	_ = 	snop  }
0x1ed: {  	s13 =	sadd.s32 $0x0, s6;
	[tilespmem:$0x17F0] =	vst v0  }
0x1ee: {  	[hbm4b:s13+s2] =	stream.linear.scatter [tilespmem:s9], [sflag:$0x1], $0x800, $0x38;
	[tilespmem:$0x1800] =	vst v63  }
0x1ef: {  	s12 =	sadd.s32 $0x2000, s13  }
0x1f0: {  	[hbm4b:s12+s2] =	stream.linear.scatter [tilespmem:s9], [sflag:$0x1], $0x800, $0x38;
	[tilespmem:$0x1800] =	vst v63  }
0x1f1: {  	s26 =	sadd.s32 $0x4000, s13  }
0x1f2: {  	[hbm4b:s26+s2] =	stream.linear.scatter [tilespmem:s9], [sflag:$0x1], $0x800, $0x38;
	[tilespmem:$0x1800] =	vst v63  }
0x1f3: {  	s28 =	sadd.s32 $0x6000, s13  }
0x1f4: {  	[hbm4b:s28+s2] =	stream.linear.scatter [tilespmem:s9], [sflag:$0x1], $0x800, $0x38;
	[tilespmem:$0x1800] =	vst v63  }
0x1f5: {  	s29 =	sadd.s32 $0x8000, s13  }
0x1f6: {  	[hbm4b:s29+s2] =	stream.linear.scatter [tilespmem:s9], [sflag:$0x1], $0x800, $0x38;
	[tilespmem:$0x1800] =	vst v63  }
0x1f7: {  	s30 =	sadd.s32 $0xA000, s13  }
0x1f8: {  	[hbm4b:s30+s2] =	stream.linear.scatter [tilespmem:s9], [sflag:$0x1], $0x800, $0x38;
	[tilespmem:$0x1800] =	vst v63  }
0x1f9: {  	s31 =	sadd.s32 $0xC000, s13;
	s13 =	sadd.s32 $0xE000, s13;
	s12 =	simm.s32 $0x10000  }
0x1fa: {  	[hbm4b:s31+s2] =	stream.linear.scatter [tilespmem:s9], [sflag:$0x1], $0x800, $0x38;
	[tilespmem:$0x1800] =	vst v63  }
.LBB2_5:
0x1fb: {  	[hbm4b:s13+s2] =	stream.linear.scatter [tilespmem:s9], [sflag:$0x1], $0x800, $0x38;
	[tilespmem:$0x1800] =	vst v63  }
0x1fc: {  	s13 =	sadd.s32 s12, s6;
	p1 =	sne.s32 s12, $0x1F0000;
	s12 =	sadd.s32 $0x10000, s12  }
0x1fd: {  	[hbm4b:s13+s2] =	stream.linear.scatter [tilespmem:s9], [sflag:$0x1], $0x800, $0x38;
	[tilespmem:$0x1800] =	vst v63  }
0x1fe: {  	s14 =	sadd.s32 $0x2000, s13  }
0x1ff: {  	[hbm4b:s14+s2] =	stream.linear.scatter [tilespmem:s9], [sflag:$0x1], $0x800, $0x38;
	[tilespmem:$0x1800] =	vst v63  }
0x200: {  	s14 =	sadd.s32 $0x4000, s13  }
0x201: {  	[hbm4b:s14+s2] =	stream.linear.scatter [tilespmem:s9], [sflag:$0x1], $0x800, $0x38;
	[tilespmem:$0x1800] =	vst v63  }
0x202: {  	s14 =	sadd.s32 $0x6000, s13  }
0x203: {  	[hbm4b:s14+s2] =	stream.linear.scatter [tilespmem:s9], [sflag:$0x1], $0x800, $0x38;
	[tilespmem:$0x1800] =	vst v63  }
0x204: {  	s14 =	sadd.s32 $0x8000, s13  }
0x205: {  	[hbm4b:s14+s2] =	stream.linear.scatter [tilespmem:s9], [sflag:$0x1], $0x800, $0x38;
	[tilespmem:$0x1800] =	vst v63  }
.Ltmp2:
0x206: {  	s14 =	sadd.s32 $0xA000, s13;
	(pc) =	sbr.rel @p1 .LBB2_5-.Ltmp2, $4  }
0x207: {  	[hbm4b:s14+s2] =	stream.linear.scatter [tilespmem:s9], [sflag:$0x1], $0x800, $0x38;
	[tilespmem:$0x1800] =	vst v63  }
0x208: {  	s14 =	sadd.s32 $0xC000, s13  }
0x209: {  	[hbm4b:s14+s2] =	stream.linear.scatter [tilespmem:s9], [sflag:$0x1], $0x800, $0x38;
	[tilespmem:$0x1800] =	vst v63  }
0x20a: {  	s13 =	sadd.s32 $0xE000, s13  }
0x20b: {  	s11 =	sadd.s32 $0x1, s11  }
0x20c: {  	p1 =	sne.s32 s11, s5  }
.Ltmp3:
0x20d: {  	_ = 	snop;
	(pc) =	sbr.rel @p1 .LBB2_1-.Ltmp3, $4  }
0x20e: {  	[hbm4b:s13+s2] =	stream.linear.scatter [tilespmem:s9], [sflag:$0x1], $0x800, $0x38;
	[tilespmem:$0x1800] =	vst v63  }
0x20f: {  	_ =	swait.ge [sflag:s10], $0x10000  }
0x210: {  	[sflag:s10] =	ssyncset.done $0x0  }
0x211: {  	[sflag:s10] =	ssyncadd.s32 $0xFFFF0000  }
0x212: {  	_ =	sfence.sel $0x180000  }
0x213: {  	[bflag:$0x0] =	sbarrier.arrive $0xFFFF  }
0x214: {  	p0 =	sne.s32 s1, $0x0;
	_ =	strace $0x90000047  }
0x215: {  	s0 =	sadd.s32 @!p0 $0x100000, s0;
	[bflag:$0x2] =	sbarrier.arrive $0xFFFF  }
0x216: {  	[sflag:s0] =	ssyncadd.tile.s32 @!p0 $0x1;
	_ =	shalt  }
.Lfunc_end2:
_tile_overlayer_lowered:
.L_overlay_start_2:
0x217: {  	(tag) =	ssettag $0x2  }
0x218: {  	s0 =	rddreg [dreg:$0x0];
	s2 =	stileid.u32  }
0x219: {  	s1 =	rddreg [dreg:$0x1];
	p0 =	sne.s32 s2, $0x0  }
0x21a: {  	s3 =	rddreg [dreg:$0x2];
	[bflag:$0x3] =	sbarrier.arrive $0xFFFF;
	s2 =	simm.s32 @!p0 $0x1C02  }
0x21b: {  	[timem:s3], [sflag:s2] =	dma.local @!p0 [hbm:s0], s1  }
0x21c: {  	s0 =	simm.s32 @!p0 $0x2  }
0x21d: {  	_ =	swait.ge @!p0 [sflag:s0], s1  }
0x21e: {  	s1 =	ssub.s32 @!p0 $0x0, s1;
	[sflag:s0] =	ssyncset.done @!p0 $0x0  }
0x21f: {  	[sflag:s0] =	ssyncadd.s32 @!p0 s1  }
0x220: {  	[bflag:$0x3] =	sbarrier.arrive $0xFFFF  }
0x221: {  	_ =	shalt  }

</sc_bundles>
